<compile_context>
chip_gen: v7x
topology: tpu7x:2x2x1
jax: 0.10.2.dev20260603
libtpu: 0.0.44.dev20260713+nightly
codegen_flags: <defaults>
</compile_context>

<pallas_src>
import functools

import jax
import jax.numpy as jnp
from jax import lax
from jax.experimental import pallas as pl
from jax.experimental.pallas import tpu as pltpu, tpu_sc as plsc

N = 50000
D = 128
S1 = 8
S2 = 4

NC = 2
NS = 16
NW = NC * NS
B = 16
CPW = 1568
NSUB = CPW // B
TAILW = NW - 1
TAIL_NSUB = (N - TAILW * CPW) // B

BLK = 2000
NBLK = N // BLK


def _proj_body(ht_ref, h1_ref, h2_ref, a1a_ref, a1b_ref, a2a_ref, a2b_ref,
               q1_ref, q2_ref, p1_ref, p2_ref):
    ht = ht_ref[...]
    q1_ref[0, 0, :] = jnp.dot(ht, a1a_ref[0, :])
    q2_ref[0, 0, :] = jnp.dot(ht, a2a_ref[0, :])
    p1_ref[0, 0, :] = jnp.dot(h1_ref[...], a1b_ref[0, :])
    p2_ref[0, 0, :] = jnp.dot(h2_ref[...], a2b_ref[0, :])


def _projections(h_target, h_src1, h_src2, att1, att2):
    row = pl.BlockSpec((BLK, D), lambda i: (i, 0))
    vec = pl.BlockSpec((1, D), lambda i: (0, 0))
    out = pl.BlockSpec((1, 1, BLK), lambda i: (i, 0, 0))
    outs = jax.ShapeDtypeStruct((NBLK, 1, BLK), jnp.float32)
    a1a = att1[:, :D]
    a1b = att1[:, D:]
    a2a = att2[:, :D]
    a2b = att2[:, D:]
    q1, q2, p1, p2 = pl.pallas_call(
        _proj_body,
        grid=(NBLK,),
        in_specs=[row, row, row, vec, vec, vec, vec],
        out_specs=[out, out, out, out],
        out_shape=[outs, outs, outs, outs],
    )(h_target, h_src1, h_src2, a1a, a1b, a2a, a2b)
    return (q1.reshape(N), q2.reshape(N), p1.reshape(N), p2.reshape(N))


def _softmax_weights(q_ref, pv_ref, a_ref, S):
    qv = q_ref[...]
    lanes = lax.iota(jnp.int32, 16) * S
    es = []
    for s in range(S):
        x = qv + plsc.load_gather(pv_ref, [lanes + s])
        es.append(jnp.where(x > 0, x, 0.01 * x))
    m = es[0]
    for s in range(1, S):
        m = jnp.maximum(m, es[s])
    ex = [jnp.exp(e - m) for e in es]
    tot = ex[0]
    for s in range(1, S):
        tot = tot + ex[s]
    inv = 1.0 / tot
    for s in range(S):
        a_ref[s, pl.ds(0, 16)] = ex[s] * inv


def _sc_attention(h_src1, h_src2, n1f, n2f, p1, p2, q1p, q2p):
    mesh = plsc.VectorSubcoreMesh(core_axis_name="c", subcore_axis_name="s")

    @functools.partial(
        pl.kernel,
        out_type=[jax.ShapeDtypeStruct((N, D), jnp.float32),
                  jax.ShapeDtypeStruct((N, D), jnp.float32)],
        mesh=mesh,
        compiler_params=pltpu.CompilerParams(needs_layout_passes=False),
        scratch_types=[
            pltpu.VMEM((S1 * CPW,), jnp.int32),
            pltpu.VMEM((S2 * CPW,), jnp.int32),
            pltpu.VMEM((CPW,), jnp.float32),
            pltpu.VMEM((CPW,), jnp.float32),
            pltpu.VMEM((S1 * B, D), jnp.float32),
            pltpu.VMEM((S1 * B, D), jnp.float32),
            pltpu.VMEM((S2 * B, D), jnp.float32),
            pltpu.VMEM((S2 * B, D), jnp.float32),
            pltpu.VMEM((S1 * B,), jnp.float32),
            pltpu.VMEM((S1 * B,), jnp.float32),
            pltpu.VMEM((S2 * B,), jnp.float32),
            pltpu.VMEM((S2 * B,), jnp.float32),
            pltpu.VMEM((S1, 2 * B), jnp.float32),
            pltpu.VMEM((S2, 2 * B), jnp.float32),
            pltpu.VMEM((B, D), jnp.float32),
            pltpu.VMEM((B, D), jnp.float32),
            pltpu.VMEM((B, D), jnp.float32),
            pltpu.VMEM((B, D), jnp.float32),
            pltpu.SemaphoreType.DMA,
            pltpu.SemaphoreType.DMA,
            pltpu.SemaphoreType.DMA,
            pltpu.SemaphoreType.DMA,
        ],
    )
    def body(h1_hbm, h2_hbm, n1f_hbm, n2f_hbm, p1_hbm, p2_hbm, q1_hbm, q2_hbm,
             z1_hbm, z2_hbm,
             idx1w, idx2w, q1w, q2w,
             rows1_0, rows1_1, rows2_0, rows2_1,
             p1v_0, p1v_1, p2v_0, p2v_1, a1, a2,
             zacc1_0, zacc1_1, zacc2_0, zacc2_1,
             gsem0, gsem1, zsem0, zsem1):
        rows1 = (rows1_0, rows1_1)
        rows2 = (rows2_0, rows2_1)
        p1v = (p1v_0, p1v_1)
        p2v = (p2v_0, p2v_1)
        zacc1 = (zacc1_0, zacc1_1)
        zacc2 = (zacc2_0, zacc2_1)
        gsem = (gsem0, gsem1)
        zsem = (zsem0, zsem1)

        wid = lax.axis_index("s") * NC + lax.axis_index("c")
        wbase = wid * CPW
        nsub_w = jnp.where(wid == TAILW, TAIL_NSUB, NSUB)

        @pl.when(wid < TAILW)
        def _stage_full():
            pltpu.sync_copy(n1f_hbm.at[pl.ds(wbase * S1, S1 * CPW)], idx1w)
            pltpu.sync_copy(n2f_hbm.at[pl.ds(wbase * S2, S2 * CPW)], idx2w)
            pltpu.sync_copy(q1_hbm.at[pl.ds(wbase, CPW)], q1w)
            pltpu.sync_copy(q2_hbm.at[pl.ds(wbase, CPW)], q2w)

        @pl.when(wid == TAILW)
        def _stage_tail():
            tn = TAIL_NSUB * B
            pltpu.sync_copy(n1f_hbm.at[pl.ds(wbase * S1, S1 * tn)],
                            idx1w.at[pl.ds(0, S1 * tn)])
            pltpu.sync_copy(n2f_hbm.at[pl.ds(wbase * S2, S2 * tn)],
                            idx2w.at[pl.ds(0, S2 * tn)])
            pltpu.sync_copy(q1_hbm.at[pl.ds(wbase, tn)],
                            q1w.at[pl.ds(0, tn)])
            pltpu.sync_copy(q2_hbm.at[pl.ds(wbase, tn)],
                            q2w.at[pl.ds(0, tn)])

        def gather_pairs(c, b):
            i1 = idx1w.at[pl.ds(c * S1 * B, S1 * B)]
            i2 = idx2w.at[pl.ds(c * S2 * B, S2 * B)]
            return (
                (p1_hbm.at[i1], p1v[b]),
                (p2_hbm.at[i2], p2v[b]),
                (h1_hbm.at[i1], rows1[b]),
                (h2_hbm.at[i2], rows2[b]),
            )

        def issue(c, b):
            for src, dst in gather_pairs(c, b):
                pltpu.async_copy(src, dst, gsem[b])

        def drain(c, b):
            for src, dst in gather_pairs(c, b):
                pltpu.make_async_copy(src, dst, gsem[b]).wait()

        def zstore_pairs(c, b):
            base = wbase + c * B
            return (
                (zacc1[b], z1_hbm.at[pl.ds(base, B)]),
                (zacc2[b], z2_hbm.at[pl.ds(base, B)]),
            )

        issue(0, 0)

        def outer(i, carry):
            for b in range(2):
                c = 2 * i + b
                nb = 1 - b

                @pl.when(c + 1 < nsub_w)
                def _prefetch():
                    issue(c + 1, nb)

                @pl.when(c < nsub_w)
                def _work():
                    drain(c, b)

                    _softmax_weights(q1w.at[pl.ds(c * B, B)], p1v[b], a1, S1)
                    _softmax_weights(q2w.at[pl.ds(c * B, B)], p2v[b], a2, S2)

                    @pl.when(c >= 2)
                    def _zdrain():
                        for src, dst in zstore_pairs(c - 2, b):
                            pltpu.make_async_copy(src, dst, zsem[b]).wait()

                    r1 = rows1[b]
                    r2 = rows2[b]
                    za1 = zacc1[b]
                    za2 = zacc2[b]

                    def node(n, cc):
                        acc1 = [jnp.zeros((16,), jnp.float32)
                                for _ in range(D // 16)]
                        for s in range(S1):
                            w = a1[s, pl.ds(n, 16)][0]
                            for k in range(D // 16):
                                acc1[k] = acc1[k] + w * r1[n * S1 + s,
                                                           pl.ds(k * 16, 16)]
                        acc2 = [jnp.zeros((16,), jnp.float32)
                                for _ in range(D // 16)]
                        for s in range(S2):
                            w = a2[s, pl.ds(n, 16)][0]
                            for k in range(D // 16):
                                acc2[k] = acc2[k] + w * r2[n * S2 + s,
                                                           pl.ds(k * 16, 16)]
                        for k in range(D // 16):
                            v = acc1[k]
                            za1[n, pl.ds(k * 16, 16)] = jnp.where(
                                v > 0, v, jnp.exp(v) - 1.0)
                            u = acc2[k]
                            za2[n, pl.ds(k * 16, 16)] = jnp.where(
                                u > 0, u, jnp.exp(u) - 1.0)
                        return cc

                    lax.fori_loop(0, B, node, 0)
                    for src, dst in zstore_pairs(c, b):
                        pltpu.async_copy(src, dst, zsem[b])
            return carry

        lax.fori_loop(0, NSUB // 2, outer, 0)
        for b in range(2):
            for src, dst in zstore_pairs(0, b):
                pltpu.make_async_copy(src, dst, zsem[b]).wait()

    return body(h_src1, h_src2, n1f, n2f, p1, p2, q1p, q2p)


def _sem_body(z1_ref, z2_ref, w_ref, b_ref, t_ref):
    i = pl.program_id(0)
    dn = (((1,), (1,)), ((), ()))
    y1 = jnp.sum(jnp.tanh(
        lax.dot_general(z1_ref[...], w_ref[...], dn,
                        preferred_element_type=jnp.float32) + b_ref[0, :]),
        axis=0)
    y2 = jnp.sum(jnp.tanh(
        lax.dot_general(z2_ref[...], w_ref[...], dn,
                        preferred_element_type=jnp.float32) + b_ref[0, :]),
        axis=0)

    @pl.when(i == 0)
    def _init():
        t_ref[0, :] = y1
        t_ref[1, :] = y2

    @pl.when(i > 0)
    def _acc():
        t_ref[0, :] += y1
        t_ref[1, :] += y2


def _semantic_sums(z1p, z2p, fc_w, fc_b):
    row = pl.BlockSpec((BLK, D), lambda i: (i, 0))
    mat = pl.BlockSpec((D, D), lambda i: (0, 0))
    vec = pl.BlockSpec((1, D), lambda i: (0, 0))
    out = pl.BlockSpec((2, D), lambda i: (0, 0))
    return pl.pallas_call(
        _sem_body,
        grid=(NBLK,),
        in_specs=[row, row, mat, vec],
        out_specs=out,
        out_shape=jax.ShapeDtypeStruct((2, D), jnp.float32),
    )(z1p, z2p, fc_w, fc_b.reshape(1, D))


def _combine_body(z1_ref, z2_ref, t_ref, ai_ref, o_ref):
    l1 = jnp.sum(t_ref[0, :] * ai_ref[0, :]) * (1.0 / N)
    l2 = jnp.sum(t_ref[1, :] * ai_ref[0, :]) * (1.0 / N)
    m = jnp.maximum(l1, l2)
    e1 = jnp.exp(l1 - m)
    e2 = jnp.exp(l2 - m)
    b1 = e1 / (e1 + e2)
    b2 = e2 / (e1 + e2)
    o_ref[...] = b1 * z1_ref[...] + b2 * z2_ref[...]


def _combine(z1p, z2p, t, att_inter):
    row = pl.BlockSpec((BLK, D), lambda i: (i, 0))
    tsp = pl.BlockSpec((2, D), lambda i: (0, 0))
    vec = pl.BlockSpec((1, D), lambda i: (0, 0))
    return pl.pallas_call(
        _combine_body,
        grid=(NBLK,),
        in_specs=[row, row, tsp, vec],
        out_specs=row,
        out_shape=jax.ShapeDtypeStruct((N, D), jnp.float32),
    )(z1p, z2p, t, att_inter)


def kernel(h_target, h_src1, h_src2, nei1, nei2, att1, att2, fc_w, fc_b,
           att_inter):
    q1, q2, p1, p2 = _projections(h_target, h_src1, h_src2, att1, att2)

    n1f = nei1.astype(jnp.int32).reshape(-1)
    n2f = nei2.astype(jnp.int32).reshape(-1)

    z1p, z2p = _sc_attention(h_src1, h_src2, n1f, n2f, p1, p2, q1, q2)

    t = _semantic_sums(z1p, z2p, fc_w, fc_b)
    return _combine(z1p, z2p, t, att_inter)

# --- scband reference (transcript-rebuilt; emitter-appended) ---
"""Pipeline reference for scband-he-co-sc-encoder-38439957299977 (READ-ONLY COPY).

The authoritative reference and input builder live on the scoring server;
editing this copy changes nothing except your own understanding.
"""

import jax, jax.numpy as jnp
import numpy as np

N = 50000
D = 128
S1 = 8
S2 = 4


def _intra(h_nei, nei, h_refer, att):
    # F.embedding(nei, h) -> gather neighbor embeddings  [N, S, D]
    nei_emb = jnp.take(h_nei, nei, axis=0)
    h_ref = jnp.broadcast_to(h_refer[:, None, :], nei_emb.shape)
    all_emb = jnp.concatenate([h_ref, nei_emb], axis=-1)            # [N, S, 2D]
    e = jax.nn.leaky_relu(jnp.einsum('nsk,k->ns', all_emb, att[0]), negative_slope=0.01)
    a = jax.nn.softmax(e, axis=1)                                    # softmax over sampled neighbors
    return jnp.sum(a[..., None] * nei_emb, axis=1)                   # [N, D]


def _forward(h_target, h_src1, h_src2, att1, att2, fc_w, fc_b, att_inter, nei1, nei2):
    # intra-type attention per neighbor type (HeCo Sc_encoder), attn_drop=0.0
    z1 = jax.nn.elu(_intra(h_src1, nei1, h_target, att1))
    z2 = jax.nn.elu(_intra(h_src2, nei2, h_target, att2))
    embeds = [z1, z2]
    # inter-type (semantic) attention
    betas = []
    for emb in embeds:
        sp = jnp.mean(jnp.tanh(emb @ fc_w.T + fc_b), axis=0)         # [D]
        betas.append(jnp.dot(att_inter[0], sp))
    beta = jax.nn.softmax(jnp.stack(betas))                          # [2]
    z_mc = beta[0] * z1 + beta[1] * z2
    return z_mc


def setup_inputs(seed: int = 0) -> dict:
    key = jax.random.key(seed)
    ks = jax.random.split(key, 10)
    lim = float(np.sqrt(6.0 / (1 + 2 * D)))
    lim2 = float(np.sqrt(6.0 / (1 + D)))
    return {
        'h_target': jax.random.normal(ks[0], (N, D), jnp.float32),
        'h_src1': jax.random.normal(ks[1], (N, D), jnp.float32),
        'h_src2': jax.random.normal(ks[2], (N, D), jnp.float32),
        'nei1': jax.random.randint(ks[3], (N, S1), 0, N, dtype=jnp.int64 if jax.config.jax_enable_x64 else jnp.int32),
        'nei2': jax.random.randint(ks[4], (N, S2), 0, N, dtype=jnp.int64 if jax.config.jax_enable_x64 else jnp.int32),
        'att1': jax.random.uniform(ks[5], (1, 2 * D), jnp.float32, -lim, lim),
        'att2': jax.random.uniform(ks[6], (1, 2 * D), jnp.float32, -lim, lim),
        'fc_w': jax.random.normal(ks[7], (D, D), jnp.float32) * 0.05,
        'fc_b': jnp.zeros((D,), jnp.float32),
        'att_inter': jax.random.uniform(ks[8], (1, D), jnp.float32, -lim2, lim2),
    }


def reference(h_target, h_src1, h_src2, nei1, nei2, att1, att2, fc_w, fc_b, att_inter):
    return _forward(h_target, h_src1, h_src2, att1, att2, fc_w, fc_b, att_inter, nei1, nei2)

if __name__ == "__main__":
    import jax
    _d = setup_inputs()
    print(jax.jit(kernel)(*tuple(_d.values())))

</pallas_src>

<mosaic_0001>
#map = affine_map<(d0, d1) -> (0, 0)>
#map1 = affine_map<(d0, d1) -> (0)>
module attributes {stable_mosaic.version = 14 : i64} {
  func.func @body(%arg0: i32, %arg1: i32, %arg2: memref<50000x128xf32, #tpu.memory_space<hbm>>, %arg3: memref<50000x128xf32, #tpu.memory_space<hbm>>, %arg4: memref<400000xi32, #tpu.memory_space<hbm>>, %arg5: memref<200000xi32, #tpu.memory_space<hbm>>, %arg6: memref<50000xf32, #tpu.memory_space<hbm>>, %arg7: memref<50000xf32, #tpu.memory_space<hbm>>, %arg8: memref<50000xf32, #tpu.memory_space<hbm>>, %arg9: memref<50000xf32, #tpu.memory_space<hbm>>, %arg10: memref<50000x128xf32, #tpu.memory_space<hbm>>, %arg11: memref<50000x128xf32, #tpu.memory_space<hbm>>, %arg12: memref<12544xi32, #tpu.memory_space<vmem>>, %arg13: memref<6272xi32, #tpu.memory_space<vmem>>, %arg14: memref<1568xf32, #tpu.memory_space<vmem>>, %arg15: memref<1568xf32, #tpu.memory_space<vmem>>, %arg16: memref<128x128xf32, #tpu.memory_space<vmem>>, %arg17: memref<128x128xf32, #tpu.memory_space<vmem>>, %arg18: memref<64x128xf32, #tpu.memory_space<vmem>>, %arg19: memref<64x128xf32, #tpu.memory_space<vmem>>, %arg20: memref<128xf32, #tpu.memory_space<vmem>>, %arg21: memref<128xf32, #tpu.memory_space<vmem>>, %arg22: memref<64xf32, #tpu.memory_space<vmem>>, %arg23: memref<64xf32, #tpu.memory_space<vmem>>, %arg24: memref<8x32xf32, #tpu.memory_space<vmem>>, %arg25: memref<4x32xf32, #tpu.memory_space<vmem>>, %arg26: memref<16x128xf32, #tpu.memory_space<vmem>>, %arg27: memref<16x128xf32, #tpu.memory_space<vmem>>, %arg28: memref<16x128xf32, #tpu.memory_space<vmem>>, %arg29: memref<16x128xf32, #tpu.memory_space<vmem>>, %arg30: memref<!tpu.dma_semaphore, #tpu.memory_space<semaphore_mem>>, %arg31: memref<!tpu.dma_semaphore, #tpu.memory_space<semaphore_mem>>, %arg32: memref<!tpu.dma_semaphore, #tpu.memory_space<semaphore_mem>>, %arg33: memref<!tpu.dma_semaphore, #tpu.memory_space<semaphore_mem>>) attributes {dimension_semantics = [#tpu.dimension_semantics<core_parallel>, #tpu.dimension_semantics<subcore_parallel>], iteration_bounds = array<i64: 2, 16>, scalar_prefetch = 0 : i64, scratch_operands = 22 : i64, tpu.core_type = #tpu.core_type<sc_vector_subcore>, window_params = [{transform_indices = #map}, {transform_indices = #map}, {transform_indices = #map1}, {transform_indices = #map1}, {transform_indices = #map1}, {transform_indices = #map1}, {transform_indices = #map1}, {transform_indices = #map1}, {transform_indices = #map}, {transform_indices = #map}]} {
    %mul3A = arith.constant 2 : i32
    %mul3A_0 = arith.muli %arg1, %mul3A : i32
    %add3A = arith.addi %mul3A_0, %arg0 : i32
    %mul3A_1 = arith.constant 1568 : i32
    %mul3A_2 = arith.muli %add3A, %mul3A_1 : i32
    %eq3A = arith.constant 31 : i32
    %eq3A_3 = arith.cmpi eq, %add3A, %eq3A : i32
    %jit3A = arith.constant 87 : i32
    %jit3A_4 = arith.constant 98 : i32
    %select_n3A = arith.select %eq3A_3, %jit3A, %jit3A_4 : i32
    %lt3A = arith.constant 31 : i32
    %lt3A_5 = arith.cmpi slt, %add3A, %lt3A : i32
    %convert_element_type3A = arith.extui %lt3A_5 : i1 to i32
    %cond3A = arith.constant 0 : i32
    %cond3A_6 = arith.cmpi ne, %convert_element_type3A, %cond3A : i32
    scf.if %cond3A_6 {
      %mul3A_53 = arith.constant 8 : i32
      %mul3A_54 = arith.muli %mul3A_2, %mul3A_53 : i32
      "tpu.region"() ({
        %run_scoped3A = tpu.sem_alloc : memref<!tpu.dma_semaphore, #tpu.memory_space<semaphore_mem>>
        %dma_start3A_57 = tpu.memref_slice %arg4[%mul3A_54] : memref<400000xi32, #tpu.memory_space<hbm>> -> memref<12544xi32, #tpu.memory_space<hbm>>
        %dma_start3A_58 = tpu.memref_slice %arg4[%mul3A_54] : memref<400000xi32, #tpu.memory_space<hbm>> -> memref<12544xi32, #tpu.memory_space<hbm>>
        tpu.enqueue_dma source(%dma_start3A_58 : memref<12544xi32, #tpu.memory_space<hbm>>) target(%arg12 : memref<12544xi32, #tpu.memory_space<vmem>>) target_semaphore(%run_scoped3A : memref<!tpu.dma_semaphore, #tpu.memory_space<semaphore_mem>>)
        %dma_wait3A_59 = tpu.memref_slice %arg4[%mul3A_54] : memref<400000xi32, #tpu.memory_space<hbm>> -> memref<12544xi32, #tpu.memory_space<hbm>>
        %dma_wait3A_60 = tpu.memref_slice %arg4[%mul3A_54] : memref<400000xi32, #tpu.memory_space<hbm>> -> memref<12544xi32, #tpu.memory_space<hbm>>
        tpu.wait_dma2 semaphore(%run_scoped3A : memref<!tpu.dma_semaphore, #tpu.memory_space<semaphore_mem>>) src(%dma_wait3A_60 : memref<12544xi32, #tpu.memory_space<hbm>>) dst(%arg12 : memref<12544xi32, #tpu.memory_space<vmem>>)
        tpu.yield
      }) : () -> ()
      %mul3A_55 = arith.constant 4 : i32
      %mul3A_56 = arith.muli %mul3A_2, %mul3A_55 : i32
      "tpu.region"() ({
        %run_scoped3A = tpu.sem_alloc : memref<!tpu.dma_semaphore, #tpu.memory_space<semaphore_mem>>
        %dma_start3A_57 = tpu.memref_slice %arg5[%mul3A_56] : memref<200000xi32, #tpu.memory_space<hbm>> -> memref<6272xi32, #tpu.memory_space<hbm>>
        %dma_start3A_58 = tpu.memref_slice %arg5[%mul3A_56] : memref<200000xi32, #tpu.memory_space<hbm>> -> memref<6272xi32, #tpu.memory_space<hbm>>
        tpu.enqueue_dma source(%dma_start3A_58 : memref<6272xi32, #tpu.memory_space<hbm>>) target(%arg13 : memref<6272xi32, #tpu.memory_space<vmem>>) target_semaphore(%run_scoped3A : memref<!tpu.dma_semaphore, #tpu.memory_space<semaphore_mem>>)
        %dma_wait3A_59 = tpu.memref_slice %arg5[%mul3A_56] : memref<200000xi32, #tpu.memory_space<hbm>> -> memref<6272xi32, #tpu.memory_space<hbm>>
        %dma_wait3A_60 = tpu.memref_slice %arg5[%mul3A_56] : memref<200000xi32, #tpu.memory_space<hbm>> -> memref<6272xi32, #tpu.memory_space<hbm>>
        tpu.wait_dma2 semaphore(%run_scoped3A : memref<!tpu.dma_semaphore, #tpu.memory_space<semaphore_mem>>) src(%dma_wait3A_60 : memref<6272xi32, #tpu.memory_space<hbm>>) dst(%arg13 : memref<6272xi32, #tpu.memory_space<vmem>>)
        tpu.yield
      }) : () -> ()
      "tpu.region"() ({
        %run_scoped3A = tpu.sem_alloc : memref<!tpu.dma_semaphore, #tpu.memory_space<semaphore_mem>>
        %dma_start3A_57 = tpu.memref_slice %arg8[%mul3A_2] : memref<50000xf32, #tpu.memory_space<hbm>> -> memref<1568xf32, #tpu.memory_space<hbm>>
        %dma_start3A_58 = tpu.memref_slice %arg8[%mul3A_2] : memref<50000xf32, #tpu.memory_space<hbm>> -> memref<1568xf32, #tpu.memory_space<hbm>>
        tpu.enqueue_dma source(%dma_start3A_58 : memref<1568xf32, #tpu.memory_space<hbm>>) target(%arg14 : memref<1568xf32, #tpu.memory_space<vmem>>) target_semaphore(%run_scoped3A : memref<!tpu.dma_semaphore, #tpu.memory_space<semaphore_mem>>)
        %dma_wait3A_59 = tpu.memref_slice %arg8[%mul3A_2] : memref<50000xf32, #tpu.memory_space<hbm>> -> memref<1568xf32, #tpu.memory_space<hbm>>
        %dma_wait3A_60 = tpu.memref_slice %arg8[%mul3A_2] : memref<50000xf32, #tpu.memory_space<hbm>> -> memref<1568xf32, #tpu.memory_space<hbm>>
        tpu.wait_dma2 semaphore(%run_scoped3A : memref<!tpu.dma_semaphore, #tpu.memory_space<semaphore_mem>>) src(%dma_wait3A_60 : memref<1568xf32, #tpu.memory_space<hbm>>) dst(%arg14 : memref<1568xf32, #tpu.memory_space<vmem>>)
        tpu.yield
      }) : () -> ()
      "tpu.region"() ({
        %run_scoped3A = tpu.sem_alloc : memref<!tpu.dma_semaphore, #tpu.memory_space<semaphore_mem>>
        %dma_start3A_57 = tpu.memref_slice %arg9[%mul3A_2] : memref<50000xf32, #tpu.memory_space<hbm>> -> memref<1568xf32, #tpu.memory_space<hbm>>
        %dma_start3A_58 = tpu.memref_slice %arg9[%mul3A_2] : memref<50000xf32, #tpu.memory_space<hbm>> -> memref<1568xf32, #tpu.memory_space<hbm>>
        tpu.enqueue_dma source(%dma_start3A_58 : memref<1568xf32, #tpu.memory_space<hbm>>) target(%arg15 : memref<1568xf32, #tpu.memory_space<vmem>>) target_semaphore(%run_scoped3A : memref<!tpu.dma_semaphore, #tpu.memory_space<semaphore_mem>>)
        %dma_wait3A_59 = tpu.memref_slice %arg9[%mul3A_2] : memref<50000xf32, #tpu.memory_space<hbm>> -> memref<1568xf32, #tpu.memory_space<hbm>>
        %dma_wait3A_60 = tpu.memref_slice %arg9[%mul3A_2] : memref<50000xf32, #tpu.memory_space<hbm>> -> memref<1568xf32, #tpu.memory_space<hbm>>
        tpu.wait_dma2 semaphore(%run_scoped3A : memref<!tpu.dma_semaphore, #tpu.memory_space<semaphore_mem>>) src(%dma_wait3A_60 : memref<1568xf32, #tpu.memory_space<hbm>>) dst(%arg15 : memref<1568xf32, #tpu.memory_space<vmem>>)
        tpu.yield
      }) : () -> ()
    } else {
    }
    %eq3A_7 = arith.constant 31 : i32
    %eq3A_8 = arith.cmpi eq, %add3A, %eq3A_7 : i32
    %convert_element_type3A_9 = arith.extui %eq3A_8 : i1 to i32
    %cond3A_10 = arith.constant 0 : i32
    %cond3A_11 = arith.cmpi ne, %convert_element_type3A_9, %cond3A_10 : i32
    scf.if %cond3A_11 {
      %mul3A_53 = arith.constant 8 : i32
      %mul3A_54 = arith.muli %mul3A_2, %mul3A_53 : i32
      "tpu.region"() ({
        %run_scoped3A = tpu.sem_alloc : memref<!tpu.dma_semaphore, #tpu.memory_space<semaphore_mem>>
        %dma_start3A_57 = arith.constant 0 : i32
        %dma_start3A_58 = tpu.memref_slice %arg12[%dma_start3A_57] : memref<12544xi32, #tpu.memory_space<vmem>> -> memref<11136xi32, #tpu.memory_space<vmem>>
        %dma_start3A_59 = tpu.memref_slice %arg4[%mul3A_54] : memref<400000xi32, #tpu.memory_space<hbm>> -> memref<11136xi32, #tpu.memory_space<hbm>>
        %dma_start3A_60 = arith.constant 0 : i32
        %dma_start3A_61 = tpu.memref_slice %arg12[%dma_start3A_60] : memref<12544xi32, #tpu.memory_space<vmem>> -> memref<11136xi32, #tpu.memory_space<vmem>>
        %dma_start3A_62 = tpu.memref_slice %arg4[%mul3A_54] : memref<400000xi32, #tpu.memory_space<hbm>> -> memref<11136xi32, #tpu.memory_space<hbm>>
        tpu.enqueue_dma source(%dma_start3A_62 : memref<11136xi32, #tpu.memory_space<hbm>>) target(%dma_start3A_61 : memref<11136xi32, #tpu.memory_space<vmem>>) target_semaphore(%run_scoped3A : memref<!tpu.dma_semaphore, #tpu.memory_space<semaphore_mem>>)
        %dma_wait3A_63 = arith.constant 0 : i32
        %dma_wait3A_64 = tpu.memref_slice %arg12[%dma_wait3A_63] : memref<12544xi32, #tpu.memory_space<vmem>> -> memref<11136xi32, #tpu.memory_space<vmem>>
        %dma_wait3A_65 = tpu.memref_slice %arg4[%mul3A_54] : memref<400000xi32, #tpu.memory_space<hbm>> -> memref<11136xi32, #tpu.memory_space<hbm>>
        %dma_wait3A_66 = arith.constant 0 : i32
        %dma_wait3A_67 = tpu.memref_slice %arg12[%dma_wait3A_66] : memref<12544xi32, #tpu.memory_space<vmem>> -> memref<11136xi32, #tpu.memory_space<vmem>>
        %dma_wait3A_68 = tpu.memref_slice %arg4[%mul3A_54] : memref<400000xi32, #tpu.memory_space<hbm>> -> memref<11136xi32, #tpu.memory_space<hbm>>
        tpu.wait_dma2 semaphore(%run_scoped3A : memref<!tpu.dma_semaphore, #tpu.memory_space<semaphore_mem>>) src(%dma_wait3A_68 : memref<11136xi32, #tpu.memory_space<hbm>>) dst(%dma_wait3A_67 : memref<11136xi32, #tpu.memory_space<vmem>>)
        tpu.yield
      }) : () -> ()
      %mul3A_55 = arith.constant 4 : i32
      %mul3A_56 = arith.muli %mul3A_2, %mul3A_55 : i32
      "tpu.region"() ({
        %run_scoped3A = tpu.sem_alloc : memref<!tpu.dma_semaphore, #tpu.memory_space<semaphore_mem>>
        %dma_start3A_57 = arith.constant 0 : i32
        %dma_start3A_58 = tpu.memref_slice %arg13[%dma_start3A_57] : memref<6272xi32, #tpu.memory_space<vmem>> -> memref<5568xi32, #tpu.memory_space<vmem>>
        %dma_start3A_59 = tpu.memref_slice %arg5[%mul3A_56] : memref<200000xi32, #tpu.memory_space<hbm>> -> memref<5568xi32, #tpu.memory_space<hbm>>
        %dma_start3A_60 = arith.constant 0 : i32
        %dma_start3A_61 = tpu.memref_slice %arg13[%dma_start3A_60] : memref<6272xi32, #tpu.memory_space<vmem>> -> memref<5568xi32, #tpu.memory_space<vmem>>
        %dma_start3A_62 = tpu.memref_slice %arg5[%mul3A_56] : memref<200000xi32, #tpu.memory_space<hbm>> -> memref<5568xi32, #tpu.memory_space<hbm>>
        tpu.enqueue_dma source(%dma_start3A_62 : memref<5568xi32, #tpu.memory_space<hbm>>) target(%dma_start3A_61 : memref<5568xi32, #tpu.memory_space<vmem>>) target_semaphore(%run_scoped3A : memref<!tpu.dma_semaphore, #tpu.memory_space<semaphore_mem>>)
        %dma_wait3A_63 = arith.constant 0 : i32
        %dma_wait3A_64 = tpu.memref_slice %arg13[%dma_wait3A_63] : memref<6272xi32, #tpu.memory_space<vmem>> -> memref<5568xi32, #tpu.memory_space<vmem>>
        %dma_wait3A_65 = tpu.memref_slice %arg5[%mul3A_56] : memref<200000xi32, #tpu.memory_space<hbm>> -> memref<5568xi32, #tpu.memory_space<hbm>>
        %dma_wait3A_66 = arith.constant 0 : i32
        %dma_wait3A_67 = tpu.memref_slice %arg13[%dma_wait3A_66] : memref<6272xi32, #tpu.memory_space<vmem>> -> memref<5568xi32, #tpu.memory_space<vmem>>
        %dma_wait3A_68 = tpu.memref_slice %arg5[%mul3A_56] : memref<200000xi32, #tpu.memory_space<hbm>> -> memref<5568xi32, #tpu.memory_space<hbm>>
        tpu.wait_dma2 semaphore(%run_scoped3A : memref<!tpu.dma_semaphore, #tpu.memory_space<semaphore_mem>>) src(%dma_wait3A_68 : memref<5568xi32, #tpu.memory_space<hbm>>) dst(%dma_wait3A_67 : memref<5568xi32, #tpu.memory_space<vmem>>)
        tpu.yield
      }) : () -> ()
      "tpu.region"() ({
        %run_scoped3A = tpu.sem_alloc : memref<!tpu.dma_semaphore, #tpu.memory_space<semaphore_mem>>
        %dma_start3A_57 = arith.constant 0 : i32
        %dma_start3A_58 = tpu.memref_slice %arg14[%dma_start3A_57] : memref<1568xf32, #tpu.memory_space<vmem>> -> memref<1392xf32, #tpu.memory_space<vmem>>
        %dma_start3A_59 = tpu.memref_slice %arg8[%mul3A_2] : memref<50000xf32, #tpu.memory_space<hbm>> -> memref<1392xf32, #tpu.memory_space<hbm>>
        %dma_start3A_60 = arith.constant 0 : i32
        %dma_start3A_61 = tpu.memref_slice %arg14[%dma_start3A_60] : memref<1568xf32, #tpu.memory_space<vmem>> -> memref<1392xf32, #tpu.memory_space<vmem>>
        %dma_start3A_62 = tpu.memref_slice %arg8[%mul3A_2] : memref<50000xf32, #tpu.memory_space<hbm>> -> memref<1392xf32, #tpu.memory_space<hbm>>
        tpu.enqueue_dma source(%dma_start3A_62 : memref<1392xf32, #tpu.memory_space<hbm>>) target(%dma_start3A_61 : memref<1392xf32, #tpu.memory_space<vmem>>) target_semaphore(%run_scoped3A : memref<!tpu.dma_semaphore, #tpu.memory_space<semaphore_mem>>)
        %dma_wait3A_63 = arith.constant 0 : i32
        %dma_wait3A_64 = tpu.memref_slice %arg14[%dma_wait3A_63] : memref<1568xf32, #tpu.memory_space<vmem>> -> memref<1392xf32, #tpu.memory_space<vmem>>
        %dma_wait3A_65 = tpu.memref_slice %arg8[%mul3A_2] : memref<50000xf32, #tpu.memory_space<hbm>> -> memref<1392xf32, #tpu.memory_space<hbm>>
        %dma_wait3A_66 = arith.constant 0 : i32
        %dma_wait3A_67 = tpu.memref_slice %arg14[%dma_wait3A_66] : memref<1568xf32, #tpu.memory_space<vmem>> -> memref<1392xf32, #tpu.memory_space<vmem>>
        %dma_wait3A_68 = tpu.memref_slice %arg8[%mul3A_2] : memref<50000xf32, #tpu.memory_space<hbm>> -> memref<1392xf32, #tpu.memory_space<hbm>>
        tpu.wait_dma2 semaphore(%run_scoped3A : memref<!tpu.dma_semaphore, #tpu.memory_space<semaphore_mem>>) src(%dma_wait3A_68 : memref<1392xf32, #tpu.memory_space<hbm>>) dst(%dma_wait3A_67 : memref<1392xf32, #tpu.memory_space<vmem>>)
        tpu.yield
      }) : () -> ()
      "tpu.region"() ({
        %run_scoped3A = tpu.sem_alloc : memref<!tpu.dma_semaphore, #tpu.memory_space<semaphore_mem>>
        %dma_start3A_57 = arith.constant 0 : i32
        %dma_start3A_58 = tpu.memref_slice %arg15[%dma_start3A_57] : memref<1568xf32, #tpu.memory_space<vmem>> -> memref<1392xf32, #tpu.memory_space<vmem>>
        %dma_start3A_59 = tpu.memref_slice %arg9[%mul3A_2] : memref<50000xf32, #tpu.memory_space<hbm>> -> memref<1392xf32, #tpu.memory_space<hbm>>
        %dma_start3A_60 = arith.constant 0 : i32
        %dma_start3A_61 = tpu.memref_slice %arg15[%dma_start3A_60] : memref<1568xf32, #tpu.memory_space<vmem>> -> memref<1392xf32, #tpu.memory_space<vmem>>
        %dma_start3A_62 = tpu.memref_slice %arg9[%mul3A_2] : memref<50000xf32, #tpu.memory_space<hbm>> -> memref<1392xf32, #tpu.memory_space<hbm>>
        tpu.enqueue_dma source(%dma_start3A_62 : memref<1392xf32, #tpu.memory_space<hbm>>) target(%dma_start3A_61 : memref<1392xf32, #tpu.memory_space<vmem>>) target_semaphore(%run_scoped3A : memref<!tpu.dma_semaphore, #tpu.memory_space<semaphore_mem>>)
        %dma_wait3A_63 = arith.constant 0 : i32
        %dma_wait3A_64 = tpu.memref_slice %arg15[%dma_wait3A_63] : memref<1568xf32, #tpu.memory_space<vmem>> -> memref<1392xf32, #tpu.memory_space<vmem>>
        %dma_wait3A_65 = tpu.memref_slice %arg9[%mul3A_2] : memref<50000xf32, #tpu.memory_space<hbm>> -> memref<1392xf32, #tpu.memory_space<hbm>>
        %dma_wait3A_66 = arith.constant 0 : i32
        %dma_wait3A_67 = tpu.memref_slice %arg15[%dma_wait3A_66] : memref<1568xf32, #tpu.memory_space<vmem>> -> memref<1392xf32, #tpu.memory_space<vmem>>
        %dma_wait3A_68 = tpu.memref_slice %arg9[%mul3A_2] : memref<50000xf32, #tpu.memory_space<hbm>> -> memref<1392xf32, #tpu.memory_space<hbm>>
        tpu.wait_dma2 semaphore(%run_scoped3A : memref<!tpu.dma_semaphore, #tpu.memory_space<semaphore_mem>>) src(%dma_wait3A_68 : memref<1392xf32, #tpu.memory_space<hbm>>) dst(%dma_wait3A_67 : memref<1392xf32, #tpu.memory_space<vmem>>)
        tpu.yield
      }) : () -> ()
    } else {
    }
    %dma_start3A = arith.constant 0 : i32
    %dma_start3A_12 = tpu.memref_slice %arg12[%dma_start3A] : memref<12544xi32, #tpu.memory_space<vmem>> -> memref<128xi32, #tpu.memory_space<vmem>>
    %dma_start3A_13 = arith.constant 0 : i32
    %dma_start3A_14 = tpu.memref_slice %arg6[%dma_start3A_13] : memref<50000xf32, #tpu.memory_space<hbm>> -> memref<50000xf32, #tpu.memory_space<hbm>>
    tpu.enqueue_indirect_dma source(%dma_start3A_14 : memref<50000xf32, #tpu.memory_space<hbm>>) target(%arg20 : memref<128xf32, #tpu.memory_space<vmem>>) offsets(%dma_start3A_12 : memref<128xi32, #tpu.memory_space<vmem>>) semaphore(%arg30 : memref<!tpu.dma_semaphore, #tpu.memory_space<semaphore_mem>>)
    %dma_start3A_15 = arith.constant 0 : i32
    %dma_start3A_16 = tpu.memref_slice %arg13[%dma_start3A_15] : memref<6272xi32, #tpu.memory_space<vmem>> -> memref<64xi32, #tpu.memory_space<vmem>>
    %dma_start3A_17 = arith.constant 0 : i32
    %dma_start3A_18 = tpu.memref_slice %arg7[%dma_start3A_17] : memref<50000xf32, #tpu.memory_space<hbm>> -> memref<50000xf32, #tpu.memory_space<hbm>>
    tpu.enqueue_indirect_dma source(%dma_start3A_18 : memref<50000xf32, #tpu.memory_space<hbm>>) target(%arg22 : memref<64xf32, #tpu.memory_space<vmem>>) offsets(%dma_start3A_16 : memref<64xi32, #tpu.memory_space<vmem>>) semaphore(%arg30 : memref<!tpu.dma_semaphore, #tpu.memory_space<semaphore_mem>>)
    %dma_start3A_19 = arith.constant 0 : i32
    %dma_start3A_20 = tpu.memref_slice %arg12[%dma_start3A_19] : memref<12544xi32, #tpu.memory_space<vmem>> -> memref<128xi32, #tpu.memory_space<vmem>>
    %dma_start3A_21 = arith.constant 0 : i32
    %dma_start3A_22 = arith.constant 0 : i32
    %dma_start3A_23 = tpu.memref_slice %arg2[%dma_start3A_21, %dma_start3A_22] : memref<50000x128xf32, #tpu.memory_space<hbm>> -> memref<50000x128xf32, #tpu.memory_space<hbm>>
    tpu.enqueue_indirect_dma source(%dma_start3A_23 : memref<50000x128xf32, #tpu.memory_space<hbm>>) target(%arg16 : memref<128x128xf32, #tpu.memory_space<vmem>>) offsets(%dma_start3A_20 : memref<128xi32, #tpu.memory_space<vmem>>) semaphore(%arg30 : memref<!tpu.dma_semaphore, #tpu.memory_space<semaphore_mem>>)
    %dma_start3A_24 = arith.constant 0 : i32
    %dma_start3A_25 = tpu.memref_slice %arg13[%dma_start3A_24] : memref<6272xi32, #tpu.memory_space<vmem>> -> memref<64xi32, #tpu.memory_space<vmem>>
    %dma_start3A_26 = arith.constant 0 : i32
    %dma_start3A_27 = arith.constant 0 : i32
    %dma_start3A_28 = tpu.memref_slice %arg3[%dma_start3A_26, %dma_start3A_27] : memref<50000x128xf32, #tpu.memory_space<hbm>> -> memref<50000x128xf32, #tpu.memory_space<hbm>>
    tpu.enqueue_indirect_dma source(%dma_start3A_28 : memref<50000x128xf32, #tpu.memory_space<hbm>>) target(%arg18 : memref<64x128xf32, #tpu.memory_space<vmem>>) offsets(%dma_start3A_25 : memref<64xi32, #tpu.memory_space<vmem>>) semaphore(%arg30 : memref<!tpu.dma_semaphore, #tpu.memory_space<semaphore_mem>>)
    %scan3A = arith.constant 0 : i32
    %scan3A_29 = arith.constant 0 : i32
    %scan3A_30 = arith.constant 49 : i32
    %scan3A_31 = arith.addi %scan3A_29, %scan3A_30 : i32
    %scan3A_32 = arith.constant 1 : i32
    scf.for %scan3A_53 = %scan3A_29 to %scan3A_31 step %scan3A_32  : i32 {
      %mul3A_54 = arith.constant 2 : i32
      %mul3A_55 = arith.muli %mul3A_54, %scan3A_53 : i32
      %add3A_56 = arith.constant 0 : i32
      %add3A_57 = arith.addi %mul3A_55, %add3A_56 : i32
      %add3A_58 = arith.constant 1 : i32
      %add3A_59 = arith.addi %add3A_57, %add3A_58 : i32
      %lt3A_60 = arith.cmpi slt, %add3A_59, %select_n3A : i32
      %convert_element_type3A_61 = arith.extui %lt3A_60 : i1 to i32
      %cond3A_62 = arith.constant 0 : i32
      %cond3A_63 = arith.cmpi ne, %convert_element_type3A_61, %cond3A_62 : i32
      scf.if %cond3A_63 {
        %add3A_82 = arith.constant 1 : i32
        %add3A_83 = arith.addi %add3A_57, %add3A_82 : i32
        %mul3A_84 = arith.constant 8 : i32
        %mul3A_85 = arith.muli %add3A_83, %mul3A_84 : i32
        %mul3A_86 = arith.constant 16 : i32
        %mul3A_87 = arith.muli %mul3A_85, %mul3A_86 : i32
        %mul3A_88 = arith.constant 4 : i32
        %mul3A_89 = arith.muli %add3A_83, %mul3A_88 : i32
        %mul3A_90 = arith.constant 16 : i32
        %mul3A_91 = arith.muli %mul3A_89, %mul3A_90 : i32
        %dma_start3A_92 = tpu.memref_slice %arg12[%mul3A_87] : memref<12544xi32, #tpu.memory_space<vmem>> -> memref<128xi32, #tpu.memory_space<vmem>>
        %dma_start3A_93 = arith.constant 0 : i32
        %dma_start3A_94 = tpu.memref_slice %arg6[%dma_start3A_93] : memref<50000xf32, #tpu.memory_space<hbm>> -> memref<50000xf32, #tpu.memory_space<hbm>>
        tpu.enqueue_indirect_dma source(%dma_start3A_94 : memref<50000xf32, #tpu.memory_space<hbm>>) target(%arg21 : memref<128xf32, #tpu.memory_space<vmem>>) offsets(%dma_start3A_92 : memref<128xi32, #tpu.memory_space<vmem>>) semaphore(%arg31 : memref<!tpu.dma_semaphore, #tpu.memory_space<semaphore_mem>>)
        %dma_start3A_95 = tpu.memref_slice %arg13[%mul3A_91] : memref<6272xi32, #tpu.memory_space<vmem>> -> memref<64xi32, #tpu.memory_space<vmem>>
        %dma_start3A_96 = arith.constant 0 : i32
        %dma_start3A_97 = tpu.memref_slice %arg7[%dma_start3A_96] : memref<50000xf32, #tpu.memory_space<hbm>> -> memref<50000xf32, #tpu.memory_space<hbm>>
        tpu.enqueue_indirect_dma source(%dma_start3A_97 : memref<50000xf32, #tpu.memory_space<hbm>>) target(%arg23 : memref<64xf32, #tpu.memory_space<vmem>>) offsets(%dma_start3A_95 : memref<64xi32, #tpu.memory_space<vmem>>) semaphore(%arg31 : memref<!tpu.dma_semaphore, #tpu.memory_space<semaphore_mem>>)
        %dma_start3A_98 = tpu.memref_slice %arg12[%mul3A_87] : memref<12544xi32, #tpu.memory_space<vmem>> -> memref<128xi32, #tpu.memory_space<vmem>>
        %dma_start3A_99 = arith.constant 0 : i32
        %dma_start3A_100 = arith.constant 0 : i32
        %dma_start3A_101 = tpu.memref_slice %arg2[%dma_start3A_99, %dma_start3A_100] : memref<50000x128xf32, #tpu.memory_space<hbm>> -> memref<50000x128xf32, #tpu.memory_space<hbm>>
        tpu.enqueue_indirect_dma source(%dma_start3A_101 : memref<50000x128xf32, #tpu.memory_space<hbm>>) target(%arg17 : memref<128x128xf32, #tpu.memory_space<vmem>>) offsets(%dma_start3A_98 : memref<128xi32, #tpu.memory_space<vmem>>) semaphore(%arg31 : memref<!tpu.dma_semaphore, #tpu.memory_space<semaphore_mem>>)
        %dma_start3A_102 = tpu.memref_slice %arg13[%mul3A_91] : memref<6272xi32, #tpu.memory_space<vmem>> -> memref<64xi32, #tpu.memory_space<vmem>>
        %dma_start3A_103 = arith.constant 0 : i32
        %dma_start3A_104 = arith.constant 0 : i32
        %dma_start3A_105 = tpu.memref_slice %arg3[%dma_start3A_103, %dma_start3A_104] : memref<50000x128xf32, #tpu.memory_space<hbm>> -> memref<50000x128xf32, #tpu.memory_space<hbm>>
        tpu.enqueue_indirect_dma source(%dma_start3A_105 : memref<50000x128xf32, #tpu.memory_space<hbm>>) target(%arg19 : memref<64x128xf32, #tpu.memory_space<vmem>>) offsets(%dma_start3A_102 : memref<64xi32, #tpu.memory_space<vmem>>) semaphore(%arg31 : memref<!tpu.dma_semaphore, #tpu.memory_space<semaphore_mem>>)
      } else {
      }
      %lt3A_64 = arith.cmpi slt, %add3A_57, %select_n3A : i32
      %convert_element_type3A_65 = arith.extui %lt3A_64 : i1 to i32
      %cond3A_66 = arith.constant 0 : i32
      %cond3A_67 = arith.cmpi ne, %convert_element_type3A_65, %cond3A_66 : i32
      scf.if %cond3A_67 {
        %mul3A_82 = arith.constant 8 : i32
        %mul3A_83 = arith.muli %add3A_57, %mul3A_82 : i32
        %mul3A_84 = arith.constant 16 : i32
        %mul3A_85 = arith.muli %mul3A_83, %mul3A_84 : i32
        %mul3A_86 = arith.constant 4 : i32
        %mul3A_87 = arith.muli %add3A_57, %mul3A_86 : i32
        %mul3A_88 = arith.constant 16 : i32
        %mul3A_89 = arith.muli %mul3A_87, %mul3A_88 : i32
        %dma_wait3A_90 = tpu.memref_slice %arg12[%mul3A_85] : memref<12544xi32, #tpu.memory_space<vmem>> -> memref<128xi32, #tpu.memory_space<vmem>>
        %dma_wait3A_91 = arith.constant 0 : i32
        %dma_wait3A_92 = tpu.memref_slice %arg6[%dma_wait3A_91] : memref<50000xf32, #tpu.memory_space<hbm>> -> memref<50000xf32, #tpu.memory_space<hbm>>
        tpu.wait_indirect_dma semaphore(%arg30 : memref<!tpu.dma_semaphore, #tpu.memory_space<semaphore_mem>>) src(%dma_wait3A_92 : memref<50000xf32, #tpu.memory_space<hbm>>) dst(%arg20 : memref<128xf32, #tpu.memory_space<vmem>>)
        %dma_wait3A_93 = tpu.memref_slice %arg13[%mul3A_89] : memref<6272xi32, #tpu.memory_space<vmem>> -> memref<64xi32, #tpu.memory_space<vmem>>
        %dma_wait3A_94 = arith.constant 0 : i32
        %dma_wait3A_95 = tpu.memref_slice %arg7[%dma_wait3A_94] : memref<50000xf32, #tpu.memory_space<hbm>> -> memref<50000xf32, #tpu.memory_space<hbm>>
        tpu.wait_indirect_dma semaphore(%arg30 : memref<!tpu.dma_semaphore, #tpu.memory_space<semaphore_mem>>) src(%dma_wait3A_95 : memref<50000xf32, #tpu.memory_space<hbm>>) dst(%arg22 : memref<64xf32, #tpu.memory_space<vmem>>)
        %dma_wait3A_96 = tpu.memref_slice %arg12[%mul3A_85] : memref<12544xi32, #tpu.memory_space<vmem>> -> memref<128xi32, #tpu.memory_space<vmem>>
        %dma_wait3A_97 = arith.constant 0 : i32
        %dma_wait3A_98 = arith.constant 0 : i32
        %dma_wait3A_99 = tpu.memref_slice %arg2[%dma_wait3A_97, %dma_wait3A_98] : memref<50000x128xf32, #tpu.memory_space<hbm>> -> memref<50000x128xf32, #tpu.memory_space<hbm>>
        tpu.wait_indirect_dma semaphore(%arg30 : memref<!tpu.dma_semaphore, #tpu.memory_space<semaphore_mem>>) src(%dma_wait3A_99 : memref<50000x128xf32, #tpu.memory_space<hbm>>) dst(%arg16 : memref<128x128xf32, #tpu.memory_space<vmem>>)
        %dma_wait3A_100 = tpu.memref_slice %arg13[%mul3A_89] : memref<6272xi32, #tpu.memory_space<vmem>> -> memref<64xi32, #tpu.memory_space<vmem>>
        %dma_wait3A_101 = arith.constant 0 : i32
        %dma_wait3A_102 = arith.constant 0 : i32
        %dma_wait3A_103 = tpu.memref_slice %arg3[%dma_wait3A_101, %dma_wait3A_102] : memref<50000x128xf32, #tpu.memory_space<hbm>> -> memref<50000x128xf32, #tpu.memory_space<hbm>>
        tpu.wait_indirect_dma semaphore(%arg30 : memref<!tpu.dma_semaphore, #tpu.memory_space<semaphore_mem>>) src(%dma_wait3A_103 : memref<50000x128xf32, #tpu.memory_space<hbm>>) dst(%arg18 : memref<64x128xf32, #tpu.memory_space<vmem>>)
        %mul3A_104 = arith.constant 16 : i32
        %mul3A_105 = arith.muli %add3A_57, %mul3A_104 : i32
        %get3A = arith.index_cast %mul3A_105 : i32 to index
        %get3A_106 = tpu.vector_load %arg14[%get3A] {strides = array<i32>} : memref<1568xf32, #tpu.memory_space<vmem>>, vector<16xf32>,
        %iota3A = tpu.iota {dimensions = array<i32: 0>} : vector<16xi32>
        %mul3A_107 = arith.constant 8 : i32
        %mul3A_108 = vector.broadcast %mul3A_107 : i32 to vector<16xi32>
        %mul3A_109 = arith.muli %iota3A, %mul3A_108 : vector<16xi32>
        %add3A_110 = arith.constant 0 : i32
        %add3A_111 = vector.broadcast %add3A_110 : i32 to vector<16xi32>
        %add3A_112 = arith.addi %mul3A_109, %add3A_111 : vector<16xi32>
        %gather3A = tpu.vector_load_idx %arg20[%add3A_112] : memref<128xf32, #tpu.memory_space<vmem>>[vector<16xi32>], vector<16xf32>,
        %add3A_113 = arith.addf %get3A_106, %gather3A : vector<16xf32>
        %gt3A = arith.constant 0.000000e+00 : f32
        %gt3A_114 = vector.broadcast %gt3A : f32 to vector<16xf32>
        %gt3A_115 = arith.cmpf ogt, %add3A_113, %gt3A_114 : vector<16xf32>
        %mul3A_116 = arith.constant 0.00999999977 : f32
        %mul3A_117 = vector.broadcast %mul3A_116 : f32 to vector<16xf32>
        %mul3A_118 = arith.mulf %mul3A_117, %add3A_113 : vector<16xf32>
        %select_n3A_119 = arith.select %gt3A_115, %add3A_113, %mul3A_118 : vector<16xi1>, vector<16xf32>
        %add3A_120 = arith.constant 1 : i32
        %add3A_121 = vector.broadcast %add3A_120 : i32 to vector<16xi32>
        %add3A_122 = arith.addi %mul3A_109, %add3A_121 : vector<16xi32>
        %gather3A_123 = tpu.vector_load_idx %arg20[%add3A_122] : memref<128xf32, #tpu.memory_space<vmem>>[vector<16xi32>], vector<16xf32>,
        %add3A_124 = arith.addf %get3A_106, %gather3A_123 : vector<16xf32>
        %gt3A_125 = arith.constant 0.000000e+00 : f32
        %gt3A_126 = vector.broadcast %gt3A_125 : f32 to vector<16xf32>
        %gt3A_127 = arith.cmpf ogt, %add3A_124, %gt3A_126 : vector<16xf32>
        %mul3A_128 = arith.constant 0.00999999977 : f32
        %mul3A_129 = vector.broadcast %mul3A_128 : f32 to vector<16xf32>
        %mul3A_130 = arith.mulf %mul3A_129, %add3A_124 : vector<16xf32>
        %select_n3A_131 = arith.select %gt3A_127, %add3A_124, %mul3A_130 : vector<16xi1>, vector<16xf32>
        %add3A_132 = arith.constant 2 : i32
        %add3A_133 = vector.broadcast %add3A_132 : i32 to vector<16xi32>
        %add3A_134 = arith.addi %mul3A_109, %add3A_133 : vector<16xi32>
        %gather3A_135 = tpu.vector_load_idx %arg20[%add3A_134] : memref<128xf32, #tpu.memory_space<vmem>>[vector<16xi32>], vector<16xf32>,
        %add3A_136 = arith.addf %get3A_106, %gather3A_135 : vector<16xf32>
        %gt3A_137 = arith.constant 0.000000e+00 : f32
        %gt3A_138 = vector.broadcast %gt3A_137 : f32 to vector<16xf32>
        %gt3A_139 = arith.cmpf ogt, %add3A_136, %gt3A_138 : vector<16xf32>
        %mul3A_140 = arith.constant 0.00999999977 : f32
        %mul3A_141 = vector.broadcast %mul3A_140 : f32 to vector<16xf32>
        %mul3A_142 = arith.mulf %mul3A_141, %add3A_136 : vector<16xf32>
        %select_n3A_143 = arith.select %gt3A_139, %add3A_136, %mul3A_142 : vector<16xi1>, vector<16xf32>
        %add3A_144 = arith.constant 3 : i32
        %add3A_145 = vector.broadcast %add3A_144 : i32 to vector<16xi32>
        %add3A_146 = arith.addi %mul3A_109, %add3A_145 : vector<16xi32>
        %gather3A_147 = tpu.vector_load_idx %arg20[%add3A_146] : memref<128xf32, #tpu.memory_space<vmem>>[vector<16xi32>], vector<16xf32>,
        %add3A_148 = arith.addf %get3A_106, %gather3A_147 : vector<16xf32>
        %gt3A_149 = arith.constant 0.000000e+00 : f32
        %gt3A_150 = vector.broadcast %gt3A_149 : f32 to vector<16xf32>
        %gt3A_151 = arith.cmpf ogt, %add3A_148, %gt3A_150 : vector<16xf32>
        %mul3A_152 = arith.constant 0.00999999977 : f32
        %mul3A_153 = vector.broadcast %mul3A_152 : f32 to vector<16xf32>
        %mul3A_154 = arith.mulf %mul3A_153, %add3A_148 : vector<16xf32>
        %select_n3A_155 = arith.select %gt3A_151, %add3A_148, %mul3A_154 : vector<16xi1>, vector<16xf32>
        %add3A_156 = arith.constant 4 : i32
        %add3A_157 = vector.broadcast %add3A_156 : i32 to vector<16xi32>
        %add3A_158 = arith.addi %mul3A_109, %add3A_157 : vector<16xi32>
        %gather3A_159 = tpu.vector_load_idx %arg20[%add3A_158] : memref<128xf32, #tpu.memory_space<vmem>>[vector<16xi32>], vector<16xf32>,
        %add3A_160 = arith.addf %get3A_106, %gather3A_159 : vector<16xf32>
        %gt3A_161 = arith.constant 0.000000e+00 : f32
        %gt3A_162 = vector.broadcast %gt3A_161 : f32 to vector<16xf32>
        %gt3A_163 = arith.cmpf ogt, %add3A_160, %gt3A_162 : vector<16xf32>
        %mul3A_164 = arith.constant 0.00999999977 : f32
        %mul3A_165 = vector.broadcast %mul3A_164 : f32 to vector<16xf32>
        %mul3A_166 = arith.mulf %mul3A_165, %add3A_160 : vector<16xf32>
        %select_n3A_167 = arith.select %gt3A_163, %add3A_160, %mul3A_166 : vector<16xi1>, vector<16xf32>
        %add3A_168 = arith.constant 5 : i32
        %add3A_169 = vector.broadcast %add3A_168 : i32 to vector<16xi32>
        %add3A_170 = arith.addi %mul3A_109, %add3A_169 : vector<16xi32>
        %gather3A_171 = tpu.vector_load_idx %arg20[%add3A_170] : memref<128xf32, #tpu.memory_space<vmem>>[vector<16xi32>], vector<16xf32>,
        %add3A_172 = arith.addf %get3A_106, %gather3A_171 : vector<16xf32>
        %gt3A_173 = arith.constant 0.000000e+00 : f32
        %gt3A_174 = vector.broadcast %gt3A_173 : f32 to vector<16xf32>
        %gt3A_175 = arith.cmpf ogt, %add3A_172, %gt3A_174 : vector<16xf32>
        %mul3A_176 = arith.constant 0.00999999977 : f32
        %mul3A_177 = vector.broadcast %mul3A_176 : f32 to vector<16xf32>
        %mul3A_178 = arith.mulf %mul3A_177, %add3A_172 : vector<16xf32>
        %select_n3A_179 = arith.select %gt3A_175, %add3A_172, %mul3A_178 : vector<16xi1>, vector<16xf32>
        %add3A_180 = arith.constant 6 : i32
        %add3A_181 = vector.broadcast %add3A_180 : i32 to vector<16xi32>
        %add3A_182 = arith.addi %mul3A_109, %add3A_181 : vector<16xi32>
        %gather3A_183 = tpu.vector_load_idx %arg20[%add3A_182] : memref<128xf32, #tpu.memory_space<vmem>>[vector<16xi32>], vector<16xf32>,
        %add3A_184 = arith.addf %get3A_106, %gather3A_183 : vector<16xf32>
        %gt3A_185 = arith.constant 0.000000e+00 : f32
        %gt3A_186 = vector.broadcast %gt3A_185 : f32 to vector<16xf32>
        %gt3A_187 = arith.cmpf ogt, %add3A_184, %gt3A_186 : vector<16xf32>
        %mul3A_188 = arith.constant 0.00999999977 : f32
        %mul3A_189 = vector.broadcast %mul3A_188 : f32 to vector<16xf32>
        %mul3A_190 = arith.mulf %mul3A_189, %add3A_184 : vector<16xf32>
        %select_n3A_191 = arith.select %gt3A_187, %add3A_184, %mul3A_190 : vector<16xi1>, vector<16xf32>
        %add3A_192 = arith.constant 7 : i32
        %add3A_193 = vector.broadcast %add3A_192 : i32 to vector<16xi32>
        %add3A_194 = arith.addi %mul3A_109, %add3A_193 : vector<16xi32>
        %gather3A_195 = tpu.vector_load_idx %arg20[%add3A_194] : memref<128xf32, #tpu.memory_space<vmem>>[vector<16xi32>], vector<16xf32>,
        %add3A_196 = arith.addf %get3A_106, %gather3A_195 : vector<16xf32>
        %gt3A_197 = arith.constant 0.000000e+00 : f32
        %gt3A_198 = vector.broadcast %gt3A_197 : f32 to vector<16xf32>
        %gt3A_199 = arith.cmpf ogt, %add3A_196, %gt3A_198 : vector<16xf32>
        %mul3A_200 = arith.constant 0.00999999977 : f32
        %mul3A_201 = vector.broadcast %mul3A_200 : f32 to vector<16xf32>
        %mul3A_202 = arith.mulf %mul3A_201, %add3A_196 : vector<16xf32>
        %select_n3A_203 = arith.select %gt3A_199, %add3A_196, %mul3A_202 : vector<16xi1>, vector<16xf32>
        %max3A = arith.maximumf %select_n3A_119, %select_n3A_131 : vector<16xf32>
        %max3A_204 = arith.maximumf %max3A, %select_n3A_143 : vector<16xf32>
        %max3A_205 = arith.maximumf %max3A_204, %select_n3A_155 : vector<16xf32>
        %max3A_206 = arith.maximumf %max3A_205, %select_n3A_167 : vector<16xf32>
        %max3A_207 = arith.maximumf %max3A_206, %select_n3A_179 : vector<16xf32>
        %max3A_208 = arith.maximumf %max3A_207, %select_n3A_191 : vector<16xf32>
        %max3A_209 = arith.maximumf %max3A_208, %select_n3A_203 : vector<16xf32>
        %sub3A = arith.subf %select_n3A_119, %max3A_209 : vector<16xf32>
        %exp3A = math.exp %sub3A : vector<16xf32>
        %sub3A_210 = arith.subf %select_n3A_131, %max3A_209 : vector<16xf32>
        %exp3A_211 = math.exp %sub3A_210 : vector<16xf32>
        %sub3A_212 = arith.subf %select_n3A_143, %max3A_209 : vector<16xf32>
        %exp3A_213 = math.exp %sub3A_212 : vector<16xf32>
        %sub3A_214 = arith.subf %select_n3A_155, %max3A_209 : vector<16xf32>
        %exp3A_215 = math.exp %sub3A_214 : vector<16xf32>
        %sub3A_216 = arith.subf %select_n3A_167, %max3A_209 : vector<16xf32>
        %exp3A_217 = math.exp %sub3A_216 : vector<16xf32>
        %sub3A_218 = arith.subf %select_n3A_179, %max3A_209 : vector<16xf32>
        %exp3A_219 = math.exp %sub3A_218 : vector<16xf32>
        %sub3A_220 = arith.subf %select_n3A_191, %max3A_209 : vector<16xf32>
        %exp3A_221 = math.exp %sub3A_220 : vector<16xf32>
        %sub3A_222 = arith.subf %select_n3A_203, %max3A_209 : vector<16xf32>
        %exp3A_223 = math.exp %sub3A_222 : vector<16xf32>
        %add3A_224 = arith.addf %exp3A, %exp3A_211 : vector<16xf32>
        %add3A_225 = arith.addf %add3A_224, %exp3A_213 : vector<16xf32>
        %add3A_226 = arith.addf %add3A_225, %exp3A_215 : vector<16xf32>
        %add3A_227 = arith.addf %add3A_226, %exp3A_217 : vector<16xf32>
        %add3A_228 = arith.addf %add3A_227, %exp3A_219 : vector<16xf32>
        %add3A_229 = arith.addf %add3A_228, %exp3A_221 : vector<16xf32>
        %add3A_230 = arith.addf %add3A_229, %exp3A_223 : vector<16xf32>
        %div3A = arith.constant 1.000000e+00 : f32
        %div3A_231 = vector.broadcast %div3A : f32 to vector<16xf32>
        %div3A_232 = arith.divf %div3A_231, %add3A_230 : vector<16xf32>
        %mul3A_233 = arith.mulf %exp3A, %div3A_232 : vector<16xf32>
        %swap3A = arith.constant 0 : i32
        %swap3A_234 = arith.index_cast %swap3A : i32 to index
        %swap3A_235 = arith.constant 0 : index
        %swap3A_236 = tpu.vector_load %arg24[%swap3A_234, %swap3A_235] {strides = array<i32>} : memref<8x32xf32, #tpu.memory_space<vmem>>, vector<16xf32>,
        tpu.vector_store %arg24[%swap3A_234, %swap3A_235], %mul3A_233 {strides = array<i32>} : memref<8x32xf32, #tpu.memory_space<vmem>>, vector<16xf32>,
        %mul3A_237 = arith.mulf %exp3A_211, %div3A_232 : vector<16xf32>
        %swap3A_238 = arith.constant 1 : i32
        %swap3A_239 = arith.index_cast %swap3A_238 : i32 to index
        %swap3A_240 = arith.constant 0 : index
        %swap3A_241 = tpu.vector_load %arg24[%swap3A_239, %swap3A_240] {strides = array<i32>} : memref<8x32xf32, #tpu.memory_space<vmem>>, vector<16xf32>,
        tpu.vector_store %arg24[%swap3A_239, %swap3A_240], %mul3A_237 {strides = array<i32>} : memref<8x32xf32, #tpu.memory_space<vmem>>, vector<16xf32>,
        %mul3A_242 = arith.mulf %exp3A_213, %div3A_232 : vector<16xf32>
        %swap3A_243 = arith.constant 2 : i32
        %swap3A_244 = arith.index_cast %swap3A_243 : i32 to index
        %swap3A_245 = arith.constant 0 : index
        %swap3A_246 = tpu.vector_load %arg24[%swap3A_244, %swap3A_245] {strides = array<i32>} : memref<8x32xf32, #tpu.memory_space<vmem>>, vector<16xf32>,
        tpu.vector_store %arg24[%swap3A_244, %swap3A_245], %mul3A_242 {strides = array<i32>} : memref<8x32xf32, #tpu.memory_space<vmem>>, vector<16xf32>,
        %mul3A_247 = arith.mulf %exp3A_215, %div3A_232 : vector<16xf32>
        %swap3A_248 = arith.constant 3 : i32
        %swap3A_249 = arith.index_cast %swap3A_248 : i32 to index
        %swap3A_250 = arith.constant 0 : index
        %swap3A_251 = tpu.vector_load %arg24[%swap3A_249, %swap3A_250] {strides = array<i32>} : memref<8x32xf32, #tpu.memory_space<vmem>>, vector<16xf32>,
        tpu.vector_store %arg24[%swap3A_249, %swap3A_250], %mul3A_247 {strides = array<i32>} : memref<8x32xf32, #tpu.memory_space<vmem>>, vector<16xf32>,
        %mul3A_252 = arith.mulf %exp3A_217, %div3A_232 : vector<16xf32>
        %swap3A_253 = arith.constant 4 : i32
        %swap3A_254 = arith.index_cast %swap3A_253 : i32 to index
        %swap3A_255 = arith.constant 0 : index
        %swap3A_256 = tpu.vector_load %arg24[%swap3A_254, %swap3A_255] {strides = array<i32>} : memref<8x32xf32, #tpu.memory_space<vmem>>, vector<16xf32>,
        tpu.vector_store %arg24[%swap3A_254, %swap3A_255], %mul3A_252 {strides = array<i32>} : memref<8x32xf32, #tpu.memory_space<vmem>>, vector<16xf32>,
        %mul3A_257 = arith.mulf %exp3A_219, %div3A_232 : vector<16xf32>
        %swap3A_258 = arith.constant 5 : i32
        %swap3A_259 = arith.index_cast %swap3A_258 : i32 to index
        %swap3A_260 = arith.constant 0 : index
        %swap3A_261 = tpu.vector_load %arg24[%swap3A_259, %swap3A_260] {strides = array<i32>} : memref<8x32xf32, #tpu.memory_space<vmem>>, vector<16xf32>,
        tpu.vector_store %arg24[%swap3A_259, %swap3A_260], %mul3A_257 {strides = array<i32>} : memref<8x32xf32, #tpu.memory_space<vmem>>, vector<16xf32>,
        %mul3A_262 = arith.mulf %exp3A_221, %div3A_232 : vector<16xf32>
        %swap3A_263 = arith.constant 6 : i32
        %swap3A_264 = arith.index_cast %swap3A_263 : i32 to index
        %swap3A_265 = arith.constant 0 : index
        %swap3A_266 = tpu.vector_load %arg24[%swap3A_264, %swap3A_265] {strides = array<i32>} : memref<8x32xf32, #tpu.memory_space<vmem>>, vector<16xf32>,
        tpu.vector_store %arg24[%swap3A_264, %swap3A_265], %mul3A_262 {strides = array<i32>} : memref<8x32xf32, #tpu.memory_space<vmem>>, vector<16xf32>,
        %mul3A_267 = arith.mulf %exp3A_223, %div3A_232 : vector<16xf32>
        %swap3A_268 = arith.constant 7 : i32
        %swap3A_269 = arith.index_cast %swap3A_268 : i32 to index
        %swap3A_270 = arith.constant 0 : index
        %swap3A_271 = tpu.vector_load %arg24[%swap3A_269, %swap3A_270] {strides = array<i32>} : memref<8x32xf32, #tpu.memory_space<vmem>>, vector<16xf32>,
        tpu.vector_store %arg24[%swap3A_269, %swap3A_270], %mul3A_267 {strides = array<i32>} : memref<8x32xf32, #tpu.memory_space<vmem>>, vector<16xf32>,
        %mul3A_272 = arith.constant 16 : i32
        %mul3A_273 = arith.muli %add3A_57, %mul3A_272 : i32
        %get3A_274 = arith.index_cast %mul3A_273 : i32 to index
        %get3A_275 = tpu.vector_load %arg15[%get3A_274] {strides = array<i32>} : memref<1568xf32, #tpu.memory_space<vmem>>, vector<16xf32>,
        %iota3A_276 = tpu.iota {dimensions = array<i32: 0>} : vector<16xi32>
        %mul3A_277 = arith.constant 4 : i32
        %mul3A_278 = vector.broadcast %mul3A_277 : i32 to vector<16xi32>
        %mul3A_279 = arith.muli %iota3A_276, %mul3A_278 : vector<16xi32>
        %add3A_280 = arith.constant 0 : i32
        %add3A_281 = vector.broadcast %add3A_280 : i32 to vector<16xi32>
        %add3A_282 = arith.addi %mul3A_279, %add3A_281 : vector<16xi32>
        %gather3A_283 = tpu.vector_load_idx %arg22[%add3A_282] : memref<64xf32, #tpu.memory_space<vmem>>[vector<16xi32>], vector<16xf32>,
        %add3A_284 = arith.addf %get3A_275, %gather3A_283 : vector<16xf32>
        %gt3A_285 = arith.constant 0.000000e+00 : f32
        %gt3A_286 = vector.broadcast %gt3A_285 : f32 to vector<16xf32>
        %gt3A_287 = arith.cmpf ogt, %add3A_284, %gt3A_286 : vector<16xf32>
        %mul3A_288 = arith.constant 0.00999999977 : f32
        %mul3A_289 = vector.broadcast %mul3A_288 : f32 to vector<16xf32>
        %mul3A_290 = arith.mulf %mul3A_289, %add3A_284 : vector<16xf32>
        %select_n3A_291 = arith.select %gt3A_287, %add3A_284, %mul3A_290 : vector<16xi1>, vector<16xf32>
        %add3A_292 = arith.constant 1 : i32
        %add3A_293 = vector.broadcast %add3A_292 : i32 to vector<16xi32>
        %add3A_294 = arith.addi %mul3A_279, %add3A_293 : vector<16xi32>
        %gather3A_295 = tpu.vector_load_idx %arg22[%add3A_294] : memref<64xf32, #tpu.memory_space<vmem>>[vector<16xi32>], vector<16xf32>,
        %add3A_296 = arith.addf %get3A_275, %gather3A_295 : vector<16xf32>
        %gt3A_297 = arith.constant 0.000000e+00 : f32
        %gt3A_298 = vector.broadcast %gt3A_297 : f32 to vector<16xf32>
        %gt3A_299 = arith.cmpf ogt, %add3A_296, %gt3A_298 : vector<16xf32>
        %mul3A_300 = arith.constant 0.00999999977 : f32
        %mul3A_301 = vector.broadcast %mul3A_300 : f32 to vector<16xf32>
        %mul3A_302 = arith.mulf %mul3A_301, %add3A_296 : vector<16xf32>
        %select_n3A_303 = arith.select %gt3A_299, %add3A_296, %mul3A_302 : vector<16xi1>, vector<16xf32>
        %add3A_304 = arith.constant 2 : i32
        %add3A_305 = vector.broadcast %add3A_304 : i32 to vector<16xi32>
        %add3A_306 = arith.addi %mul3A_279, %add3A_305 : vector<16xi32>
        %gather3A_307 = tpu.vector_load_idx %arg22[%add3A_306] : memref<64xf32, #tpu.memory_space<vmem>>[vector<16xi32>], vector<16xf32>,
        %add3A_308 = arith.addf %get3A_275, %gather3A_307 : vector<16xf32>
        %gt3A_309 = arith.constant 0.000000e+00 : f32
        %gt3A_310 = vector.broadcast %gt3A_309 : f32 to vector<16xf32>
        %gt3A_311 = arith.cmpf ogt, %add3A_308, %gt3A_310 : vector<16xf32>
        %mul3A_312 = arith.constant 0.00999999977 : f32
        %mul3A_313 = vector.broadcast %mul3A_312 : f32 to vector<16xf32>
        %mul3A_314 = arith.mulf %mul3A_313, %add3A_308 : vector<16xf32>
        %select_n3A_315 = arith.select %gt3A_311, %add3A_308, %mul3A_314 : vector<16xi1>, vector<16xf32>
        %add3A_316 = arith.constant 3 : i32
        %add3A_317 = vector.broadcast %add3A_316 : i32 to vector<16xi32>
        %add3A_318 = arith.addi %mul3A_279, %add3A_317 : vector<16xi32>
        %gather3A_319 = tpu.vector_load_idx %arg22[%add3A_318] : memref<64xf32, #tpu.memory_space<vmem>>[vector<16xi32>], vector<16xf32>,
        %add3A_320 = arith.addf %get3A_275, %gather3A_319 : vector<16xf32>
        %gt3A_321 = arith.constant 0.000000e+00 : f32
        %gt3A_322 = vector.broadcast %gt3A_321 : f32 to vector<16xf32>
        %gt3A_323 = arith.cmpf ogt, %add3A_320, %gt3A_322 : vector<16xf32>
        %mul3A_324 = arith.constant 0.00999999977 : f32
        %mul3A_325 = vector.broadcast %mul3A_324 : f32 to vector<16xf32>
        %mul3A_326 = arith.mulf %mul3A_325, %add3A_320 : vector<16xf32>
        %select_n3A_327 = arith.select %gt3A_323, %add3A_320, %mul3A_326 : vector<16xi1>, vector<16xf32>
        %max3A_328 = arith.maximumf %select_n3A_291, %select_n3A_303 : vector<16xf32>
        %max3A_329 = arith.maximumf %max3A_328, %select_n3A_315 : vector<16xf32>
        %max3A_330 = arith.maximumf %max3A_329, %select_n3A_327 : vector<16xf32>
        %sub3A_331 = arith.subf %select_n3A_291, %max3A_330 : vector<16xf32>
        %exp3A_332 = math.exp %sub3A_331 : vector<16xf32>
        %sub3A_333 = arith.subf %select_n3A_303, %max3A_330 : vector<16xf32>
        %exp3A_334 = math.exp %sub3A_333 : vector<16xf32>
        %sub3A_335 = arith.subf %select_n3A_315, %max3A_330 : vector<16xf32>
        %exp3A_336 = math.exp %sub3A_335 : vector<16xf32>
        %sub3A_337 = arith.subf %select_n3A_327, %max3A_330 : vector<16xf32>
        %exp3A_338 = math.exp %sub3A_337 : vector<16xf32>
        %add3A_339 = arith.addf %exp3A_332, %exp3A_334 : vector<16xf32>
        %add3A_340 = arith.addf %add3A_339, %exp3A_336 : vector<16xf32>
        %add3A_341 = arith.addf %add3A_340, %exp3A_338 : vector<16xf32>
        %div3A_342 = arith.constant 1.000000e+00 : f32
        %div3A_343 = vector.broadcast %div3A_342 : f32 to vector<16xf32>
        %div3A_344 = arith.divf %div3A_343, %add3A_341 : vector<16xf32>
        %mul3A_345 = arith.mulf %exp3A_332, %div3A_344 : vector<16xf32>
        %swap3A_346 = arith.constant 0 : i32
        %swap3A_347 = arith.index_cast %swap3A_346 : i32 to index
        %swap3A_348 = arith.constant 0 : index
        %swap3A_349 = tpu.vector_load %arg25[%swap3A_347, %swap3A_348] {strides = array<i32>} : memref<4x32xf32, #tpu.memory_space<vmem>>, vector<16xf32>,
        tpu.vector_store %arg25[%swap3A_347, %swap3A_348], %mul3A_345 {strides = array<i32>} : memref<4x32xf32, #tpu.memory_space<vmem>>, vector<16xf32>,
        %mul3A_350 = arith.mulf %exp3A_334, %div3A_344 : vector<16xf32>
        %swap3A_351 = arith.constant 1 : i32
        %swap3A_352 = arith.index_cast %swap3A_351 : i32 to index
        %swap3A_353 = arith.constant 0 : index
        %swap3A_354 = tpu.vector_load %arg25[%swap3A_352, %swap3A_353] {strides = array<i32>} : memref<4x32xf32, #tpu.memory_space<vmem>>, vector<16xf32>,
        tpu.vector_store %arg25[%swap3A_352, %swap3A_353], %mul3A_350 {strides = array<i32>} : memref<4x32xf32, #tpu.memory_space<vmem>>, vector<16xf32>,
        %mul3A_355 = arith.mulf %exp3A_336, %div3A_344 : vector<16xf32>
        %swap3A_356 = arith.constant 2 : i32
        %swap3A_357 = arith.index_cast %swap3A_356 : i32 to index
        %swap3A_358 = arith.constant 0 : index
        %swap3A_359 = tpu.vector_load %arg25[%swap3A_357, %swap3A_358] {strides = array<i32>} : memref<4x32xf32, #tpu.memory_space<vmem>>, vector<16xf32>,
        tpu.vector_store %arg25[%swap3A_357, %swap3A_358], %mul3A_355 {strides = array<i32>} : memref<4x32xf32, #tpu.memory_space<vmem>>, vector<16xf32>,
        %mul3A_360 = arith.mulf %exp3A_338, %div3A_344 : vector<16xf32>
        %swap3A_361 = arith.constant 3 : i32
        %swap3A_362 = arith.index_cast %swap3A_361 : i32 to index
        %swap3A_363 = arith.constant 0 : index
        %swap3A_364 = tpu.vector_load %arg25[%swap3A_362, %swap3A_363] {strides = array<i32>} : memref<4x32xf32, #tpu.memory_space<vmem>>, vector<16xf32>,
        tpu.vector_store %arg25[%swap3A_362, %swap3A_363], %mul3A_360 {strides = array<i32>} : memref<4x32xf32, #tpu.memory_space<vmem>>, vector<16xf32>,
        %ge3A = arith.constant 2 : i32
        %ge3A_365 = arith.cmpi sge, %add3A_57, %ge3A : i32
        %convert_element_type3A_366 = arith.extui %ge3A_365 : i1 to i32
        %cond3A_367 = arith.constant 0 : i32
        %cond3A_368 = arith.cmpi ne, %convert_element_type3A_366, %cond3A_367 : i32
        scf.if %cond3A_368 {
          %sub3A_386 = arith.constant 2 : i32
          %sub3A_387 = arith.subi %add3A_57, %sub3A_386 : i32
          %mul3A_388 = arith.constant 16 : i32
          %mul3A_389 = arith.muli %sub3A_387, %mul3A_388 : i32
          %add3A_390 = arith.addi %mul3A_2, %mul3A_389 : i32
          %dma_wait3A_391 = arith.constant 0 : i32
          %dma_wait3A_392 = tpu.memref_slice %arg10[%add3A_390, %dma_wait3A_391] : memref<50000x128xf32, #tpu.memory_space<hbm>> -> memref<16x128xf32, #tpu.memory_space<hbm>>
          %dma_wait3A_393 = arith.constant 0 : i32
          %dma_wait3A_394 = tpu.memref_slice %arg10[%add3A_390, %dma_wait3A_393] : memref<50000x128xf32, #tpu.memory_space<hbm>> -> memref<16x128xf32, #tpu.memory_space<hbm>>
          tpu.wait_dma2 semaphore(%arg32 : memref<!tpu.dma_semaphore, #tpu.memory_space<semaphore_mem>>) src(%arg26 : memref<16x128xf32, #tpu.memory_space<vmem>>) dst(%dma_wait3A_394 : memref<16x128xf32, #tpu.memory_space<hbm>>)
          %dma_wait3A_395 = arith.constant 0 : i32
          %dma_wait3A_396 = tpu.memref_slice %arg11[%add3A_390, %dma_wait3A_395] : memref<50000x128xf32, #tpu.memory_space<hbm>> -> memref<16x128xf32, #tpu.memory_space<hbm>>
          %dma_wait3A_397 = arith.constant 0 : i32
          %dma_wait3A_398 = tpu.memref_slice %arg11[%add3A_390, %dma_wait3A_397] : memref<50000x128xf32, #tpu.memory_space<hbm>> -> memref<16x128xf32, #tpu.memory_space<hbm>>
          tpu.wait_dma2 semaphore(%arg32 : memref<!tpu.dma_semaphore, #tpu.memory_space<semaphore_mem>>) src(%arg28 : memref<16x128xf32, #tpu.memory_space<vmem>>) dst(%dma_wait3A_398 : memref<16x128xf32, #tpu.memory_space<hbm>>)
        } else {
        }
        %scan3A_369 = arith.constant 0 : i32
        %scan3A_370 = arith.constant 0 : i32
        %scan3A_371 = arith.constant 16 : i32
        %scan3A_372 = arith.addi %scan3A_370, %scan3A_371 : i32
        %scan3A_373 = arith.constant 1 : i32
        scf.for %scan3A_386 = %scan3A_370 to %scan3A_372 step %scan3A_373  : i32 {
          %broadcast_in_dim3A = arith.constant 0.000000e+00 : f32
          %broadcast_in_dim3A_387 = vector.broadcast %broadcast_in_dim3A : f32 to vector<16xf32>
          %broadcast_in_dim3A_388 = arith.constant 0.000000e+00 : f32
          %broadcast_in_dim3A_389 = vector.broadcast %broadcast_in_dim3A_388 : f32 to vector<16xf32>
          %broadcast_in_dim3A_390 = arith.constant 0.000000e+00 : f32
          %broadcast_in_dim3A_391 = vector.broadcast %broadcast_in_dim3A_390 : f32 to vector<16xf32>
          %broadcast_in_dim3A_392 = arith.constant 0.000000e+00 : f32
          %broadcast_in_dim3A_393 = vector.broadcast %broadcast_in_dim3A_392 : f32 to vector<16xf32>
          %broadcast_in_dim3A_394 = arith.constant 0.000000e+00 : f32
          %broadcast_in_dim3A_395 = vector.broadcast %broadcast_in_dim3A_394 : f32 to vector<16xf32>
          %broadcast_in_dim3A_396 = arith.constant 0.000000e+00 : f32
          %broadcast_in_dim3A_397 = vector.broadcast %broadcast_in_dim3A_396 : f32 to vector<16xf32>
          %broadcast_in_dim3A_398 = arith.constant 0.000000e+00 : f32
          %broadcast_in_dim3A_399 = vector.broadcast %broadcast_in_dim3A_398 : f32 to vector<16xf32>
          %broadcast_in_dim3A_400 = arith.constant 0.000000e+00 : f32
          %broadcast_in_dim3A_401 = vector.broadcast %broadcast_in_dim3A_400 : f32 to vector<16xf32>
          %get3A_402 = arith.constant 0 : i32
          %get3A_403 = arith.index_cast %get3A_402 : i32 to index
          %get3A_404 = arith.index_cast %scan3A_386 : i32 to index
          %get3A_405 = tpu.vector_load %arg24[%get3A_403, %get3A_404] {strides = array<i32>} : memref<8x32xf32, #tpu.memory_space<vmem>>, vector<16xf32>,
          %slice3A = vector.extract_strided_slice %get3A_405 {offsets = [0], sizes = [1], strides = [1]} : vector<16xf32> to vector<1xf32>
          %squeeze3A = vector.extract %slice3A[0] : f32 from vector<1xf32>
          %mul3A_406 = arith.constant 8 : i32
          %mul3A_407 = arith.muli %scan3A_386, %mul3A_406 : i32
          %add3A_408 = arith.constant 0 : i32
          %add3A_409 = arith.addi %mul3A_407, %add3A_408 : i32
          %get3A_410 = arith.index_cast %add3A_409 : i32 to index
          %get3A_411 = arith.constant 0 : index
          %get3A_412 = tpu.vector_load %arg16[%get3A_410, %get3A_411] {strides = array<i32>} : memref<128x128xf32, #tpu.memory_space<vmem>>, vector<16xf32>,
          %mul3A_413 = vector.broadcast %squeeze3A : f32 to vector<16xf32>
          %mul3A_414 = arith.mulf %mul3A_413, %get3A_412 : vector<16xf32>
          %add3A_415 = arith.addf %broadcast_in_dim3A_387, %mul3A_414 : vector<16xf32>
          %mul3A_416 = arith.constant 8 : i32
          %mul3A_417 = arith.muli %scan3A_386, %mul3A_416 : i32
          %add3A_418 = arith.constant 0 : i32
          %add3A_419 = arith.addi %mul3A_417, %add3A_418 : i32
          %get3A_420 = arith.index_cast %add3A_419 : i32 to index
          %get3A_421 = arith.constant 16 : index
          %get3A_422 = tpu.vector_load %arg16[%get3A_420, %get3A_421] {strides = array<i32>} : memref<128x128xf32, #tpu.memory_space<vmem>>, vector<16xf32>,
          %mul3A_423 = vector.broadcast %squeeze3A : f32 to vector<16xf32>
          %mul3A_424 = arith.mulf %mul3A_423, %get3A_422 : vector<16xf32>
          %add3A_425 = arith.addf %broadcast_in_dim3A_389, %mul3A_424 : vector<16xf32>
          %mul3A_426 = arith.constant 8 : i32
          %mul3A_427 = arith.muli %scan3A_386, %mul3A_426 : i32
          %add3A_428 = arith.constant 0 : i32
          %add3A_429 = arith.addi %mul3A_427, %add3A_428 : i32
          %get3A_430 = arith.index_cast %add3A_429 : i32 to index
          %get3A_431 = arith.constant 32 : index
          %get3A_432 = tpu.vector_load %arg16[%get3A_430, %get3A_431] {strides = array<i32>} : memref<128x128xf32, #tpu.memory_space<vmem>>, vector<16xf32>,
          %mul3A_433 = vector.broadcast %squeeze3A : f32 to vector<16xf32>
          %mul3A_434 = arith.mulf %mul3A_433, %get3A_432 : vector<16xf32>
          %add3A_435 = arith.addf %broadcast_in_dim3A_391, %mul3A_434 : vector<16xf32>
          %mul3A_436 = arith.constant 8 : i32
          %mul3A_437 = arith.muli %scan3A_386, %mul3A_436 : i32
          %add3A_438 = arith.constant 0 : i32
          %add3A_439 = arith.addi %mul3A_437, %add3A_438 : i32
          %get3A_440 = arith.index_cast %add3A_439 : i32 to index
          %get3A_441 = arith.constant 48 : index
          %get3A_442 = tpu.vector_load %arg16[%get3A_440, %get3A_441] {strides = array<i32>} : memref<128x128xf32, #tpu.memory_space<vmem>>, vector<16xf32>,
          %mul3A_443 = vector.broadcast %squeeze3A : f32 to vector<16xf32>
          %mul3A_444 = arith.mulf %mul3A_443, %get3A_442 : vector<16xf32>
          %add3A_445 = arith.addf %broadcast_in_dim3A_393, %mul3A_444 : vector<16xf32>
          %mul3A_446 = arith.constant 8 : i32
          %mul3A_447 = arith.muli %scan3A_386, %mul3A_446 : i32
          %add3A_448 = arith.constant 0 : i32
          %add3A_449 = arith.addi %mul3A_447, %add3A_448 : i32
          %get3A_450 = arith.index_cast %add3A_449 : i32 to index
          %get3A_451 = arith.constant 64 : index
          %get3A_452 = tpu.vector_load %arg16[%get3A_450, %get3A_451] {strides = array<i32>} : memref<128x128xf32, #tpu.memory_space<vmem>>, vector<16xf32>,
          %mul3A_453 = vector.broadcast %squeeze3A : f32 to vector<16xf32>
          %mul3A_454 = arith.mulf %mul3A_453, %get3A_452 : vector<16xf32>
          %add3A_455 = arith.addf %broadcast_in_dim3A_395, %mul3A_454 : vector<16xf32>
          %mul3A_456 = arith.constant 8 : i32
          %mul3A_457 = arith.muli %scan3A_386, %mul3A_456 : i32
          %add3A_458 = arith.constant 0 : i32
          %add3A_459 = arith.addi %mul3A_457, %add3A_458 : i32
          %get3A_460 = arith.index_cast %add3A_459 : i32 to index
          %get3A_461 = arith.constant 80 : index
          %get3A_462 = tpu.vector_load %arg16[%get3A_460, %get3A_461] {strides = array<i32>} : memref<128x128xf32, #tpu.memory_space<vmem>>, vector<16xf32>,
          %mul3A_463 = vector.broadcast %squeeze3A : f32 to vector<16xf32>
          %mul3A_464 = arith.mulf %mul3A_463, %get3A_462 : vector<16xf32>
          %add3A_465 = arith.addf %broadcast_in_dim3A_397, %mul3A_464 : vector<16xf32>
          %mul3A_466 = arith.constant 8 : i32
          %mul3A_467 = arith.muli %scan3A_386, %mul3A_466 : i32
          %add3A_468 = arith.constant 0 : i32
          %add3A_469 = arith.addi %mul3A_467, %add3A_468 : i32
          %get3A_470 = arith.index_cast %add3A_469 : i32 to index
          %get3A_471 = arith.constant 96 : index
          %get3A_472 = tpu.vector_load %arg16[%get3A_470, %get3A_471] {strides = array<i32>} : memref<128x128xf32, #tpu.memory_space<vmem>>, vector<16xf32>,
          %mul3A_473 = vector.broadcast %squeeze3A : f32 to vector<16xf32>
          %mul3A_474 = arith.mulf %mul3A_473, %get3A_472 : vector<16xf32>
          %add3A_475 = arith.addf %broadcast_in_dim3A_399, %mul3A_474 : vector<16xf32>
          %mul3A_476 = arith.constant 8 : i32
          %mul3A_477 = arith.muli %scan3A_386, %mul3A_476 : i32
          %add3A_478 = arith.constant 0 : i32
          %add3A_479 = arith.addi %mul3A_477, %add3A_478 : i32
          %get3A_480 = arith.index_cast %add3A_479 : i32 to index
          %get3A_481 = arith.constant 112 : index
          %get3A_482 = tpu.vector_load %arg16[%get3A_480, %get3A_481] {strides = array<i32>} : memref<128x128xf32, #tpu.memory_space<vmem>>, vector<16xf32>,
          %mul3A_483 = vector.broadcast %squeeze3A : f32 to vector<16xf32>
          %mul3A_484 = arith.mulf %mul3A_483, %get3A_482 : vector<16xf32>
          %add3A_485 = arith.addf %broadcast_in_dim3A_401, %mul3A_484 : vector<16xf32>
          %get3A_486 = arith.constant 1 : i32
          %get3A_487 = arith.index_cast %get3A_486 : i32 to index
          %get3A_488 = arith.index_cast %scan3A_386 : i32 to index
          %get3A_489 = tpu.vector_load %arg24[%get3A_487, %get3A_488] {strides = array<i32>} : memref<8x32xf32, #tpu.memory_space<vmem>>, vector<16xf32>,
          %slice3A_490 = vector.extract_strided_slice %get3A_489 {offsets = [0], sizes = [1], strides = [1]} : vector<16xf32> to vector<1xf32>
          %squeeze3A_491 = vector.extract %slice3A_490[0] : f32 from vector<1xf32>
          %mul3A_492 = arith.constant 8 : i32
          %mul3A_493 = arith.muli %scan3A_386, %mul3A_492 : i32
          %add3A_494 = arith.constant 1 : i32
          %add3A_495 = arith.addi %mul3A_493, %add3A_494 : i32
          %get3A_496 = arith.index_cast %add3A_495 : i32 to index
          %get3A_497 = arith.constant 0 : index
          %get3A_498 = tpu.vector_load %arg16[%get3A_496, %get3A_497] {strides = array<i32>} : memref<128x128xf32, #tpu.memory_space<vmem>>, vector<16xf32>,
          %mul3A_499 = vector.broadcast %squeeze3A_491 : f32 to vector<16xf32>
          %mul3A_500 = arith.mulf %mul3A_499, %get3A_498 : vector<16xf32>
          %add3A_501 = arith.addf %add3A_415, %mul3A_500 : vector<16xf32>
          %mul3A_502 = arith.constant 8 : i32
          %mul3A_503 = arith.muli %scan3A_386, %mul3A_502 : i32
          %add3A_504 = arith.constant 1 : i32
          %add3A_505 = arith.addi %mul3A_503, %add3A_504 : i32
          %get3A_506 = arith.index_cast %add3A_505 : i32 to index
          %get3A_507 = arith.constant 16 : index
          %get3A_508 = tpu.vector_load %arg16[%get3A_506, %get3A_507] {strides = array<i32>} : memref<128x128xf32, #tpu.memory_space<vmem>>, vector<16xf32>,
          %mul3A_509 = vector.broadcast %squeeze3A_491 : f32 to vector<16xf32>
          %mul3A_510 = arith.mulf %mul3A_509, %get3A_508 : vector<16xf32>
          %add3A_511 = arith.addf %add3A_425, %mul3A_510 : vector<16xf32>
          %mul3A_512 = arith.constant 8 : i32
          %mul3A_513 = arith.muli %scan3A_386, %mul3A_512 : i32
          %add3A_514 = arith.constant 1 : i32
          %add3A_515 = arith.addi %mul3A_513, %add3A_514 : i32
          %get3A_516 = arith.index_cast %add3A_515 : i32 to index
          %get3A_517 = arith.constant 32 : index
          %get3A_518 = tpu.vector_load %arg16[%get3A_516, %get3A_517] {strides = array<i32>} : memref<128x128xf32, #tpu.memory_space<vmem>>, vector<16xf32>,
          %mul3A_519 = vector.broadcast %squeeze3A_491 : f32 to vector<16xf32>
          %mul3A_520 = arith.mulf %mul3A_519, %get3A_518 : vector<16xf32>
          %add3A_521 = arith.addf %add3A_435, %mul3A_520 : vector<16xf32>
          %mul3A_522 = arith.constant 8 : i32
          %mul3A_523 = arith.muli %scan3A_386, %mul3A_522 : i32
          %add3A_524 = arith.constant 1 : i32
          %add3A_525 = arith.addi %mul3A_523, %add3A_524 : i32
          %get3A_526 = arith.index_cast %add3A_525 : i32 to index
          %get3A_527 = arith.constant 48 : index
          %get3A_528 = tpu.vector_load %arg16[%get3A_526, %get3A_527] {strides = array<i32>} : memref<128x128xf32, #tpu.memory_space<vmem>>, vector<16xf32>,
          %mul3A_529 = vector.broadcast %squeeze3A_491 : f32 to vector<16xf32>
          %mul3A_530 = arith.mulf %mul3A_529, %get3A_528 : vector<16xf32>
          %add3A_531 = arith.addf %add3A_445, %mul3A_530 : vector<16xf32>
          %mul3A_532 = arith.constant 8 : i32
          %mul3A_533 = arith.muli %scan3A_386, %mul3A_532 : i32
          %add3A_534 = arith.constant 1 : i32
          %add3A_535 = arith.addi %mul3A_533, %add3A_534 : i32
          %get3A_536 = arith.index_cast %add3A_535 : i32 to index
          %get3A_537 = arith.constant 64 : index
          %get3A_538 = tpu.vector_load %arg16[%get3A_536, %get3A_537] {strides = array<i32>} : memref<128x128xf32, #tpu.memory_space<vmem>>, vector<16xf32>,
          %mul3A_539 = vector.broadcast %squeeze3A_491 : f32 to vector<16xf32>
          %mul3A_540 = arith.mulf %mul3A_539, %get3A_538 : vector<16xf32>
          %add3A_541 = arith.addf %add3A_455, %mul3A_540 : vector<16xf32>
          %mul3A_542 = arith.constant 8 : i32
          %mul3A_543 = arith.muli %scan3A_386, %mul3A_542 : i32
          %add3A_544 = arith.constant 1 : i32
          %add3A_545 = arith.addi %mul3A_543, %add3A_544 : i32
          %get3A_546 = arith.index_cast %add3A_545 : i32 to index
          %get3A_547 = arith.constant 80 : index
          %get3A_548 = tpu.vector_load %arg16[%get3A_546, %get3A_547] {strides = array<i32>} : memref<128x128xf32, #tpu.memory_space<vmem>>, vector<16xf32>,
          %mul3A_549 = vector.broadcast %squeeze3A_491 : f32 to vector<16xf32>
          %mul3A_550 = arith.mulf %mul3A_549, %get3A_548 : vector<16xf32>
          %add3A_551 = arith.addf %add3A_465, %mul3A_550 : vector<16xf32>
          %mul3A_552 = arith.constant 8 : i32
          %mul3A_553 = arith.muli %scan3A_386, %mul3A_552 : i32
          %add3A_554 = arith.constant 1 : i32
          %add3A_555 = arith.addi %mul3A_553, %add3A_554 : i32
          %get3A_556 = arith.index_cast %add3A_555 : i32 to index
          %get3A_557 = arith.constant 96 : index
          %get3A_558 = tpu.vector_load %arg16[%get3A_556, %get3A_557] {strides = array<i32>} : memref<128x128xf32, #tpu.memory_space<vmem>>, vector<16xf32>,
          %mul3A_559 = vector.broadcast %squeeze3A_491 : f32 to vector<16xf32>
          %mul3A_560 = arith.mulf %mul3A_559, %get3A_558 : vector<16xf32>
          %add3A_561 = arith.addf %add3A_475, %mul3A_560 : vector<16xf32>
          %mul3A_562 = arith.constant 8 : i32
          %mul3A_563 = arith.muli %scan3A_386, %mul3A_562 : i32
          %add3A_564 = arith.constant 1 : i32
          %add3A_565 = arith.addi %mul3A_563, %add3A_564 : i32
          %get3A_566 = arith.index_cast %add3A_565 : i32 to index
          %get3A_567 = arith.constant 112 : index
          %get3A_568 = tpu.vector_load %arg16[%get3A_566, %get3A_567] {strides = array<i32>} : memref<128x128xf32, #tpu.memory_space<vmem>>, vector<16xf32>,
          %mul3A_569 = vector.broadcast %squeeze3A_491 : f32 to vector<16xf32>
          %mul3A_570 = arith.mulf %mul3A_569, %get3A_568 : vector<16xf32>
          %add3A_571 = arith.addf %add3A_485, %mul3A_570 : vector<16xf32>
          %get3A_572 = arith.constant 2 : i32
          %get3A_573 = arith.index_cast %get3A_572 : i32 to index
          %get3A_574 = arith.index_cast %scan3A_386 : i32 to index
          %get3A_575 = tpu.vector_load %arg24[%get3A_573, %get3A_574] {strides = array<i32>} : memref<8x32xf32, #tpu.memory_space<vmem>>, vector<16xf32>,
          %slice3A_576 = vector.extract_strided_slice %get3A_575 {offsets = [0], sizes = [1], strides = [1]} : vector<16xf32> to vector<1xf32>
          %squeeze3A_577 = vector.extract %slice3A_576[0] : f32 from vector<1xf32>
          %mul3A_578 = arith.constant 8 : i32
          %mul3A_579 = arith.muli %scan3A_386, %mul3A_578 : i32
          %add3A_580 = arith.constant 2 : i32
          %add3A_581 = arith.addi %mul3A_579, %add3A_580 : i32
          %get3A_582 = arith.index_cast %add3A_581 : i32 to index
          %get3A_583 = arith.constant 0 : index
          %get3A_584 = tpu.vector_load %arg16[%get3A_582, %get3A_583] {strides = array<i32>} : memref<128x128xf32, #tpu.memory_space<vmem>>, vector<16xf32>,
          %mul3A_585 = vector.broadcast %squeeze3A_577 : f32 to vector<16xf32>
          %mul3A_586 = arith.mulf %mul3A_585, %get3A_584 : vector<16xf32>
          %add3A_587 = arith.addf %add3A_501, %mul3A_586 : vector<16xf32>
          %mul3A_588 = arith.constant 8 : i32
          %mul3A_589 = arith.muli %scan3A_386, %mul3A_588 : i32
          %add3A_590 = arith.constant 2 : i32
          %add3A_591 = arith.addi %mul3A_589, %add3A_590 : i32
          %get3A_592 = arith.index_cast %add3A_591 : i32 to index
          %get3A_593 = arith.constant 16 : index
          %get3A_594 = tpu.vector_load %arg16[%get3A_592, %get3A_593] {strides = array<i32>} : memref<128x128xf32, #tpu.memory_space<vmem>>, vector<16xf32>,
          %mul3A_595 = vector.broadcast %squeeze3A_577 : f32 to vector<16xf32>
          %mul3A_596 = arith.mulf %mul3A_595, %get3A_594 : vector<16xf32>
          %add3A_597 = arith.addf %add3A_511, %mul3A_596 : vector<16xf32>
          %mul3A_598 = arith.constant 8 : i32
          %mul3A_599 = arith.muli %scan3A_386, %mul3A_598 : i32
          %add3A_600 = arith.constant 2 : i32
          %add3A_601 = arith.addi %mul3A_599, %add3A_600 : i32
          %get3A_602 = arith.index_cast %add3A_601 : i32 to index
          %get3A_603 = arith.constant 32 : index
          %get3A_604 = tpu.vector_load %arg16[%get3A_602, %get3A_603] {strides = array<i32>} : memref<128x128xf32, #tpu.memory_space<vmem>>, vector<16xf32>,
          %mul3A_605 = vector.broadcast %squeeze3A_577 : f32 to vector<16xf32>
          %mul3A_606 = arith.mulf %mul3A_605, %get3A_604 : vector<16xf32>
          %add3A_607 = arith.addf %add3A_521, %mul3A_606 : vector<16xf32>
          %mul3A_608 = arith.constant 8 : i32
          %mul3A_609 = arith.muli %scan3A_386, %mul3A_608 : i32
          %add3A_610 = arith.constant 2 : i32
          %add3A_611 = arith.addi %mul3A_609, %add3A_610 : i32
          %get3A_612 = arith.index_cast %add3A_611 : i32 to index
          %get3A_613 = arith.constant 48 : index
          %get3A_614 = tpu.vector_load %arg16[%get3A_612, %get3A_613] {strides = array<i32>} : memref<128x128xf32, #tpu.memory_space<vmem>>, vector<16xf32>,
          %mul3A_615 = vector.broadcast %squeeze3A_577 : f32 to vector<16xf32>
          %mul3A_616 = arith.mulf %mul3A_615, %get3A_614 : vector<16xf32>
          %add3A_617 = arith.addf %add3A_531, %mul3A_616 : vector<16xf32>
          %mul3A_618 = arith.constant 8 : i32
          %mul3A_619 = arith.muli %scan3A_386, %mul3A_618 : i32
          %add3A_620 = arith.constant 2 : i32
          %add3A_621 = arith.addi %mul3A_619, %add3A_620 : i32
          %get3A_622 = arith.index_cast %add3A_621 : i32 to index
          %get3A_623 = arith.constant 64 : index
          %get3A_624 = tpu.vector_load %arg16[%get3A_622, %get3A_623] {strides = array<i32>} : memref<128x128xf32, #tpu.memory_space<vmem>>, vector<16xf32>,
          %mul3A_625 = vector.broadcast %squeeze3A_577 : f32 to vector<16xf32>
          %mul3A_626 = arith.mulf %mul3A_625, %get3A_624 : vector<16xf32>
          %add3A_627 = arith.addf %add3A_541, %mul3A_626 : vector<16xf32>
          %mul3A_628 = arith.constant 8 : i32
          %mul3A_629 = arith.muli %scan3A_386, %mul3A_628 : i32
          %add3A_630 = arith.constant 2 : i32
          %add3A_631 = arith.addi %mul3A_629, %add3A_630 : i32
          %get3A_632 = arith.index_cast %add3A_631 : i32 to index
          %get3A_633 = arith.constant 80 : index
          %get3A_634 = tpu.vector_load %arg16[%get3A_632, %get3A_633] {strides = array<i32>} : memref<128x128xf32, #tpu.memory_space<vmem>>, vector<16xf32>,
          %mul3A_635 = vector.broadcast %squeeze3A_577 : f32 to vector<16xf32>
          %mul3A_636 = arith.mulf %mul3A_635, %get3A_634 : vector<16xf32>
          %add3A_637 = arith.addf %add3A_551, %mul3A_636 : vector<16xf32>
          %mul3A_638 = arith.constant 8 : i32
          %mul3A_639 = arith.muli %scan3A_386, %mul3A_638 : i32
          %add3A_640 = arith.constant 2 : i32
          %add3A_641 = arith.addi %mul3A_639, %add3A_640 : i32
          %get3A_642 = arith.index_cast %add3A_641 : i32 to index
          %get3A_643 = arith.constant 96 : index
          %get3A_644 = tpu.vector_load %arg16[%get3A_642, %get3A_643] {strides = array<i32>} : memref<128x128xf32, #tpu.memory_space<vmem>>, vector<16xf32>,
          %mul3A_645 = vector.broadcast %squeeze3A_577 : f32 to vector<16xf32>
          %mul3A_646 = arith.mulf %mul3A_645, %get3A_644 : vector<16xf32>
          %add3A_647 = arith.addf %add3A_561, %mul3A_646 : vector<16xf32>
          %mul3A_648 = arith.constant 8 : i32
          %mul3A_649 = arith.muli %scan3A_386, %mul3A_648 : i32
          %add3A_650 = arith.constant 2 : i32
          %add3A_651 = arith.addi %mul3A_649, %add3A_650 : i32
          %get3A_652 = arith.index_cast %add3A_651 : i32 to index
          %get3A_653 = arith.constant 112 : index
          %get3A_654 = tpu.vector_load %arg16[%get3A_652, %get3A_653] {strides = array<i32>} : memref<128x128xf32, #tpu.memory_space<vmem>>, vector<16xf32>,
          %mul3A_655 = vector.broadcast %squeeze3A_577 : f32 to vector<16xf32>
          %mul3A_656 = arith.mulf %mul3A_655, %get3A_654 : vector<16xf32>
          %add3A_657 = arith.addf %add3A_571, %mul3A_656 : vector<16xf32>
          %get3A_658 = arith.constant 3 : i32
          %get3A_659 = arith.index_cast %get3A_658 : i32 to index
          %get3A_660 = arith.index_cast %scan3A_386 : i32 to index
          %get3A_661 = tpu.vector_load %arg24[%get3A_659, %get3A_660] {strides = array<i32>} : memref<8x32xf32, #tpu.memory_space<vmem>>, vector<16xf32>,
          %slice3A_662 = vector.extract_strided_slice %get3A_661 {offsets = [0], sizes = [1], strides = [1]} : vector<16xf32> to vector<1xf32>
          %squeeze3A_663 = vector.extract %slice3A_662[0] : f32 from vector<1xf32>
          %mul3A_664 = arith.constant 8 : i32
          %mul3A_665 = arith.muli %scan3A_386, %mul3A_664 : i32
          %add3A_666 = arith.constant 3 : i32
          %add3A_667 = arith.addi %mul3A_665, %add3A_666 : i32
          %get3A_668 = arith.index_cast %add3A_667 : i32 to index
          %get3A_669 = arith.constant 0 : index
          %get3A_670 = tpu.vector_load %arg16[%get3A_668, %get3A_669] {strides = array<i32>} : memref<128x128xf32, #tpu.memory_space<vmem>>, vector<16xf32>,
          %mul3A_671 = vector.broadcast %squeeze3A_663 : f32 to vector<16xf32>
          %mul3A_672 = arith.mulf %mul3A_671, %get3A_670 : vector<16xf32>
          %add3A_673 = arith.addf %add3A_587, %mul3A_672 : vector<16xf32>
          %mul3A_674 = arith.constant 8 : i32
          %mul3A_675 = arith.muli %scan3A_386, %mul3A_674 : i32
          %add3A_676 = arith.constant 3 : i32
          %add3A_677 = arith.addi %mul3A_675, %add3A_676 : i32
          %get3A_678 = arith.index_cast %add3A_677 : i32 to index
          %get3A_679 = arith.constant 16 : index
          %get3A_680 = tpu.vector_load %arg16[%get3A_678, %get3A_679] {strides = array<i32>} : memref<128x128xf32, #tpu.memory_space<vmem>>, vector<16xf32>,
          %mul3A_681 = vector.broadcast %squeeze3A_663 : f32 to vector<16xf32>
          %mul3A_682 = arith.mulf %mul3A_681, %get3A_680 : vector<16xf32>
          %add3A_683 = arith.addf %add3A_597, %mul3A_682 : vector<16xf32>
          %mul3A_684 = arith.constant 8 : i32
          %mul3A_685 = arith.muli %scan3A_386, %mul3A_684 : i32
          %add3A_686 = arith.constant 3 : i32
          %add3A_687 = arith.addi %mul3A_685, %add3A_686 : i32
          %get3A_688 = arith.index_cast %add3A_687 : i32 to index
          %get3A_689 = arith.constant 32 : index
          %get3A_690 = tpu.vector_load %arg16[%get3A_688, %get3A_689] {strides = array<i32>} : memref<128x128xf32, #tpu.memory_space<vmem>>, vector<16xf32>,
          %mul3A_691 = vector.broadcast %squeeze3A_663 : f32 to vector<16xf32>
          %mul3A_692 = arith.mulf %mul3A_691, %get3A_690 : vector<16xf32>
          %add3A_693 = arith.addf %add3A_607, %mul3A_692 : vector<16xf32>
          %mul3A_694 = arith.constant 8 : i32
          %mul3A_695 = arith.muli %scan3A_386, %mul3A_694 : i32
          %add3A_696 = arith.constant 3 : i32
          %add3A_697 = arith.addi %mul3A_695, %add3A_696 : i32
          %get3A_698 = arith.index_cast %add3A_697 : i32 to index
          %get3A_699 = arith.constant 48 : index
          %get3A_700 = tpu.vector_load %arg16[%get3A_698, %get3A_699] {strides = array<i32>} : memref<128x128xf32, #tpu.memory_space<vmem>>, vector<16xf32>,
          %mul3A_701 = vector.broadcast %squeeze3A_663 : f32 to vector<16xf32>
          %mul3A_702 = arith.mulf %mul3A_701, %get3A_700 : vector<16xf32>
          %add3A_703 = arith.addf %add3A_617, %mul3A_702 : vector<16xf32>
          %mul3A_704 = arith.constant 8 : i32
          %mul3A_705 = arith.muli %scan3A_386, %mul3A_704 : i32
          %add3A_706 = arith.constant 3 : i32
          %add3A_707 = arith.addi %mul3A_705, %add3A_706 : i32
          %get3A_708 = arith.index_cast %add3A_707 : i32 to index
          %get3A_709 = arith.constant 64 : index
          %get3A_710 = tpu.vector_load %arg16[%get3A_708, %get3A_709] {strides = array<i32>} : memref<128x128xf32, #tpu.memory_space<vmem>>, vector<16xf32>,
          %mul3A_711 = vector.broadcast %squeeze3A_663 : f32 to vector<16xf32>
          %mul3A_712 = arith.mulf %mul3A_711, %get3A_710 : vector<16xf32>
          %add3A_713 = arith.addf %add3A_627, %mul3A_712 : vector<16xf32>
          %mul3A_714 = arith.constant 8 : i32
          %mul3A_715 = arith.muli %scan3A_386, %mul3A_714 : i32
          %add3A_716 = arith.constant 3 : i32
          %add3A_717 = arith.addi %mul3A_715, %add3A_716 : i32
          %get3A_718 = arith.index_cast %add3A_717 : i32 to index
          %get3A_719 = arith.constant 80 : index
          %get3A_720 = tpu.vector_load %arg16[%get3A_718, %get3A_719] {strides = array<i32>} : memref<128x128xf32, #tpu.memory_space<vmem>>, vector<16xf32>,
          %mul3A_721 = vector.broadcast %squeeze3A_663 : f32 to vector<16xf32>
          %mul3A_722 = arith.mulf %mul3A_721, %get3A_720 : vector<16xf32>
          %add3A_723 = arith.addf %add3A_637, %mul3A_722 : vector<16xf32>
          %mul3A_724 = arith.constant 8 : i32
          %mul3A_725 = arith.muli %scan3A_386, %mul3A_724 : i32
          %add3A_726 = arith.constant 3 : i32
          %add3A_727 = arith.addi %mul3A_725, %add3A_726 : i32
          %get3A_728 = arith.index_cast %add3A_727 : i32 to index
          %get3A_729 = arith.constant 96 : index
          %get3A_730 = tpu.vector_load %arg16[%get3A_728, %get3A_729] {strides = array<i32>} : memref<128x128xf32, #tpu.memory_space<vmem>>, vector<16xf32>,
          %mul3A_731 = vector.broadcast %squeeze3A_663 : f32 to vector<16xf32>
          %mul3A_732 = arith.mulf %mul3A_731, %get3A_730 : vector<16xf32>
          %add3A_733 = arith.addf %add3A_647, %mul3A_732 : vector<16xf32>
          %mul3A_734 = arith.constant 8 : i32
          %mul3A_735 = arith.muli %scan3A_386, %mul3A_734 : i32
          %add3A_736 = arith.constant 3 : i32
          %add3A_737 = arith.addi %mul3A_735, %add3A_736 : i32
          %get3A_738 = arith.index_cast %add3A_737 : i32 to index
          %get3A_739 = arith.constant 112 : index
          %get3A_740 = tpu.vector_load %arg16[%get3A_738, %get3A_739] {strides = array<i32>} : memref<128x128xf32, #tpu.memory_space<vmem>>, vector<16xf32>,
          %mul3A_741 = vector.broadcast %squeeze3A_663 : f32 to vector<16xf32>
          %mul3A_742 = arith.mulf %mul3A_741, %get3A_740 : vector<16xf32>
          %add3A_743 = arith.addf %add3A_657, %mul3A_742 : vector<16xf32>
          %get3A_744 = arith.constant 4 : i32
          %get3A_745 = arith.index_cast %get3A_744 : i32 to index
          %get3A_746 = arith.index_cast %scan3A_386 : i32 to index
          %get3A_747 = tpu.vector_load %arg24[%get3A_745, %get3A_746] {strides = array<i32>} : memref<8x32xf32, #tpu.memory_space<vmem>>, vector<16xf32>,
          %slice3A_748 = vector.extract_strided_slice %get3A_747 {offsets = [0], sizes = [1], strides = [1]} : vector<16xf32> to vector<1xf32>
          %squeeze3A_749 = vector.extract %slice3A_748[0] : f32 from vector<1xf32>
          %mul3A_750 = arith.constant 8 : i32
          %mul3A_751 = arith.muli %scan3A_386, %mul3A_750 : i32
          %add3A_752 = arith.constant 4 : i32
          %add3A_753 = arith.addi %mul3A_751, %add3A_752 : i32
          %get3A_754 = arith.index_cast %add3A_753 : i32 to index
          %get3A_755 = arith.constant 0 : index
          %get3A_756 = tpu.vector_load %arg16[%get3A_754, %get3A_755] {strides = array<i32>} : memref<128x128xf32, #tpu.memory_space<vmem>>, vector<16xf32>,
          %mul3A_757 = vector.broadcast %squeeze3A_749 : f32 to vector<16xf32>
          %mul3A_758 = arith.mulf %mul3A_757, %get3A_756 : vector<16xf32>
          %add3A_759 = arith.addf %add3A_673, %mul3A_758 : vector<16xf32>
          %mul3A_760 = arith.constant 8 : i32
          %mul3A_761 = arith.muli %scan3A_386, %mul3A_760 : i32
          %add3A_762 = arith.constant 4 : i32
          %add3A_763 = arith.addi %mul3A_761, %add3A_762 : i32
          %get3A_764 = arith.index_cast %add3A_763 : i32 to index
          %get3A_765 = arith.constant 16 : index
          %get3A_766 = tpu.vector_load %arg16[%get3A_764, %get3A_765] {strides = array<i32>} : memref<128x128xf32, #tpu.memory_space<vmem>>, vector<16xf32>,
          %mul3A_767 = vector.broadcast %squeeze3A_749 : f32 to vector<16xf32>
          %mul3A_768 = arith.mulf %mul3A_767, %get3A_766 : vector<16xf32>
          %add3A_769 = arith.addf %add3A_683, %mul3A_768 : vector<16xf32>
          %mul3A_770 = arith.constant 8 : i32
          %mul3A_771 = arith.muli %scan3A_386, %mul3A_770 : i32
          %add3A_772 = arith.constant 4 : i32
          %add3A_773 = arith.addi %mul3A_771, %add3A_772 : i32
          %get3A_774 = arith.index_cast %add3A_773 : i32 to index
          %get3A_775 = arith.constant 32 : index
          %get3A_776 = tpu.vector_load %arg16[%get3A_774, %get3A_775] {strides = array<i32>} : memref<128x128xf32, #tpu.memory_space<vmem>>, vector<16xf32>,
          %mul3A_777 = vector.broadcast %squeeze3A_749 : f32 to vector<16xf32>
          %mul3A_778 = arith.mulf %mul3A_777, %get3A_776 : vector<16xf32>
          %add3A_779 = arith.addf %add3A_693, %mul3A_778 : vector<16xf32>
          %mul3A_780 = arith.constant 8 : i32
          %mul3A_781 = arith.muli %scan3A_386, %mul3A_780 : i32
          %add3A_782 = arith.constant 4 : i32
          %add3A_783 = arith.addi %mul3A_781, %add3A_782 : i32
          %get3A_784 = arith.index_cast %add3A_783 : i32 to index
          %get3A_785 = arith.constant 48 : index
          %get3A_786 = tpu.vector_load %arg16[%get3A_784, %get3A_785] {strides = array<i32>} : memref<128x128xf32, #tpu.memory_space<vmem>>, vector<16xf32>,
          %mul3A_787 = vector.broadcast %squeeze3A_749 : f32 to vector<16xf32>
          %mul3A_788 = arith.mulf %mul3A_787, %get3A_786 : vector<16xf32>
          %add3A_789 = arith.addf %add3A_703, %mul3A_788 : vector<16xf32>
          %mul3A_790 = arith.constant 8 : i32
          %mul3A_791 = arith.muli %scan3A_386, %mul3A_790 : i32
          %add3A_792 = arith.constant 4 : i32
          %add3A_793 = arith.addi %mul3A_791, %add3A_792 : i32
          %get3A_794 = arith.index_cast %add3A_793 : i32 to index
          %get3A_795 = arith.constant 64 : index
          %get3A_796 = tpu.vector_load %arg16[%get3A_794, %get3A_795] {strides = array<i32>} : memref<128x128xf32, #tpu.memory_space<vmem>>, vector<16xf32>,
          %mul3A_797 = vector.broadcast %squeeze3A_749 : f32 to vector<16xf32>
          %mul3A_798 = arith.mulf %mul3A_797, %get3A_796 : vector<16xf32>
          %add3A_799 = arith.addf %add3A_713, %mul3A_798 : vector<16xf32>
          %mul3A_800 = arith.constant 8 : i32
          %mul3A_801 = arith.muli %scan3A_386, %mul3A_800 : i32
          %add3A_802 = arith.constant 4 : i32
          %add3A_803 = arith.addi %mul3A_801, %add3A_802 : i32
          %get3A_804 = arith.index_cast %add3A_803 : i32 to index
          %get3A_805 = arith.constant 80 : index
          %get3A_806 = tpu.vector_load %arg16[%get3A_804, %get3A_805] {strides = array<i32>} : memref<128x128xf32, #tpu.memory_space<vmem>>, vector<16xf32>,
          %mul3A_807 = vector.broadcast %squeeze3A_749 : f32 to vector<16xf32>
          %mul3A_808 = arith.mulf %mul3A_807, %get3A_806 : vector<16xf32>
          %add3A_809 = arith.addf %add3A_723, %mul3A_808 : vector<16xf32>
          %mul3A_810 = arith.constant 8 : i32
          %mul3A_811 = arith.muli %scan3A_386, %mul3A_810 : i32
          %add3A_812 = arith.constant 4 : i32
          %add3A_813 = arith.addi %mul3A_811, %add3A_812 : i32
          %get3A_814 = arith.index_cast %add3A_813 : i32 to index
          %get3A_815 = arith.constant 96 : index
          %get3A_816 = tpu.vector_load %arg16[%get3A_814, %get3A_815] {strides = array<i32>} : memref<128x128xf32, #tpu.memory_space<vmem>>, vector<16xf32>,
          %mul3A_817 = vector.broadcast %squeeze3A_749 : f32 to vector<16xf32>
          %mul3A_818 = arith.mulf %mul3A_817, %get3A_816 : vector<16xf32>
          %add3A_819 = arith.addf %add3A_733, %mul3A_818 : vector<16xf32>
          %mul3A_820 = arith.constant 8 : i32
          %mul3A_821 = arith.muli %scan3A_386, %mul3A_820 : i32
          %add3A_822 = arith.constant 4 : i32
          %add3A_823 = arith.addi %mul3A_821, %add3A_822 : i32
          %get3A_824 = arith.index_cast %add3A_823 : i32 to index
          %get3A_825 = arith.constant 112 : index
          %get3A_826 = tpu.vector_load %arg16[%get3A_824, %get3A_825] {strides = array<i32>} : memref<128x128xf32, #tpu.memory_space<vmem>>, vector<16xf32>,
          %mul3A_827 = vector.broadcast %squeeze3A_749 : f32 to vector<16xf32>
          %mul3A_828 = arith.mulf %mul3A_827, %get3A_826 : vector<16xf32>
          %add3A_829 = arith.addf %add3A_743, %mul3A_828 : vector<16xf32>
          %get3A_830 = arith.constant 5 : i32
          %get3A_831 = arith.index_cast %get3A_830 : i32 to index
          %get3A_832 = arith.index_cast %scan3A_386 : i32 to index
          %get3A_833 = tpu.vector_load %arg24[%get3A_831, %get3A_832] {strides = array<i32>} : memref<8x32xf32, #tpu.memory_space<vmem>>, vector<16xf32>,
          %slice3A_834 = vector.extract_strided_slice %get3A_833 {offsets = [0], sizes = [1], strides = [1]} : vector<16xf32> to vector<1xf32>
          %squeeze3A_835 = vector.extract %slice3A_834[0] : f32 from vector<1xf32>
          %mul3A_836 = arith.constant 8 : i32
          %mul3A_837 = arith.muli %scan3A_386, %mul3A_836 : i32
          %add3A_838 = arith.constant 5 : i32
          %add3A_839 = arith.addi %mul3A_837, %add3A_838 : i32
          %get3A_840 = arith.index_cast %add3A_839 : i32 to index
          %get3A_841 = arith.constant 0 : index
          %get3A_842 = tpu.vector_load %arg16[%get3A_840, %get3A_841] {strides = array<i32>} : memref<128x128xf32, #tpu.memory_space<vmem>>, vector<16xf32>,
          %mul3A_843 = vector.broadcast %squeeze3A_835 : f32 to vector<16xf32>
          %mul3A_844 = arith.mulf %mul3A_843, %get3A_842 : vector<16xf32>
          %add3A_845 = arith.addf %add3A_759, %mul3A_844 : vector<16xf32>
          %mul3A_846 = arith.constant 8 : i32
          %mul3A_847 = arith.muli %scan3A_386, %mul3A_846 : i32
          %add3A_848 = arith.constant 5 : i32
          %add3A_849 = arith.addi %mul3A_847, %add3A_848 : i32
          %get3A_850 = arith.index_cast %add3A_849 : i32 to index
          %get3A_851 = arith.constant 16 : index
          %get3A_852 = tpu.vector_load %arg16[%get3A_850, %get3A_851] {strides = array<i32>} : memref<128x128xf32, #tpu.memory_space<vmem>>, vector<16xf32>,
          %mul3A_853 = vector.broadcast %squeeze3A_835 : f32 to vector<16xf32>
          %mul3A_854 = arith.mulf %mul3A_853, %get3A_852 : vector<16xf32>
          %add3A_855 = arith.addf %add3A_769, %mul3A_854 : vector<16xf32>
          %mul3A_856 = arith.constant 8 : i32
          %mul3A_857 = arith.muli %scan3A_386, %mul3A_856 : i32
          %add3A_858 = arith.constant 5 : i32
          %add3A_859 = arith.addi %mul3A_857, %add3A_858 : i32
          %get3A_860 = arith.index_cast %add3A_859 : i32 to index
          %get3A_861 = arith.constant 32 : index
          %get3A_862 = tpu.vector_load %arg16[%get3A_860, %get3A_861] {strides = array<i32>} : memref<128x128xf32, #tpu.memory_space<vmem>>, vector<16xf32>,
          %mul3A_863 = vector.broadcast %squeeze3A_835 : f32 to vector<16xf32>
          %mul3A_864 = arith.mulf %mul3A_863, %get3A_862 : vector<16xf32>
          %add3A_865 = arith.addf %add3A_779, %mul3A_864 : vector<16xf32>
          %mul3A_866 = arith.constant 8 : i32
          %mul3A_867 = arith.muli %scan3A_386, %mul3A_866 : i32
          %add3A_868 = arith.constant 5 : i32
          %add3A_869 = arith.addi %mul3A_867, %add3A_868 : i32
          %get3A_870 = arith.index_cast %add3A_869 : i32 to index
          %get3A_871 = arith.constant 48 : index
          %get3A_872 = tpu.vector_load %arg16[%get3A_870, %get3A_871] {strides = array<i32>} : memref<128x128xf32, #tpu.memory_space<vmem>>, vector<16xf32>,
          %mul3A_873 = vector.broadcast %squeeze3A_835 : f32 to vector<16xf32>
          %mul3A_874 = arith.mulf %mul3A_873, %get3A_872 : vector<16xf32>
          %add3A_875 = arith.addf %add3A_789, %mul3A_874 : vector<16xf32>
          %mul3A_876 = arith.constant 8 : i32
          %mul3A_877 = arith.muli %scan3A_386, %mul3A_876 : i32
          %add3A_878 = arith.constant 5 : i32
          %add3A_879 = arith.addi %mul3A_877, %add3A_878 : i32
          %get3A_880 = arith.index_cast %add3A_879 : i32 to index
          %get3A_881 = arith.constant 64 : index
          %get3A_882 = tpu.vector_load %arg16[%get3A_880, %get3A_881] {strides = array<i32>} : memref<128x128xf32, #tpu.memory_space<vmem>>, vector<16xf32>,
          %mul3A_883 = vector.broadcast %squeeze3A_835 : f32 to vector<16xf32>
          %mul3A_884 = arith.mulf %mul3A_883, %get3A_882 : vector<16xf32>
          %add3A_885 = arith.addf %add3A_799, %mul3A_884 : vector<16xf32>
          %mul3A_886 = arith.constant 8 : i32
          %mul3A_887 = arith.muli %scan3A_386, %mul3A_886 : i32
          %add3A_888 = arith.constant 5 : i32
          %add3A_889 = arith.addi %mul3A_887, %add3A_888 : i32
          %get3A_890 = arith.index_cast %add3A_889 : i32 to index
          %get3A_891 = arith.constant 80 : index
          %get3A_892 = tpu.vector_load %arg16[%get3A_890, %get3A_891] {strides = array<i32>} : memref<128x128xf32, #tpu.memory_space<vmem>>, vector<16xf32>,
          %mul3A_893 = vector.broadcast %squeeze3A_835 : f32 to vector<16xf32>
          %mul3A_894 = arith.mulf %mul3A_893, %get3A_892 : vector<16xf32>
          %add3A_895 = arith.addf %add3A_809, %mul3A_894 : vector<16xf32>
          %mul3A_896 = arith.constant 8 : i32
          %mul3A_897 = arith.muli %scan3A_386, %mul3A_896 : i32
          %add3A_898 = arith.constant 5 : i32
          %add3A_899 = arith.addi %mul3A_897, %add3A_898 : i32
          %get3A_900 = arith.index_cast %add3A_899 : i32 to index
          %get3A_901 = arith.constant 96 : index
          %get3A_902 = tpu.vector_load %arg16[%get3A_900, %get3A_901] {strides = array<i32>} : memref<128x128xf32, #tpu.memory_space<vmem>>, vector<16xf32>,
          %mul3A_903 = vector.broadcast %squeeze3A_835 : f32 to vector<16xf32>
          %mul3A_904 = arith.mulf %mul3A_903, %get3A_902 : vector<16xf32>
          %add3A_905 = arith.addf %add3A_819, %mul3A_904 : vector<16xf32>
          %mul3A_906 = arith.constant 8 : i32
          %mul3A_907 = arith.muli %scan3A_386, %mul3A_906 : i32
          %add3A_908 = arith.constant 5 : i32
          %add3A_909 = arith.addi %mul3A_907, %add3A_908 : i32
          %get3A_910 = arith.index_cast %add3A_909 : i32 to index
          %get3A_911 = arith.constant 112 : index
          %get3A_912 = tpu.vector_load %arg16[%get3A_910, %get3A_911] {strides = array<i32>} : memref<128x128xf32, #tpu.memory_space<vmem>>, vector<16xf32>,
          %mul3A_913 = vector.broadcast %squeeze3A_835 : f32 to vector<16xf32>
          %mul3A_914 = arith.mulf %mul3A_913, %get3A_912 : vector<16xf32>
          %add3A_915 = arith.addf %add3A_829, %mul3A_914 : vector<16xf32>
          %get3A_916 = arith.constant 6 : i32
          %get3A_917 = arith.index_cast %get3A_916 : i32 to index
          %get3A_918 = arith.index_cast %scan3A_386 : i32 to index
          %get3A_919 = tpu.vector_load %arg24[%get3A_917, %get3A_918] {strides = array<i32>} : memref<8x32xf32, #tpu.memory_space<vmem>>, vector<16xf32>,
          %slice3A_920 = vector.extract_strided_slice %get3A_919 {offsets = [0], sizes = [1], strides = [1]} : vector<16xf32> to vector<1xf32>
          %squeeze3A_921 = vector.extract %slice3A_920[0] : f32 from vector<1xf32>
          %mul3A_922 = arith.constant 8 : i32
          %mul3A_923 = arith.muli %scan3A_386, %mul3A_922 : i32
          %add3A_924 = arith.constant 6 : i32
          %add3A_925 = arith.addi %mul3A_923, %add3A_924 : i32
          %get3A_926 = arith.index_cast %add3A_925 : i32 to index
          %get3A_927 = arith.constant 0 : index
          %get3A_928 = tpu.vector_load %arg16[%get3A_926, %get3A_927] {strides = array<i32>} : memref<128x128xf32, #tpu.memory_space<vmem>>, vector<16xf32>,
          %mul3A_929 = vector.broadcast %squeeze3A_921 : f32 to vector<16xf32>
          %mul3A_930 = arith.mulf %mul3A_929, %get3A_928 : vector<16xf32>
          %add3A_931 = arith.addf %add3A_845, %mul3A_930 : vector<16xf32>
          %mul3A_932 = arith.constant 8 : i32
          %mul3A_933 = arith.muli %scan3A_386, %mul3A_932 : i32
          %add3A_934 = arith.constant 6 : i32
          %add3A_935 = arith.addi %mul3A_933, %add3A_934 : i32
          %get3A_936 = arith.index_cast %add3A_935 : i32 to index
          %get3A_937 = arith.constant 16 : index
          %get3A_938 = tpu.vector_load %arg16[%get3A_936, %get3A_937] {strides = array<i32>} : memref<128x128xf32, #tpu.memory_space<vmem>>, vector<16xf32>,
          %mul3A_939 = vector.broadcast %squeeze3A_921 : f32 to vector<16xf32>
          %mul3A_940 = arith.mulf %mul3A_939, %get3A_938 : vector<16xf32>
          %add3A_941 = arith.addf %add3A_855, %mul3A_940 : vector<16xf32>
          %mul3A_942 = arith.constant 8 : i32
          %mul3A_943 = arith.muli %scan3A_386, %mul3A_942 : i32
          %add3A_944 = arith.constant 6 : i32
          %add3A_945 = arith.addi %mul3A_943, %add3A_944 : i32
          %get3A_946 = arith.index_cast %add3A_945 : i32 to index
          %get3A_947 = arith.constant 32 : index
          %get3A_948 = tpu.vector_load %arg16[%get3A_946, %get3A_947] {strides = array<i32>} : memref<128x128xf32, #tpu.memory_space<vmem>>, vector<16xf32>,
          %mul3A_949 = vector.broadcast %squeeze3A_921 : f32 to vector<16xf32>
          %mul3A_950 = arith.mulf %mul3A_949, %get3A_948 : vector<16xf32>
          %add3A_951 = arith.addf %add3A_865, %mul3A_950 : vector<16xf32>
          %mul3A_952 = arith.constant 8 : i32
          %mul3A_953 = arith.muli %scan3A_386, %mul3A_952 : i32
          %add3A_954 = arith.constant 6 : i32
          %add3A_955 = arith.addi %mul3A_953, %add3A_954 : i32
          %get3A_956 = arith.index_cast %add3A_955 : i32 to index
          %get3A_957 = arith.constant 48 : index
          %get3A_958 = tpu.vector_load %arg16[%get3A_956, %get3A_957] {strides = array<i32>} : memref<128x128xf32, #tpu.memory_space<vmem>>, vector<16xf32>,
          %mul3A_959 = vector.broadcast %squeeze3A_921 : f32 to vector<16xf32>
          %mul3A_960 = arith.mulf %mul3A_959, %get3A_958 : vector<16xf32>
          %add3A_961 = arith.addf %add3A_875, %mul3A_960 : vector<16xf32>
          %mul3A_962 = arith.constant 8 : i32
          %mul3A_963 = arith.muli %scan3A_386, %mul3A_962 : i32
          %add3A_964 = arith.constant 6 : i32
          %add3A_965 = arith.addi %mul3A_963, %add3A_964 : i32
          %get3A_966 = arith.index_cast %add3A_965 : i32 to index
          %get3A_967 = arith.constant 64 : index
          %get3A_968 = tpu.vector_load %arg16[%get3A_966, %get3A_967] {strides = array<i32>} : memref<128x128xf32, #tpu.memory_space<vmem>>, vector<16xf32>,
          %mul3A_969 = vector.broadcast %squeeze3A_921 : f32 to vector<16xf32>
          %mul3A_970 = arith.mulf %mul3A_969, %get3A_968 : vector<16xf32>
          %add3A_971 = arith.addf %add3A_885, %mul3A_970 : vector<16xf32>
          %mul3A_972 = arith.constant 8 : i32
          %mul3A_973 = arith.muli %scan3A_386, %mul3A_972 : i32
          %add3A_974 = arith.constant 6 : i32
          %add3A_975 = arith.addi %mul3A_973, %add3A_974 : i32
          %get3A_976 = arith.index_cast %add3A_975 : i32 to index
          %get3A_977 = arith.constant 80 : index
          %get3A_978 = tpu.vector_load %arg16[%get3A_976, %get3A_977] {strides = array<i32>} : memref<128x128xf32, #tpu.memory_space<vmem>>, vector<16xf32>,
          %mul3A_979 = vector.broadcast %squeeze3A_921 : f32 to vector<16xf32>
          %mul3A_980 = arith.mulf %mul3A_979, %get3A_978 : vector<16xf32>
          %add3A_981 = arith.addf %add3A_895, %mul3A_980 : vector<16xf32>
          %mul3A_982 = arith.constant 8 : i32
          %mul3A_983 = arith.muli %scan3A_386, %mul3A_982 : i32
          %add3A_984 = arith.constant 6 : i32
          %add3A_985 = arith.addi %mul3A_983, %add3A_984 : i32
          %get3A_986 = arith.index_cast %add3A_985 : i32 to index
          %get3A_987 = arith.constant 96 : index
          %get3A_988 = tpu.vector_load %arg16[%get3A_986, %get3A_987] {strides = array<i32>} : memref<128x128xf32, #tpu.memory_space<vmem>>, vector<16xf32>,
          %mul3A_989 = vector.broadcast %squeeze3A_921 : f32 to vector<16xf32>
          %mul3A_990 = arith.mulf %mul3A_989, %get3A_988 : vector<16xf32>
          %add3A_991 = arith.addf %add3A_905, %mul3A_990 : vector<16xf32>
          %mul3A_992 = arith.constant 8 : i32
          %mul3A_993 = arith.muli %scan3A_386, %mul3A_992 : i32
          %add3A_994 = arith.constant 6 : i32
          %add3A_995 = arith.addi %mul3A_993, %add3A_994 : i32
          %get3A_996 = arith.index_cast %add3A_995 : i32 to index
          %get3A_997 = arith.constant 112 : index
          %get3A_998 = tpu.vector_load %arg16[%get3A_996, %get3A_997] {strides = array<i32>} : memref<128x128xf32, #tpu.memory_space<vmem>>, vector<16xf32>,
          %mul3A_999 = vector.broadcast %squeeze3A_921 : f32 to vector<16xf32>
          %mul3A_1000 = arith.mulf %mul3A_999, %get3A_998 : vector<16xf32>
          %add3A_1001 = arith.addf %add3A_915, %mul3A_1000 : vector<16xf32>
          %get3A_1002 = arith.constant 7 : i32
          %get3A_1003 = arith.index_cast %get3A_1002 : i32 to index
          %get3A_1004 = arith.index_cast %scan3A_386 : i32 to index
          %get3A_1005 = tpu.vector_load %arg24[%get3A_1003, %get3A_1004] {strides = array<i32>} : memref<8x32xf32, #tpu.memory_space<vmem>>, vector<16xf32>,
          %slice3A_1006 = vector.extract_strided_slice %get3A_1005 {offsets = [0], sizes = [1], strides = [1]} : vector<16xf32> to vector<1xf32>
          %squeeze3A_1007 = vector.extract %slice3A_1006[0] : f32 from vector<1xf32>
          %mul3A_1008 = arith.constant 8 : i32
          %mul3A_1009 = arith.muli %scan3A_386, %mul3A_1008 : i32
          %add3A_1010 = arith.constant 7 : i32
          %add3A_1011 = arith.addi %mul3A_1009, %add3A_1010 : i32
          %get3A_1012 = arith.index_cast %add3A_1011 : i32 to index
          %get3A_1013 = arith.constant 0 : index
          %get3A_1014 = tpu.vector_load %arg16[%get3A_1012, %get3A_1013] {strides = array<i32>} : memref<128x128xf32, #tpu.memory_space<vmem>>, vector<16xf32>,
          %mul3A_1015 = vector.broadcast %squeeze3A_1007 : f32 to vector<16xf32>
          %mul3A_1016 = arith.mulf %mul3A_1015, %get3A_1014 : vector<16xf32>
          %add3A_1017 = arith.addf %add3A_931, %mul3A_1016 : vector<16xf32>
          %mul3A_1018 = arith.constant 8 : i32
          %mul3A_1019 = arith.muli %scan3A_386, %mul3A_1018 : i32
          %add3A_1020 = arith.constant 7 : i32
          %add3A_1021 = arith.addi %mul3A_1019, %add3A_1020 : i32
          %get3A_1022 = arith.index_cast %add3A_1021 : i32 to index
          %get3A_1023 = arith.constant 16 : index
          %get3A_1024 = tpu.vector_load %arg16[%get3A_1022, %get3A_1023] {strides = array<i32>} : memref<128x128xf32, #tpu.memory_space<vmem>>, vector<16xf32>,
          %mul3A_1025 = vector.broadcast %squeeze3A_1007 : f32 to vector<16xf32>
          %mul3A_1026 = arith.mulf %mul3A_1025, %get3A_1024 : vector<16xf32>
          %add3A_1027 = arith.addf %add3A_941, %mul3A_1026 : vector<16xf32>
          %mul3A_1028 = arith.constant 8 : i32
          %mul3A_1029 = arith.muli %scan3A_386, %mul3A_1028 : i32
          %add3A_1030 = arith.constant 7 : i32
          %add3A_1031 = arith.addi %mul3A_1029, %add3A_1030 : i32
          %get3A_1032 = arith.index_cast %add3A_1031 : i32 to index
          %get3A_1033 = arith.constant 32 : index
          %get3A_1034 = tpu.vector_load %arg16[%get3A_1032, %get3A_1033] {strides = array<i32>} : memref<128x128xf32, #tpu.memory_space<vmem>>, vector<16xf32>,
          %mul3A_1035 = vector.broadcast %squeeze3A_1007 : f32 to vector<16xf32>
          %mul3A_1036 = arith.mulf %mul3A_1035, %get3A_1034 : vector<16xf32>
          %add3A_1037 = arith.addf %add3A_951, %mul3A_1036 : vector<16xf32>
          %mul3A_1038 = arith.constant 8 : i32
          %mul3A_1039 = arith.muli %scan3A_386, %mul3A_1038 : i32
          %add3A_1040 = arith.constant 7 : i32
          %add3A_1041 = arith.addi %mul3A_1039, %add3A_1040 : i32
          %get3A_1042 = arith.index_cast %add3A_1041 : i32 to index
          %get3A_1043 = arith.constant 48 : index
          %get3A_1044 = tpu.vector_load %arg16[%get3A_1042, %get3A_1043] {strides = array<i32>} : memref<128x128xf32, #tpu.memory_space<vmem>>, vector<16xf32>,
          %mul3A_1045 = vector.broadcast %squeeze3A_1007 : f32 to vector<16xf32>
          %mul3A_1046 = arith.mulf %mul3A_1045, %get3A_1044 : vector<16xf32>
          %add3A_1047 = arith.addf %add3A_961, %mul3A_1046 : vector<16xf32>
          %mul3A_1048 = arith.constant 8 : i32
          %mul3A_1049 = arith.muli %scan3A_386, %mul3A_1048 : i32
          %add3A_1050 = arith.constant 7 : i32
          %add3A_1051 = arith.addi %mul3A_1049, %add3A_1050 : i32
          %get3A_1052 = arith.index_cast %add3A_1051 : i32 to index
          %get3A_1053 = arith.constant 64 : index
          %get3A_1054 = tpu.vector_load %arg16[%get3A_1052, %get3A_1053] {strides = array<i32>} : memref<128x128xf32, #tpu.memory_space<vmem>>, vector<16xf32>,
          %mul3A_1055 = vector.broadcast %squeeze3A_1007 : f32 to vector<16xf32>
          %mul3A_1056 = arith.mulf %mul3A_1055, %get3A_1054 : vector<16xf32>
          %add3A_1057 = arith.addf %add3A_971, %mul3A_1056 : vector<16xf32>
          %mul3A_1058 = arith.constant 8 : i32
          %mul3A_1059 = arith.muli %scan3A_386, %mul3A_1058 : i32
          %add3A_1060 = arith.constant 7 : i32
          %add3A_1061 = arith.addi %mul3A_1059, %add3A_1060 : i32
          %get3A_1062 = arith.index_cast %add3A_1061 : i32 to index
          %get3A_1063 = arith.constant 80 : index
          %get3A_1064 = tpu.vector_load %arg16[%get3A_1062, %get3A_1063] {strides = array<i32>} : memref<128x128xf32, #tpu.memory_space<vmem>>, vector<16xf32>,
          %mul3A_1065 = vector.broadcast %squeeze3A_1007 : f32 to vector<16xf32>
          %mul3A_1066 = arith.mulf %mul3A_1065, %get3A_1064 : vector<16xf32>
          %add3A_1067 = arith.addf %add3A_981, %mul3A_1066 : vector<16xf32>
          %mul3A_1068 = arith.constant 8 : i32
          %mul3A_1069 = arith.muli %scan3A_386, %mul3A_1068 : i32
          %add3A_1070 = arith.constant 7 : i32
          %add3A_1071 = arith.addi %mul3A_1069, %add3A_1070 : i32
          %get3A_1072 = arith.index_cast %add3A_1071 : i32 to index
          %get3A_1073 = arith.constant 96 : index
          %get3A_1074 = tpu.vector_load %arg16[%get3A_1072, %get3A_1073] {strides = array<i32>} : memref<128x128xf32, #tpu.memory_space<vmem>>, vector<16xf32>,
          %mul3A_1075 = vector.broadcast %squeeze3A_1007 : f32 to vector<16xf32>
          %mul3A_1076 = arith.mulf %mul3A_1075, %get3A_1074 : vector<16xf32>
          %add3A_1077 = arith.addf %add3A_991, %mul3A_1076 : vector<16xf32>
          %mul3A_1078 = arith.constant 8 : i32
          %mul3A_1079 = arith.muli %scan3A_386, %mul3A_1078 : i32
          %add3A_1080 = arith.constant 7 : i32
          %add3A_1081 = arith.addi %mul3A_1079, %add3A_1080 : i32
          %get3A_1082 = arith.index_cast %add3A_1081 : i32 to index
          %get3A_1083 = arith.constant 112 : index
          %get3A_1084 = tpu.vector_load %arg16[%get3A_1082, %get3A_1083] {strides = array<i32>} : memref<128x128xf32, #tpu.memory_space<vmem>>, vector<16xf32>,
          %mul3A_1085 = vector.broadcast %squeeze3A_1007 : f32 to vector<16xf32>
          %mul3A_1086 = arith.mulf %mul3A_1085, %get3A_1084 : vector<16xf32>
          %add3A_1087 = arith.addf %add3A_1001, %mul3A_1086 : vector<16xf32>
          %broadcast_in_dim3A_1088 = arith.constant 0.000000e+00 : f32
          %broadcast_in_dim3A_1089 = vector.broadcast %broadcast_in_dim3A_1088 : f32 to vector<16xf32>
          %broadcast_in_dim3A_1090 = arith.constant 0.000000e+00 : f32
          %broadcast_in_dim3A_1091 = vector.broadcast %broadcast_in_dim3A_1090 : f32 to vector<16xf32>
          %broadcast_in_dim3A_1092 = arith.constant 0.000000e+00 : f32
          %broadcast_in_dim3A_1093 = vector.broadcast %broadcast_in_dim3A_1092 : f32 to vector<16xf32>
          %broadcast_in_dim3A_1094 = arith.constant 0.000000e+00 : f32
          %broadcast_in_dim3A_1095 = vector.broadcast %broadcast_in_dim3A_1094 : f32 to vector<16xf32>
          %broadcast_in_dim3A_1096 = arith.constant 0.000000e+00 : f32
          %broadcast_in_dim3A_1097 = vector.broadcast %broadcast_in_dim3A_1096 : f32 to vector<16xf32>
          %broadcast_in_dim3A_1098 = arith.constant 0.000000e+00 : f32
          %broadcast_in_dim3A_1099 = vector.broadcast %broadcast_in_dim3A_1098 : f32 to vector<16xf32>
          %broadcast_in_dim3A_1100 = arith.constant 0.000000e+00 : f32
          %broadcast_in_dim3A_1101 = vector.broadcast %broadcast_in_dim3A_1100 : f32 to vector<16xf32>
          %broadcast_in_dim3A_1102 = arith.constant 0.000000e+00 : f32
          %broadcast_in_dim3A_1103 = vector.broadcast %broadcast_in_dim3A_1102 : f32 to vector<16xf32>
          %get3A_1104 = arith.constant 0 : i32
          %get3A_1105 = arith.index_cast %get3A_1104 : i32 to index
          %get3A_1106 = arith.index_cast %scan3A_386 : i32 to index
          %get3A_1107 = tpu.vector_load %arg25[%get3A_1105, %get3A_1106] {strides = array<i32>} : memref<4x32xf32, #tpu.memory_space<vmem>>, vector<16xf32>,
          %slice3A_1108 = vector.extract_strided_slice %get3A_1107 {offsets = [0], sizes = [1], strides = [1]} : vector<16xf32> to vector<1xf32>
          %squeeze3A_1109 = vector.extract %slice3A_1108[0] : f32 from vector<1xf32>
          %mul3A_1110 = arith.constant 4 : i32
          %mul3A_1111 = arith.muli %scan3A_386, %mul3A_1110 : i32
          %add3A_1112 = arith.constant 0 : i32
          %add3A_1113 = arith.addi %mul3A_1111, %add3A_1112 : i32
          %get3A_1114 = arith.index_cast %add3A_1113 : i32 to index
          %get3A_1115 = arith.constant 0 : index
          %get3A_1116 = tpu.vector_load %arg18[%get3A_1114, %get3A_1115] {strides = array<i32>} : memref<64x128xf32, #tpu.memory_space<vmem>>, vector<16xf32>,
          %mul3A_1117 = vector.broadcast %squeeze3A_1109 : f32 to vector<16xf32>
          %mul3A_1118 = arith.mulf %mul3A_1117, %get3A_1116 : vector<16xf32>
          %add3A_1119 = arith.addf %broadcast_in_dim3A_1089, %mul3A_1118 : vector<16xf32>
          %mul3A_1120 = arith.constant 4 : i32
          %mul3A_1121 = arith.muli %scan3A_386, %mul3A_1120 : i32
          %add3A_1122 = arith.constant 0 : i32
          %add3A_1123 = arith.addi %mul3A_1121, %add3A_1122 : i32
          %get3A_1124 = arith.index_cast %add3A_1123 : i32 to index
          %get3A_1125 = arith.constant 16 : index
          %get3A_1126 = tpu.vector_load %arg18[%get3A_1124, %get3A_1125] {strides = array<i32>} : memref<64x128xf32, #tpu.memory_space<vmem>>, vector<16xf32>,
          %mul3A_1127 = vector.broadcast %squeeze3A_1109 : f32 to vector<16xf32>
          %mul3A_1128 = arith.mulf %mul3A_1127, %get3A_1126 : vector<16xf32>
          %add3A_1129 = arith.addf %broadcast_in_dim3A_1091, %mul3A_1128 : vector<16xf32>
          %mul3A_1130 = arith.constant 4 : i32
          %mul3A_1131 = arith.muli %scan3A_386, %mul3A_1130 : i32
          %add3A_1132 = arith.constant 0 : i32
          %add3A_1133 = arith.addi %mul3A_1131, %add3A_1132 : i32
          %get3A_1134 = arith.index_cast %add3A_1133 : i32 to index
          %get3A_1135 = arith.constant 32 : index
          %get3A_1136 = tpu.vector_load %arg18[%get3A_1134, %get3A_1135] {strides = array<i32>} : memref<64x128xf32, #tpu.memory_space<vmem>>, vector<16xf32>,
          %mul3A_1137 = vector.broadcast %squeeze3A_1109 : f32 to vector<16xf32>
          %mul3A_1138 = arith.mulf %mul3A_1137, %get3A_1136 : vector<16xf32>
          %add3A_1139 = arith.addf %broadcast_in_dim3A_1093, %mul3A_1138 : vector<16xf32>
          %mul3A_1140 = arith.constant 4 : i32
          %mul3A_1141 = arith.muli %scan3A_386, %mul3A_1140 : i32
          %add3A_1142 = arith.constant 0 : i32
          %add3A_1143 = arith.addi %mul3A_1141, %add3A_1142 : i32
          %get3A_1144 = arith.index_cast %add3A_1143 : i32 to index
          %get3A_1145 = arith.constant 48 : index
          %get3A_1146 = tpu.vector_load %arg18[%get3A_1144, %get3A_1145] {strides = array<i32>} : memref<64x128xf32, #tpu.memory_space<vmem>>, vector<16xf32>,
          %mul3A_1147 = vector.broadcast %squeeze3A_1109 : f32 to vector<16xf32>
          %mul3A_1148 = arith.mulf %mul3A_1147, %get3A_1146 : vector<16xf32>
          %add3A_1149 = arith.addf %broadcast_in_dim3A_1095, %mul3A_1148 : vector<16xf32>
          %mul3A_1150 = arith.constant 4 : i32
          %mul3A_1151 = arith.muli %scan3A_386, %mul3A_1150 : i32
          %add3A_1152 = arith.constant 0 : i32
          %add3A_1153 = arith.addi %mul3A_1151, %add3A_1152 : i32
          %get3A_1154 = arith.index_cast %add3A_1153 : i32 to index
          %get3A_1155 = arith.constant 64 : index
          %get3A_1156 = tpu.vector_load %arg18[%get3A_1154, %get3A_1155] {strides = array<i32>} : memref<64x128xf32, #tpu.memory_space<vmem>>, vector<16xf32>,
          %mul3A_1157 = vector.broadcast %squeeze3A_1109 : f32 to vector<16xf32>
          %mul3A_1158 = arith.mulf %mul3A_1157, %get3A_1156 : vector<16xf32>
          %add3A_1159 = arith.addf %broadcast_in_dim3A_1097, %mul3A_1158 : vector<16xf32>
          %mul3A_1160 = arith.constant 4 : i32
          %mul3A_1161 = arith.muli %scan3A_386, %mul3A_1160 : i32
          %add3A_1162 = arith.constant 0 : i32
          %add3A_1163 = arith.addi %mul3A_1161, %add3A_1162 : i32
          %get3A_1164 = arith.index_cast %add3A_1163 : i32 to index
          %get3A_1165 = arith.constant 80 : index
          %get3A_1166 = tpu.vector_load %arg18[%get3A_1164, %get3A_1165] {strides = array<i32>} : memref<64x128xf32, #tpu.memory_space<vmem>>, vector<16xf32>,
          %mul3A_1167 = vector.broadcast %squeeze3A_1109 : f32 to vector<16xf32>
          %mul3A_1168 = arith.mulf %mul3A_1167, %get3A_1166 : vector<16xf32>
          %add3A_1169 = arith.addf %broadcast_in_dim3A_1099, %mul3A_1168 : vector<16xf32>
          %mul3A_1170 = arith.constant 4 : i32
          %mul3A_1171 = arith.muli %scan3A_386, %mul3A_1170 : i32
          %add3A_1172 = arith.constant 0 : i32
          %add3A_1173 = arith.addi %mul3A_1171, %add3A_1172 : i32
          %get3A_1174 = arith.index_cast %add3A_1173 : i32 to index
          %get3A_1175 = arith.constant 96 : index
          %get3A_1176 = tpu.vector_load %arg18[%get3A_1174, %get3A_1175] {strides = array<i32>} : memref<64x128xf32, #tpu.memory_space<vmem>>, vector<16xf32>,
          %mul3A_1177 = vector.broadcast %squeeze3A_1109 : f32 to vector<16xf32>
          %mul3A_1178 = arith.mulf %mul3A_1177, %get3A_1176 : vector<16xf32>
          %add3A_1179 = arith.addf %broadcast_in_dim3A_1101, %mul3A_1178 : vector<16xf32>
          %mul3A_1180 = arith.constant 4 : i32
          %mul3A_1181 = arith.muli %scan3A_386, %mul3A_1180 : i32
          %add3A_1182 = arith.constant 0 : i32
          %add3A_1183 = arith.addi %mul3A_1181, %add3A_1182 : i32
          %get3A_1184 = arith.index_cast %add3A_1183 : i32 to index
          %get3A_1185 = arith.constant 112 : index
          %get3A_1186 = tpu.vector_load %arg18[%get3A_1184, %get3A_1185] {strides = array<i32>} : memref<64x128xf32, #tpu.memory_space<vmem>>, vector<16xf32>,
          %mul3A_1187 = vector.broadcast %squeeze3A_1109 : f32 to vector<16xf32>
          %mul3A_1188 = arith.mulf %mul3A_1187, %get3A_1186 : vector<16xf32>
          %add3A_1189 = arith.addf %broadcast_in_dim3A_1103, %mul3A_1188 : vector<16xf32>
          %get3A_1190 = arith.constant 1 : i32
          %get3A_1191 = arith.index_cast %get3A_1190 : i32 to index
          %get3A_1192 = arith.index_cast %scan3A_386 : i32 to index
          %get3A_1193 = tpu.vector_load %arg25[%get3A_1191, %get3A_1192] {strides = array<i32>} : memref<4x32xf32, #tpu.memory_space<vmem>>, vector<16xf32>,
          %slice3A_1194 = vector.extract_strided_slice %get3A_1193 {offsets = [0], sizes = [1], strides = [1]} : vector<16xf32> to vector<1xf32>
          %squeeze3A_1195 = vector.extract %slice3A_1194[0] : f32 from vector<1xf32>
          %mul3A_1196 = arith.constant 4 : i32
          %mul3A_1197 = arith.muli %scan3A_386, %mul3A_1196 : i32
          %add3A_1198 = arith.constant 1 : i32
          %add3A_1199 = arith.addi %mul3A_1197, %add3A_1198 : i32
          %get3A_1200 = arith.index_cast %add3A_1199 : i32 to index
          %get3A_1201 = arith.constant 0 : index
          %get3A_1202 = tpu.vector_load %arg18[%get3A_1200, %get3A_1201] {strides = array<i32>} : memref<64x128xf32, #tpu.memory_space<vmem>>, vector<16xf32>,
          %mul3A_1203 = vector.broadcast %squeeze3A_1195 : f32 to vector<16xf32>
          %mul3A_1204 = arith.mulf %mul3A_1203, %get3A_1202 : vector<16xf32>
          %add3A_1205 = arith.addf %add3A_1119, %mul3A_1204 : vector<16xf32>
          %mul3A_1206 = arith.constant 4 : i32
          %mul3A_1207 = arith.muli %scan3A_386, %mul3A_1206 : i32
          %add3A_1208 = arith.constant 1 : i32
          %add3A_1209 = arith.addi %mul3A_1207, %add3A_1208 : i32
          %get3A_1210 = arith.index_cast %add3A_1209 : i32 to index
          %get3A_1211 = arith.constant 16 : index
          %get3A_1212 = tpu.vector_load %arg18[%get3A_1210, %get3A_1211] {strides = array<i32>} : memref<64x128xf32, #tpu.memory_space<vmem>>, vector<16xf32>,
          %mul3A_1213 = vector.broadcast %squeeze3A_1195 : f32 to vector<16xf32>
          %mul3A_1214 = arith.mulf %mul3A_1213, %get3A_1212 : vector<16xf32>
          %add3A_1215 = arith.addf %add3A_1129, %mul3A_1214 : vector<16xf32>
          %mul3A_1216 = arith.constant 4 : i32
          %mul3A_1217 = arith.muli %scan3A_386, %mul3A_1216 : i32
          %add3A_1218 = arith.constant 1 : i32
          %add3A_1219 = arith.addi %mul3A_1217, %add3A_1218 : i32
          %get3A_1220 = arith.index_cast %add3A_1219 : i32 to index
          %get3A_1221 = arith.constant 32 : index
          %get3A_1222 = tpu.vector_load %arg18[%get3A_1220, %get3A_1221] {strides = array<i32>} : memref<64x128xf32, #tpu.memory_space<vmem>>, vector<16xf32>,
          %mul3A_1223 = vector.broadcast %squeeze3A_1195 : f32 to vector<16xf32>
          %mul3A_1224 = arith.mulf %mul3A_1223, %get3A_1222 : vector<16xf32>
          %add3A_1225 = arith.addf %add3A_1139, %mul3A_1224 : vector<16xf32>
          %mul3A_1226 = arith.constant 4 : i32
          %mul3A_1227 = arith.muli %scan3A_386, %mul3A_1226 : i32
          %add3A_1228 = arith.constant 1 : i32
          %add3A_1229 = arith.addi %mul3A_1227, %add3A_1228 : i32
          %get3A_1230 = arith.index_cast %add3A_1229 : i32 to index
          %get3A_1231 = arith.constant 48 : index
          %get3A_1232 = tpu.vector_load %arg18[%get3A_1230, %get3A_1231] {strides = array<i32>} : memref<64x128xf32, #tpu.memory_space<vmem>>, vector<16xf32>,
          %mul3A_1233 = vector.broadcast %squeeze3A_1195 : f32 to vector<16xf32>
          %mul3A_1234 = arith.mulf %mul3A_1233, %get3A_1232 : vector<16xf32>
          %add3A_1235 = arith.addf %add3A_1149, %mul3A_1234 : vector<16xf32>
          %mul3A_1236 = arith.constant 4 : i32
          %mul3A_1237 = arith.muli %scan3A_386, %mul3A_1236 : i32
          %add3A_1238 = arith.constant 1 : i32
          %add3A_1239 = arith.addi %mul3A_1237, %add3A_1238 : i32
          %get3A_1240 = arith.index_cast %add3A_1239 : i32 to index
          %get3A_1241 = arith.constant 64 : index
          %get3A_1242 = tpu.vector_load %arg18[%get3A_1240, %get3A_1241] {strides = array<i32>} : memref<64x128xf32, #tpu.memory_space<vmem>>, vector<16xf32>,
          %mul3A_1243 = vector.broadcast %squeeze3A_1195 : f32 to vector<16xf32>
          %mul3A_1244 = arith.mulf %mul3A_1243, %get3A_1242 : vector<16xf32>
          %add3A_1245 = arith.addf %add3A_1159, %mul3A_1244 : vector<16xf32>
          %mul3A_1246 = arith.constant 4 : i32
          %mul3A_1247 = arith.muli %scan3A_386, %mul3A_1246 : i32
          %add3A_1248 = arith.constant 1 : i32
          %add3A_1249 = arith.addi %mul3A_1247, %add3A_1248 : i32
          %get3A_1250 = arith.index_cast %add3A_1249 : i32 to index
          %get3A_1251 = arith.constant 80 : index
          %get3A_1252 = tpu.vector_load %arg18[%get3A_1250, %get3A_1251] {strides = array<i32>} : memref<64x128xf32, #tpu.memory_space<vmem>>, vector<16xf32>,
          %mul3A_1253 = vector.broadcast %squeeze3A_1195 : f32 to vector<16xf32>
          %mul3A_1254 = arith.mulf %mul3A_1253, %get3A_1252 : vector<16xf32>
          %add3A_1255 = arith.addf %add3A_1169, %mul3A_1254 : vector<16xf32>
          %mul3A_1256 = arith.constant 4 : i32
          %mul3A_1257 = arith.muli %scan3A_386, %mul3A_1256 : i32
          %add3A_1258 = arith.constant 1 : i32
          %add3A_1259 = arith.addi %mul3A_1257, %add3A_1258 : i32
          %get3A_1260 = arith.index_cast %add3A_1259 : i32 to index
          %get3A_1261 = arith.constant 96 : index
          %get3A_1262 = tpu.vector_load %arg18[%get3A_1260, %get3A_1261] {strides = array<i32>} : memref<64x128xf32, #tpu.memory_space<vmem>>, vector<16xf32>,
          %mul3A_1263 = vector.broadcast %squeeze3A_1195 : f32 to vector<16xf32>
          %mul3A_1264 = arith.mulf %mul3A_1263, %get3A_1262 : vector<16xf32>
          %add3A_1265 = arith.addf %add3A_1179, %mul3A_1264 : vector<16xf32>
          %mul3A_1266 = arith.constant 4 : i32
          %mul3A_1267 = arith.muli %scan3A_386, %mul3A_1266 : i32
          %add3A_1268 = arith.constant 1 : i32
          %add3A_1269 = arith.addi %mul3A_1267, %add3A_1268 : i32
          %get3A_1270 = arith.index_cast %add3A_1269 : i32 to index
          %get3A_1271 = arith.constant 112 : index
          %get3A_1272 = tpu.vector_load %arg18[%get3A_1270, %get3A_1271] {strides = array<i32>} : memref<64x128xf32, #tpu.memory_space<vmem>>, vector<16xf32>,
          %mul3A_1273 = vector.broadcast %squeeze3A_1195 : f32 to vector<16xf32>
          %mul3A_1274 = arith.mulf %mul3A_1273, %get3A_1272 : vector<16xf32>
          %add3A_1275 = arith.addf %add3A_1189, %mul3A_1274 : vector<16xf32>
          %get3A_1276 = arith.constant 2 : i32
          %get3A_1277 = arith.index_cast %get3A_1276 : i32 to index
          %get3A_1278 = arith.index_cast %scan3A_386 : i32 to index
          %get3A_1279 = tpu.vector_load %arg25[%get3A_1277, %get3A_1278] {strides = array<i32>} : memref<4x32xf32, #tpu.memory_space<vmem>>, vector<16xf32>,
          %slice3A_1280 = vector.extract_strided_slice %get3A_1279 {offsets = [0], sizes = [1], strides = [1]} : vector<16xf32> to vector<1xf32>
          %squeeze3A_1281 = vector.extract %slice3A_1280[0] : f32 from vector<1xf32>
          %mul3A_1282 = arith.constant 4 : i32
          %mul3A_1283 = arith.muli %scan3A_386, %mul3A_1282 : i32
          %add3A_1284 = arith.constant 2 : i32
          %add3A_1285 = arith.addi %mul3A_1283, %add3A_1284 : i32
          %get3A_1286 = arith.index_cast %add3A_1285 : i32 to index
          %get3A_1287 = arith.constant 0 : index
          %get3A_1288 = tpu.vector_load %arg18[%get3A_1286, %get3A_1287] {strides = array<i32>} : memref<64x128xf32, #tpu.memory_space<vmem>>, vector<16xf32>,
          %mul3A_1289 = vector.broadcast %squeeze3A_1281 : f32 to vector<16xf32>
          %mul3A_1290 = arith.mulf %mul3A_1289, %get3A_1288 : vector<16xf32>
          %add3A_1291 = arith.addf %add3A_1205, %mul3A_1290 : vector<16xf32>
          %mul3A_1292 = arith.constant 4 : i32
          %mul3A_1293 = arith.muli %scan3A_386, %mul3A_1292 : i32
          %add3A_1294 = arith.constant 2 : i32
          %add3A_1295 = arith.addi %mul3A_1293, %add3A_1294 : i32
          %get3A_1296 = arith.index_cast %add3A_1295 : i32 to index
          %get3A_1297 = arith.constant 16 : index
          %get3A_1298 = tpu.vector_load %arg18[%get3A_1296, %get3A_1297] {strides = array<i32>} : memref<64x128xf32, #tpu.memory_space<vmem>>, vector<16xf32>,
          %mul3A_1299 = vector.broadcast %squeeze3A_1281 : f32 to vector<16xf32>
          %mul3A_1300 = arith.mulf %mul3A_1299, %get3A_1298 : vector<16xf32>
          %add3A_1301 = arith.addf %add3A_1215, %mul3A_1300 : vector<16xf32>
          %mul3A_1302 = arith.constant 4 : i32
          %mul3A_1303 = arith.muli %scan3A_386, %mul3A_1302 : i32
          %add3A_1304 = arith.constant 2 : i32
          %add3A_1305 = arith.addi %mul3A_1303, %add3A_1304 : i32
          %get3A_1306 = arith.index_cast %add3A_1305 : i32 to index
          %get3A_1307 = arith.constant 32 : index
          %get3A_1308 = tpu.vector_load %arg18[%get3A_1306, %get3A_1307] {strides = array<i32>} : memref<64x128xf32, #tpu.memory_space<vmem>>, vector<16xf32>,
          %mul3A_1309 = vector.broadcast %squeeze3A_1281 : f32 to vector<16xf32>
          %mul3A_1310 = arith.mulf %mul3A_1309, %get3A_1308 : vector<16xf32>
          %add3A_1311 = arith.addf %add3A_1225, %mul3A_1310 : vector<16xf32>
          %mul3A_1312 = arith.constant 4 : i32
          %mul3A_1313 = arith.muli %scan3A_386, %mul3A_1312 : i32
          %add3A_1314 = arith.constant 2 : i32
          %add3A_1315 = arith.addi %mul3A_1313, %add3A_1314 : i32
          %get3A_1316 = arith.index_cast %add3A_1315 : i32 to index
          %get3A_1317 = arith.constant 48 : index
          %get3A_1318 = tpu.vector_load %arg18[%get3A_1316, %get3A_1317] {strides = array<i32>} : memref<64x128xf32, #tpu.memory_space<vmem>>, vector<16xf32>,
          %mul3A_1319 = vector.broadcast %squeeze3A_1281 : f32 to vector<16xf32>
          %mul3A_1320 = arith.mulf %mul3A_1319, %get3A_1318 : vector<16xf32>
          %add3A_1321 = arith.addf %add3A_1235, %mul3A_1320 : vector<16xf32>
          %mul3A_1322 = arith.constant 4 : i32
          %mul3A_1323 = arith.muli %scan3A_386, %mul3A_1322 : i32
          %add3A_1324 = arith.constant 2 : i32
          %add3A_1325 = arith.addi %mul3A_1323, %add3A_1324 : i32
          %get3A_1326 = arith.index_cast %add3A_1325 : i32 to index
          %get3A_1327 = arith.constant 64 : index
          %get3A_1328 = tpu.vector_load %arg18[%get3A_1326, %get3A_1327] {strides = array<i32>} : memref<64x128xf32, #tpu.memory_space<vmem>>, vector<16xf32>,
          %mul3A_1329 = vector.broadcast %squeeze3A_1281 : f32 to vector<16xf32>
          %mul3A_1330 = arith.mulf %mul3A_1329, %get3A_1328 : vector<16xf32>
          %add3A_1331 = arith.addf %add3A_1245, %mul3A_1330 : vector<16xf32>
          %mul3A_1332 = arith.constant 4 : i32
          %mul3A_1333 = arith.muli %scan3A_386, %mul3A_1332 : i32
          %add3A_1334 = arith.constant 2 : i32
          %add3A_1335 = arith.addi %mul3A_1333, %add3A_1334 : i32
          %get3A_1336 = arith.index_cast %add3A_1335 : i32 to index
          %get3A_1337 = arith.constant 80 : index
          %get3A_1338 = tpu.vector_load %arg18[%get3A_1336, %get3A_1337] {strides = array<i32>} : memref<64x128xf32, #tpu.memory_space<vmem>>, vector<16xf32>,
          %mul3A_1339 = vector.broadcast %squeeze3A_1281 : f32 to vector<16xf32>
          %mul3A_1340 = arith.mulf %mul3A_1339, %get3A_1338 : vector<16xf32>
          %add3A_1341 = arith.addf %add3A_1255, %mul3A_1340 : vector<16xf32>
          %mul3A_1342 = arith.constant 4 : i32
          %mul3A_1343 = arith.muli %scan3A_386, %mul3A_1342 : i32
          %add3A_1344 = arith.constant 2 : i32
          %add3A_1345 = arith.addi %mul3A_1343, %add3A_1344 : i32
          %get3A_1346 = arith.index_cast %add3A_1345 : i32 to index
          %get3A_1347 = arith.constant 96 : index
          %get3A_1348 = tpu.vector_load %arg18[%get3A_1346, %get3A_1347] {strides = array<i32>} : memref<64x128xf32, #tpu.memory_space<vmem>>, vector<16xf32>,
          %mul3A_1349 = vector.broadcast %squeeze3A_1281 : f32 to vector<16xf32>
          %mul3A_1350 = arith.mulf %mul3A_1349, %get3A_1348 : vector<16xf32>
          %add3A_1351 = arith.addf %add3A_1265, %mul3A_1350 : vector<16xf32>
          %mul3A_1352 = arith.constant 4 : i32
          %mul3A_1353 = arith.muli %scan3A_386, %mul3A_1352 : i32
          %add3A_1354 = arith.constant 2 : i32
          %add3A_1355 = arith.addi %mul3A_1353, %add3A_1354 : i32
          %get3A_1356 = arith.index_cast %add3A_1355 : i32 to index
          %get3A_1357 = arith.constant 112 : index
          %get3A_1358 = tpu.vector_load %arg18[%get3A_1356, %get3A_1357] {strides = array<i32>} : memref<64x128xf32, #tpu.memory_space<vmem>>, vector<16xf32>,
          %mul3A_1359 = vector.broadcast %squeeze3A_1281 : f32 to vector<16xf32>
          %mul3A_1360 = arith.mulf %mul3A_1359, %get3A_1358 : vector<16xf32>
          %add3A_1361 = arith.addf %add3A_1275, %mul3A_1360 : vector<16xf32>
          %get3A_1362 = arith.constant 3 : i32
          %get3A_1363 = arith.index_cast %get3A_1362 : i32 to index
          %get3A_1364 = arith.index_cast %scan3A_386 : i32 to index
          %get3A_1365 = tpu.vector_load %arg25[%get3A_1363, %get3A_1364] {strides = array<i32>} : memref<4x32xf32, #tpu.memory_space<vmem>>, vector<16xf32>,
          %slice3A_1366 = vector.extract_strided_slice %get3A_1365 {offsets = [0], sizes = [1], strides = [1]} : vector<16xf32> to vector<1xf32>
          %squeeze3A_1367 = vector.extract %slice3A_1366[0] : f32 from vector<1xf32>
          %mul3A_1368 = arith.constant 4 : i32
          %mul3A_1369 = arith.muli %scan3A_386, %mul3A_1368 : i32
          %add3A_1370 = arith.constant 3 : i32
          %add3A_1371 = arith.addi %mul3A_1369, %add3A_1370 : i32
          %get3A_1372 = arith.index_cast %add3A_1371 : i32 to index
          %get3A_1373 = arith.constant 0 : index
          %get3A_1374 = tpu.vector_load %arg18[%get3A_1372, %get3A_1373] {strides = array<i32>} : memref<64x128xf32, #tpu.memory_space<vmem>>, vector<16xf32>,
          %mul3A_1375 = vector.broadcast %squeeze3A_1367 : f32 to vector<16xf32>
          %mul3A_1376 = arith.mulf %mul3A_1375, %get3A_1374 : vector<16xf32>
          %add3A_1377 = arith.addf %add3A_1291, %mul3A_1376 : vector<16xf32>
          %mul3A_1378 = arith.constant 4 : i32
          %mul3A_1379 = arith.muli %scan3A_386, %mul3A_1378 : i32
          %add3A_1380 = arith.constant 3 : i32
          %add3A_1381 = arith.addi %mul3A_1379, %add3A_1380 : i32
          %get3A_1382 = arith.index_cast %add3A_1381 : i32 to index
          %get3A_1383 = arith.constant 16 : index
          %get3A_1384 = tpu.vector_load %arg18[%get3A_1382, %get3A_1383] {strides = array<i32>} : memref<64x128xf32, #tpu.memory_space<vmem>>, vector<16xf32>,
          %mul3A_1385 = vector.broadcast %squeeze3A_1367 : f32 to vector<16xf32>
          %mul3A_1386 = arith.mulf %mul3A_1385, %get3A_1384 : vector<16xf32>
          %add3A_1387 = arith.addf %add3A_1301, %mul3A_1386 : vector<16xf32>
          %mul3A_1388 = arith.constant 4 : i32
          %mul3A_1389 = arith.muli %scan3A_386, %mul3A_1388 : i32
          %add3A_1390 = arith.constant 3 : i32
          %add3A_1391 = arith.addi %mul3A_1389, %add3A_1390 : i32
          %get3A_1392 = arith.index_cast %add3A_1391 : i32 to index
          %get3A_1393 = arith.constant 32 : index
          %get3A_1394 = tpu.vector_load %arg18[%get3A_1392, %get3A_1393] {strides = array<i32>} : memref<64x128xf32, #tpu.memory_space<vmem>>, vector<16xf32>,
          %mul3A_1395 = vector.broadcast %squeeze3A_1367 : f32 to vector<16xf32>
          %mul3A_1396 = arith.mulf %mul3A_1395, %get3A_1394 : vector<16xf32>
          %add3A_1397 = arith.addf %add3A_1311, %mul3A_1396 : vector<16xf32>
          %mul3A_1398 = arith.constant 4 : i32
          %mul3A_1399 = arith.muli %scan3A_386, %mul3A_1398 : i32
          %add3A_1400 = arith.constant 3 : i32
          %add3A_1401 = arith.addi %mul3A_1399, %add3A_1400 : i32
          %get3A_1402 = arith.index_cast %add3A_1401 : i32 to index
          %get3A_1403 = arith.constant 48 : index
          %get3A_1404 = tpu.vector_load %arg18[%get3A_1402, %get3A_1403] {strides = array<i32>} : memref<64x128xf32, #tpu.memory_space<vmem>>, vector<16xf32>,
          %mul3A_1405 = vector.broadcast %squeeze3A_1367 : f32 to vector<16xf32>
          %mul3A_1406 = arith.mulf %mul3A_1405, %get3A_1404 : vector<16xf32>
          %add3A_1407 = arith.addf %add3A_1321, %mul3A_1406 : vector<16xf32>
          %mul3A_1408 = arith.constant 4 : i32
          %mul3A_1409 = arith.muli %scan3A_386, %mul3A_1408 : i32
          %add3A_1410 = arith.constant 3 : i32
          %add3A_1411 = arith.addi %mul3A_1409, %add3A_1410 : i32
          %get3A_1412 = arith.index_cast %add3A_1411 : i32 to index
          %get3A_1413 = arith.constant 64 : index
          %get3A_1414 = tpu.vector_load %arg18[%get3A_1412, %get3A_1413] {strides = array<i32>} : memref<64x128xf32, #tpu.memory_space<vmem>>, vector<16xf32>,
          %mul3A_1415 = vector.broadcast %squeeze3A_1367 : f32 to vector<16xf32>
          %mul3A_1416 = arith.mulf %mul3A_1415, %get3A_1414 : vector<16xf32>
          %add3A_1417 = arith.addf %add3A_1331, %mul3A_1416 : vector<16xf32>
          %mul3A_1418 = arith.constant 4 : i32
          %mul3A_1419 = arith.muli %scan3A_386, %mul3A_1418 : i32
          %add3A_1420 = arith.constant 3 : i32
          %add3A_1421 = arith.addi %mul3A_1419, %add3A_1420 : i32
          %get3A_1422 = arith.index_cast %add3A_1421 : i32 to index
          %get3A_1423 = arith.constant 80 : index
          %get3A_1424 = tpu.vector_load %arg18[%get3A_1422, %get3A_1423] {strides = array<i32>} : memref<64x128xf32, #tpu.memory_space<vmem>>, vector<16xf32>,
          %mul3A_1425 = vector.broadcast %squeeze3A_1367 : f32 to vector<16xf32>
          %mul3A_1426 = arith.mulf %mul3A_1425, %get3A_1424 : vector<16xf32>
          %add3A_1427 = arith.addf %add3A_1341, %mul3A_1426 : vector<16xf32>
          %mul3A_1428 = arith.constant 4 : i32
          %mul3A_1429 = arith.muli %scan3A_386, %mul3A_1428 : i32
          %add3A_1430 = arith.constant 3 : i32
          %add3A_1431 = arith.addi %mul3A_1429, %add3A_1430 : i32
          %get3A_1432 = arith.index_cast %add3A_1431 : i32 to index
          %get3A_1433 = arith.constant 96 : index
          %get3A_1434 = tpu.vector_load %arg18[%get3A_1432, %get3A_1433] {strides = array<i32>} : memref<64x128xf32, #tpu.memory_space<vmem>>, vector<16xf32>,
          %mul3A_1435 = vector.broadcast %squeeze3A_1367 : f32 to vector<16xf32>
          %mul3A_1436 = arith.mulf %mul3A_1435, %get3A_1434 : vector<16xf32>
          %add3A_1437 = arith.addf %add3A_1351, %mul3A_1436 : vector<16xf32>
          %mul3A_1438 = arith.constant 4 : i32
          %mul3A_1439 = arith.muli %scan3A_386, %mul3A_1438 : i32
          %add3A_1440 = arith.constant 3 : i32
          %add3A_1441 = arith.addi %mul3A_1439, %add3A_1440 : i32
          %get3A_1442 = arith.index_cast %add3A_1441 : i32 to index
          %get3A_1443 = arith.constant 112 : index
          %get3A_1444 = tpu.vector_load %arg18[%get3A_1442, %get3A_1443] {strides = array<i32>} : memref<64x128xf32, #tpu.memory_space<vmem>>, vector<16xf32>,
          %mul3A_1445 = vector.broadcast %squeeze3A_1367 : f32 to vector<16xf32>
          %mul3A_1446 = arith.mulf %mul3A_1445, %get3A_1444 : vector<16xf32>
          %add3A_1447 = arith.addf %add3A_1361, %mul3A_1446 : vector<16xf32>
          %gt3A_1448 = arith.constant 0.000000e+00 : f32
          %gt3A_1449 = vector.broadcast %gt3A_1448 : f32 to vector<16xf32>
          %gt3A_1450 = arith.cmpf ogt, %add3A_1017, %gt3A_1449 : vector<16xf32>
          %exp3A_1451 = math.exp %add3A_1017 : vector<16xf32>
          %sub3A_1452 = arith.constant 1.000000e+00 : f32
          %sub3A_1453 = vector.broadcast %sub3A_1452 : f32 to vector<16xf32>
          %sub3A_1454 = arith.subf %exp3A_1451, %sub3A_1453 : vector<16xf32>
          %select_n3A_1455 = arith.select %gt3A_1450, %add3A_1017, %sub3A_1454 : vector<16xi1>, vector<16xf32>
          %swap3A_1456 = arith.index_cast %scan3A_386 : i32 to index
          %swap3A_1457 = arith.constant 0 : index
          %swap3A_1458 = tpu.vector_load %arg26[%swap3A_1456, %swap3A_1457] {strides = array<i32>} : memref<16x128xf32, #tpu.memory_space<vmem>>, vector<16xf32>,
          tpu.vector_store %arg26[%swap3A_1456, %swap3A_1457], %select_n3A_1455 {strides = array<i32>} : memref<16x128xf32, #tpu.memory_space<vmem>>, vector<16xf32>,
          %gt3A_1459 = arith.constant 0.000000e+00 : f32
          %gt3A_1460 = vector.broadcast %gt3A_1459 : f32 to vector<16xf32>
          %gt3A_1461 = arith.cmpf ogt, %add3A_1377, %gt3A_1460 : vector<16xf32>
          %exp3A_1462 = math.exp %add3A_1377 : vector<16xf32>
          %sub3A_1463 = arith.constant 1.000000e+00 : f32
          %sub3A_1464 = vector.broadcast %sub3A_1463 : f32 to vector<16xf32>
          %sub3A_1465 = arith.subf %exp3A_1462, %sub3A_1464 : vector<16xf32>
          %select_n3A_1466 = arith.select %gt3A_1461, %add3A_1377, %sub3A_1465 : vector<16xi1>, vector<16xf32>
          %swap3A_1467 = arith.index_cast %scan3A_386 : i32 to index
          %swap3A_1468 = arith.constant 0 : index
          %swap3A_1469 = tpu.vector_load %arg28[%swap3A_1467, %swap3A_1468] {strides = array<i32>} : memref<16x128xf32, #tpu.memory_space<vmem>>, vector<16xf32>,
          tpu.vector_store %arg28[%swap3A_1467, %swap3A_1468], %select_n3A_1466 {strides = array<i32>} : memref<16x128xf32, #tpu.memory_space<vmem>>, vector<16xf32>,
          %gt3A_1470 = arith.constant 0.000000e+00 : f32
          %gt3A_1471 = vector.broadcast %gt3A_1470 : f32 to vector<16xf32>
          %gt3A_1472 = arith.cmpf ogt, %add3A_1027, %gt3A_1471 : vector<16xf32>
          %exp3A_1473 = math.exp %add3A_1027 : vector<16xf32>
          %sub3A_1474 = arith.constant 1.000000e+00 : f32
          %sub3A_1475 = vector.broadcast %sub3A_1474 : f32 to vector<16xf32>
          %sub3A_1476 = arith.subf %exp3A_1473, %sub3A_1475 : vector<16xf32>
          %select_n3A_1477 = arith.select %gt3A_1472, %add3A_1027, %sub3A_1476 : vector<16xi1>, vector<16xf32>
          %swap3A_1478 = arith.index_cast %scan3A_386 : i32 to index
          %swap3A_1479 = arith.constant 16 : index
          %swap3A_1480 = tpu.vector_load %arg26[%swap3A_1478, %swap3A_1479] {strides = array<i32>} : memref<16x128xf32, #tpu.memory_space<vmem>>, vector<16xf32>,
          tpu.vector_store %arg26[%swap3A_1478, %swap3A_1479], %select_n3A_1477 {strides = array<i32>} : memref<16x128xf32, #tpu.memory_space<vmem>>, vector<16xf32>,
          %gt3A_1481 = arith.constant 0.000000e+00 : f32
          %gt3A_1482 = vector.broadcast %gt3A_1481 : f32 to vector<16xf32>
          %gt3A_1483 = arith.cmpf ogt, %add3A_1387, %gt3A_1482 : vector<16xf32>
          %exp3A_1484 = math.exp %add3A_1387 : vector<16xf32>
          %sub3A_1485 = arith.constant 1.000000e+00 : f32
          %sub3A_1486 = vector.broadcast %sub3A_1485 : f32 to vector<16xf32>
          %sub3A_1487 = arith.subf %exp3A_1484, %sub3A_1486 : vector<16xf32>
          %select_n3A_1488 = arith.select %gt3A_1483, %add3A_1387, %sub3A_1487 : vector<16xi1>, vector<16xf32>
          %swap3A_1489 = arith.index_cast %scan3A_386 : i32 to index
          %swap3A_1490 = arith.constant 16 : index
          %swap3A_1491 = tpu.vector_load %arg28[%swap3A_1489, %swap3A_1490] {strides = array<i32>} : memref<16x128xf32, #tpu.memory_space<vmem>>, vector<16xf32>,
          tpu.vector_store %arg28[%swap3A_1489, %swap3A_1490], %select_n3A_1488 {strides = array<i32>} : memref<16x128xf32, #tpu.memory_space<vmem>>, vector<16xf32>,
          %gt3A_1492 = arith.constant 0.000000e+00 : f32
          %gt3A_1493 = vector.broadcast %gt3A_1492 : f32 to vector<16xf32>
          %gt3A_1494 = arith.cmpf ogt, %add3A_1037, %gt3A_1493 : vector<16xf32>
          %exp3A_1495 = math.exp %add3A_1037 : vector<16xf32>
          %sub3A_1496 = arith.constant 1.000000e+00 : f32
          %sub3A_1497 = vector.broadcast %sub3A_1496 : f32 to vector<16xf32>
          %sub3A_1498 = arith.subf %exp3A_1495, %sub3A_1497 : vector<16xf32>
          %select_n3A_1499 = arith.select %gt3A_1494, %add3A_1037, %sub3A_1498 : vector<16xi1>, vector<16xf32>
          %swap3A_1500 = arith.index_cast %scan3A_386 : i32 to index
          %swap3A_1501 = arith.constant 32 : index
          %swap3A_1502 = tpu.vector_load %arg26[%swap3A_1500, %swap3A_1501] {strides = array<i32>} : memref<16x128xf32, #tpu.memory_space<vmem>>, vector<16xf32>,
          tpu.vector_store %arg26[%swap3A_1500, %swap3A_1501], %select_n3A_1499 {strides = array<i32>} : memref<16x128xf32, #tpu.memory_space<vmem>>, vector<16xf32>,
          %gt3A_1503 = arith.constant 0.000000e+00 : f32
          %gt3A_1504 = vector.broadcast %gt3A_1503 : f32 to vector<16xf32>
          %gt3A_1505 = arith.cmpf ogt, %add3A_1397, %gt3A_1504 : vector<16xf32>
          %exp3A_1506 = math.exp %add3A_1397 : vector<16xf32>
          %sub3A_1507 = arith.constant 1.000000e+00 : f32
          %sub3A_1508 = vector.broadcast %sub3A_1507 : f32 to vector<16xf32>
          %sub3A_1509 = arith.subf %exp3A_1506, %sub3A_1508 : vector<16xf32>
          %select_n3A_1510 = arith.select %gt3A_1505, %add3A_1397, %sub3A_1509 : vector<16xi1>, vector<16xf32>
          %swap3A_1511 = arith.index_cast %scan3A_386 : i32 to index
          %swap3A_1512 = arith.constant 32 : index
          %swap3A_1513 = tpu.vector_load %arg28[%swap3A_1511, %swap3A_1512] {strides = array<i32>} : memref<16x128xf32, #tpu.memory_space<vmem>>, vector<16xf32>,
          tpu.vector_store %arg28[%swap3A_1511, %swap3A_1512], %select_n3A_1510 {strides = array<i32>} : memref<16x128xf32, #tpu.memory_space<vmem>>, vector<16xf32>,
          %gt3A_1514 = arith.constant 0.000000e+00 : f32
          %gt3A_1515 = vector.broadcast %gt3A_1514 : f32 to vector<16xf32>
          %gt3A_1516 = arith.cmpf ogt, %add3A_1047, %gt3A_1515 : vector<16xf32>
          %exp3A_1517 = math.exp %add3A_1047 : vector<16xf32>
          %sub3A_1518 = arith.constant 1.000000e+00 : f32
          %sub3A_1519 = vector.broadcast %sub3A_1518 : f32 to vector<16xf32>
          %sub3A_1520 = arith.subf %exp3A_1517, %sub3A_1519 : vector<16xf32>
          %select_n3A_1521 = arith.select %gt3A_1516, %add3A_1047, %sub3A_1520 : vector<16xi1>, vector<16xf32>
          %swap3A_1522 = arith.index_cast %scan3A_386 : i32 to index
          %swap3A_1523 = arith.constant 48 : index
          %swap3A_1524 = tpu.vector_load %arg26[%swap3A_1522, %swap3A_1523] {strides = array<i32>} : memref<16x128xf32, #tpu.memory_space<vmem>>, vector<16xf32>,
          tpu.vector_store %arg26[%swap3A_1522, %swap3A_1523], %select_n3A_1521 {strides = array<i32>} : memref<16x128xf32, #tpu.memory_space<vmem>>, vector<16xf32>,
          %gt3A_1525 = arith.constant 0.000000e+00 : f32
          %gt3A_1526 = vector.broadcast %gt3A_1525 : f32 to vector<16xf32>
          %gt3A_1527 = arith.cmpf ogt, %add3A_1407, %gt3A_1526 : vector<16xf32>
          %exp3A_1528 = math.exp %add3A_1407 : vector<16xf32>
          %sub3A_1529 = arith.constant 1.000000e+00 : f32
          %sub3A_1530 = vector.broadcast %sub3A_1529 : f32 to vector<16xf32>
          %sub3A_1531 = arith.subf %exp3A_1528, %sub3A_1530 : vector<16xf32>
          %select_n3A_1532 = arith.select %gt3A_1527, %add3A_1407, %sub3A_1531 : vector<16xi1>, vector<16xf32>
          %swap3A_1533 = arith.index_cast %scan3A_386 : i32 to index
          %swap3A_1534 = arith.constant 48 : index
          %swap3A_1535 = tpu.vector_load %arg28[%swap3A_1533, %swap3A_1534] {strides = array<i32>} : memref<16x128xf32, #tpu.memory_space<vmem>>, vector<16xf32>,
          tpu.vector_store %arg28[%swap3A_1533, %swap3A_1534], %select_n3A_1532 {strides = array<i32>} : memref<16x128xf32, #tpu.memory_space<vmem>>, vector<16xf32>,
          %gt3A_1536 = arith.constant 0.000000e+00 : f32
          %gt3A_1537 = vector.broadcast %gt3A_1536 : f32 to vector<16xf32>
          %gt3A_1538 = arith.cmpf ogt, %add3A_1057, %gt3A_1537 : vector<16xf32>
          %exp3A_1539 = math.exp %add3A_1057 : vector<16xf32>
          %sub3A_1540 = arith.constant 1.000000e+00 : f32
          %sub3A_1541 = vector.broadcast %sub3A_1540 : f32 to vector<16xf32>
          %sub3A_1542 = arith.subf %exp3A_1539, %sub3A_1541 : vector<16xf32>
          %select_n3A_1543 = arith.select %gt3A_1538, %add3A_1057, %sub3A_1542 : vector<16xi1>, vector<16xf32>
          %swap3A_1544 = arith.index_cast %scan3A_386 : i32 to index
          %swap3A_1545 = arith.constant 64 : index
          %swap3A_1546 = tpu.vector_load %arg26[%swap3A_1544, %swap3A_1545] {strides = array<i32>} : memref<16x128xf32, #tpu.memory_space<vmem>>, vector<16xf32>,
          tpu.vector_store %arg26[%swap3A_1544, %swap3A_1545], %select_n3A_1543 {strides = array<i32>} : memref<16x128xf32, #tpu.memory_space<vmem>>, vector<16xf32>,
          %gt3A_1547 = arith.constant 0.000000e+00 : f32
          %gt3A_1548 = vector.broadcast %gt3A_1547 : f32 to vector<16xf32>
          %gt3A_1549 = arith.cmpf ogt, %add3A_1417, %gt3A_1548 : vector<16xf32>
          %exp3A_1550 = math.exp %add3A_1417 : vector<16xf32>
          %sub3A_1551 = arith.constant 1.000000e+00 : f32
          %sub3A_1552 = vector.broadcast %sub3A_1551 : f32 to vector<16xf32>
          %sub3A_1553 = arith.subf %exp3A_1550, %sub3A_1552 : vector<16xf32>
          %select_n3A_1554 = arith.select %gt3A_1549, %add3A_1417, %sub3A_1553 : vector<16xi1>, vector<16xf32>
          %swap3A_1555 = arith.index_cast %scan3A_386 : i32 to index
          %swap3A_1556 = arith.constant 64 : index
          %swap3A_1557 = tpu.vector_load %arg28[%swap3A_1555, %swap3A_1556] {strides = array<i32>} : memref<16x128xf32, #tpu.memory_space<vmem>>, vector<16xf32>,
          tpu.vector_store %arg28[%swap3A_1555, %swap3A_1556], %select_n3A_1554 {strides = array<i32>} : memref<16x128xf32, #tpu.memory_space<vmem>>, vector<16xf32>,
          %gt3A_1558 = arith.constant 0.000000e+00 : f32
          %gt3A_1559 = vector.broadcast %gt3A_1558 : f32 to vector<16xf32>
          %gt3A_1560 = arith.cmpf ogt, %add3A_1067, %gt3A_1559 : vector<16xf32>
          %exp3A_1561 = math.exp %add3A_1067 : vector<16xf32>
          %sub3A_1562 = arith.constant 1.000000e+00 : f32
          %sub3A_1563 = vector.broadcast %sub3A_1562 : f32 to vector<16xf32>
          %sub3A_1564 = arith.subf %exp3A_1561, %sub3A_1563 : vector<16xf32>
          %select_n3A_1565 = arith.select %gt3A_1560, %add3A_1067, %sub3A_1564 : vector<16xi1>, vector<16xf32>
          %swap3A_1566 = arith.index_cast %scan3A_386 : i32 to index
          %swap3A_1567 = arith.constant 80 : index
          %swap3A_1568 = tpu.vector_load %arg26[%swap3A_1566, %swap3A_1567] {strides = array<i32>} : memref<16x128xf32, #tpu.memory_space<vmem>>, vector<16xf32>,
          tpu.vector_store %arg26[%swap3A_1566, %swap3A_1567], %select_n3A_1565 {strides = array<i32>} : memref<16x128xf32, #tpu.memory_space<vmem>>, vector<16xf32>,
          %gt3A_1569 = arith.constant 0.000000e+00 : f32
          %gt3A_1570 = vector.broadcast %gt3A_1569 : f32 to vector<16xf32>
          %gt3A_1571 = arith.cmpf ogt, %add3A_1427, %gt3A_1570 : vector<16xf32>
          %exp3A_1572 = math.exp %add3A_1427 : vector<16xf32>
          %sub3A_1573 = arith.constant 1.000000e+00 : f32
          %sub3A_1574 = vector.broadcast %sub3A_1573 : f32 to vector<16xf32>
          %sub3A_1575 = arith.subf %exp3A_1572, %sub3A_1574 : vector<16xf32>
          %select_n3A_1576 = arith.select %gt3A_1571, %add3A_1427, %sub3A_1575 : vector<16xi1>, vector<16xf32>
          %swap3A_1577 = arith.index_cast %scan3A_386 : i32 to index
          %swap3A_1578 = arith.constant 80 : index
          %swap3A_1579 = tpu.vector_load %arg28[%swap3A_1577, %swap3A_1578] {strides = array<i32>} : memref<16x128xf32, #tpu.memory_space<vmem>>, vector<16xf32>,
          tpu.vector_store %arg28[%swap3A_1577, %swap3A_1578], %select_n3A_1576 {strides = array<i32>} : memref<16x128xf32, #tpu.memory_space<vmem>>, vector<16xf32>,
          %gt3A_1580 = arith.constant 0.000000e+00 : f32
          %gt3A_1581 = vector.broadcast %gt3A_1580 : f32 to vector<16xf32>
          %gt3A_1582 = arith.cmpf ogt, %add3A_1077, %gt3A_1581 : vector<16xf32>
          %exp3A_1583 = math.exp %add3A_1077 : vector<16xf32>
          %sub3A_1584 = arith.constant 1.000000e+00 : f32
          %sub3A_1585 = vector.broadcast %sub3A_1584 : f32 to vector<16xf32>
          %sub3A_1586 = arith.subf %exp3A_1583, %sub3A_1585 : vector<16xf32>
          %select_n3A_1587 = arith.select %gt3A_1582, %add3A_1077, %sub3A_1586 : vector<16xi1>, vector<16xf32>
          %swap3A_1588 = arith.index_cast %scan3A_386 : i32 to index
          %swap3A_1589 = arith.constant 96 : index
          %swap3A_1590 = tpu.vector_load %arg26[%swap3A_1588, %swap3A_1589] {strides = array<i32>} : memref<16x128xf32, #tpu.memory_space<vmem>>, vector<16xf32>,
          tpu.vector_store %arg26[%swap3A_1588, %swap3A_1589], %select_n3A_1587 {strides = array<i32>} : memref<16x128xf32, #tpu.memory_space<vmem>>, vector<16xf32>,
          %gt3A_1591 = arith.constant 0.000000e+00 : f32
          %gt3A_1592 = vector.broadcast %gt3A_1591 : f32 to vector<16xf32>
          %gt3A_1593 = arith.cmpf ogt, %add3A_1437, %gt3A_1592 : vector<16xf32>
          %exp3A_1594 = math.exp %add3A_1437 : vector<16xf32>
          %sub3A_1595 = arith.constant 1.000000e+00 : f32
          %sub3A_1596 = vector.broadcast %sub3A_1595 : f32 to vector<16xf32>
          %sub3A_1597 = arith.subf %exp3A_1594, %sub3A_1596 : vector<16xf32>
          %select_n3A_1598 = arith.select %gt3A_1593, %add3A_1437, %sub3A_1597 : vector<16xi1>, vector<16xf32>
          %swap3A_1599 = arith.index_cast %scan3A_386 : i32 to index
          %swap3A_1600 = arith.constant 96 : index
          %swap3A_1601 = tpu.vector_load %arg28[%swap3A_1599, %swap3A_1600] {strides = array<i32>} : memref<16x128xf32, #tpu.memory_space<vmem>>, vector<16xf32>,
          tpu.vector_store %arg28[%swap3A_1599, %swap3A_1600], %select_n3A_1598 {strides = array<i32>} : memref<16x128xf32, #tpu.memory_space<vmem>>, vector<16xf32>,
          %gt3A_1602 = arith.constant 0.000000e+00 : f32
          %gt3A_1603 = vector.broadcast %gt3A_1602 : f32 to vector<16xf32>
          %gt3A_1604 = arith.cmpf ogt, %add3A_1087, %gt3A_1603 : vector<16xf32>
          %exp3A_1605 = math.exp %add3A_1087 : vector<16xf32>
          %sub3A_1606 = arith.constant 1.000000e+00 : f32
          %sub3A_1607 = vector.broadcast %sub3A_1606 : f32 to vector<16xf32>
          %sub3A_1608 = arith.subf %exp3A_1605, %sub3A_1607 : vector<16xf32>
          %select_n3A_1609 = arith.select %gt3A_1604, %add3A_1087, %sub3A_1608 : vector<16xi1>, vector<16xf32>
          %swap3A_1610 = arith.index_cast %scan3A_386 : i32 to index
          %swap3A_1611 = arith.constant 112 : index
          %swap3A_1612 = tpu.vector_load %arg26[%swap3A_1610, %swap3A_1611] {strides = array<i32>} : memref<16x128xf32, #tpu.memory_space<vmem>>, vector<16xf32>,
          tpu.vector_store %arg26[%swap3A_1610, %swap3A_1611], %select_n3A_1609 {strides = array<i32>} : memref<16x128xf32, #tpu.memory_space<vmem>>, vector<16xf32>,
          %gt3A_1613 = arith.constant 0.000000e+00 : f32
          %gt3A_1614 = vector.broadcast %gt3A_1613 : f32 to vector<16xf32>
          %gt3A_1615 = arith.cmpf ogt, %add3A_1447, %gt3A_1614 : vector<16xf32>
          %exp3A_1616 = math.exp %add3A_1447 : vector<16xf32>
          %sub3A_1617 = arith.constant 1.000000e+00 : f32
          %sub3A_1618 = vector.broadcast %sub3A_1617 : f32 to vector<16xf32>
          %sub3A_1619 = arith.subf %exp3A_1616, %sub3A_1618 : vector<16xf32>
          %select_n3A_1620 = arith.select %gt3A_1615, %add3A_1447, %sub3A_1619 : vector<16xi1>, vector<16xf32>
          %swap3A_1621 = arith.index_cast %scan3A_386 : i32 to index
          %swap3A_1622 = arith.constant 112 : index
          %swap3A_1623 = tpu.vector_load %arg28[%swap3A_1621, %swap3A_1622] {strides = array<i32>} : memref<16x128xf32, #tpu.memory_space<vmem>>, vector<16xf32>,
          tpu.vector_store %arg28[%swap3A_1621, %swap3A_1622], %select_n3A_1620 {strides = array<i32>} : memref<16x128xf32, #tpu.memory_space<vmem>>, vector<16xf32>,
        }
        %scan3A_374 = arith.constant 16 : i32
        %mul3A_375 = arith.constant 16 : i32
        %mul3A_376 = arith.muli %add3A_57, %mul3A_375 : i32
        %add3A_377 = arith.addi %mul3A_2, %mul3A_376 : i32
        %dma_start3A_378 = arith.constant 0 : i32
        %dma_start3A_379 = tpu.memref_slice %arg10[%add3A_377, %dma_start3A_378] : memref<50000x128xf32, #tpu.memory_space<hbm>> -> memref<16x128xf32, #tpu.memory_space<hbm>>
        %dma_start3A_380 = arith.constant 0 : i32
        %dma_start3A_381 = tpu.memref_slice %arg10[%add3A_377, %dma_start3A_380] : memref<50000x128xf32, #tpu.memory_space<hbm>> -> memref<16x128xf32, #tpu.memory_space<hbm>>
        tpu.enqueue_dma source(%arg26 : memref<16x128xf32, #tpu.memory_space<vmem>>) target(%dma_start3A_381 : memref<16x128xf32, #tpu.memory_space<hbm>>) target_semaphore(%arg32 : memref<!tpu.dma_semaphore, #tpu.memory_space<semaphore_mem>>)
        %dma_start3A_382 = arith.constant 0 : i32
        %dma_start3A_383 = tpu.memref_slice %arg11[%add3A_377, %dma_start3A_382] : memref<50000x128xf32, #tpu.memory_space<hbm>> -> memref<16x128xf32, #tpu.memory_space<hbm>>
        %dma_start3A_384 = arith.constant 0 : i32
        %dma_start3A_385 = tpu.memref_slice %arg11[%add3A_377, %dma_start3A_384] : memref<50000x128xf32, #tpu.memory_space<hbm>> -> memref<16x128xf32, #tpu.memory_space<hbm>>
        tpu.enqueue_dma source(%arg28 : memref<16x128xf32, #tpu.memory_space<vmem>>) target(%dma_start3A_385 : memref<16x128xf32, #tpu.memory_space<hbm>>) target_semaphore(%arg32 : memref<!tpu.dma_semaphore, #tpu.memory_space<semaphore_mem>>)
      } else {
      }
      %mul3A_68 = arith.constant 2 : i32
      %mul3A_69 = arith.muli %mul3A_68, %scan3A_53 : i32
      %add3A_70 = arith.constant 1 : i32
      %add3A_71 = arith.addi %mul3A_69, %add3A_70 : i32
      %add3A_72 = arith.constant 1 : i32
      %add3A_73 = arith.addi %add3A_71, %add3A_72 : i32
      %lt3A_74 = arith.cmpi slt, %add3A_73, %select_n3A : i32
      %convert_element_type3A_75 = arith.extui %lt3A_74 : i1 to i32
      %cond3A_76 = arith.constant 0 : i32
      %cond3A_77 = arith.cmpi ne, %convert_element_type3A_75, %cond3A_76 : i32
      scf.if %cond3A_77 {
        %add3A_82 = arith.constant 1 : i32
        %add3A_83 = arith.addi %add3A_71, %add3A_82 : i32
        %mul3A_84 = arith.constant 8 : i32
        %mul3A_85 = arith.muli %add3A_83, %mul3A_84 : i32
        %mul3A_86 = arith.constant 16 : i32
        %mul3A_87 = arith.muli %mul3A_85, %mul3A_86 : i32
        %mul3A_88 = arith.constant 4 : i32
        %mul3A_89 = arith.muli %add3A_83, %mul3A_88 : i32
        %mul3A_90 = arith.constant 16 : i32
        %mul3A_91 = arith.muli %mul3A_89, %mul3A_90 : i32
        %dma_start3A_92 = tpu.memref_slice %arg12[%mul3A_87] : memref<12544xi32, #tpu.memory_space<vmem>> -> memref<128xi32, #tpu.memory_space<vmem>>
        %dma_start3A_93 = arith.constant 0 : i32
        %dma_start3A_94 = tpu.memref_slice %arg6[%dma_start3A_93] : memref<50000xf32, #tpu.memory_space<hbm>> -> memref<50000xf32, #tpu.memory_space<hbm>>
        tpu.enqueue_indirect_dma source(%dma_start3A_94 : memref<50000xf32, #tpu.memory_space<hbm>>) target(%arg20 : memref<128xf32, #tpu.memory_space<vmem>>) offsets(%dma_start3A_92 : memref<128xi32, #tpu.memory_space<vmem>>) semaphore(%arg30 : memref<!tpu.dma_semaphore, #tpu.memory_space<semaphore_mem>>)
        %dma_start3A_95 = tpu.memref_slice %arg13[%mul3A_91] : memref<6272xi32, #tpu.memory_space<vmem>> -> memref<64xi32, #tpu.memory_space<vmem>>
        %dma_start3A_96 = arith.constant 0 : i32
        %dma_start3A_97 = tpu.memref_slice %arg7[%dma_start3A_96] : memref<50000xf32, #tpu.memory_space<hbm>> -> memref<50000xf32, #tpu.memory_space<hbm>>
        tpu.enqueue_indirect_dma source(%dma_start3A_97 : memref<50000xf32, #tpu.memory_space<hbm>>) target(%arg22 : memref<64xf32, #tpu.memory_space<vmem>>) offsets(%dma_start3A_95 : memref<64xi32, #tpu.memory_space<vmem>>) semaphore(%arg30 : memref<!tpu.dma_semaphore, #tpu.memory_space<semaphore_mem>>)
        %dma_start3A_98 = tpu.memref_slice %arg12[%mul3A_87] : memref<12544xi32, #tpu.memory_space<vmem>> -> memref<128xi32, #tpu.memory_space<vmem>>
        %dma_start3A_99 = arith.constant 0 : i32
        %dma_start3A_100 = arith.constant 0 : i32
        %dma_start3A_101 = tpu.memref_slice %arg2[%dma_start3A_99, %dma_start3A_100] : memref<50000x128xf32, #tpu.memory_space<hbm>> -> memref<50000x128xf32, #tpu.memory_space<hbm>>
        tpu.enqueue_indirect_dma source(%dma_start3A_101 : memref<50000x128xf32, #tpu.memory_space<hbm>>) target(%arg16 : memref<128x128xf32, #tpu.memory_space<vmem>>) offsets(%dma_start3A_98 : memref<128xi32, #tpu.memory_space<vmem>>) semaphore(%arg30 : memref<!tpu.dma_semaphore, #tpu.memory_space<semaphore_mem>>)
        %dma_start3A_102 = tpu.memref_slice %arg13[%mul3A_91] : memref<6272xi32, #tpu.memory_space<vmem>> -> memref<64xi32, #tpu.memory_space<vmem>>
        %dma_start3A_103 = arith.constant 0 : i32
        %dma_start3A_104 = arith.constant 0 : i32
        %dma_start3A_105 = tpu.memref_slice %arg3[%dma_start3A_103, %dma_start3A_104] : memref<50000x128xf32, #tpu.memory_space<hbm>> -> memref<50000x128xf32, #tpu.memory_space<hbm>>
        tpu.enqueue_indirect_dma source(%dma_start3A_105 : memref<50000x128xf32, #tpu.memory_space<hbm>>) target(%arg18 : memref<64x128xf32, #tpu.memory_space<vmem>>) offsets(%dma_start3A_102 : memref<64xi32, #tpu.memory_space<vmem>>) semaphore(%arg30 : memref<!tpu.dma_semaphore, #tpu.memory_space<semaphore_mem>>)
      } else {
      }
      %lt3A_78 = arith.cmpi slt, %add3A_71, %select_n3A : i32
      %convert_element_type3A_79 = arith.extui %lt3A_78 : i1 to i32
      %cond3A_80 = arith.constant 0 : i32
      %cond3A_81 = arith.cmpi ne, %convert_element_type3A_79, %cond3A_80 : i32
      scf.if %cond3A_81 {
        %mul3A_82 = arith.constant 8 : i32
        %mul3A_83 = arith.muli %add3A_71, %mul3A_82 : i32
        %mul3A_84 = arith.constant 16 : i32
        %mul3A_85 = arith.muli %mul3A_83, %mul3A_84 : i32
        %mul3A_86 = arith.constant 4 : i32
        %mul3A_87 = arith.muli %add3A_71, %mul3A_86 : i32
        %mul3A_88 = arith.constant 16 : i32
        %mul3A_89 = arith.muli %mul3A_87, %mul3A_88 : i32
        %dma_wait3A_90 = tpu.memref_slice %arg12[%mul3A_85] : memref<12544xi32, #tpu.memory_space<vmem>> -> memref<128xi32, #tpu.memory_space<vmem>>
        %dma_wait3A_91 = arith.constant 0 : i32
        %dma_wait3A_92 = tpu.memref_slice %arg6[%dma_wait3A_91] : memref<50000xf32, #tpu.memory_space<hbm>> -> memref<50000xf32, #tpu.memory_space<hbm>>
        tpu.wait_indirect_dma semaphore(%arg31 : memref<!tpu.dma_semaphore, #tpu.memory_space<semaphore_mem>>) src(%dma_wait3A_92 : memref<50000xf32, #tpu.memory_space<hbm>>) dst(%arg21 : memref<128xf32, #tpu.memory_space<vmem>>)
        %dma_wait3A_93 = tpu.memref_slice %arg13[%mul3A_89] : memref<6272xi32, #tpu.memory_space<vmem>> -> memref<64xi32, #tpu.memory_space<vmem>>
        %dma_wait3A_94 = arith.constant 0 : i32
        %dma_wait3A_95 = tpu.memref_slice %arg7[%dma_wait3A_94] : memref<50000xf32, #tpu.memory_space<hbm>> -> memref<50000xf32, #tpu.memory_space<hbm>>
        tpu.wait_indirect_dma semaphore(%arg31 : memref<!tpu.dma_semaphore, #tpu.memory_space<semaphore_mem>>) src(%dma_wait3A_95 : memref<50000xf32, #tpu.memory_space<hbm>>) dst(%arg23 : memref<64xf32, #tpu.memory_space<vmem>>)
        %dma_wait3A_96 = tpu.memref_slice %arg12[%mul3A_85] : memref<12544xi32, #tpu.memory_space<vmem>> -> memref<128xi32, #tpu.memory_space<vmem>>
        %dma_wait3A_97 = arith.constant 0 : i32
        %dma_wait3A_98 = arith.constant 0 : i32
        %dma_wait3A_99 = tpu.memref_slice %arg2[%dma_wait3A_97, %dma_wait3A_98] : memref<50000x128xf32, #tpu.memory_space<hbm>> -> memref<50000x128xf32, #tpu.memory_space<hbm>>
        tpu.wait_indirect_dma semaphore(%arg31 : memref<!tpu.dma_semaphore, #tpu.memory_space<semaphore_mem>>) src(%dma_wait3A_99 : memref<50000x128xf32, #tpu.memory_space<hbm>>) dst(%arg17 : memref<128x128xf32, #tpu.memory_space<vmem>>)
        %dma_wait3A_100 = tpu.memref_slice %arg13[%mul3A_89] : memref<6272xi32, #tpu.memory_space<vmem>> -> memref<64xi32, #tpu.memory_space<vmem>>
        %dma_wait3A_101 = arith.constant 0 : i32
        %dma_wait3A_102 = arith.constant 0 : i32
        %dma_wait3A_103 = tpu.memref_slice %arg3[%dma_wait3A_101, %dma_wait3A_102] : memref<50000x128xf32, #tpu.memory_space<hbm>> -> memref<50000x128xf32, #tpu.memory_space<hbm>>
        tpu.wait_indirect_dma semaphore(%arg31 : memref<!tpu.dma_semaphore, #tpu.memory_space<semaphore_mem>>) src(%dma_wait3A_103 : memref<50000x128xf32, #tpu.memory_space<hbm>>) dst(%arg19 : memref<64x128xf32, #tpu.memory_space<vmem>>)
        %mul3A_104 = arith.constant 16 : i32
        %mul3A_105 = arith.muli %add3A_71, %mul3A_104 : i32
        %get3A = arith.index_cast %mul3A_105 : i32 to index
        %get3A_106 = tpu.vector_load %arg14[%get3A] {strides = array<i32>} : memref<1568xf32, #tpu.memory_space<vmem>>, vector<16xf32>,
        %iota3A = tpu.iota {dimensions = array<i32: 0>} : vector<16xi32>
        %mul3A_107 = arith.constant 8 : i32
        %mul3A_108 = vector.broadcast %mul3A_107 : i32 to vector<16xi32>
        %mul3A_109 = arith.muli %iota3A, %mul3A_108 : vector<16xi32>
        %add3A_110 = arith.constant 0 : i32
        %add3A_111 = vector.broadcast %add3A_110 : i32 to vector<16xi32>
        %add3A_112 = arith.addi %mul3A_109, %add3A_111 : vector<16xi32>
        %gather3A = tpu.vector_load_idx %arg21[%add3A_112] : memref<128xf32, #tpu.memory_space<vmem>>[vector<16xi32>], vector<16xf32>,
        %add3A_113 = arith.addf %get3A_106, %gather3A : vector<16xf32>
        %gt3A = arith.constant 0.000000e+00 : f32
        %gt3A_114 = vector.broadcast %gt3A : f32 to vector<16xf32>
        %gt3A_115 = arith.cmpf ogt, %add3A_113, %gt3A_114 : vector<16xf32>
        %mul3A_116 = arith.constant 0.00999999977 : f32
        %mul3A_117 = vector.broadcast %mul3A_116 : f32 to vector<16xf32>
        %mul3A_118 = arith.mulf %mul3A_117, %add3A_113 : vector<16xf32>
        %select_n3A_119 = arith.select %gt3A_115, %add3A_113, %mul3A_118 : vector<16xi1>, vector<16xf32>
        %add3A_120 = arith.constant 1 : i32
        %add3A_121 = vector.broadcast %add3A_120 : i32 to vector<16xi32>
        %add3A_122 = arith.addi %mul3A_109, %add3A_121 : vector<16xi32>
        %gather3A_123 = tpu.vector_load_idx %arg21[%add3A_122] : memref<128xf32, #tpu.memory_space<vmem>>[vector<16xi32>], vector<16xf32>,
        %add3A_124 = arith.addf %get3A_106, %gather3A_123 : vector<16xf32>
        %gt3A_125 = arith.constant 0.000000e+00 : f32
        %gt3A_126 = vector.broadcast %gt3A_125 : f32 to vector<16xf32>
        %gt3A_127 = arith.cmpf ogt, %add3A_124, %gt3A_126 : vector<16xf32>
        %mul3A_128 = arith.constant 0.00999999977 : f32
        %mul3A_129 = vector.broadcast %mul3A_128 : f32 to vector<16xf32>
        %mul3A_130 = arith.mulf %mul3A_129, %add3A_124 : vector<16xf32>
        %select_n3A_131 = arith.select %gt3A_127, %add3A_124, %mul3A_130 : vector<16xi1>, vector<16xf32>
        %add3A_132 = arith.constant 2 : i32
        %add3A_133 = vector.broadcast %add3A_132 : i32 to vector<16xi32>
        %add3A_134 = arith.addi %mul3A_109, %add3A_133 : vector<16xi32>
        %gather3A_135 = tpu.vector_load_idx %arg21[%add3A_134] : memref<128xf32, #tpu.memory_space<vmem>>[vector<16xi32>], vector<16xf32>,
        %add3A_136 = arith.addf %get3A_106, %gather3A_135 : vector<16xf32>
        %gt3A_137 = arith.constant 0.000000e+00 : f32
        %gt3A_138 = vector.broadcast %gt3A_137 : f32 to vector<16xf32>
        %gt3A_139 = arith.cmpf ogt, %add3A_136, %gt3A_138 : vector<16xf32>
        %mul3A_140 = arith.constant 0.00999999977 : f32
        %mul3A_141 = vector.broadcast %mul3A_140 : f32 to vector<16xf32>
        %mul3A_142 = arith.mulf %mul3A_141, %add3A_136 : vector<16xf32>
        %select_n3A_143 = arith.select %gt3A_139, %add3A_136, %mul3A_142 : vector<16xi1>, vector<16xf32>
        %add3A_144 = arith.constant 3 : i32
        %add3A_145 = vector.broadcast %add3A_144 : i32 to vector<16xi32>
        %add3A_146 = arith.addi %mul3A_109, %add3A_145 : vector<16xi32>
        %gather3A_147 = tpu.vector_load_idx %arg21[%add3A_146] : memref<128xf32, #tpu.memory_space<vmem>>[vector<16xi32>], vector<16xf32>,
        %add3A_148 = arith.addf %get3A_106, %gather3A_147 : vector<16xf32>
        %gt3A_149 = arith.constant 0.000000e+00 : f32
        %gt3A_150 = vector.broadcast %gt3A_149 : f32 to vector<16xf32>
        %gt3A_151 = arith.cmpf ogt, %add3A_148, %gt3A_150 : vector<16xf32>
        %mul3A_152 = arith.constant 0.00999999977 : f32
        %mul3A_153 = vector.broadcast %mul3A_152 : f32 to vector<16xf32>
        %mul3A_154 = arith.mulf %mul3A_153, %add3A_148 : vector<16xf32>
        %select_n3A_155 = arith.select %gt3A_151, %add3A_148, %mul3A_154 : vector<16xi1>, vector<16xf32>
        %add3A_156 = arith.constant 4 : i32
        %add3A_157 = vector.broadcast %add3A_156 : i32 to vector<16xi32>
        %add3A_158 = arith.addi %mul3A_109, %add3A_157 : vector<16xi32>
        %gather3A_159 = tpu.vector_load_idx %arg21[%add3A_158] : memref<128xf32, #tpu.memory_space<vmem>>[vector<16xi32>], vector<16xf32>,
        %add3A_160 = arith.addf %get3A_106, %gather3A_159 : vector<16xf32>
        %gt3A_161 = arith.constant 0.000000e+00 : f32
        %gt3A_162 = vector.broadcast %gt3A_161 : f32 to vector<16xf32>
        %gt3A_163 = arith.cmpf ogt, %add3A_160, %gt3A_162 : vector<16xf32>
        %mul3A_164 = arith.constant 0.00999999977 : f32
        %mul3A_165 = vector.broadcast %mul3A_164 : f32 to vector<16xf32>
        %mul3A_166 = arith.mulf %mul3A_165, %add3A_160 : vector<16xf32>
        %select_n3A_167 = arith.select %gt3A_163, %add3A_160, %mul3A_166 : vector<16xi1>, vector<16xf32>
        %add3A_168 = arith.constant 5 : i32
        %add3A_169 = vector.broadcast %add3A_168 : i32 to vector<16xi32>
        %add3A_170 = arith.addi %mul3A_109, %add3A_169 : vector<16xi32>
        %gather3A_171 = tpu.vector_load_idx %arg21[%add3A_170] : memref<128xf32, #tpu.memory_space<vmem>>[vector<16xi32>], vector<16xf32>,
        %add3A_172 = arith.addf %get3A_106, %gather3A_171 : vector<16xf32>
        %gt3A_173 = arith.constant 0.000000e+00 : f32
        %gt3A_174 = vector.broadcast %gt3A_173 : f32 to vector<16xf32>
        %gt3A_175 = arith.cmpf ogt, %add3A_172, %gt3A_174 : vector<16xf32>
        %mul3A_176 = arith.constant 0.00999999977 : f32
        %mul3A_177 = vector.broadcast %mul3A_176 : f32 to vector<16xf32>
        %mul3A_178 = arith.mulf %mul3A_177, %add3A_172 : vector<16xf32>
        %select_n3A_179 = arith.select %gt3A_175, %add3A_172, %mul3A_178 : vector<16xi1>, vector<16xf32>
        %add3A_180 = arith.constant 6 : i32
        %add3A_181 = vector.broadcast %add3A_180 : i32 to vector<16xi32>
        %add3A_182 = arith.addi %mul3A_109, %add3A_181 : vector<16xi32>
        %gather3A_183 = tpu.vector_load_idx %arg21[%add3A_182] : memref<128xf32, #tpu.memory_space<vmem>>[vector<16xi32>], vector<16xf32>,
        %add3A_184 = arith.addf %get3A_106, %gather3A_183 : vector<16xf32>
        %gt3A_185 = arith.constant 0.000000e+00 : f32
        %gt3A_186 = vector.broadcast %gt3A_185 : f32 to vector<16xf32>
        %gt3A_187 = arith.cmpf ogt, %add3A_184, %gt3A_186 : vector<16xf32>
        %mul3A_188 = arith.constant 0.00999999977 : f32
        %mul3A_189 = vector.broadcast %mul3A_188 : f32 to vector<16xf32>
        %mul3A_190 = arith.mulf %mul3A_189, %add3A_184 : vector<16xf32>
        %select_n3A_191 = arith.select %gt3A_187, %add3A_184, %mul3A_190 : vector<16xi1>, vector<16xf32>
        %add3A_192 = arith.constant 7 : i32
        %add3A_193 = vector.broadcast %add3A_192 : i32 to vector<16xi32>
        %add3A_194 = arith.addi %mul3A_109, %add3A_193 : vector<16xi32>
        %gather3A_195 = tpu.vector_load_idx %arg21[%add3A_194] : memref<128xf32, #tpu.memory_space<vmem>>[vector<16xi32>], vector<16xf32>,
        %add3A_196 = arith.addf %get3A_106, %gather3A_195 : vector<16xf32>
        %gt3A_197 = arith.constant 0.000000e+00 : f32
        %gt3A_198 = vector.broadcast %gt3A_197 : f32 to vector<16xf32>
        %gt3A_199 = arith.cmpf ogt, %add3A_196, %gt3A_198 : vector<16xf32>
        %mul3A_200 = arith.constant 0.00999999977 : f32
        %mul3A_201 = vector.broadcast %mul3A_200 : f32 to vector<16xf32>
        %mul3A_202 = arith.mulf %mul3A_201, %add3A_196 : vector<16xf32>
        %select_n3A_203 = arith.select %gt3A_199, %add3A_196, %mul3A_202 : vector<16xi1>, vector<16xf32>
        %max3A = arith.maximumf %select_n3A_119, %select_n3A_131 : vector<16xf32>
        %max3A_204 = arith.maximumf %max3A, %select_n3A_143 : vector<16xf32>
        %max3A_205 = arith.maximumf %max3A_204, %select_n3A_155 : vector<16xf32>
        %max3A_206 = arith.maximumf %max3A_205, %select_n3A_167 : vector<16xf32>
        %max3A_207 = arith.maximumf %max3A_206, %select_n3A_179 : vector<16xf32>
        %max3A_208 = arith.maximumf %max3A_207, %select_n3A_191 : vector<16xf32>
        %max3A_209 = arith.maximumf %max3A_208, %select_n3A_203 : vector<16xf32>
        %sub3A = arith.subf %select_n3A_119, %max3A_209 : vector<16xf32>
        %exp3A = math.exp %sub3A : vector<16xf32>
        %sub3A_210 = arith.subf %select_n3A_131, %max3A_209 : vector<16xf32>
        %exp3A_211 = math.exp %sub3A_210 : vector<16xf32>
        %sub3A_212 = arith.subf %select_n3A_143, %max3A_209 : vector<16xf32>
        %exp3A_213 = math.exp %sub3A_212 : vector<16xf32>
        %sub3A_214 = arith.subf %select_n3A_155, %max3A_209 : vector<16xf32>
        %exp3A_215 = math.exp %sub3A_214 : vector<16xf32>
        %sub3A_216 = arith.subf %select_n3A_167, %max3A_209 : vector<16xf32>
        %exp3A_217 = math.exp %sub3A_216 : vector<16xf32>
        %sub3A_218 = arith.subf %select_n3A_179, %max3A_209 : vector<16xf32>
        %exp3A_219 = math.exp %sub3A_218 : vector<16xf32>
        %sub3A_220 = arith.subf %select_n3A_191, %max3A_209 : vector<16xf32>
        %exp3A_221 = math.exp %sub3A_220 : vector<16xf32>
        %sub3A_222 = arith.subf %select_n3A_203, %max3A_209 : vector<16xf32>
        %exp3A_223 = math.exp %sub3A_222 : vector<16xf32>
        %add3A_224 = arith.addf %exp3A, %exp3A_211 : vector<16xf32>
        %add3A_225 = arith.addf %add3A_224, %exp3A_213 : vector<16xf32>
        %add3A_226 = arith.addf %add3A_225, %exp3A_215 : vector<16xf32>
        %add3A_227 = arith.addf %add3A_226, %exp3A_217 : vector<16xf32>
        %add3A_228 = arith.addf %add3A_227, %exp3A_219 : vector<16xf32>
        %add3A_229 = arith.addf %add3A_228, %exp3A_221 : vector<16xf32>
        %add3A_230 = arith.addf %add3A_229, %exp3A_223 : vector<16xf32>
        %div3A = arith.constant 1.000000e+00 : f32
        %div3A_231 = vector.broadcast %div3A : f32 to vector<16xf32>
        %div3A_232 = arith.divf %div3A_231, %add3A_230 : vector<16xf32>
        %mul3A_233 = arith.mulf %exp3A, %div3A_232 : vector<16xf32>
        %swap3A = arith.constant 0 : i32
        %swap3A_234 = arith.index_cast %swap3A : i32 to index
        %swap3A_235 = arith.constant 0 : index
        %swap3A_236 = tpu.vector_load %arg24[%swap3A_234, %swap3A_235] {strides = array<i32>} : memref<8x32xf32, #tpu.memory_space<vmem>>, vector<16xf32>,
        tpu.vector_store %arg24[%swap3A_234, %swap3A_235], %mul3A_233 {strides = array<i32>} : memref<8x32xf32, #tpu.memory_space<vmem>>, vector<16xf32>,
        %mul3A_237 = arith.mulf %exp3A_211, %div3A_232 : vector<16xf32>
        %swap3A_238 = arith.constant 1 : i32
        %swap3A_239 = arith.index_cast %swap3A_238 : i32 to index
        %swap3A_240 = arith.constant 0 : index
        %swap3A_241 = tpu.vector_load %arg24[%swap3A_239, %swap3A_240] {strides = array<i32>} : memref<8x32xf32, #tpu.memory_space<vmem>>, vector<16xf32>,
        tpu.vector_store %arg24[%swap3A_239, %swap3A_240], %mul3A_237 {strides = array<i32>} : memref<8x32xf32, #tpu.memory_space<vmem>>, vector<16xf32>,
        %mul3A_242 = arith.mulf %exp3A_213, %div3A_232 : vector<16xf32>
        %swap3A_243 = arith.constant 2 : i32
        %swap3A_244 = arith.index_cast %swap3A_243 : i32 to index
        %swap3A_245 = arith.constant 0 : index
        %swap3A_246 = tpu.vector_load %arg24[%swap3A_244, %swap3A_245] {strides = array<i32>} : memref<8x32xf32, #tpu.memory_space<vmem>>, vector<16xf32>,
        tpu.vector_store %arg24[%swap3A_244, %swap3A_245], %mul3A_242 {strides = array<i32>} : memref<8x32xf32, #tpu.memory_space<vmem>>, vector<16xf32>,
        %mul3A_247 = arith.mulf %exp3A_215, %div3A_232 : vector<16xf32>
        %swap3A_248 = arith.constant 3 : i32
        %swap3A_249 = arith.index_cast %swap3A_248 : i32 to index
        %swap3A_250 = arith.constant 0 : index
        %swap3A_251 = tpu.vector_load %arg24[%swap3A_249, %swap3A_250] {strides = array<i32>} : memref<8x32xf32, #tpu.memory_space<vmem>>, vector<16xf32>,
        tpu.vector_store %arg24[%swap3A_249, %swap3A_250], %mul3A_247 {strides = array<i32>} : memref<8x32xf32, #tpu.memory_space<vmem>>, vector<16xf32>,
        %mul3A_252 = arith.mulf %exp3A_217, %div3A_232 : vector<16xf32>
        %swap3A_253 = arith.constant 4 : i32
        %swap3A_254 = arith.index_cast %swap3A_253 : i32 to index
        %swap3A_255 = arith.constant 0 : index
        %swap3A_256 = tpu.vector_load %arg24[%swap3A_254, %swap3A_255] {strides = array<i32>} : memref<8x32xf32, #tpu.memory_space<vmem>>, vector<16xf32>,
        tpu.vector_store %arg24[%swap3A_254, %swap3A_255], %mul3A_252 {strides = array<i32>} : memref<8x32xf32, #tpu.memory_space<vmem>>, vector<16xf32>,
        %mul3A_257 = arith.mulf %exp3A_219, %div3A_232 : vector<16xf32>
        %swap3A_258 = arith.constant 5 : i32
        %swap3A_259 = arith.index_cast %swap3A_258 : i32 to index
        %swap3A_260 = arith.constant 0 : index
        %swap3A_261 = tpu.vector_load %arg24[%swap3A_259, %swap3A_260] {strides = array<i32>} : memref<8x32xf32, #tpu.memory_space<vmem>>, vector<16xf32>,
        tpu.vector_store %arg24[%swap3A_259, %swap3A_260], %mul3A_257 {strides = array<i32>} : memref<8x32xf32, #tpu.memory_space<vmem>>, vector<16xf32>,
        %mul3A_262 = arith.mulf %exp3A_221, %div3A_232 : vector<16xf32>
        %swap3A_263 = arith.constant 6 : i32
        %swap3A_264 = arith.index_cast %swap3A_263 : i32 to index
        %swap3A_265 = arith.constant 0 : index
        %swap3A_266 = tpu.vector_load %arg24[%swap3A_264, %swap3A_265] {strides = array<i32>} : memref<8x32xf32, #tpu.memory_space<vmem>>, vector<16xf32>,
        tpu.vector_store %arg24[%swap3A_264, %swap3A_265], %mul3A_262 {strides = array<i32>} : memref<8x32xf32, #tpu.memory_space<vmem>>, vector<16xf32>,
        %mul3A_267 = arith.mulf %exp3A_223, %div3A_232 : vector<16xf32>
        %swap3A_268 = arith.constant 7 : i32
        %swap3A_269 = arith.index_cast %swap3A_268 : i32 to index
        %swap3A_270 = arith.constant 0 : index
        %swap3A_271 = tpu.vector_load %arg24[%swap3A_269, %swap3A_270] {strides = array<i32>} : memref<8x32xf32, #tpu.memory_space<vmem>>, vector<16xf32>,
        tpu.vector_store %arg24[%swap3A_269, %swap3A_270], %mul3A_267 {strides = array<i32>} : memref<8x32xf32, #tpu.memory_space<vmem>>, vector<16xf32>,
        %mul3A_272 = arith.constant 16 : i32
        %mul3A_273 = arith.muli %add3A_71, %mul3A_272 : i32
        %get3A_274 = arith.index_cast %mul3A_273 : i32 to index
        %get3A_275 = tpu.vector_load %arg15[%get3A_274] {strides = array<i32>} : memref<1568xf32, #tpu.memory_space<vmem>>, vector<16xf32>,
        %iota3A_276 = tpu.iota {dimensions = array<i32: 0>} : vector<16xi32>
        %mul3A_277 = arith.constant 4 : i32
        %mul3A_278 = vector.broadcast %mul3A_277 : i32 to vector<16xi32>
        %mul3A_279 = arith.muli %iota3A_276, %mul3A_278 : vector<16xi32>
        %add3A_280 = arith.constant 0 : i32
        %add3A_281 = vector.broadcast %add3A_280 : i32 to vector<16xi32>
        %add3A_282 = arith.addi %mul3A_279, %add3A_281 : vector<16xi32>
        %gather3A_283 = tpu.vector_load_idx %arg23[%add3A_282] : memref<64xf32, #tpu.memory_space<vmem>>[vector<16xi32>], vector<16xf32>,
        %add3A_284 = arith.addf %get3A_275, %gather3A_283 : vector<16xf32>
        %gt3A_285 = arith.constant 0.000000e+00 : f32
        %gt3A_286 = vector.broadcast %gt3A_285 : f32 to vector<16xf32>
        %gt3A_287 = arith.cmpf ogt, %add3A_284, %gt3A_286 : vector<16xf32>
        %mul3A_288 = arith.constant 0.00999999977 : f32
        %mul3A_289 = vector.broadcast %mul3A_288 : f32 to vector<16xf32>
        %mul3A_290 = arith.mulf %mul3A_289, %add3A_284 : vector<16xf32>
        %select_n3A_291 = arith.select %gt3A_287, %add3A_284, %mul3A_290 : vector<16xi1>, vector<16xf32>
        %add3A_292 = arith.constant 1 : i32
        %add3A_293 = vector.broadcast %add3A_292 : i32 to vector<16xi32>
        %add3A_294 = arith.addi %mul3A_279, %add3A_293 : vector<16xi32>
        %gather3A_295 = tpu.vector_load_idx %arg23[%add3A_294] : memref<64xf32, #tpu.memory_space<vmem>>[vector<16xi32>], vector<16xf32>,
        %add3A_296 = arith.addf %get3A_275, %gather3A_295 : vector<16xf32>
        %gt3A_297 = arith.constant 0.000000e+00 : f32
        %gt3A_298 = vector.broadcast %gt3A_297 : f32 to vector<16xf32>
        %gt3A_299 = arith.cmpf ogt, %add3A_296, %gt3A_298 : vector<16xf32>
        %mul3A_300 = arith.constant 0.00999999977 : f32
        %mul3A_301 = vector.broadcast %mul3A_300 : f32 to vector<16xf32>
        %mul3A_302 = arith.mulf %mul3A_301, %add3A_296 : vector<16xf32>
        %select_n3A_303 = arith.select %gt3A_299, %add3A_296, %mul3A_302 : vector<16xi1>, vector<16xf32>
        %add3A_304 = arith.constant 2 : i32
        %add3A_305 = vector.broadcast %add3A_304 : i32 to vector<16xi32>
        %add3A_306 = arith.addi %mul3A_279, %add3A_305 : vector<16xi32>
        %gather3A_307 = tpu.vector_load_idx %arg23[%add3A_306] : memref<64xf32, #tpu.memory_space<vmem>>[vector<16xi32>], vector<16xf32>,
        %add3A_308 = arith.addf %get3A_275, %gather3A_307 : vector<16xf32>
        %gt3A_309 = arith.constant 0.000000e+00 : f32
        %gt3A_310 = vector.broadcast %gt3A_309 : f32 to vector<16xf32>
        %gt3A_311 = arith.cmpf ogt, %add3A_308, %gt3A_310 : vector<16xf32>
        %mul3A_312 = arith.constant 0.00999999977 : f32
        %mul3A_313 = vector.broadcast %mul3A_312 : f32 to vector<16xf32>
        %mul3A_314 = arith.mulf %mul3A_313, %add3A_308 : vector<16xf32>
        %select_n3A_315 = arith.select %gt3A_311, %add3A_308, %mul3A_314 : vector<16xi1>, vector<16xf32>
        %add3A_316 = arith.constant 3 : i32
        %add3A_317 = vector.broadcast %add3A_316 : i32 to vector<16xi32>
        %add3A_318 = arith.addi %mul3A_279, %add3A_317 : vector<16xi32>
        %gather3A_319 = tpu.vector_load_idx %arg23[%add3A_318] : memref<64xf32, #tpu.memory_space<vmem>>[vector<16xi32>], vector<16xf32>,
        %add3A_320 = arith.addf %get3A_275, %gather3A_319 : vector<16xf32>
        %gt3A_321 = arith.constant 0.000000e+00 : f32
        %gt3A_322 = vector.broadcast %gt3A_321 : f32 to vector<16xf32>
        %gt3A_323 = arith.cmpf ogt, %add3A_320, %gt3A_322 : vector<16xf32>
        %mul3A_324 = arith.constant 0.00999999977 : f32
        %mul3A_325 = vector.broadcast %mul3A_324 : f32 to vector<16xf32>
        %mul3A_326 = arith.mulf %mul3A_325, %add3A_320 : vector<16xf32>
        %select_n3A_327 = arith.select %gt3A_323, %add3A_320, %mul3A_326 : vector<16xi1>, vector<16xf32>
        %max3A_328 = arith.maximumf %select_n3A_291, %select_n3A_303 : vector<16xf32>
        %max3A_329 = arith.maximumf %max3A_328, %select_n3A_315 : vector<16xf32>
        %max3A_330 = arith.maximumf %max3A_329, %select_n3A_327 : vector<16xf32>
        %sub3A_331 = arith.subf %select_n3A_291, %max3A_330 : vector<16xf32>
        %exp3A_332 = math.exp %sub3A_331 : vector<16xf32>
        %sub3A_333 = arith.subf %select_n3A_303, %max3A_330 : vector<16xf32>
        %exp3A_334 = math.exp %sub3A_333 : vector<16xf32>
        %sub3A_335 = arith.subf %select_n3A_315, %max3A_330 : vector<16xf32>
        %exp3A_336 = math.exp %sub3A_335 : vector<16xf32>
        %sub3A_337 = arith.subf %select_n3A_327, %max3A_330 : vector<16xf32>
        %exp3A_338 = math.exp %sub3A_337 : vector<16xf32>
        %add3A_339 = arith.addf %exp3A_332, %exp3A_334 : vector<16xf32>
        %add3A_340 = arith.addf %add3A_339, %exp3A_336 : vector<16xf32>
        %add3A_341 = arith.addf %add3A_340, %exp3A_338 : vector<16xf32>
        %div3A_342 = arith.constant 1.000000e+00 : f32
        %div3A_343 = vector.broadcast %div3A_342 : f32 to vector<16xf32>
        %div3A_344 = arith.divf %div3A_343, %add3A_341 : vector<16xf32>
        %mul3A_345 = arith.mulf %exp3A_332, %div3A_344 : vector<16xf32>
        %swap3A_346 = arith.constant 0 : i32
        %swap3A_347 = arith.index_cast %swap3A_346 : i32 to index
        %swap3A_348 = arith.constant 0 : index
        %swap3A_349 = tpu.vector_load %arg25[%swap3A_347, %swap3A_348] {strides = array<i32>} : memref<4x32xf32, #tpu.memory_space<vmem>>, vector<16xf32>,
        tpu.vector_store %arg25[%swap3A_347, %swap3A_348], %mul3A_345 {strides = array<i32>} : memref<4x32xf32, #tpu.memory_space<vmem>>, vector<16xf32>,
        %mul3A_350 = arith.mulf %exp3A_334, %div3A_344 : vector<16xf32>
        %swap3A_351 = arith.constant 1 : i32
        %swap3A_352 = arith.index_cast %swap3A_351 : i32 to index
        %swap3A_353 = arith.constant 0 : index
        %swap3A_354 = tpu.vector_load %arg25[%swap3A_352, %swap3A_353] {strides = array<i32>} : memref<4x32xf32, #tpu.memory_space<vmem>>, vector<16xf32>,
        tpu.vector_store %arg25[%swap3A_352, %swap3A_353], %mul3A_350 {strides = array<i32>} : memref<4x32xf32, #tpu.memory_space<vmem>>, vector<16xf32>,
        %mul3A_355 = arith.mulf %exp3A_336, %div3A_344 : vector<16xf32>
        %swap3A_356 = arith.constant 2 : i32
        %swap3A_357 = arith.index_cast %swap3A_356 : i32 to index
        %swap3A_358 = arith.constant 0 : index
        %swap3A_359 = tpu.vector_load %arg25[%swap3A_357, %swap3A_358] {strides = array<i32>} : memref<4x32xf32, #tpu.memory_space<vmem>>, vector<16xf32>,
        tpu.vector_store %arg25[%swap3A_357, %swap3A_358], %mul3A_355 {strides = array<i32>} : memref<4x32xf32, #tpu.memory_space<vmem>>, vector<16xf32>,
        %mul3A_360 = arith.mulf %exp3A_338, %div3A_344 : vector<16xf32>
        %swap3A_361 = arith.constant 3 : i32
        %swap3A_362 = arith.index_cast %swap3A_361 : i32 to index
        %swap3A_363 = arith.constant 0 : index
        %swap3A_364 = tpu.vector_load %arg25[%swap3A_362, %swap3A_363] {strides = array<i32>} : memref<4x32xf32, #tpu.memory_space<vmem>>, vector<16xf32>,
        tpu.vector_store %arg25[%swap3A_362, %swap3A_363], %mul3A_360 {strides = array<i32>} : memref<4x32xf32, #tpu.memory_space<vmem>>, vector<16xf32>,
        %ge3A = arith.constant 2 : i32
        %ge3A_365 = arith.cmpi sge, %add3A_71, %ge3A : i32
        %convert_element_type3A_366 = arith.extui %ge3A_365 : i1 to i32
        %cond3A_367 = arith.constant 0 : i32
        %cond3A_368 = arith.cmpi ne, %convert_element_type3A_366, %cond3A_367 : i32
        scf.if %cond3A_368 {
          %sub3A_386 = arith.constant 2 : i32
          %sub3A_387 = arith.subi %add3A_71, %sub3A_386 : i32
          %mul3A_388 = arith.constant 16 : i32
          %mul3A_389 = arith.muli %sub3A_387, %mul3A_388 : i32
          %add3A_390 = arith.addi %mul3A_2, %mul3A_389 : i32
          %dma_wait3A_391 = arith.constant 0 : i32
          %dma_wait3A_392 = tpu.memref_slice %arg10[%add3A_390, %dma_wait3A_391] : memref<50000x128xf32, #tpu.memory_space<hbm>> -> memref<16x128xf32, #tpu.memory_space<hbm>>
          %dma_wait3A_393 = arith.constant 0 : i32
          %dma_wait3A_394 = tpu.memref_slice %arg10[%add3A_390, %dma_wait3A_393] : memref<50000x128xf32, #tpu.memory_space<hbm>> -> memref<16x128xf32, #tpu.memory_space<hbm>>
          tpu.wait_dma2 semaphore(%arg33 : memref<!tpu.dma_semaphore, #tpu.memory_space<semaphore_mem>>) src(%arg27 : memref<16x128xf32, #tpu.memory_space<vmem>>) dst(%dma_wait3A_394 : memref<16x128xf32, #tpu.memory_space<hbm>>)
          %dma_wait3A_395 = arith.constant 0 : i32
          %dma_wait3A_396 = tpu.memref_slice %arg11[%add3A_390, %dma_wait3A_395] : memref<50000x128xf32, #tpu.memory_space<hbm>> -> memref<16x128xf32, #tpu.memory_space<hbm>>
          %dma_wait3A_397 = arith.constant 0 : i32
          %dma_wait3A_398 = tpu.memref_slice %arg11[%add3A_390, %dma_wait3A_397] : memref<50000x128xf32, #tpu.memory_space<hbm>> -> memref<16x128xf32, #tpu.memory_space<hbm>>
          tpu.wait_dma2 semaphore(%arg33 : memref<!tpu.dma_semaphore, #tpu.memory_space<semaphore_mem>>) src(%arg29 : memref<16x128xf32, #tpu.memory_space<vmem>>) dst(%dma_wait3A_398 : memref<16x128xf32, #tpu.memory_space<hbm>>)
        } else {
        }
        %scan3A_369 = arith.constant 0 : i32
        %scan3A_370 = arith.constant 0 : i32
        %scan3A_371 = arith.constant 16 : i32
        %scan3A_372 = arith.addi %scan3A_370, %scan3A_371 : i32
        %scan3A_373 = arith.constant 1 : i32
        scf.for %scan3A_386 = %scan3A_370 to %scan3A_372 step %scan3A_373  : i32 {
          %broadcast_in_dim3A = arith.constant 0.000000e+00 : f32
          %broadcast_in_dim3A_387 = vector.broadcast %broadcast_in_dim3A : f32 to vector<16xf32>
          %broadcast_in_dim3A_388 = arith.constant 0.000000e+00 : f32
          %broadcast_in_dim3A_389 = vector.broadcast %broadcast_in_dim3A_388 : f32 to vector<16xf32>
          %broadcast_in_dim3A_390 = arith.constant 0.000000e+00 : f32
          %broadcast_in_dim3A_391 = vector.broadcast %broadcast_in_dim3A_390 : f32 to vector<16xf32>
          %broadcast_in_dim3A_392 = arith.constant 0.000000e+00 : f32
          %broadcast_in_dim3A_393 = vector.broadcast %broadcast_in_dim3A_392 : f32 to vector<16xf32>
          %broadcast_in_dim3A_394 = arith.constant 0.000000e+00 : f32
          %broadcast_in_dim3A_395 = vector.broadcast %broadcast_in_dim3A_394 : f32 to vector<16xf32>
          %broadcast_in_dim3A_396 = arith.constant 0.000000e+00 : f32
          %broadcast_in_dim3A_397 = vector.broadcast %broadcast_in_dim3A_396 : f32 to vector<16xf32>
          %broadcast_in_dim3A_398 = arith.constant 0.000000e+00 : f32
          %broadcast_in_dim3A_399 = vector.broadcast %broadcast_in_dim3A_398 : f32 to vector<16xf32>
          %broadcast_in_dim3A_400 = arith.constant 0.000000e+00 : f32
          %broadcast_in_dim3A_401 = vector.broadcast %broadcast_in_dim3A_400 : f32 to vector<16xf32>
          %get3A_402 = arith.constant 0 : i32
          %get3A_403 = arith.index_cast %get3A_402 : i32 to index
          %get3A_404 = arith.index_cast %scan3A_386 : i32 to index
          %get3A_405 = tpu.vector_load %arg24[%get3A_403, %get3A_404] {strides = array<i32>} : memref<8x32xf32, #tpu.memory_space<vmem>>, vector<16xf32>,
          %slice3A = vector.extract_strided_slice %get3A_405 {offsets = [0], sizes = [1], strides = [1]} : vector<16xf32> to vector<1xf32>
          %squeeze3A = vector.extract %slice3A[0] : f32 from vector<1xf32>
          %mul3A_406 = arith.constant 8 : i32
          %mul3A_407 = arith.muli %scan3A_386, %mul3A_406 : i32
          %add3A_408 = arith.constant 0 : i32
          %add3A_409 = arith.addi %mul3A_407, %add3A_408 : i32
          %get3A_410 = arith.index_cast %add3A_409 : i32 to index
          %get3A_411 = arith.constant 0 : index
          %get3A_412 = tpu.vector_load %arg17[%get3A_410, %get3A_411] {strides = array<i32>} : memref<128x128xf32, #tpu.memory_space<vmem>>, vector<16xf32>,
          %mul3A_413 = vector.broadcast %squeeze3A : f32 to vector<16xf32>
          %mul3A_414 = arith.mulf %mul3A_413, %get3A_412 : vector<16xf32>
          %add3A_415 = arith.addf %broadcast_in_dim3A_387, %mul3A_414 : vector<16xf32>
          %mul3A_416 = arith.constant 8 : i32
          %mul3A_417 = arith.muli %scan3A_386, %mul3A_416 : i32
          %add3A_418 = arith.constant 0 : i32
          %add3A_419 = arith.addi %mul3A_417, %add3A_418 : i32
          %get3A_420 = arith.index_cast %add3A_419 : i32 to index
          %get3A_421 = arith.constant 16 : index
          %get3A_422 = tpu.vector_load %arg17[%get3A_420, %get3A_421] {strides = array<i32>} : memref<128x128xf32, #tpu.memory_space<vmem>>, vector<16xf32>,
          %mul3A_423 = vector.broadcast %squeeze3A : f32 to vector<16xf32>
          %mul3A_424 = arith.mulf %mul3A_423, %get3A_422 : vector<16xf32>
          %add3A_425 = arith.addf %broadcast_in_dim3A_389, %mul3A_424 : vector<16xf32>
          %mul3A_426 = arith.constant 8 : i32
          %mul3A_427 = arith.muli %scan3A_386, %mul3A_426 : i32
          %add3A_428 = arith.constant 0 : i32
          %add3A_429 = arith.addi %mul3A_427, %add3A_428 : i32
          %get3A_430 = arith.index_cast %add3A_429 : i32 to index
          %get3A_431 = arith.constant 32 : index
          %get3A_432 = tpu.vector_load %arg17[%get3A_430, %get3A_431] {strides = array<i32>} : memref<128x128xf32, #tpu.memory_space<vmem>>, vector<16xf32>,
          %mul3A_433 = vector.broadcast %squeeze3A : f32 to vector<16xf32>
          %mul3A_434 = arith.mulf %mul3A_433, %get3A_432 : vector<16xf32>
          %add3A_435 = arith.addf %broadcast_in_dim3A_391, %mul3A_434 : vector<16xf32>
          %mul3A_436 = arith.constant 8 : i32
          %mul3A_437 = arith.muli %scan3A_386, %mul3A_436 : i32
          %add3A_438 = arith.constant 0 : i32
          %add3A_439 = arith.addi %mul3A_437, %add3A_438 : i32
          %get3A_440 = arith.index_cast %add3A_439 : i32 to index
          %get3A_441 = arith.constant 48 : index
          %get3A_442 = tpu.vector_load %arg17[%get3A_440, %get3A_441] {strides = array<i32>} : memref<128x128xf32, #tpu.memory_space<vmem>>, vector<16xf32>,
          %mul3A_443 = vector.broadcast %squeeze3A : f32 to vector<16xf32>
          %mul3A_444 = arith.mulf %mul3A_443, %get3A_442 : vector<16xf32>
          %add3A_445 = arith.addf %broadcast_in_dim3A_393, %mul3A_444 : vector<16xf32>
          %mul3A_446 = arith.constant 8 : i32
          %mul3A_447 = arith.muli %scan3A_386, %mul3A_446 : i32
          %add3A_448 = arith.constant 0 : i32
          %add3A_449 = arith.addi %mul3A_447, %add3A_448 : i32
          %get3A_450 = arith.index_cast %add3A_449 : i32 to index
          %get3A_451 = arith.constant 64 : index
          %get3A_452 = tpu.vector_load %arg17[%get3A_450, %get3A_451] {strides = array<i32>} : memref<128x128xf32, #tpu.memory_space<vmem>>, vector<16xf32>,
          %mul3A_453 = vector.broadcast %squeeze3A : f32 to vector<16xf32>
          %mul3A_454 = arith.mulf %mul3A_453, %get3A_452 : vector<16xf32>
          %add3A_455 = arith.addf %broadcast_in_dim3A_395, %mul3A_454 : vector<16xf32>
          %mul3A_456 = arith.constant 8 : i32
          %mul3A_457 = arith.muli %scan3A_386, %mul3A_456 : i32
          %add3A_458 = arith.constant 0 : i32
          %add3A_459 = arith.addi %mul3A_457, %add3A_458 : i32
          %get3A_460 = arith.index_cast %add3A_459 : i32 to index
          %get3A_461 = arith.constant 80 : index
          %get3A_462 = tpu.vector_load %arg17[%get3A_460, %get3A_461] {strides = array<i32>} : memref<128x128xf32, #tpu.memory_space<vmem>>, vector<16xf32>,
          %mul3A_463 = vector.broadcast %squeeze3A : f32 to vector<16xf32>
          %mul3A_464 = arith.mulf %mul3A_463, %get3A_462 : vector<16xf32>
          %add3A_465 = arith.addf %broadcast_in_dim3A_397, %mul3A_464 : vector<16xf32>
          %mul3A_466 = arith.constant 8 : i32
          %mul3A_467 = arith.muli %scan3A_386, %mul3A_466 : i32
          %add3A_468 = arith.constant 0 : i32
          %add3A_469 = arith.addi %mul3A_467, %add3A_468 : i32
          %get3A_470 = arith.index_cast %add3A_469 : i32 to index
          %get3A_471 = arith.constant 96 : index
          %get3A_472 = tpu.vector_load %arg17[%get3A_470, %get3A_471] {strides = array<i32>} : memref<128x128xf32, #tpu.memory_space<vmem>>, vector<16xf32>,
          %mul3A_473 = vector.broadcast %squeeze3A : f32 to vector<16xf32>
          %mul3A_474 = arith.mulf %mul3A_473, %get3A_472 : vector<16xf32>
          %add3A_475 = arith.addf %broadcast_in_dim3A_399, %mul3A_474 : vector<16xf32>
          %mul3A_476 = arith.constant 8 : i32
          %mul3A_477 = arith.muli %scan3A_386, %mul3A_476 : i32
          %add3A_478 = arith.constant 0 : i32
          %add3A_479 = arith.addi %mul3A_477, %add3A_478 : i32
          %get3A_480 = arith.index_cast %add3A_479 : i32 to index
          %get3A_481 = arith.constant 112 : index
          %get3A_482 = tpu.vector_load %arg17[%get3A_480, %get3A_481] {strides = array<i32>} : memref<128x128xf32, #tpu.memory_space<vmem>>, vector<16xf32>,
          %mul3A_483 = vector.broadcast %squeeze3A : f32 to vector<16xf32>
          %mul3A_484 = arith.mulf %mul3A_483, %get3A_482 : vector<16xf32>
          %add3A_485 = arith.addf %broadcast_in_dim3A_401, %mul3A_484 : vector<16xf32>
          %get3A_486 = arith.constant 1 : i32
          %get3A_487 = arith.index_cast %get3A_486 : i32 to index
          %get3A_488 = arith.index_cast %scan3A_386 : i32 to index
          %get3A_489 = tpu.vector_load %arg24[%get3A_487, %get3A_488] {strides = array<i32>} : memref<8x32xf32, #tpu.memory_space<vmem>>, vector<16xf32>,
          %slice3A_490 = vector.extract_strided_slice %get3A_489 {offsets = [0], sizes = [1], strides = [1]} : vector<16xf32> to vector<1xf32>
          %squeeze3A_491 = vector.extract %slice3A_490[0] : f32 from vector<1xf32>
          %mul3A_492 = arith.constant 8 : i32
          %mul3A_493 = arith.muli %scan3A_386, %mul3A_492 : i32
          %add3A_494 = arith.constant 1 : i32
          %add3A_495 = arith.addi %mul3A_493, %add3A_494 : i32
          %get3A_496 = arith.index_cast %add3A_495 : i32 to index
          %get3A_497 = arith.constant 0 : index
          %get3A_498 = tpu.vector_load %arg17[%get3A_496, %get3A_497] {strides = array<i32>} : memref<128x128xf32, #tpu.memory_space<vmem>>, vector<16xf32>,
          %mul3A_499 = vector.broadcast %squeeze3A_491 : f32 to vector<16xf32>
          %mul3A_500 = arith.mulf %mul3A_499, %get3A_498 : vector<16xf32>
          %add3A_501 = arith.addf %add3A_415, %mul3A_500 : vector<16xf32>
          %mul3A_502 = arith.constant 8 : i32
          %mul3A_503 = arith.muli %scan3A_386, %mul3A_502 : i32
          %add3A_504 = arith.constant 1 : i32
          %add3A_505 = arith.addi %mul3A_503, %add3A_504 : i32
          %get3A_506 = arith.index_cast %add3A_505 : i32 to index
          %get3A_507 = arith.constant 16 : index
          %get3A_508 = tpu.vector_load %arg17[%get3A_506, %get3A_507] {strides = array<i32>} : memref<128x128xf32, #tpu.memory_space<vmem>>, vector<16xf32>,
          %mul3A_509 = vector.broadcast %squeeze3A_491 : f32 to vector<16xf32>
          %mul3A_510 = arith.mulf %mul3A_509, %get3A_508 : vector<16xf32>
          %add3A_511 = arith.addf %add3A_425, %mul3A_510 : vector<16xf32>
          %mul3A_512 = arith.constant 8 : i32
          %mul3A_513 = arith.muli %scan3A_386, %mul3A_512 : i32
          %add3A_514 = arith.constant 1 : i32
          %add3A_515 = arith.addi %mul3A_513, %add3A_514 : i32
          %get3A_516 = arith.index_cast %add3A_515 : i32 to index
          %get3A_517 = arith.constant 32 : index
          %get3A_518 = tpu.vector_load %arg17[%get3A_516, %get3A_517] {strides = array<i32>} : memref<128x128xf32, #tpu.memory_space<vmem>>, vector<16xf32>,
          %mul3A_519 = vector.broadcast %squeeze3A_491 : f32 to vector<16xf32>
          %mul3A_520 = arith.mulf %mul3A_519, %get3A_518 : vector<16xf32>
          %add3A_521 = arith.addf %add3A_435, %mul3A_520 : vector<16xf32>
          %mul3A_522 = arith.constant 8 : i32
          %mul3A_523 = arith.muli %scan3A_386, %mul3A_522 : i32
          %add3A_524 = arith.constant 1 : i32
          %add3A_525 = arith.addi %mul3A_523, %add3A_524 : i32
          %get3A_526 = arith.index_cast %add3A_525 : i32 to index
          %get3A_527 = arith.constant 48 : index
          %get3A_528 = tpu.vector_load %arg17[%get3A_526, %get3A_527] {strides = array<i32>} : memref<128x128xf32, #tpu.memory_space<vmem>>, vector<16xf32>,
          %mul3A_529 = vector.broadcast %squeeze3A_491 : f32 to vector<16xf32>
          %mul3A_530 = arith.mulf %mul3A_529, %get3A_528 : vector<16xf32>
          %add3A_531 = arith.addf %add3A_445, %mul3A_530 : vector<16xf32>
          %mul3A_532 = arith.constant 8 : i32
          %mul3A_533 = arith.muli %scan3A_386, %mul3A_532 : i32
          %add3A_534 = arith.constant 1 : i32
          %add3A_535 = arith.addi %mul3A_533, %add3A_534 : i32
          %get3A_536 = arith.index_cast %add3A_535 : i32 to index
          %get3A_537 = arith.constant 64 : index
          %get3A_538 = tpu.vector_load %arg17[%get3A_536, %get3A_537] {strides = array<i32>} : memref<128x128xf32, #tpu.memory_space<vmem>>, vector<16xf32>,
          %mul3A_539 = vector.broadcast %squeeze3A_491 : f32 to vector<16xf32>
          %mul3A_540 = arith.mulf %mul3A_539, %get3A_538 : vector<16xf32>
          %add3A_541 = arith.addf %add3A_455, %mul3A_540 : vector<16xf32>
          %mul3A_542 = arith.constant 8 : i32
          %mul3A_543 = arith.muli %scan3A_386, %mul3A_542 : i32
          %add3A_544 = arith.constant 1 : i32
          %add3A_545 = arith.addi %mul3A_543, %add3A_544 : i32
          %get3A_546 = arith.index_cast %add3A_545 : i32 to index
          %get3A_547 = arith.constant 80 : index
          %get3A_548 = tpu.vector_load %arg17[%get3A_546, %get3A_547] {strides = array<i32>} : memref<128x128xf32, #tpu.memory_space<vmem>>, vector<16xf32>,
          %mul3A_549 = vector.broadcast %squeeze3A_491 : f32 to vector<16xf32>
          %mul3A_550 = arith.mulf %mul3A_549, %get3A_548 : vector<16xf32>
          %add3A_551 = arith.addf %add3A_465, %mul3A_550 : vector<16xf32>
          %mul3A_552 = arith.constant 8 : i32
          %mul3A_553 = arith.muli %scan3A_386, %mul3A_552 : i32
          %add3A_554 = arith.constant 1 : i32
          %add3A_555 = arith.addi %mul3A_553, %add3A_554 : i32
          %get3A_556 = arith.index_cast %add3A_555 : i32 to index
          %get3A_557 = arith.constant 96 : index
          %get3A_558 = tpu.vector_load %arg17[%get3A_556, %get3A_557] {strides = array<i32>} : memref<128x128xf32, #tpu.memory_space<vmem>>, vector<16xf32>,
          %mul3A_559 = vector.broadcast %squeeze3A_491 : f32 to vector<16xf32>
          %mul3A_560 = arith.mulf %mul3A_559, %get3A_558 : vector<16xf32>
          %add3A_561 = arith.addf %add3A_475, %mul3A_560 : vector<16xf32>
          %mul3A_562 = arith.constant 8 : i32
          %mul3A_563 = arith.muli %scan3A_386, %mul3A_562 : i32
          %add3A_564 = arith.constant 1 : i32
          %add3A_565 = arith.addi %mul3A_563, %add3A_564 : i32
          %get3A_566 = arith.index_cast %add3A_565 : i32 to index
          %get3A_567 = arith.constant 112 : index
          %get3A_568 = tpu.vector_load %arg17[%get3A_566, %get3A_567] {strides = array<i32>} : memref<128x128xf32, #tpu.memory_space<vmem>>, vector<16xf32>,
          %mul3A_569 = vector.broadcast %squeeze3A_491 : f32 to vector<16xf32>
          %mul3A_570 = arith.mulf %mul3A_569, %get3A_568 : vector<16xf32>
          %add3A_571 = arith.addf %add3A_485, %mul3A_570 : vector<16xf32>
          %get3A_572 = arith.constant 2 : i32
          %get3A_573 = arith.index_cast %get3A_572 : i32 to index
          %get3A_574 = arith.index_cast %scan3A_386 : i32 to index
          %get3A_575 = tpu.vector_load %arg24[%get3A_573, %get3A_574] {strides = array<i32>} : memref<8x32xf32, #tpu.memory_space<vmem>>, vector<16xf32>,
          %slice3A_576 = vector.extract_strided_slice %get3A_575 {offsets = [0], sizes = [1], strides = [1]} : vector<16xf32> to vector<1xf32>
          %squeeze3A_577 = vector.extract %slice3A_576[0] : f32 from vector<1xf32>
          %mul3A_578 = arith.constant 8 : i32
          %mul3A_579 = arith.muli %scan3A_386, %mul3A_578 : i32
          %add3A_580 = arith.constant 2 : i32
          %add3A_581 = arith.addi %mul3A_579, %add3A_580 : i32
          %get3A_582 = arith.index_cast %add3A_581 : i32 to index
          %get3A_583 = arith.constant 0 : index
          %get3A_584 = tpu.vector_load %arg17[%get3A_582, %get3A_583] {strides = array<i32>} : memref<128x128xf32, #tpu.memory_space<vmem>>, vector<16xf32>,
          %mul3A_585 = vector.broadcast %squeeze3A_577 : f32 to vector<16xf32>
          %mul3A_586 = arith.mulf %mul3A_585, %get3A_584 : vector<16xf32>
          %add3A_587 = arith.addf %add3A_501, %mul3A_586 : vector<16xf32>
          %mul3A_588 = arith.constant 8 : i32
          %mul3A_589 = arith.muli %scan3A_386, %mul3A_588 : i32
          %add3A_590 = arith.constant 2 : i32
          %add3A_591 = arith.addi %mul3A_589, %add3A_590 : i32
          %get3A_592 = arith.index_cast %add3A_591 : i32 to index
          %get3A_593 = arith.constant 16 : index
          %get3A_594 = tpu.vector_load %arg17[%get3A_592, %get3A_593] {strides = array<i32>} : memref<128x128xf32, #tpu.memory_space<vmem>>, vector<16xf32>,
          %mul3A_595 = vector.broadcast %squeeze3A_577 : f32 to vector<16xf32>
          %mul3A_596 = arith.mulf %mul3A_595, %get3A_594 : vector<16xf32>
          %add3A_597 = arith.addf %add3A_511, %mul3A_596 : vector<16xf32>
          %mul3A_598 = arith.constant 8 : i32
          %mul3A_599 = arith.muli %scan3A_386, %mul3A_598 : i32
          %add3A_600 = arith.constant 2 : i32
          %add3A_601 = arith.addi %mul3A_599, %add3A_600 : i32
          %get3A_602 = arith.index_cast %add3A_601 : i32 to index
          %get3A_603 = arith.constant 32 : index
          %get3A_604 = tpu.vector_load %arg17[%get3A_602, %get3A_603] {strides = array<i32>} : memref<128x128xf32, #tpu.memory_space<vmem>>, vector<16xf32>,
          %mul3A_605 = vector.broadcast %squeeze3A_577 : f32 to vector<16xf32>
          %mul3A_606 = arith.mulf %mul3A_605, %get3A_604 : vector<16xf32>
          %add3A_607 = arith.addf %add3A_521, %mul3A_606 : vector<16xf32>
          %mul3A_608 = arith.constant 8 : i32
          %mul3A_609 = arith.muli %scan3A_386, %mul3A_608 : i32
          %add3A_610 = arith.constant 2 : i32
          %add3A_611 = arith.addi %mul3A_609, %add3A_610 : i32
          %get3A_612 = arith.index_cast %add3A_611 : i32 to index
          %get3A_613 = arith.constant 48 : index
          %get3A_614 = tpu.vector_load %arg17[%get3A_612, %get3A_613] {strides = array<i32>} : memref<128x128xf32, #tpu.memory_space<vmem>>, vector<16xf32>,
          %mul3A_615 = vector.broadcast %squeeze3A_577 : f32 to vector<16xf32>
          %mul3A_616 = arith.mulf %mul3A_615, %get3A_614 : vector<16xf32>
          %add3A_617 = arith.addf %add3A_531, %mul3A_616 : vector<16xf32>
          %mul3A_618 = arith.constant 8 : i32
          %mul3A_619 = arith.muli %scan3A_386, %mul3A_618 : i32
          %add3A_620 = arith.constant 2 : i32
          %add3A_621 = arith.addi %mul3A_619, %add3A_620 : i32
          %get3A_622 = arith.index_cast %add3A_621 : i32 to index
          %get3A_623 = arith.constant 64 : index
          %get3A_624 = tpu.vector_load %arg17[%get3A_622, %get3A_623] {strides = array<i32>} : memref<128x128xf32, #tpu.memory_space<vmem>>, vector<16xf32>,
          %mul3A_625 = vector.broadcast %squeeze3A_577 : f32 to vector<16xf32>
          %mul3A_626 = arith.mulf %mul3A_625, %get3A_624 : vector<16xf32>
          %add3A_627 = arith.addf %add3A_541, %mul3A_626 : vector<16xf32>
          %mul3A_628 = arith.constant 8 : i32
          %mul3A_629 = arith.muli %scan3A_386, %mul3A_628 : i32
          %add3A_630 = arith.constant 2 : i32
          %add3A_631 = arith.addi %mul3A_629, %add3A_630 : i32
          %get3A_632 = arith.index_cast %add3A_631 : i32 to index
          %get3A_633 = arith.constant 80 : index
          %get3A_634 = tpu.vector_load %arg17[%get3A_632, %get3A_633] {strides = array<i32>} : memref<128x128xf32, #tpu.memory_space<vmem>>, vector<16xf32>,
          %mul3A_635 = vector.broadcast %squeeze3A_577 : f32 to vector<16xf32>
          %mul3A_636 = arith.mulf %mul3A_635, %get3A_634 : vector<16xf32>
          %add3A_637 = arith.addf %add3A_551, %mul3A_636 : vector<16xf32>
          %mul3A_638 = arith.constant 8 : i32
          %mul3A_639 = arith.muli %scan3A_386, %mul3A_638 : i32
          %add3A_640 = arith.constant 2 : i32
          %add3A_641 = arith.addi %mul3A_639, %add3A_640 : i32
          %get3A_642 = arith.index_cast %add3A_641 : i32 to index
          %get3A_643 = arith.constant 96 : index
          %get3A_644 = tpu.vector_load %arg17[%get3A_642, %get3A_643] {strides = array<i32>} : memref<128x128xf32, #tpu.memory_space<vmem>>, vector<16xf32>,
          %mul3A_645 = vector.broadcast %squeeze3A_577 : f32 to vector<16xf32>
          %mul3A_646 = arith.mulf %mul3A_645, %get3A_644 : vector<16xf32>
          %add3A_647 = arith.addf %add3A_561, %mul3A_646 : vector<16xf32>
          %mul3A_648 = arith.constant 8 : i32
          %mul3A_649 = arith.muli %scan3A_386, %mul3A_648 : i32
          %add3A_650 = arith.constant 2 : i32
          %add3A_651 = arith.addi %mul3A_649, %add3A_650 : i32
          %get3A_652 = arith.index_cast %add3A_651 : i32 to index
          %get3A_653 = arith.constant 112 : index
          %get3A_654 = tpu.vector_load %arg17[%get3A_652, %get3A_653] {strides = array<i32>} : memref<128x128xf32, #tpu.memory_space<vmem>>, vector<16xf32>,
          %mul3A_655 = vector.broadcast %squeeze3A_577 : f32 to vector<16xf32>
          %mul3A_656 = arith.mulf %mul3A_655, %get3A_654 : vector<16xf32>
          %add3A_657 = arith.addf %add3A_571, %mul3A_656 : vector<16xf32>
          %get3A_658 = arith.constant 3 : i32
          %get3A_659 = arith.index_cast %get3A_658 : i32 to index
          %get3A_660 = arith.index_cast %scan3A_386 : i32 to index
          %get3A_661 = tpu.vector_load %arg24[%get3A_659, %get3A_660] {strides = array<i32>} : memref<8x32xf32, #tpu.memory_space<vmem>>, vector<16xf32>,
          %slice3A_662 = vector.extract_strided_slice %get3A_661 {offsets = [0], sizes = [1], strides = [1]} : vector<16xf32> to vector<1xf32>
          %squeeze3A_663 = vector.extract %slice3A_662[0] : f32 from vector<1xf32>
          %mul3A_664 = arith.constant 8 : i32
          %mul3A_665 = arith.muli %scan3A_386, %mul3A_664 : i32
          %add3A_666 = arith.constant 3 : i32
          %add3A_667 = arith.addi %mul3A_665, %add3A_666 : i32
          %get3A_668 = arith.index_cast %add3A_667 : i32 to index
          %get3A_669 = arith.constant 0 : index
          %get3A_670 = tpu.vector_load %arg17[%get3A_668, %get3A_669] {strides = array<i32>} : memref<128x128xf32, #tpu.memory_space<vmem>>, vector<16xf32>,
          %mul3A_671 = vector.broadcast %squeeze3A_663 : f32 to vector<16xf32>
          %mul3A_672 = arith.mulf %mul3A_671, %get3A_670 : vector<16xf32>
          %add3A_673 = arith.addf %add3A_587, %mul3A_672 : vector<16xf32>
          %mul3A_674 = arith.constant 8 : i32
          %mul3A_675 = arith.muli %scan3A_386, %mul3A_674 : i32
          %add3A_676 = arith.constant 3 : i32
          %add3A_677 = arith.addi %mul3A_675, %add3A_676 : i32
          %get3A_678 = arith.index_cast %add3A_677 : i32 to index
          %get3A_679 = arith.constant 16 : index
          %get3A_680 = tpu.vector_load %arg17[%get3A_678, %get3A_679] {strides = array<i32>} : memref<128x128xf32, #tpu.memory_space<vmem>>, vector<16xf32>,
          %mul3A_681 = vector.broadcast %squeeze3A_663 : f32 to vector<16xf32>
          %mul3A_682 = arith.mulf %mul3A_681, %get3A_680 : vector<16xf32>
          %add3A_683 = arith.addf %add3A_597, %mul3A_682 : vector<16xf32>
          %mul3A_684 = arith.constant 8 : i32
          %mul3A_685 = arith.muli %scan3A_386, %mul3A_684 : i32
          %add3A_686 = arith.constant 3 : i32
          %add3A_687 = arith.addi %mul3A_685, %add3A_686 : i32
          %get3A_688 = arith.index_cast %add3A_687 : i32 to index
          %get3A_689 = arith.constant 32 : index
          %get3A_690 = tpu.vector_load %arg17[%get3A_688, %get3A_689] {strides = array<i32>} : memref<128x128xf32, #tpu.memory_space<vmem>>, vector<16xf32>,
          %mul3A_691 = vector.broadcast %squeeze3A_663 : f32 to vector<16xf32>
          %mul3A_692 = arith.mulf %mul3A_691, %get3A_690 : vector<16xf32>
          %add3A_693 = arith.addf %add3A_607, %mul3A_692 : vector<16xf32>
          %mul3A_694 = arith.constant 8 : i32
          %mul3A_695 = arith.muli %scan3A_386, %mul3A_694 : i32
          %add3A_696 = arith.constant 3 : i32
          %add3A_697 = arith.addi %mul3A_695, %add3A_696 : i32
          %get3A_698 = arith.index_cast %add3A_697 : i32 to index
          %get3A_699 = arith.constant 48 : index
          %get3A_700 = tpu.vector_load %arg17[%get3A_698, %get3A_699] {strides = array<i32>} : memref<128x128xf32, #tpu.memory_space<vmem>>, vector<16xf32>,
          %mul3A_701 = vector.broadcast %squeeze3A_663 : f32 to vector<16xf32>
          %mul3A_702 = arith.mulf %mul3A_701, %get3A_700 : vector<16xf32>
          %add3A_703 = arith.addf %add3A_617, %mul3A_702 : vector<16xf32>
          %mul3A_704 = arith.constant 8 : i32
          %mul3A_705 = arith.muli %scan3A_386, %mul3A_704 : i32
          %add3A_706 = arith.constant 3 : i32
          %add3A_707 = arith.addi %mul3A_705, %add3A_706 : i32
          %get3A_708 = arith.index_cast %add3A_707 : i32 to index
          %get3A_709 = arith.constant 64 : index
          %get3A_710 = tpu.vector_load %arg17[%get3A_708, %get3A_709] {strides = array<i32>} : memref<128x128xf32, #tpu.memory_space<vmem>>, vector<16xf32>,
          %mul3A_711 = vector.broadcast %squeeze3A_663 : f32 to vector<16xf32>
          %mul3A_712 = arith.mulf %mul3A_711, %get3A_710 : vector<16xf32>
          %add3A_713 = arith.addf %add3A_627, %mul3A_712 : vector<16xf32>
          %mul3A_714 = arith.constant 8 : i32
          %mul3A_715 = arith.muli %scan3A_386, %mul3A_714 : i32
          %add3A_716 = arith.constant 3 : i32
          %add3A_717 = arith.addi %mul3A_715, %add3A_716 : i32
          %get3A_718 = arith.index_cast %add3A_717 : i32 to index
          %get3A_719 = arith.constant 80 : index
          %get3A_720 = tpu.vector_load %arg17[%get3A_718, %get3A_719] {strides = array<i32>} : memref<128x128xf32, #tpu.memory_space<vmem>>, vector<16xf32>,
          %mul3A_721 = vector.broadcast %squeeze3A_663 : f32 to vector<16xf32>
          %mul3A_722 = arith.mulf %mul3A_721, %get3A_720 : vector<16xf32>
          %add3A_723 = arith.addf %add3A_637, %mul3A_722 : vector<16xf32>
          %mul3A_724 = arith.constant 8 : i32
          %mul3A_725 = arith.muli %scan3A_386, %mul3A_724 : i32
          %add3A_726 = arith.constant 3 : i32
          %add3A_727 = arith.addi %mul3A_725, %add3A_726 : i32
          %get3A_728 = arith.index_cast %add3A_727 : i32 to index
          %get3A_729 = arith.constant 96 : index
          %get3A_730 = tpu.vector_load %arg17[%get3A_728, %get3A_729] {strides = array<i32>} : memref<128x128xf32, #tpu.memory_space<vmem>>, vector<16xf32>,
          %mul3A_731 = vector.broadcast %squeeze3A_663 : f32 to vector<16xf32>
          %mul3A_732 = arith.mulf %mul3A_731, %get3A_730 : vector<16xf32>
          %add3A_733 = arith.addf %add3A_647, %mul3A_732 : vector<16xf32>
          %mul3A_734 = arith.constant 8 : i32
          %mul3A_735 = arith.muli %scan3A_386, %mul3A_734 : i32
          %add3A_736 = arith.constant 3 : i32
          %add3A_737 = arith.addi %mul3A_735, %add3A_736 : i32
          %get3A_738 = arith.index_cast %add3A_737 : i32 to index
          %get3A_739 = arith.constant 112 : index
          %get3A_740 = tpu.vector_load %arg17[%get3A_738, %get3A_739] {strides = array<i32>} : memref<128x128xf32, #tpu.memory_space<vmem>>, vector<16xf32>,
          %mul3A_741 = vector.broadcast %squeeze3A_663 : f32 to vector<16xf32>
          %mul3A_742 = arith.mulf %mul3A_741, %get3A_740 : vector<16xf32>
          %add3A_743 = arith.addf %add3A_657, %mul3A_742 : vector<16xf32>
          %get3A_744 = arith.constant 4 : i32
          %get3A_745 = arith.index_cast %get3A_744 : i32 to index
          %get3A_746 = arith.index_cast %scan3A_386 : i32 to index
          %get3A_747 = tpu.vector_load %arg24[%get3A_745, %get3A_746] {strides = array<i32>} : memref<8x32xf32, #tpu.memory_space<vmem>>, vector<16xf32>,
          %slice3A_748 = vector.extract_strided_slice %get3A_747 {offsets = [0], sizes = [1], strides = [1]} : vector<16xf32> to vector<1xf32>
          %squeeze3A_749 = vector.extract %slice3A_748[0] : f32 from vector<1xf32>
          %mul3A_750 = arith.constant 8 : i32
          %mul3A_751 = arith.muli %scan3A_386, %mul3A_750 : i32
          %add3A_752 = arith.constant 4 : i32
          %add3A_753 = arith.addi %mul3A_751, %add3A_752 : i32
          %get3A_754 = arith.index_cast %add3A_753 : i32 to index
          %get3A_755 = arith.constant 0 : index
          %get3A_756 = tpu.vector_load %arg17[%get3A_754, %get3A_755] {strides = array<i32>} : memref<128x128xf32, #tpu.memory_space<vmem>>, vector<16xf32>,
          %mul3A_757 = vector.broadcast %squeeze3A_749 : f32 to vector<16xf32>
          %mul3A_758 = arith.mulf %mul3A_757, %get3A_756 : vector<16xf32>
          %add3A_759 = arith.addf %add3A_673, %mul3A_758 : vector<16xf32>
          %mul3A_760 = arith.constant 8 : i32
          %mul3A_761 = arith.muli %scan3A_386, %mul3A_760 : i32
          %add3A_762 = arith.constant 4 : i32
          %add3A_763 = arith.addi %mul3A_761, %add3A_762 : i32
          %get3A_764 = arith.index_cast %add3A_763 : i32 to index
          %get3A_765 = arith.constant 16 : index
          %get3A_766 = tpu.vector_load %arg17[%get3A_764, %get3A_765] {strides = array<i32>} : memref<128x128xf32, #tpu.memory_space<vmem>>, vector<16xf32>,
          %mul3A_767 = vector.broadcast %squeeze3A_749 : f32 to vector<16xf32>
          %mul3A_768 = arith.mulf %mul3A_767, %get3A_766 : vector<16xf32>
          %add3A_769 = arith.addf %add3A_683, %mul3A_768 : vector<16xf32>
          %mul3A_770 = arith.constant 8 : i32
          %mul3A_771 = arith.muli %scan3A_386, %mul3A_770 : i32
          %add3A_772 = arith.constant 4 : i32
          %add3A_773 = arith.addi %mul3A_771, %add3A_772 : i32
          %get3A_774 = arith.index_cast %add3A_773 : i32 to index
          %get3A_775 = arith.constant 32 : index
          %get3A_776 = tpu.vector_load %arg17[%get3A_774, %get3A_775] {strides = array<i32>} : memref<128x128xf32, #tpu.memory_space<vmem>>, vector<16xf32>,
          %mul3A_777 = vector.broadcast %squeeze3A_749 : f32 to vector<16xf32>
          %mul3A_778 = arith.mulf %mul3A_777, %get3A_776 : vector<16xf32>
          %add3A_779 = arith.addf %add3A_693, %mul3A_778 : vector<16xf32>
          %mul3A_780 = arith.constant 8 : i32
          %mul3A_781 = arith.muli %scan3A_386, %mul3A_780 : i32
          %add3A_782 = arith.constant 4 : i32
          %add3A_783 = arith.addi %mul3A_781, %add3A_782 : i32
          %get3A_784 = arith.index_cast %add3A_783 : i32 to index
          %get3A_785 = arith.constant 48 : index
          %get3A_786 = tpu.vector_load %arg17[%get3A_784, %get3A_785] {strides = array<i32>} : memref<128x128xf32, #tpu.memory_space<vmem>>, vector<16xf32>,
          %mul3A_787 = vector.broadcast %squeeze3A_749 : f32 to vector<16xf32>
          %mul3A_788 = arith.mulf %mul3A_787, %get3A_786 : vector<16xf32>
          %add3A_789 = arith.addf %add3A_703, %mul3A_788 : vector<16xf32>
          %mul3A_790 = arith.constant 8 : i32
          %mul3A_791 = arith.muli %scan3A_386, %mul3A_790 : i32
          %add3A_792 = arith.constant 4 : i32
          %add3A_793 = arith.addi %mul3A_791, %add3A_792 : i32
          %get3A_794 = arith.index_cast %add3A_793 : i32 to index
          %get3A_795 = arith.constant 64 : index
          %get3A_796 = tpu.vector_load %arg17[%get3A_794, %get3A_795] {strides = array<i32>} : memref<128x128xf32, #tpu.memory_space<vmem>>, vector<16xf32>,
          %mul3A_797 = vector.broadcast %squeeze3A_749 : f32 to vector<16xf32>
          %mul3A_798 = arith.mulf %mul3A_797, %get3A_796 : vector<16xf32>
          %add3A_799 = arith.addf %add3A_713, %mul3A_798 : vector<16xf32>
          %mul3A_800 = arith.constant 8 : i32
          %mul3A_801 = arith.muli %scan3A_386, %mul3A_800 : i32
          %add3A_802 = arith.constant 4 : i32
          %add3A_803 = arith.addi %mul3A_801, %add3A_802 : i32
          %get3A_804 = arith.index_cast %add3A_803 : i32 to index
          %get3A_805 = arith.constant 80 : index
          %get3A_806 = tpu.vector_load %arg17[%get3A_804, %get3A_805] {strides = array<i32>} : memref<128x128xf32, #tpu.memory_space<vmem>>, vector<16xf32>,
          %mul3A_807 = vector.broadcast %squeeze3A_749 : f32 to vector<16xf32>
          %mul3A_808 = arith.mulf %mul3A_807, %get3A_806 : vector<16xf32>
          %add3A_809 = arith.addf %add3A_723, %mul3A_808 : vector<16xf32>
          %mul3A_810 = arith.constant 8 : i32
          %mul3A_811 = arith.muli %scan3A_386, %mul3A_810 : i32
          %add3A_812 = arith.constant 4 : i32
          %add3A_813 = arith.addi %mul3A_811, %add3A_812 : i32
          %get3A_814 = arith.index_cast %add3A_813 : i32 to index
          %get3A_815 = arith.constant 96 : index
          %get3A_816 = tpu.vector_load %arg17[%get3A_814, %get3A_815] {strides = array<i32>} : memref<128x128xf32, #tpu.memory_space<vmem>>, vector<16xf32>,
          %mul3A_817 = vector.broadcast %squeeze3A_749 : f32 to vector<16xf32>
          %mul3A_818 = arith.mulf %mul3A_817, %get3A_816 : vector<16xf32>
          %add3A_819 = arith.addf %add3A_733, %mul3A_818 : vector<16xf32>
          %mul3A_820 = arith.constant 8 : i32
          %mul3A_821 = arith.muli %scan3A_386, %mul3A_820 : i32
          %add3A_822 = arith.constant 4 : i32
          %add3A_823 = arith.addi %mul3A_821, %add3A_822 : i32
          %get3A_824 = arith.index_cast %add3A_823 : i32 to index
          %get3A_825 = arith.constant 112 : index
          %get3A_826 = tpu.vector_load %arg17[%get3A_824, %get3A_825] {strides = array<i32>} : memref<128x128xf32, #tpu.memory_space<vmem>>, vector<16xf32>,
          %mul3A_827 = vector.broadcast %squeeze3A_749 : f32 to vector<16xf32>
          %mul3A_828 = arith.mulf %mul3A_827, %get3A_826 : vector<16xf32>
          %add3A_829 = arith.addf %add3A_743, %mul3A_828 : vector<16xf32>
          %get3A_830 = arith.constant 5 : i32
          %get3A_831 = arith.index_cast %get3A_830 : i32 to index
          %get3A_832 = arith.index_cast %scan3A_386 : i32 to index
          %get3A_833 = tpu.vector_load %arg24[%get3A_831, %get3A_832] {strides = array<i32>} : memref<8x32xf32, #tpu.memory_space<vmem>>, vector<16xf32>,
          %slice3A_834 = vector.extract_strided_slice %get3A_833 {offsets = [0], sizes = [1], strides = [1]} : vector<16xf32> to vector<1xf32>
          %squeeze3A_835 = vector.extract %slice3A_834[0] : f32 from vector<1xf32>
          %mul3A_836 = arith.constant 8 : i32
          %mul3A_837 = arith.muli %scan3A_386, %mul3A_836 : i32
          %add3A_838 = arith.constant 5 : i32
          %add3A_839 = arith.addi %mul3A_837, %add3A_838 : i32
          %get3A_840 = arith.index_cast %add3A_839 : i32 to index
          %get3A_841 = arith.constant 0 : index
          %get3A_842 = tpu.vector_load %arg17[%get3A_840, %get3A_841] {strides = array<i32>} : memref<128x128xf32, #tpu.memory_space<vmem>>, vector<16xf32>,
          %mul3A_843 = vector.broadcast %squeeze3A_835 : f32 to vector<16xf32>
          %mul3A_844 = arith.mulf %mul3A_843, %get3A_842 : vector<16xf32>
          %add3A_845 = arith.addf %add3A_759, %mul3A_844 : vector<16xf32>
          %mul3A_846 = arith.constant 8 : i32
          %mul3A_847 = arith.muli %scan3A_386, %mul3A_846 : i32
          %add3A_848 = arith.constant 5 : i32
          %add3A_849 = arith.addi %mul3A_847, %add3A_848 : i32
          %get3A_850 = arith.index_cast %add3A_849 : i32 to index
          %get3A_851 = arith.constant 16 : index
          %get3A_852 = tpu.vector_load %arg17[%get3A_850, %get3A_851] {strides = array<i32>} : memref<128x128xf32, #tpu.memory_space<vmem>>, vector<16xf32>,
          %mul3A_853 = vector.broadcast %squeeze3A_835 : f32 to vector<16xf32>
          %mul3A_854 = arith.mulf %mul3A_853, %get3A_852 : vector<16xf32>
          %add3A_855 = arith.addf %add3A_769, %mul3A_854 : vector<16xf32>
          %mul3A_856 = arith.constant 8 : i32
          %mul3A_857 = arith.muli %scan3A_386, %mul3A_856 : i32
          %add3A_858 = arith.constant 5 : i32
          %add3A_859 = arith.addi %mul3A_857, %add3A_858 : i32
          %get3A_860 = arith.index_cast %add3A_859 : i32 to index
          %get3A_861 = arith.constant 32 : index
          %get3A_862 = tpu.vector_load %arg17[%get3A_860, %get3A_861] {strides = array<i32>} : memref<128x128xf32, #tpu.memory_space<vmem>>, vector<16xf32>,
          %mul3A_863 = vector.broadcast %squeeze3A_835 : f32 to vector<16xf32>
          %mul3A_864 = arith.mulf %mul3A_863, %get3A_862 : vector<16xf32>
          %add3A_865 = arith.addf %add3A_779, %mul3A_864 : vector<16xf32>
          %mul3A_866 = arith.constant 8 : i32
          %mul3A_867 = arith.muli %scan3A_386, %mul3A_866 : i32
          %add3A_868 = arith.constant 5 : i32
          %add3A_869 = arith.addi %mul3A_867, %add3A_868 : i32
          %get3A_870 = arith.index_cast %add3A_869 : i32 to index
          %get3A_871 = arith.constant 48 : index
          %get3A_872 = tpu.vector_load %arg17[%get3A_870, %get3A_871] {strides = array<i32>} : memref<128x128xf32, #tpu.memory_space<vmem>>, vector<16xf32>,
          %mul3A_873 = vector.broadcast %squeeze3A_835 : f32 to vector<16xf32>
          %mul3A_874 = arith.mulf %mul3A_873, %get3A_872 : vector<16xf32>
          %add3A_875 = arith.addf %add3A_789, %mul3A_874 : vector<16xf32>
          %mul3A_876 = arith.constant 8 : i32
          %mul3A_877 = arith.muli %scan3A_386, %mul3A_876 : i32
          %add3A_878 = arith.constant 5 : i32
          %add3A_879 = arith.addi %mul3A_877, %add3A_878 : i32
          %get3A_880 = arith.index_cast %add3A_879 : i32 to index
          %get3A_881 = arith.constant 64 : index
          %get3A_882 = tpu.vector_load %arg17[%get3A_880, %get3A_881] {strides = array<i32>} : memref<128x128xf32, #tpu.memory_space<vmem>>, vector<16xf32>,
          %mul3A_883 = vector.broadcast %squeeze3A_835 : f32 to vector<16xf32>
          %mul3A_884 = arith.mulf %mul3A_883, %get3A_882 : vector<16xf32>
          %add3A_885 = arith.addf %add3A_799, %mul3A_884 : vector<16xf32>
          %mul3A_886 = arith.constant 8 : i32
          %mul3A_887 = arith.muli %scan3A_386, %mul3A_886 : i32
          %add3A_888 = arith.constant 5 : i32
          %add3A_889 = arith.addi %mul3A_887, %add3A_888 : i32
          %get3A_890 = arith.index_cast %add3A_889 : i32 to index
          %get3A_891 = arith.constant 80 : index
          %get3A_892 = tpu.vector_load %arg17[%get3A_890, %get3A_891] {strides = array<i32>} : memref<128x128xf32, #tpu.memory_space<vmem>>, vector<16xf32>,
          %mul3A_893 = vector.broadcast %squeeze3A_835 : f32 to vector<16xf32>
          %mul3A_894 = arith.mulf %mul3A_893, %get3A_892 : vector<16xf32>
          %add3A_895 = arith.addf %add3A_809, %mul3A_894 : vector<16xf32>
          %mul3A_896 = arith.constant 8 : i32
          %mul3A_897 = arith.muli %scan3A_386, %mul3A_896 : i32
          %add3A_898 = arith.constant 5 : i32
          %add3A_899 = arith.addi %mul3A_897, %add3A_898 : i32
          %get3A_900 = arith.index_cast %add3A_899 : i32 to index
          %get3A_901 = arith.constant 96 : index
          %get3A_902 = tpu.vector_load %arg17[%get3A_900, %get3A_901] {strides = array<i32>} : memref<128x128xf32, #tpu.memory_space<vmem>>, vector<16xf32>,
          %mul3A_903 = vector.broadcast %squeeze3A_835 : f32 to vector<16xf32>
          %mul3A_904 = arith.mulf %mul3A_903, %get3A_902 : vector<16xf32>
          %add3A_905 = arith.addf %add3A_819, %mul3A_904 : vector<16xf32>
          %mul3A_906 = arith.constant 8 : i32
          %mul3A_907 = arith.muli %scan3A_386, %mul3A_906 : i32
          %add3A_908 = arith.constant 5 : i32
          %add3A_909 = arith.addi %mul3A_907, %add3A_908 : i32
          %get3A_910 = arith.index_cast %add3A_909 : i32 to index
          %get3A_911 = arith.constant 112 : index
          %get3A_912 = tpu.vector_load %arg17[%get3A_910, %get3A_911] {strides = array<i32>} : memref<128x128xf32, #tpu.memory_space<vmem>>, vector<16xf32>,
          %mul3A_913 = vector.broadcast %squeeze3A_835 : f32 to vector<16xf32>
          %mul3A_914 = arith.mulf %mul3A_913, %get3A_912 : vector<16xf32>
          %add3A_915 = arith.addf %add3A_829, %mul3A_914 : vector<16xf32>
          %get3A_916 = arith.constant 6 : i32
          %get3A_917 = arith.index_cast %get3A_916 : i32 to index
          %get3A_918 = arith.index_cast %scan3A_386 : i32 to index
          %get3A_919 = tpu.vector_load %arg24[%get3A_917, %get3A_918] {strides = array<i32>} : memref<8x32xf32, #tpu.memory_space<vmem>>, vector<16xf32>,
          %slice3A_920 = vector.extract_strided_slice %get3A_919 {offsets = [0], sizes = [1], strides = [1]} : vector<16xf32> to vector<1xf32>
          %squeeze3A_921 = vector.extract %slice3A_920[0] : f32 from vector<1xf32>
          %mul3A_922 = arith.constant 8 : i32
          %mul3A_923 = arith.muli %scan3A_386, %mul3A_922 : i32
          %add3A_924 = arith.constant 6 : i32
          %add3A_925 = arith.addi %mul3A_923, %add3A_924 : i32
          %get3A_926 = arith.index_cast %add3A_925 : i32 to index
          %get3A_927 = arith.constant 0 : index
          %get3A_928 = tpu.vector_load %arg17[%get3A_926, %get3A_927] {strides = array<i32>} : memref<128x128xf32, #tpu.memory_space<vmem>>, vector<16xf32>,
          %mul3A_929 = vector.broadcast %squeeze3A_921 : f32 to vector<16xf32>
          %mul3A_930 = arith.mulf %mul3A_929, %get3A_928 : vector<16xf32>
          %add3A_931 = arith.addf %add3A_845, %mul3A_930 : vector<16xf32>
          %mul3A_932 = arith.constant 8 : i32
          %mul3A_933 = arith.muli %scan3A_386, %mul3A_932 : i32
          %add3A_934 = arith.constant 6 : i32
          %add3A_935 = arith.addi %mul3A_933, %add3A_934 : i32
          %get3A_936 = arith.index_cast %add3A_935 : i32 to index
          %get3A_937 = arith.constant 16 : index
          %get3A_938 = tpu.vector_load %arg17[%get3A_936, %get3A_937] {strides = array<i32>} : memref<128x128xf32, #tpu.memory_space<vmem>>, vector<16xf32>,
          %mul3A_939 = vector.broadcast %squeeze3A_921 : f32 to vector<16xf32>
          %mul3A_940 = arith.mulf %mul3A_939, %get3A_938 : vector<16xf32>
          %add3A_941 = arith.addf %add3A_855, %mul3A_940 : vector<16xf32>
          %mul3A_942 = arith.constant 8 : i32
          %mul3A_943 = arith.muli %scan3A_386, %mul3A_942 : i32
          %add3A_944 = arith.constant 6 : i32
          %add3A_945 = arith.addi %mul3A_943, %add3A_944 : i32
          %get3A_946 = arith.index_cast %add3A_945 : i32 to index
          %get3A_947 = arith.constant 32 : index
          %get3A_948 = tpu.vector_load %arg17[%get3A_946, %get3A_947] {strides = array<i32>} : memref<128x128xf32, #tpu.memory_space<vmem>>, vector<16xf32>,
          %mul3A_949 = vector.broadcast %squeeze3A_921 : f32 to vector<16xf32>
          %mul3A_950 = arith.mulf %mul3A_949, %get3A_948 : vector<16xf32>
          %add3A_951 = arith.addf %add3A_865, %mul3A_950 : vector<16xf32>
          %mul3A_952 = arith.constant 8 : i32
          %mul3A_953 = arith.muli %scan3A_386, %mul3A_952 : i32
          %add3A_954 = arith.constant 6 : i32
          %add3A_955 = arith.addi %mul3A_953, %add3A_954 : i32
          %get3A_956 = arith.index_cast %add3A_955 : i32 to index
          %get3A_957 = arith.constant 48 : index
          %get3A_958 = tpu.vector_load %arg17[%get3A_956, %get3A_957] {strides = array<i32>} : memref<128x128xf32, #tpu.memory_space<vmem>>, vector<16xf32>,
          %mul3A_959 = vector.broadcast %squeeze3A_921 : f32 to vector<16xf32>
          %mul3A_960 = arith.mulf %mul3A_959, %get3A_958 : vector<16xf32>
          %add3A_961 = arith.addf %add3A_875, %mul3A_960 : vector<16xf32>
          %mul3A_962 = arith.constant 8 : i32
          %mul3A_963 = arith.muli %scan3A_386, %mul3A_962 : i32
          %add3A_964 = arith.constant 6 : i32
          %add3A_965 = arith.addi %mul3A_963, %add3A_964 : i32
          %get3A_966 = arith.index_cast %add3A_965 : i32 to index
          %get3A_967 = arith.constant 64 : index
          %get3A_968 = tpu.vector_load %arg17[%get3A_966, %get3A_967] {strides = array<i32>} : memref<128x128xf32, #tpu.memory_space<vmem>>, vector<16xf32>,
          %mul3A_969 = vector.broadcast %squeeze3A_921 : f32 to vector<16xf32>
          %mul3A_970 = arith.mulf %mul3A_969, %get3A_968 : vector<16xf32>
          %add3A_971 = arith.addf %add3A_885, %mul3A_970 : vector<16xf32>
          %mul3A_972 = arith.constant 8 : i32
          %mul3A_973 = arith.muli %scan3A_386, %mul3A_972 : i32
          %add3A_974 = arith.constant 6 : i32
          %add3A_975 = arith.addi %mul3A_973, %add3A_974 : i32
          %get3A_976 = arith.index_cast %add3A_975 : i32 to index
          %get3A_977 = arith.constant 80 : index
          %get3A_978 = tpu.vector_load %arg17[%get3A_976, %get3A_977] {strides = array<i32>} : memref<128x128xf32, #tpu.memory_space<vmem>>, vector<16xf32>,
          %mul3A_979 = vector.broadcast %squeeze3A_921 : f32 to vector<16xf32>
          %mul3A_980 = arith.mulf %mul3A_979, %get3A_978 : vector<16xf32>
          %add3A_981 = arith.addf %add3A_895, %mul3A_980 : vector<16xf32>
          %mul3A_982 = arith.constant 8 : i32
          %mul3A_983 = arith.muli %scan3A_386, %mul3A_982 : i32
          %add3A_984 = arith.constant 6 : i32
          %add3A_985 = arith.addi %mul3A_983, %add3A_984 : i32
          %get3A_986 = arith.index_cast %add3A_985 : i32 to index
          %get3A_987 = arith.constant 96 : index
          %get3A_988 = tpu.vector_load %arg17[%get3A_986, %get3A_987] {strides = array<i32>} : memref<128x128xf32, #tpu.memory_space<vmem>>, vector<16xf32>,
          %mul3A_989 = vector.broadcast %squeeze3A_921 : f32 to vector<16xf32>
          %mul3A_990 = arith.mulf %mul3A_989, %get3A_988 : vector<16xf32>
          %add3A_991 = arith.addf %add3A_905, %mul3A_990 : vector<16xf32>
          %mul3A_992 = arith.constant 8 : i32
          %mul3A_993 = arith.muli %scan3A_386, %mul3A_992 : i32
          %add3A_994 = arith.constant 6 : i32
          %add3A_995 = arith.addi %mul3A_993, %add3A_994 : i32
          %get3A_996 = arith.index_cast %add3A_995 : i32 to index
          %get3A_997 = arith.constant 112 : index
          %get3A_998 = tpu.vector_load %arg17[%get3A_996, %get3A_997] {strides = array<i32>} : memref<128x128xf32, #tpu.memory_space<vmem>>, vector<16xf32>,
          %mul3A_999 = vector.broadcast %squeeze3A_921 : f32 to vector<16xf32>
          %mul3A_1000 = arith.mulf %mul3A_999, %get3A_998 : vector<16xf32>
          %add3A_1001 = arith.addf %add3A_915, %mul3A_1000 : vector<16xf32>
          %get3A_1002 = arith.constant 7 : i32
          %get3A_1003 = arith.index_cast %get3A_1002 : i32 to index
          %get3A_1004 = arith.index_cast %scan3A_386 : i32 to index
          %get3A_1005 = tpu.vector_load %arg24[%get3A_1003, %get3A_1004] {strides = array<i32>} : memref<8x32xf32, #tpu.memory_space<vmem>>, vector<16xf32>,
          %slice3A_1006 = vector.extract_strided_slice %get3A_1005 {offsets = [0], sizes = [1], strides = [1]} : vector<16xf32> to vector<1xf32>
          %squeeze3A_1007 = vector.extract %slice3A_1006[0] : f32 from vector<1xf32>
          %mul3A_1008 = arith.constant 8 : i32
          %mul3A_1009 = arith.muli %scan3A_386, %mul3A_1008 : i32
          %add3A_1010 = arith.constant 7 : i32
          %add3A_1011 = arith.addi %mul3A_1009, %add3A_1010 : i32
          %get3A_1012 = arith.index_cast %add3A_1011 : i32 to index
          %get3A_1013 = arith.constant 0 : index
          %get3A_1014 = tpu.vector_load %arg17[%get3A_1012, %get3A_1013] {strides = array<i32>} : memref<128x128xf32, #tpu.memory_space<vmem>>, vector<16xf32>,
          %mul3A_1015 = vector.broadcast %squeeze3A_1007 : f32 to vector<16xf32>
          %mul3A_1016 = arith.mulf %mul3A_1015, %get3A_1014 : vector<16xf32>
          %add3A_1017 = arith.addf %add3A_931, %mul3A_1016 : vector<16xf32>
          %mul3A_1018 = arith.constant 8 : i32
          %mul3A_1019 = arith.muli %scan3A_386, %mul3A_1018 : i32
          %add3A_1020 = arith.constant 7 : i32
          %add3A_1021 = arith.addi %mul3A_1019, %add3A_1020 : i32
          %get3A_1022 = arith.index_cast %add3A_1021 : i32 to index
          %get3A_1023 = arith.constant 16 : index
          %get3A_1024 = tpu.vector_load %arg17[%get3A_1022, %get3A_1023] {strides = array<i32>} : memref<128x128xf32, #tpu.memory_space<vmem>>, vector<16xf32>,
          %mul3A_1025 = vector.broadcast %squeeze3A_1007 : f32 to vector<16xf32>
          %mul3A_1026 = arith.mulf %mul3A_1025, %get3A_1024 : vector<16xf32>
          %add3A_1027 = arith.addf %add3A_941, %mul3A_1026 : vector<16xf32>
          %mul3A_1028 = arith.constant 8 : i32
          %mul3A_1029 = arith.muli %scan3A_386, %mul3A_1028 : i32
          %add3A_1030 = arith.constant 7 : i32
          %add3A_1031 = arith.addi %mul3A_1029, %add3A_1030 : i32
          %get3A_1032 = arith.index_cast %add3A_1031 : i32 to index
          %get3A_1033 = arith.constant 32 : index
          %get3A_1034 = tpu.vector_load %arg17[%get3A_1032, %get3A_1033] {strides = array<i32>} : memref<128x128xf32, #tpu.memory_space<vmem>>, vector<16xf32>,
          %mul3A_1035 = vector.broadcast %squeeze3A_1007 : f32 to vector<16xf32>
          %mul3A_1036 = arith.mulf %mul3A_1035, %get3A_1034 : vector<16xf32>
          %add3A_1037 = arith.addf %add3A_951, %mul3A_1036 : vector<16xf32>
          %mul3A_1038 = arith.constant 8 : i32
          %mul3A_1039 = arith.muli %scan3A_386, %mul3A_1038 : i32
          %add3A_1040 = arith.constant 7 : i32
          %add3A_1041 = arith.addi %mul3A_1039, %add3A_1040 : i32
          %get3A_1042 = arith.index_cast %add3A_1041 : i32 to index
          %get3A_1043 = arith.constant 48 : index
          %get3A_1044 = tpu.vector_load %arg17[%get3A_1042, %get3A_1043] {strides = array<i32>} : memref<128x128xf32, #tpu.memory_space<vmem>>, vector<16xf32>,
          %mul3A_1045 = vector.broadcast %squeeze3A_1007 : f32 to vector<16xf32>
          %mul3A_1046 = arith.mulf %mul3A_1045, %get3A_1044 : vector<16xf32>
          %add3A_1047 = arith.addf %add3A_961, %mul3A_1046 : vector<16xf32>
          %mul3A_1048 = arith.constant 8 : i32
          %mul3A_1049 = arith.muli %scan3A_386, %mul3A_1048 : i32
          %add3A_1050 = arith.constant 7 : i32
          %add3A_1051 = arith.addi %mul3A_1049, %add3A_1050 : i32
          %get3A_1052 = arith.index_cast %add3A_1051 : i32 to index
          %get3A_1053 = arith.constant 64 : index
          %get3A_1054 = tpu.vector_load %arg17[%get3A_1052, %get3A_1053] {strides = array<i32>} : memref<128x128xf32, #tpu.memory_space<vmem>>, vector<16xf32>,
          %mul3A_1055 = vector.broadcast %squeeze3A_1007 : f32 to vector<16xf32>
          %mul3A_1056 = arith.mulf %mul3A_1055, %get3A_1054 : vector<16xf32>
          %add3A_1057 = arith.addf %add3A_971, %mul3A_1056 : vector<16xf32>
          %mul3A_1058 = arith.constant 8 : i32
          %mul3A_1059 = arith.muli %scan3A_386, %mul3A_1058 : i32
          %add3A_1060 = arith.constant 7 : i32
          %add3A_1061 = arith.addi %mul3A_1059, %add3A_1060 : i32
          %get3A_1062 = arith.index_cast %add3A_1061 : i32 to index
          %get3A_1063 = arith.constant 80 : index
          %get3A_1064 = tpu.vector_load %arg17[%get3A_1062, %get3A_1063] {strides = array<i32>} : memref<128x128xf32, #tpu.memory_space<vmem>>, vector<16xf32>,
          %mul3A_1065 = vector.broadcast %squeeze3A_1007 : f32 to vector<16xf32>
          %mul3A_1066 = arith.mulf %mul3A_1065, %get3A_1064 : vector<16xf32>
          %add3A_1067 = arith.addf %add3A_981, %mul3A_1066 : vector<16xf32>
          %mul3A_1068 = arith.constant 8 : i32
          %mul3A_1069 = arith.muli %scan3A_386, %mul3A_1068 : i32
          %add3A_1070 = arith.constant 7 : i32
          %add3A_1071 = arith.addi %mul3A_1069, %add3A_1070 : i32
          %get3A_1072 = arith.index_cast %add3A_1071 : i32 to index
          %get3A_1073 = arith.constant 96 : index
          %get3A_1074 = tpu.vector_load %arg17[%get3A_1072, %get3A_1073] {strides = array<i32>} : memref<128x128xf32, #tpu.memory_space<vmem>>, vector<16xf32>,
          %mul3A_1075 = vector.broadcast %squeeze3A_1007 : f32 to vector<16xf32>
          %mul3A_1076 = arith.mulf %mul3A_1075, %get3A_1074 : vector<16xf32>
          %add3A_1077 = arith.addf %add3A_991, %mul3A_1076 : vector<16xf32>
          %mul3A_1078 = arith.constant 8 : i32
          %mul3A_1079 = arith.muli %scan3A_386, %mul3A_1078 : i32
          %add3A_1080 = arith.constant 7 : i32
          %add3A_1081 = arith.addi %mul3A_1079, %add3A_1080 : i32
          %get3A_1082 = arith.index_cast %add3A_1081 : i32 to index
          %get3A_1083 = arith.constant 112 : index
          %get3A_1084 = tpu.vector_load %arg17[%get3A_1082, %get3A_1083] {strides = array<i32>} : memref<128x128xf32, #tpu.memory_space<vmem>>, vector<16xf32>,
          %mul3A_1085 = vector.broadcast %squeeze3A_1007 : f32 to vector<16xf32>
          %mul3A_1086 = arith.mulf %mul3A_1085, %get3A_1084 : vector<16xf32>
          %add3A_1087 = arith.addf %add3A_1001, %mul3A_1086 : vector<16xf32>
          %broadcast_in_dim3A_1088 = arith.constant 0.000000e+00 : f32
          %broadcast_in_dim3A_1089 = vector.broadcast %broadcast_in_dim3A_1088 : f32 to vector<16xf32>
          %broadcast_in_dim3A_1090 = arith.constant 0.000000e+00 : f32
          %broadcast_in_dim3A_1091 = vector.broadcast %broadcast_in_dim3A_1090 : f32 to vector<16xf32>
          %broadcast_in_dim3A_1092 = arith.constant 0.000000e+00 : f32
          %broadcast_in_dim3A_1093 = vector.broadcast %broadcast_in_dim3A_1092 : f32 to vector<16xf32>
          %broadcast_in_dim3A_1094 = arith.constant 0.000000e+00 : f32
          %broadcast_in_dim3A_1095 = vector.broadcast %broadcast_in_dim3A_1094 : f32 to vector<16xf32>
          %broadcast_in_dim3A_1096 = arith.constant 0.000000e+00 : f32
          %broadcast_in_dim3A_1097 = vector.broadcast %broadcast_in_dim3A_1096 : f32 to vector<16xf32>
          %broadcast_in_dim3A_1098 = arith.constant 0.000000e+00 : f32
          %broadcast_in_dim3A_1099 = vector.broadcast %broadcast_in_dim3A_1098 : f32 to vector<16xf32>
          %broadcast_in_dim3A_1100 = arith.constant 0.000000e+00 : f32
          %broadcast_in_dim3A_1101 = vector.broadcast %broadcast_in_dim3A_1100 : f32 to vector<16xf32>
          %broadcast_in_dim3A_1102 = arith.constant 0.000000e+00 : f32
          %broadcast_in_dim3A_1103 = vector.broadcast %broadcast_in_dim3A_1102 : f32 to vector<16xf32>
          %get3A_1104 = arith.constant 0 : i32
          %get3A_1105 = arith.index_cast %get3A_1104 : i32 to index
          %get3A_1106 = arith.index_cast %scan3A_386 : i32 to index
          %get3A_1107 = tpu.vector_load %arg25[%get3A_1105, %get3A_1106] {strides = array<i32>} : memref<4x32xf32, #tpu.memory_space<vmem>>, vector<16xf32>,
          %slice3A_1108 = vector.extract_strided_slice %get3A_1107 {offsets = [0], sizes = [1], strides = [1]} : vector<16xf32> to vector<1xf32>
          %squeeze3A_1109 = vector.extract %slice3A_1108[0] : f32 from vector<1xf32>
          %mul3A_1110 = arith.constant 4 : i32
          %mul3A_1111 = arith.muli %scan3A_386, %mul3A_1110 : i32
          %add3A_1112 = arith.constant 0 : i32
          %add3A_1113 = arith.addi %mul3A_1111, %add3A_1112 : i32
          %get3A_1114 = arith.index_cast %add3A_1113 : i32 to index
          %get3A_1115 = arith.constant 0 : index
          %get3A_1116 = tpu.vector_load %arg19[%get3A_1114, %get3A_1115] {strides = array<i32>} : memref<64x128xf32, #tpu.memory_space<vmem>>, vector<16xf32>,
          %mul3A_1117 = vector.broadcast %squeeze3A_1109 : f32 to vector<16xf32>
          %mul3A_1118 = arith.mulf %mul3A_1117, %get3A_1116 : vector<16xf32>
          %add3A_1119 = arith.addf %broadcast_in_dim3A_1089, %mul3A_1118 : vector<16xf32>
          %mul3A_1120 = arith.constant 4 : i32
          %mul3A_1121 = arith.muli %scan3A_386, %mul3A_1120 : i32
          %add3A_1122 = arith.constant 0 : i32
          %add3A_1123 = arith.addi %mul3A_1121, %add3A_1122 : i32
          %get3A_1124 = arith.index_cast %add3A_1123 : i32 to index
          %get3A_1125 = arith.constant 16 : index
          %get3A_1126 = tpu.vector_load %arg19[%get3A_1124, %get3A_1125] {strides = array<i32>} : memref<64x128xf32, #tpu.memory_space<vmem>>, vector<16xf32>,
          %mul3A_1127 = vector.broadcast %squeeze3A_1109 : f32 to vector<16xf32>
          %mul3A_1128 = arith.mulf %mul3A_1127, %get3A_1126 : vector<16xf32>
          %add3A_1129 = arith.addf %broadcast_in_dim3A_1091, %mul3A_1128 : vector<16xf32>
          %mul3A_1130 = arith.constant 4 : i32
          %mul3A_1131 = arith.muli %scan3A_386, %mul3A_1130 : i32
          %add3A_1132 = arith.constant 0 : i32
          %add3A_1133 = arith.addi %mul3A_1131, %add3A_1132 : i32
          %get3A_1134 = arith.index_cast %add3A_1133 : i32 to index
          %get3A_1135 = arith.constant 32 : index
          %get3A_1136 = tpu.vector_load %arg19[%get3A_1134, %get3A_1135] {strides = array<i32>} : memref<64x128xf32, #tpu.memory_space<vmem>>, vector<16xf32>,
          %mul3A_1137 = vector.broadcast %squeeze3A_1109 : f32 to vector<16xf32>
          %mul3A_1138 = arith.mulf %mul3A_1137, %get3A_1136 : vector<16xf32>
          %add3A_1139 = arith.addf %broadcast_in_dim3A_1093, %mul3A_1138 : vector<16xf32>
          %mul3A_1140 = arith.constant 4 : i32
          %mul3A_1141 = arith.muli %scan3A_386, %mul3A_1140 : i32
          %add3A_1142 = arith.constant 0 : i32
          %add3A_1143 = arith.addi %mul3A_1141, %add3A_1142 : i32
          %get3A_1144 = arith.index_cast %add3A_1143 : i32 to index
          %get3A_1145 = arith.constant 48 : index
          %get3A_1146 = tpu.vector_load %arg19[%get3A_1144, %get3A_1145] {strides = array<i32>} : memref<64x128xf32, #tpu.memory_space<vmem>>, vector<16xf32>,
          %mul3A_1147 = vector.broadcast %squeeze3A_1109 : f32 to vector<16xf32>
          %mul3A_1148 = arith.mulf %mul3A_1147, %get3A_1146 : vector<16xf32>
          %add3A_1149 = arith.addf %broadcast_in_dim3A_1095, %mul3A_1148 : vector<16xf32>
          %mul3A_1150 = arith.constant 4 : i32
          %mul3A_1151 = arith.muli %scan3A_386, %mul3A_1150 : i32
          %add3A_1152 = arith.constant 0 : i32
          %add3A_1153 = arith.addi %mul3A_1151, %add3A_1152 : i32
          %get3A_1154 = arith.index_cast %add3A_1153 : i32 to index
          %get3A_1155 = arith.constant 64 : index
          %get3A_1156 = tpu.vector_load %arg19[%get3A_1154, %get3A_1155] {strides = array<i32>} : memref<64x128xf32, #tpu.memory_space<vmem>>, vector<16xf32>,
          %mul3A_1157 = vector.broadcast %squeeze3A_1109 : f32 to vector<16xf32>
          %mul3A_1158 = arith.mulf %mul3A_1157, %get3A_1156 : vector<16xf32>
          %add3A_1159 = arith.addf %broadcast_in_dim3A_1097, %mul3A_1158 : vector<16xf32>
          %mul3A_1160 = arith.constant 4 : i32
          %mul3A_1161 = arith.muli %scan3A_386, %mul3A_1160 : i32
          %add3A_1162 = arith.constant 0 : i32
          %add3A_1163 = arith.addi %mul3A_1161, %add3A_1162 : i32
          %get3A_1164 = arith.index_cast %add3A_1163 : i32 to index
          %get3A_1165 = arith.constant 80 : index
          %get3A_1166 = tpu.vector_load %arg19[%get3A_1164, %get3A_1165] {strides = array<i32>} : memref<64x128xf32, #tpu.memory_space<vmem>>, vector<16xf32>,
          %mul3A_1167 = vector.broadcast %squeeze3A_1109 : f32 to vector<16xf32>
          %mul3A_1168 = arith.mulf %mul3A_1167, %get3A_1166 : vector<16xf32>
          %add3A_1169 = arith.addf %broadcast_in_dim3A_1099, %mul3A_1168 : vector<16xf32>
          %mul3A_1170 = arith.constant 4 : i32
          %mul3A_1171 = arith.muli %scan3A_386, %mul3A_1170 : i32
          %add3A_1172 = arith.constant 0 : i32
          %add3A_1173 = arith.addi %mul3A_1171, %add3A_1172 : i32
          %get3A_1174 = arith.index_cast %add3A_1173 : i32 to index
          %get3A_1175 = arith.constant 96 : index
          %get3A_1176 = tpu.vector_load %arg19[%get3A_1174, %get3A_1175] {strides = array<i32>} : memref<64x128xf32, #tpu.memory_space<vmem>>, vector<16xf32>,
          %mul3A_1177 = vector.broadcast %squeeze3A_1109 : f32 to vector<16xf32>
          %mul3A_1178 = arith.mulf %mul3A_1177, %get3A_1176 : vector<16xf32>
          %add3A_1179 = arith.addf %broadcast_in_dim3A_1101, %mul3A_1178 : vector<16xf32>
          %mul3A_1180 = arith.constant 4 : i32
          %mul3A_1181 = arith.muli %scan3A_386, %mul3A_1180 : i32
          %add3A_1182 = arith.constant 0 : i32
          %add3A_1183 = arith.addi %mul3A_1181, %add3A_1182 : i32
          %get3A_1184 = arith.index_cast %add3A_1183 : i32 to index
          %get3A_1185 = arith.constant 112 : index
          %get3A_1186 = tpu.vector_load %arg19[%get3A_1184, %get3A_1185] {strides = array<i32>} : memref<64x128xf32, #tpu.memory_space<vmem>>, vector<16xf32>,
          %mul3A_1187 = vector.broadcast %squeeze3A_1109 : f32 to vector<16xf32>
          %mul3A_1188 = arith.mulf %mul3A_1187, %get3A_1186 : vector<16xf32>
          %add3A_1189 = arith.addf %broadcast_in_dim3A_1103, %mul3A_1188 : vector<16xf32>
          %get3A_1190 = arith.constant 1 : i32
          %get3A_1191 = arith.index_cast %get3A_1190 : i32 to index
          %get3A_1192 = arith.index_cast %scan3A_386 : i32 to index
          %get3A_1193 = tpu.vector_load %arg25[%get3A_1191, %get3A_1192] {strides = array<i32>} : memref<4x32xf32, #tpu.memory_space<vmem>>, vector<16xf32>,
          %slice3A_1194 = vector.extract_strided_slice %get3A_1193 {offsets = [0], sizes = [1], strides = [1]} : vector<16xf32> to vector<1xf32>
          %squeeze3A_1195 = vector.extract %slice3A_1194[0] : f32 from vector<1xf32>
          %mul3A_1196 = arith.constant 4 : i32
          %mul3A_1197 = arith.muli %scan3A_386, %mul3A_1196 : i32
          %add3A_1198 = arith.constant 1 : i32
          %add3A_1199 = arith.addi %mul3A_1197, %add3A_1198 : i32
          %get3A_1200 = arith.index_cast %add3A_1199 : i32 to index
          %get3A_1201 = arith.constant 0 : index
          %get3A_1202 = tpu.vector_load %arg19[%get3A_1200, %get3A_1201] {strides = array<i32>} : memref<64x128xf32, #tpu.memory_space<vmem>>, vector<16xf32>,
          %mul3A_1203 = vector.broadcast %squeeze3A_1195 : f32 to vector<16xf32>
          %mul3A_1204 = arith.mulf %mul3A_1203, %get3A_1202 : vector<16xf32>
          %add3A_1205 = arith.addf %add3A_1119, %mul3A_1204 : vector<16xf32>
          %mul3A_1206 = arith.constant 4 : i32
          %mul3A_1207 = arith.muli %scan3A_386, %mul3A_1206 : i32
          %add3A_1208 = arith.constant 1 : i32
          %add3A_1209 = arith.addi %mul3A_1207, %add3A_1208 : i32
          %get3A_1210 = arith.index_cast %add3A_1209 : i32 to index
          %get3A_1211 = arith.constant 16 : index
          %get3A_1212 = tpu.vector_load %arg19[%get3A_1210, %get3A_1211] {strides = array<i32>} : memref<64x128xf32, #tpu.memory_space<vmem>>, vector<16xf32>,
          %mul3A_1213 = vector.broadcast %squeeze3A_1195 : f32 to vector<16xf32>
          %mul3A_1214 = arith.mulf %mul3A_1213, %get3A_1212 : vector<16xf32>
          %add3A_1215 = arith.addf %add3A_1129, %mul3A_1214 : vector<16xf32>
          %mul3A_1216 = arith.constant 4 : i32
          %mul3A_1217 = arith.muli %scan3A_386, %mul3A_1216 : i32
          %add3A_1218 = arith.constant 1 : i32
          %add3A_1219 = arith.addi %mul3A_1217, %add3A_1218 : i32
          %get3A_1220 = arith.index_cast %add3A_1219 : i32 to index
          %get3A_1221 = arith.constant 32 : index
          %get3A_1222 = tpu.vector_load %arg19[%get3A_1220, %get3A_1221] {strides = array<i32>} : memref<64x128xf32, #tpu.memory_space<vmem>>, vector<16xf32>,
          %mul3A_1223 = vector.broadcast %squeeze3A_1195 : f32 to vector<16xf32>
          %mul3A_1224 = arith.mulf %mul3A_1223, %get3A_1222 : vector<16xf32>
          %add3A_1225 = arith.addf %add3A_1139, %mul3A_1224 : vector<16xf32>
          %mul3A_1226 = arith.constant 4 : i32
          %mul3A_1227 = arith.muli %scan3A_386, %mul3A_1226 : i32
          %add3A_1228 = arith.constant 1 : i32
          %add3A_1229 = arith.addi %mul3A_1227, %add3A_1228 : i32
          %get3A_1230 = arith.index_cast %add3A_1229 : i32 to index
          %get3A_1231 = arith.constant 48 : index
          %get3A_1232 = tpu.vector_load %arg19[%get3A_1230, %get3A_1231] {strides = array<i32>} : memref<64x128xf32, #tpu.memory_space<vmem>>, vector<16xf32>,
          %mul3A_1233 = vector.broadcast %squeeze3A_1195 : f32 to vector<16xf32>
          %mul3A_1234 = arith.mulf %mul3A_1233, %get3A_1232 : vector<16xf32>
          %add3A_1235 = arith.addf %add3A_1149, %mul3A_1234 : vector<16xf32>
          %mul3A_1236 = arith.constant 4 : i32
          %mul3A_1237 = arith.muli %scan3A_386, %mul3A_1236 : i32
          %add3A_1238 = arith.constant 1 : i32
          %add3A_1239 = arith.addi %mul3A_1237, %add3A_1238 : i32
          %get3A_1240 = arith.index_cast %add3A_1239 : i32 to index
          %get3A_1241 = arith.constant 64 : index
          %get3A_1242 = tpu.vector_load %arg19[%get3A_1240, %get3A_1241] {strides = array<i32>} : memref<64x128xf32, #tpu.memory_space<vmem>>, vector<16xf32>,
          %mul3A_1243 = vector.broadcast %squeeze3A_1195 : f32 to vector<16xf32>
          %mul3A_1244 = arith.mulf %mul3A_1243, %get3A_1242 : vector<16xf32>
          %add3A_1245 = arith.addf %add3A_1159, %mul3A_1244 : vector<16xf32>
          %mul3A_1246 = arith.constant 4 : i32
          %mul3A_1247 = arith.muli %scan3A_386, %mul3A_1246 : i32
          %add3A_1248 = arith.constant 1 : i32
          %add3A_1249 = arith.addi %mul3A_1247, %add3A_1248 : i32
          %get3A_1250 = arith.index_cast %add3A_1249 : i32 to index
          %get3A_1251 = arith.constant 80 : index
          %get3A_1252 = tpu.vector_load %arg19[%get3A_1250, %get3A_1251] {strides = array<i32>} : memref<64x128xf32, #tpu.memory_space<vmem>>, vector<16xf32>,
          %mul3A_1253 = vector.broadcast %squeeze3A_1195 : f32 to vector<16xf32>
          %mul3A_1254 = arith.mulf %mul3A_1253, %get3A_1252 : vector<16xf32>
          %add3A_1255 = arith.addf %add3A_1169, %mul3A_1254 : vector<16xf32>
          %mul3A_1256 = arith.constant 4 : i32
          %mul3A_1257 = arith.muli %scan3A_386, %mul3A_1256 : i32
          %add3A_1258 = arith.constant 1 : i32
          %add3A_1259 = arith.addi %mul3A_1257, %add3A_1258 : i32
          %get3A_1260 = arith.index_cast %add3A_1259 : i32 to index
          %get3A_1261 = arith.constant 96 : index
          %get3A_1262 = tpu.vector_load %arg19[%get3A_1260, %get3A_1261] {strides = array<i32>} : memref<64x128xf32, #tpu.memory_space<vmem>>, vector<16xf32>,
          %mul3A_1263 = vector.broadcast %squeeze3A_1195 : f32 to vector<16xf32>
          %mul3A_1264 = arith.mulf %mul3A_1263, %get3A_1262 : vector<16xf32>
          %add3A_1265 = arith.addf %add3A_1179, %mul3A_1264 : vector<16xf32>
          %mul3A_1266 = arith.constant 4 : i32
          %mul3A_1267 = arith.muli %scan3A_386, %mul3A_1266 : i32
          %add3A_1268 = arith.constant 1 : i32
          %add3A_1269 = arith.addi %mul3A_1267, %add3A_1268 : i32
          %get3A_1270 = arith.index_cast %add3A_1269 : i32 to index
          %get3A_1271 = arith.constant 112 : index
          %get3A_1272 = tpu.vector_load %arg19[%get3A_1270, %get3A_1271] {strides = array<i32>} : memref<64x128xf32, #tpu.memory_space<vmem>>, vector<16xf32>,
          %mul3A_1273 = vector.broadcast %squeeze3A_1195 : f32 to vector<16xf32>
          %mul3A_1274 = arith.mulf %mul3A_1273, %get3A_1272 : vector<16xf32>
          %add3A_1275 = arith.addf %add3A_1189, %mul3A_1274 : vector<16xf32>
          %get3A_1276 = arith.constant 2 : i32
          %get3A_1277 = arith.index_cast %get3A_1276 : i32 to index
          %get3A_1278 = arith.index_cast %scan3A_386 : i32 to index
          %get3A_1279 = tpu.vector_load %arg25[%get3A_1277, %get3A_1278] {strides = array<i32>} : memref<4x32xf32, #tpu.memory_space<vmem>>, vector<16xf32>,
          %slice3A_1280 = vector.extract_strided_slice %get3A_1279 {offsets = [0], sizes = [1], strides = [1]} : vector<16xf32> to vector<1xf32>
          %squeeze3A_1281 = vector.extract %slice3A_1280[0] : f32 from vector<1xf32>
          %mul3A_1282 = arith.constant 4 : i32
          %mul3A_1283 = arith.muli %scan3A_386, %mul3A_1282 : i32
          %add3A_1284 = arith.constant 2 : i32
          %add3A_1285 = arith.addi %mul3A_1283, %add3A_1284 : i32
          %get3A_1286 = arith.index_cast %add3A_1285 : i32 to index
          %get3A_1287 = arith.constant 0 : index
          %get3A_1288 = tpu.vector_load %arg19[%get3A_1286, %get3A_1287] {strides = array<i32>} : memref<64x128xf32, #tpu.memory_space<vmem>>, vector<16xf32>,
          %mul3A_1289 = vector.broadcast %squeeze3A_1281 : f32 to vector<16xf32>
          %mul3A_1290 = arith.mulf %mul3A_1289, %get3A_1288 : vector<16xf32>
          %add3A_1291 = arith.addf %add3A_1205, %mul3A_1290 : vector<16xf32>
          %mul3A_1292 = arith.constant 4 : i32
          %mul3A_1293 = arith.muli %scan3A_386, %mul3A_1292 : i32
          %add3A_1294 = arith.constant 2 : i32
          %add3A_1295 = arith.addi %mul3A_1293, %add3A_1294 : i32
          %get3A_1296 = arith.index_cast %add3A_1295 : i32 to index
          %get3A_1297 = arith.constant 16 : index
          %get3A_1298 = tpu.vector_load %arg19[%get3A_1296, %get3A_1297] {strides = array<i32>} : memref<64x128xf32, #tpu.memory_space<vmem>>, vector<16xf32>,
          %mul3A_1299 = vector.broadcast %squeeze3A_1281 : f32 to vector<16xf32>
          %mul3A_1300 = arith.mulf %mul3A_1299, %get3A_1298 : vector<16xf32>
          %add3A_1301 = arith.addf %add3A_1215, %mul3A_1300 : vector<16xf32>
          %mul3A_1302 = arith.constant 4 : i32
          %mul3A_1303 = arith.muli %scan3A_386, %mul3A_1302 : i32
          %add3A_1304 = arith.constant 2 : i32
          %add3A_1305 = arith.addi %mul3A_1303, %add3A_1304 : i32
          %get3A_1306 = arith.index_cast %add3A_1305 : i32 to index
          %get3A_1307 = arith.constant 32 : index
          %get3A_1308 = tpu.vector_load %arg19[%get3A_1306, %get3A_1307] {strides = array<i32>} : memref<64x128xf32, #tpu.memory_space<vmem>>, vector<16xf32>,
          %mul3A_1309 = vector.broadcast %squeeze3A_1281 : f32 to vector<16xf32>
          %mul3A_1310 = arith.mulf %mul3A_1309, %get3A_1308 : vector<16xf32>
          %add3A_1311 = arith.addf %add3A_1225, %mul3A_1310 : vector<16xf32>
          %mul3A_1312 = arith.constant 4 : i32
          %mul3A_1313 = arith.muli %scan3A_386, %mul3A_1312 : i32
          %add3A_1314 = arith.constant 2 : i32
          %add3A_1315 = arith.addi %mul3A_1313, %add3A_1314 : i32
          %get3A_1316 = arith.index_cast %add3A_1315 : i32 to index
          %get3A_1317 = arith.constant 48 : index
          %get3A_1318 = tpu.vector_load %arg19[%get3A_1316, %get3A_1317] {strides = array<i32>} : memref<64x128xf32, #tpu.memory_space<vmem>>, vector<16xf32>,
          %mul3A_1319 = vector.broadcast %squeeze3A_1281 : f32 to vector<16xf32>
          %mul3A_1320 = arith.mulf %mul3A_1319, %get3A_1318 : vector<16xf32>
          %add3A_1321 = arith.addf %add3A_1235, %mul3A_1320 : vector<16xf32>
          %mul3A_1322 = arith.constant 4 : i32
          %mul3A_1323 = arith.muli %scan3A_386, %mul3A_1322 : i32
          %add3A_1324 = arith.constant 2 : i32
          %add3A_1325 = arith.addi %mul3A_1323, %add3A_1324 : i32
          %get3A_1326 = arith.index_cast %add3A_1325 : i32 to index
          %get3A_1327 = arith.constant 64 : index
          %get3A_1328 = tpu.vector_load %arg19[%get3A_1326, %get3A_1327] {strides = array<i32>} : memref<64x128xf32, #tpu.memory_space<vmem>>, vector<16xf32>,
          %mul3A_1329 = vector.broadcast %squeeze3A_1281 : f32 to vector<16xf32>
          %mul3A_1330 = arith.mulf %mul3A_1329, %get3A_1328 : vector<16xf32>
          %add3A_1331 = arith.addf %add3A_1245, %mul3A_1330 : vector<16xf32>
          %mul3A_1332 = arith.constant 4 : i32
          %mul3A_1333 = arith.muli %scan3A_386, %mul3A_1332 : i32
          %add3A_1334 = arith.constant 2 : i32
          %add3A_1335 = arith.addi %mul3A_1333, %add3A_1334 : i32
          %get3A_1336 = arith.index_cast %add3A_1335 : i32 to index
          %get3A_1337 = arith.constant 80 : index
          %get3A_1338 = tpu.vector_load %arg19[%get3A_1336, %get3A_1337] {strides = array<i32>} : memref<64x128xf32, #tpu.memory_space<vmem>>, vector<16xf32>,
          %mul3A_1339 = vector.broadcast %squeeze3A_1281 : f32 to vector<16xf32>
          %mul3A_1340 = arith.mulf %mul3A_1339, %get3A_1338 : vector<16xf32>
          %add3A_1341 = arith.addf %add3A_1255, %mul3A_1340 : vector<16xf32>
          %mul3A_1342 = arith.constant 4 : i32
          %mul3A_1343 = arith.muli %scan3A_386, %mul3A_1342 : i32
          %add3A_1344 = arith.constant 2 : i32
          %add3A_1345 = arith.addi %mul3A_1343, %add3A_1344 : i32
          %get3A_1346 = arith.index_cast %add3A_1345 : i32 to index
          %get3A_1347 = arith.constant 96 : index
          %get3A_1348 = tpu.vector_load %arg19[%get3A_1346, %get3A_1347] {strides = array<i32>} : memref<64x128xf32, #tpu.memory_space<vmem>>, vector<16xf32>,
          %mul3A_1349 = vector.broadcast %squeeze3A_1281 : f32 to vector<16xf32>
          %mul3A_1350 = arith.mulf %mul3A_1349, %get3A_1348 : vector<16xf32>
          %add3A_1351 = arith.addf %add3A_1265, %mul3A_1350 : vector<16xf32>
          %mul3A_1352 = arith.constant 4 : i32
          %mul3A_1353 = arith.muli %scan3A_386, %mul3A_1352 : i32
          %add3A_1354 = arith.constant 2 : i32
          %add3A_1355 = arith.addi %mul3A_1353, %add3A_1354 : i32
          %get3A_1356 = arith.index_cast %add3A_1355 : i32 to index
          %get3A_1357 = arith.constant 112 : index
          %get3A_1358 = tpu.vector_load %arg19[%get3A_1356, %get3A_1357] {strides = array<i32>} : memref<64x128xf32, #tpu.memory_space<vmem>>, vector<16xf32>,
          %mul3A_1359 = vector.broadcast %squeeze3A_1281 : f32 to vector<16xf32>
          %mul3A_1360 = arith.mulf %mul3A_1359, %get3A_1358 : vector<16xf32>
          %add3A_1361 = arith.addf %add3A_1275, %mul3A_1360 : vector<16xf32>
          %get3A_1362 = arith.constant 3 : i32
          %get3A_1363 = arith.index_cast %get3A_1362 : i32 to index
          %get3A_1364 = arith.index_cast %scan3A_386 : i32 to index
          %get3A_1365 = tpu.vector_load %arg25[%get3A_1363, %get3A_1364] {strides = array<i32>} : memref<4x32xf32, #tpu.memory_space<vmem>>, vector<16xf32>,
          %slice3A_1366 = vector.extract_strided_slice %get3A_1365 {offsets = [0], sizes = [1], strides = [1]} : vector<16xf32> to vector<1xf32>
          %squeeze3A_1367 = vector.extract %slice3A_1366[0] : f32 from vector<1xf32>
          %mul3A_1368 = arith.constant 4 : i32
          %mul3A_1369 = arith.muli %scan3A_386, %mul3A_1368 : i32
          %add3A_1370 = arith.constant 3 : i32
          %add3A_1371 = arith.addi %mul3A_1369, %add3A_1370 : i32
          %get3A_1372 = arith.index_cast %add3A_1371 : i32 to index
          %get3A_1373 = arith.constant 0 : index
          %get3A_1374 = tpu.vector_load %arg19[%get3A_1372, %get3A_1373] {strides = array<i32>} : memref<64x128xf32, #tpu.memory_space<vmem>>, vector<16xf32>,
          %mul3A_1375 = vector.broadcast %squeeze3A_1367 : f32 to vector<16xf32>
          %mul3A_1376 = arith.mulf %mul3A_1375, %get3A_1374 : vector<16xf32>
          %add3A_1377 = arith.addf %add3A_1291, %mul3A_1376 : vector<16xf32>
          %mul3A_1378 = arith.constant 4 : i32
          %mul3A_1379 = arith.muli %scan3A_386, %mul3A_1378 : i32
          %add3A_1380 = arith.constant 3 : i32
          %add3A_1381 = arith.addi %mul3A_1379, %add3A_1380 : i32
          %get3A_1382 = arith.index_cast %add3A_1381 : i32 to index
          %get3A_1383 = arith.constant 16 : index
          %get3A_1384 = tpu.vector_load %arg19[%get3A_1382, %get3A_1383] {strides = array<i32>} : memref<64x128xf32, #tpu.memory_space<vmem>>, vector<16xf32>,
          %mul3A_1385 = vector.broadcast %squeeze3A_1367 : f32 to vector<16xf32>
          %mul3A_1386 = arith.mulf %mul3A_1385, %get3A_1384 : vector<16xf32>
          %add3A_1387 = arith.addf %add3A_1301, %mul3A_1386 : vector<16xf32>
          %mul3A_1388 = arith.constant 4 : i32
          %mul3A_1389 = arith.muli %scan3A_386, %mul3A_1388 : i32
          %add3A_1390 = arith.constant 3 : i32
          %add3A_1391 = arith.addi %mul3A_1389, %add3A_1390 : i32
          %get3A_1392 = arith.index_cast %add3A_1391 : i32 to index
          %get3A_1393 = arith.constant 32 : index
          %get3A_1394 = tpu.vector_load %arg19[%get3A_1392, %get3A_1393] {strides = array<i32>} : memref<64x128xf32, #tpu.memory_space<vmem>>, vector<16xf32>,
          %mul3A_1395 = vector.broadcast %squeeze3A_1367 : f32 to vector<16xf32>
          %mul3A_1396 = arith.mulf %mul3A_1395, %get3A_1394 : vector<16xf32>
          %add3A_1397 = arith.addf %add3A_1311, %mul3A_1396 : vector<16xf32>
          %mul3A_1398 = arith.constant 4 : i32
          %mul3A_1399 = arith.muli %scan3A_386, %mul3A_1398 : i32
          %add3A_1400 = arith.constant 3 : i32
          %add3A_1401 = arith.addi %mul3A_1399, %add3A_1400 : i32
          %get3A_1402 = arith.index_cast %add3A_1401 : i32 to index
          %get3A_1403 = arith.constant 48 : index
          %get3A_1404 = tpu.vector_load %arg19[%get3A_1402, %get3A_1403] {strides = array<i32>} : memref<64x128xf32, #tpu.memory_space<vmem>>, vector<16xf32>,
          %mul3A_1405 = vector.broadcast %squeeze3A_1367 : f32 to vector<16xf32>
          %mul3A_1406 = arith.mulf %mul3A_1405, %get3A_1404 : vector<16xf32>
          %add3A_1407 = arith.addf %add3A_1321, %mul3A_1406 : vector<16xf32>
          %mul3A_1408 = arith.constant 4 : i32
          %mul3A_1409 = arith.muli %scan3A_386, %mul3A_1408 : i32
          %add3A_1410 = arith.constant 3 : i32
          %add3A_1411 = arith.addi %mul3A_1409, %add3A_1410 : i32
          %get3A_1412 = arith.index_cast %add3A_1411 : i32 to index
          %get3A_1413 = arith.constant 64 : index
          %get3A_1414 = tpu.vector_load %arg19[%get3A_1412, %get3A_1413] {strides = array<i32>} : memref<64x128xf32, #tpu.memory_space<vmem>>, vector<16xf32>,
          %mul3A_1415 = vector.broadcast %squeeze3A_1367 : f32 to vector<16xf32>
          %mul3A_1416 = arith.mulf %mul3A_1415, %get3A_1414 : vector<16xf32>
          %add3A_1417 = arith.addf %add3A_1331, %mul3A_1416 : vector<16xf32>
          %mul3A_1418 = arith.constant 4 : i32
          %mul3A_1419 = arith.muli %scan3A_386, %mul3A_1418 : i32
          %add3A_1420 = arith.constant 3 : i32
          %add3A_1421 = arith.addi %mul3A_1419, %add3A_1420 : i32
          %get3A_1422 = arith.index_cast %add3A_1421 : i32 to index
          %get3A_1423 = arith.constant 80 : index
          %get3A_1424 = tpu.vector_load %arg19[%get3A_1422, %get3A_1423] {strides = array<i32>} : memref<64x128xf32, #tpu.memory_space<vmem>>, vector<16xf32>,
          %mul3A_1425 = vector.broadcast %squeeze3A_1367 : f32 to vector<16xf32>
          %mul3A_1426 = arith.mulf %mul3A_1425, %get3A_1424 : vector<16xf32>
          %add3A_1427 = arith.addf %add3A_1341, %mul3A_1426 : vector<16xf32>
          %mul3A_1428 = arith.constant 4 : i32
          %mul3A_1429 = arith.muli %scan3A_386, %mul3A_1428 : i32
          %add3A_1430 = arith.constant 3 : i32
          %add3A_1431 = arith.addi %mul3A_1429, %add3A_1430 : i32
          %get3A_1432 = arith.index_cast %add3A_1431 : i32 to index
          %get3A_1433 = arith.constant 96 : index
          %get3A_1434 = tpu.vector_load %arg19[%get3A_1432, %get3A_1433] {strides = array<i32>} : memref<64x128xf32, #tpu.memory_space<vmem>>, vector<16xf32>,
          %mul3A_1435 = vector.broadcast %squeeze3A_1367 : f32 to vector<16xf32>
          %mul3A_1436 = arith.mulf %mul3A_1435, %get3A_1434 : vector<16xf32>
          %add3A_1437 = arith.addf %add3A_1351, %mul3A_1436 : vector<16xf32>
          %mul3A_1438 = arith.constant 4 : i32
          %mul3A_1439 = arith.muli %scan3A_386, %mul3A_1438 : i32
          %add3A_1440 = arith.constant 3 : i32
          %add3A_1441 = arith.addi %mul3A_1439, %add3A_1440 : i32
          %get3A_1442 = arith.index_cast %add3A_1441 : i32 to index
          %get3A_1443 = arith.constant 112 : index
          %get3A_1444 = tpu.vector_load %arg19[%get3A_1442, %get3A_1443] {strides = array<i32>} : memref<64x128xf32, #tpu.memory_space<vmem>>, vector<16xf32>,
          %mul3A_1445 = vector.broadcast %squeeze3A_1367 : f32 to vector<16xf32>
          %mul3A_1446 = arith.mulf %mul3A_1445, %get3A_1444 : vector<16xf32>
          %add3A_1447 = arith.addf %add3A_1361, %mul3A_1446 : vector<16xf32>
          %gt3A_1448 = arith.constant 0.000000e+00 : f32
          %gt3A_1449 = vector.broadcast %gt3A_1448 : f32 to vector<16xf32>
          %gt3A_1450 = arith.cmpf ogt, %add3A_1017, %gt3A_1449 : vector<16xf32>
          %exp3A_1451 = math.exp %add3A_1017 : vector<16xf32>
          %sub3A_1452 = arith.constant 1.000000e+00 : f32
          %sub3A_1453 = vector.broadcast %sub3A_1452 : f32 to vector<16xf32>
          %sub3A_1454 = arith.subf %exp3A_1451, %sub3A_1453 : vector<16xf32>
          %select_n3A_1455 = arith.select %gt3A_1450, %add3A_1017, %sub3A_1454 : vector<16xi1>, vector<16xf32>
          %swap3A_1456 = arith.index_cast %scan3A_386 : i32 to index
          %swap3A_1457 = arith.constant 0 : index
          %swap3A_1458 = tpu.vector_load %arg27[%swap3A_1456, %swap3A_1457] {strides = array<i32>} : memref<16x128xf32, #tpu.memory_space<vmem>>, vector<16xf32>,
          tpu.vector_store %arg27[%swap3A_1456, %swap3A_1457], %select_n3A_1455 {strides = array<i32>} : memref<16x128xf32, #tpu.memory_space<vmem>>, vector<16xf32>,
          %gt3A_1459 = arith.constant 0.000000e+00 : f32
          %gt3A_1460 = vector.broadcast %gt3A_1459 : f32 to vector<16xf32>
          %gt3A_1461 = arith.cmpf ogt, %add3A_1377, %gt3A_1460 : vector<16xf32>
          %exp3A_1462 = math.exp %add3A_1377 : vector<16xf32>
          %sub3A_1463 = arith.constant 1.000000e+00 : f32
          %sub3A_1464 = vector.broadcast %sub3A_1463 : f32 to vector<16xf32>
          %sub3A_1465 = arith.subf %exp3A_1462, %sub3A_1464 : vector<16xf32>
          %select_n3A_1466 = arith.select %gt3A_1461, %add3A_1377, %sub3A_1465 : vector<16xi1>, vector<16xf32>
          %swap3A_1467 = arith.index_cast %scan3A_386 : i32 to index
          %swap3A_1468 = arith.constant 0 : index
          %swap3A_1469 = tpu.vector_load %arg29[%swap3A_1467, %swap3A_1468] {strides = array<i32>} : memref<16x128xf32, #tpu.memory_space<vmem>>, vector<16xf32>,
          tpu.vector_store %arg29[%swap3A_1467, %swap3A_1468], %select_n3A_1466 {strides = array<i32>} : memref<16x128xf32, #tpu.memory_space<vmem>>, vector<16xf32>,
          %gt3A_1470 = arith.constant 0.000000e+00 : f32
          %gt3A_1471 = vector.broadcast %gt3A_1470 : f32 to vector<16xf32>
          %gt3A_1472 = arith.cmpf ogt, %add3A_1027, %gt3A_1471 : vector<16xf32>
          %exp3A_1473 = math.exp %add3A_1027 : vector<16xf32>
          %sub3A_1474 = arith.constant 1.000000e+00 : f32
          %sub3A_1475 = vector.broadcast %sub3A_1474 : f32 to vector<16xf32>
          %sub3A_1476 = arith.subf %exp3A_1473, %sub3A_1475 : vector<16xf32>
          %select_n3A_1477 = arith.select %gt3A_1472, %add3A_1027, %sub3A_1476 : vector<16xi1>, vector<16xf32>
          %swap3A_1478 = arith.index_cast %scan3A_386 : i32 to index
          %swap3A_1479 = arith.constant 16 : index
          %swap3A_1480 = tpu.vector_load %arg27[%swap3A_1478, %swap3A_1479] {strides = array<i32>} : memref<16x128xf32, #tpu.memory_space<vmem>>, vector<16xf32>,
          tpu.vector_store %arg27[%swap3A_1478, %swap3A_1479], %select_n3A_1477 {strides = array<i32>} : memref<16x128xf32, #tpu.memory_space<vmem>>, vector<16xf32>,
          %gt3A_1481 = arith.constant 0.000000e+00 : f32
          %gt3A_1482 = vector.broadcast %gt3A_1481 : f32 to vector<16xf32>
          %gt3A_1483 = arith.cmpf ogt, %add3A_1387, %gt3A_1482 : vector<16xf32>
          %exp3A_1484 = math.exp %add3A_1387 : vector<16xf32>
          %sub3A_1485 = arith.constant 1.000000e+00 : f32
          %sub3A_1486 = vector.broadcast %sub3A_1485 : f32 to vector<16xf32>
          %sub3A_1487 = arith.subf %exp3A_1484, %sub3A_1486 : vector<16xf32>
          %select_n3A_1488 = arith.select %gt3A_1483, %add3A_1387, %sub3A_1487 : vector<16xi1>, vector<16xf32>
          %swap3A_1489 = arith.index_cast %scan3A_386 : i32 to index
          %swap3A_1490 = arith.constant 16 : index
          %swap3A_1491 = tpu.vector_load %arg29[%swap3A_1489, %swap3A_1490] {strides = array<i32>} : memref<16x128xf32, #tpu.memory_space<vmem>>, vector<16xf32>,
          tpu.vector_store %arg29[%swap3A_1489, %swap3A_1490], %select_n3A_1488 {strides = array<i32>} : memref<16x128xf32, #tpu.memory_space<vmem>>, vector<16xf32>,
          %gt3A_1492 = arith.constant 0.000000e+00 : f32
          %gt3A_1493 = vector.broadcast %gt3A_1492 : f32 to vector<16xf32>
          %gt3A_1494 = arith.cmpf ogt, %add3A_1037, %gt3A_1493 : vector<16xf32>
          %exp3A_1495 = math.exp %add3A_1037 : vector<16xf32>
          %sub3A_1496 = arith.constant 1.000000e+00 : f32
          %sub3A_1497 = vector.broadcast %sub3A_1496 : f32 to vector<16xf32>
          %sub3A_1498 = arith.subf %exp3A_1495, %sub3A_1497 : vector<16xf32>
          %select_n3A_1499 = arith.select %gt3A_1494, %add3A_1037, %sub3A_1498 : vector<16xi1>, vector<16xf32>
          %swap3A_1500 = arith.index_cast %scan3A_386 : i32 to index
          %swap3A_1501 = arith.constant 32 : index
          %swap3A_1502 = tpu.vector_load %arg27[%swap3A_1500, %swap3A_1501] {strides = array<i32>} : memref<16x128xf32, #tpu.memory_space<vmem>>, vector<16xf32>,
          tpu.vector_store %arg27[%swap3A_1500, %swap3A_1501], %select_n3A_1499 {strides = array<i32>} : memref<16x128xf32, #tpu.memory_space<vmem>>, vector<16xf32>,
          %gt3A_1503 = arith.constant 0.000000e+00 : f32
          %gt3A_1504 = vector.broadcast %gt3A_1503 : f32 to vector<16xf32>
          %gt3A_1505 = arith.cmpf ogt, %add3A_1397, %gt3A_1504 : vector<16xf32>
          %exp3A_1506 = math.exp %add3A_1397 : vector<16xf32>
          %sub3A_1507 = arith.constant 1.000000e+00 : f32
          %sub3A_1508 = vector.broadcast %sub3A_1507 : f32 to vector<16xf32>
          %sub3A_1509 = arith.subf %exp3A_1506, %sub3A_1508 : vector<16xf32>
          %select_n3A_1510 = arith.select %gt3A_1505, %add3A_1397, %sub3A_1509 : vector<16xi1>, vector<16xf32>
          %swap3A_1511 = arith.index_cast %scan3A_386 : i32 to index
          %swap3A_1512 = arith.constant 32 : index
          %swap3A_1513 = tpu.vector_load %arg29[%swap3A_1511, %swap3A_1512] {strides = array<i32>} : memref<16x128xf32, #tpu.memory_space<vmem>>, vector<16xf32>,
          tpu.vector_store %arg29[%swap3A_1511, %swap3A_1512], %select_n3A_1510 {strides = array<i32>} : memref<16x128xf32, #tpu.memory_space<vmem>>, vector<16xf32>,
          %gt3A_1514 = arith.constant 0.000000e+00 : f32
          %gt3A_1515 = vector.broadcast %gt3A_1514 : f32 to vector<16xf32>
          %gt3A_1516 = arith.cmpf ogt, %add3A_1047, %gt3A_1515 : vector<16xf32>
          %exp3A_1517 = math.exp %add3A_1047 : vector<16xf32>
          %sub3A_1518 = arith.constant 1.000000e+00 : f32
          %sub3A_1519 = vector.broadcast %sub3A_1518 : f32 to vector<16xf32>
          %sub3A_1520 = arith.subf %exp3A_1517, %sub3A_1519 : vector<16xf32>
          %select_n3A_1521 = arith.select %gt3A_1516, %add3A_1047, %sub3A_1520 : vector<16xi1>, vector<16xf32>
          %swap3A_1522 = arith.index_cast %scan3A_386 : i32 to index
          %swap3A_1523 = arith.constant 48 : index
          %swap3A_1524 = tpu.vector_load %arg27[%swap3A_1522, %swap3A_1523] {strides = array<i32>} : memref<16x128xf32, #tpu.memory_space<vmem>>, vector<16xf32>,
          tpu.vector_store %arg27[%swap3A_1522, %swap3A_1523], %select_n3A_1521 {strides = array<i32>} : memref<16x128xf32, #tpu.memory_space<vmem>>, vector<16xf32>,
          %gt3A_1525 = arith.constant 0.000000e+00 : f32
          %gt3A_1526 = vector.broadcast %gt3A_1525 : f32 to vector<16xf32>
          %gt3A_1527 = arith.cmpf ogt, %add3A_1407, %gt3A_1526 : vector<16xf32>
          %exp3A_1528 = math.exp %add3A_1407 : vector<16xf32>
          %sub3A_1529 = arith.constant 1.000000e+00 : f32
          %sub3A_1530 = vector.broadcast %sub3A_1529 : f32 to vector<16xf32>
          %sub3A_1531 = arith.subf %exp3A_1528, %sub3A_1530 : vector<16xf32>
          %select_n3A_1532 = arith.select %gt3A_1527, %add3A_1407, %sub3A_1531 : vector<16xi1>, vector<16xf32>
          %swap3A_1533 = arith.index_cast %scan3A_386 : i32 to index
          %swap3A_1534 = arith.constant 48 : index
          %swap3A_1535 = tpu.vector_load %arg29[%swap3A_1533, %swap3A_1534] {strides = array<i32>} : memref<16x128xf32, #tpu.memory_space<vmem>>, vector<16xf32>,
          tpu.vector_store %arg29[%swap3A_1533, %swap3A_1534], %select_n3A_1532 {strides = array<i32>} : memref<16x128xf32, #tpu.memory_space<vmem>>, vector<16xf32>,
          %gt3A_1536 = arith.constant 0.000000e+00 : f32
          %gt3A_1537 = vector.broadcast %gt3A_1536 : f32 to vector<16xf32>
          %gt3A_1538 = arith.cmpf ogt, %add3A_1057, %gt3A_1537 : vector<16xf32>
          %exp3A_1539 = math.exp %add3A_1057 : vector<16xf32>
          %sub3A_1540 = arith.constant 1.000000e+00 : f32
          %sub3A_1541 = vector.broadcast %sub3A_1540 : f32 to vector<16xf32>
          %sub3A_1542 = arith.subf %exp3A_1539, %sub3A_1541 : vector<16xf32>
          %select_n3A_1543 = arith.select %gt3A_1538, %add3A_1057, %sub3A_1542 : vector<16xi1>, vector<16xf32>
          %swap3A_1544 = arith.index_cast %scan3A_386 : i32 to index
          %swap3A_1545 = arith.constant 64 : index
          %swap3A_1546 = tpu.vector_load %arg27[%swap3A_1544, %swap3A_1545] {strides = array<i32>} : memref<16x128xf32, #tpu.memory_space<vmem>>, vector<16xf32>,
          tpu.vector_store %arg27[%swap3A_1544, %swap3A_1545], %select_n3A_1543 {strides = array<i32>} : memref<16x128xf32, #tpu.memory_space<vmem>>, vector<16xf32>,
          %gt3A_1547 = arith.constant 0.000000e+00 : f32
          %gt3A_1548 = vector.broadcast %gt3A_1547 : f32 to vector<16xf32>
          %gt3A_1549 = arith.cmpf ogt, %add3A_1417, %gt3A_1548 : vector<16xf32>
          %exp3A_1550 = math.exp %add3A_1417 : vector<16xf32>
          %sub3A_1551 = arith.constant 1.000000e+00 : f32
          %sub3A_1552 = vector.broadcast %sub3A_1551 : f32 to vector<16xf32>
          %sub3A_1553 = arith.subf %exp3A_1550, %sub3A_1552 : vector<16xf32>
          %select_n3A_1554 = arith.select %gt3A_1549, %add3A_1417, %sub3A_1553 : vector<16xi1>, vector<16xf32>
          %swap3A_1555 = arith.index_cast %scan3A_386 : i32 to index
          %swap3A_1556 = arith.constant 64 : index
          %swap3A_1557 = tpu.vector_load %arg29[%swap3A_1555, %swap3A_1556] {strides = array<i32>} : memref<16x128xf32, #tpu.memory_space<vmem>>, vector<16xf32>,
          tpu.vector_store %arg29[%swap3A_1555, %swap3A_1556], %select_n3A_1554 {strides = array<i32>} : memref<16x128xf32, #tpu.memory_space<vmem>>, vector<16xf32>,
          %gt3A_1558 = arith.constant 0.000000e+00 : f32
          %gt3A_1559 = vector.broadcast %gt3A_1558 : f32 to vector<16xf32>
          %gt3A_1560 = arith.cmpf ogt, %add3A_1067, %gt3A_1559 : vector<16xf32>
          %exp3A_1561 = math.exp %add3A_1067 : vector<16xf32>
          %sub3A_1562 = arith.constant 1.000000e+00 : f32
          %sub3A_1563 = vector.broadcast %sub3A_1562 : f32 to vector<16xf32>
          %sub3A_1564 = arith.subf %exp3A_1561, %sub3A_1563 : vector<16xf32>
          %select_n3A_1565 = arith.select %gt3A_1560, %add3A_1067, %sub3A_1564 : vector<16xi1>, vector<16xf32>
          %swap3A_1566 = arith.index_cast %scan3A_386 : i32 to index
          %swap3A_1567 = arith.constant 80 : index
          %swap3A_1568 = tpu.vector_load %arg27[%swap3A_1566, %swap3A_1567] {strides = array<i32>} : memref<16x128xf32, #tpu.memory_space<vmem>>, vector<16xf32>,
          tpu.vector_store %arg27[%swap3A_1566, %swap3A_1567], %select_n3A_1565 {strides = array<i32>} : memref<16x128xf32, #tpu.memory_space<vmem>>, vector<16xf32>,
          %gt3A_1569 = arith.constant 0.000000e+00 : f32
          %gt3A_1570 = vector.broadcast %gt3A_1569 : f32 to vector<16xf32>
          %gt3A_1571 = arith.cmpf ogt, %add3A_1427, %gt3A_1570 : vector<16xf32>
          %exp3A_1572 = math.exp %add3A_1427 : vector<16xf32>
          %sub3A_1573 = arith.constant 1.000000e+00 : f32
          %sub3A_1574 = vector.broadcast %sub3A_1573 : f32 to vector<16xf32>
          %sub3A_1575 = arith.subf %exp3A_1572, %sub3A_1574 : vector<16xf32>
          %select_n3A_1576 = arith.select %gt3A_1571, %add3A_1427, %sub3A_1575 : vector<16xi1>, vector<16xf32>
          %swap3A_1577 = arith.index_cast %scan3A_386 : i32 to index
          %swap3A_1578 = arith.constant 80 : index
          %swap3A_1579 = tpu.vector_load %arg29[%swap3A_1577, %swap3A_1578] {strides = array<i32>} : memref<16x128xf32, #tpu.memory_space<vmem>>, vector<16xf32>,
          tpu.vector_store %arg29[%swap3A_1577, %swap3A_1578], %select_n3A_1576 {strides = array<i32>} : memref<16x128xf32, #tpu.memory_space<vmem>>, vector<16xf32>,
          %gt3A_1580 = arith.constant 0.000000e+00 : f32
          %gt3A_1581 = vector.broadcast %gt3A_1580 : f32 to vector<16xf32>
          %gt3A_1582 = arith.cmpf ogt, %add3A_1077, %gt3A_1581 : vector<16xf32>
          %exp3A_1583 = math.exp %add3A_1077 : vector<16xf32>
          %sub3A_1584 = arith.constant 1.000000e+00 : f32
          %sub3A_1585 = vector.broadcast %sub3A_1584 : f32 to vector<16xf32>
          %sub3A_1586 = arith.subf %exp3A_1583, %sub3A_1585 : vector<16xf32>
          %select_n3A_1587 = arith.select %gt3A_1582, %add3A_1077, %sub3A_1586 : vector<16xi1>, vector<16xf32>
          %swap3A_1588 = arith.index_cast %scan3A_386 : i32 to index
          %swap3A_1589 = arith.constant 96 : index
          %swap3A_1590 = tpu.vector_load %arg27[%swap3A_1588, %swap3A_1589] {strides = array<i32>} : memref<16x128xf32, #tpu.memory_space<vmem>>, vector<16xf32>,
          tpu.vector_store %arg27[%swap3A_1588, %swap3A_1589], %select_n3A_1587 {strides = array<i32>} : memref<16x128xf32, #tpu.memory_space<vmem>>, vector<16xf32>,
          %gt3A_1591 = arith.constant 0.000000e+00 : f32
          %gt3A_1592 = vector.broadcast %gt3A_1591 : f32 to vector<16xf32>
          %gt3A_1593 = arith.cmpf ogt, %add3A_1437, %gt3A_1592 : vector<16xf32>
          %exp3A_1594 = math.exp %add3A_1437 : vector<16xf32>
          %sub3A_1595 = arith.constant 1.000000e+00 : f32
          %sub3A_1596 = vector.broadcast %sub3A_1595 : f32 to vector<16xf32>
          %sub3A_1597 = arith.subf %exp3A_1594, %sub3A_1596 : vector<16xf32>
          %select_n3A_1598 = arith.select %gt3A_1593, %add3A_1437, %sub3A_1597 : vector<16xi1>, vector<16xf32>
          %swap3A_1599 = arith.index_cast %scan3A_386 : i32 to index
          %swap3A_1600 = arith.constant 96 : index
          %swap3A_1601 = tpu.vector_load %arg29[%swap3A_1599, %swap3A_1600] {strides = array<i32>} : memref<16x128xf32, #tpu.memory_space<vmem>>, vector<16xf32>,
          tpu.vector_store %arg29[%swap3A_1599, %swap3A_1600], %select_n3A_1598 {strides = array<i32>} : memref<16x128xf32, #tpu.memory_space<vmem>>, vector<16xf32>,
          %gt3A_1602 = arith.constant 0.000000e+00 : f32
          %gt3A_1603 = vector.broadcast %gt3A_1602 : f32 to vector<16xf32>
          %gt3A_1604 = arith.cmpf ogt, %add3A_1087, %gt3A_1603 : vector<16xf32>
          %exp3A_1605 = math.exp %add3A_1087 : vector<16xf32>
          %sub3A_1606 = arith.constant 1.000000e+00 : f32
          %sub3A_1607 = vector.broadcast %sub3A_1606 : f32 to vector<16xf32>
          %sub3A_1608 = arith.subf %exp3A_1605, %sub3A_1607 : vector<16xf32>
          %select_n3A_1609 = arith.select %gt3A_1604, %add3A_1087, %sub3A_1608 : vector<16xi1>, vector<16xf32>
          %swap3A_1610 = arith.index_cast %scan3A_386 : i32 to index
          %swap3A_1611 = arith.constant 112 : index
          %swap3A_1612 = tpu.vector_load %arg27[%swap3A_1610, %swap3A_1611] {strides = array<i32>} : memref<16x128xf32, #tpu.memory_space<vmem>>, vector<16xf32>,
          tpu.vector_store %arg27[%swap3A_1610, %swap3A_1611], %select_n3A_1609 {strides = array<i32>} : memref<16x128xf32, #tpu.memory_space<vmem>>, vector<16xf32>,
          %gt3A_1613 = arith.constant 0.000000e+00 : f32
          %gt3A_1614 = vector.broadcast %gt3A_1613 : f32 to vector<16xf32>
          %gt3A_1615 = arith.cmpf ogt, %add3A_1447, %gt3A_1614 : vector<16xf32>
          %exp3A_1616 = math.exp %add3A_1447 : vector<16xf32>
          %sub3A_1617 = arith.constant 1.000000e+00 : f32
          %sub3A_1618 = vector.broadcast %sub3A_1617 : f32 to vector<16xf32>
          %sub3A_1619 = arith.subf %exp3A_1616, %sub3A_1618 : vector<16xf32>
          %select_n3A_1620 = arith.select %gt3A_1615, %add3A_1447, %sub3A_1619 : vector<16xi1>, vector<16xf32>
          %swap3A_1621 = arith.index_cast %scan3A_386 : i32 to index
          %swap3A_1622 = arith.constant 112 : index
          %swap3A_1623 = tpu.vector_load %arg29[%swap3A_1621, %swap3A_1622] {strides = array<i32>} : memref<16x128xf32, #tpu.memory_space<vmem>>, vector<16xf32>,
          tpu.vector_store %arg29[%swap3A_1621, %swap3A_1622], %select_n3A_1620 {strides = array<i32>} : memref<16x128xf32, #tpu.memory_space<vmem>>, vector<16xf32>,
        }
        %scan3A_374 = arith.constant 16 : i32
        %mul3A_375 = arith.constant 16 : i32
        %mul3A_376 = arith.muli %add3A_71, %mul3A_375 : i32
        %add3A_377 = arith.addi %mul3A_2, %mul3A_376 : i32
        %dma_start3A_378 = arith.constant 0 : i32
        %dma_start3A_379 = tpu.memref_slice %arg10[%add3A_377, %dma_start3A_378] : memref<50000x128xf32, #tpu.memory_space<hbm>> -> memref<16x128xf32, #tpu.memory_space<hbm>>
        %dma_start3A_380 = arith.constant 0 : i32
        %dma_start3A_381 = tpu.memref_slice %arg10[%add3A_377, %dma_start3A_380] : memref<50000x128xf32, #tpu.memory_space<hbm>> -> memref<16x128xf32, #tpu.memory_space<hbm>>
        tpu.enqueue_dma source(%arg27 : memref<16x128xf32, #tpu.memory_space<vmem>>) target(%dma_start3A_381 : memref<16x128xf32, #tpu.memory_space<hbm>>) target_semaphore(%arg33 : memref<!tpu.dma_semaphore, #tpu.memory_space<semaphore_mem>>)
        %dma_start3A_382 = arith.constant 0 : i32
        %dma_start3A_383 = tpu.memref_slice %arg11[%add3A_377, %dma_start3A_382] : memref<50000x128xf32, #tpu.memory_space<hbm>> -> memref<16x128xf32, #tpu.memory_space<hbm>>
        %dma_start3A_384 = arith.constant 0 : i32
        %dma_start3A_385 = tpu.memref_slice %arg11[%add3A_377, %dma_start3A_384] : memref<50000x128xf32, #tpu.memory_space<hbm>> -> memref<16x128xf32, #tpu.memory_space<hbm>>
        tpu.enqueue_dma source(%arg29 : memref<16x128xf32, #tpu.memory_space<vmem>>) target(%dma_start3A_385 : memref<16x128xf32, #tpu.memory_space<hbm>>) target_semaphore(%arg33 : memref<!tpu.dma_semaphore, #tpu.memory_space<semaphore_mem>>)
      } else {
      }
    }
    %scan3A_33 = arith.constant 49 : i32
    %add3A_34 = arith.constant 0 : i32
    %add3A_35 = arith.addi %mul3A_2, %add3A_34 : i32
    %dma_wait3A = arith.constant 0 : i32
    %dma_wait3A_36 = tpu.memref_slice %arg10[%add3A_35, %dma_wait3A] : memref<50000x128xf32, #tpu.memory_space<hbm>> -> memref<16x128xf32, #tpu.memory_space<hbm>>
    %dma_wait3A_37 = arith.constant 0 : i32
    %dma_wait3A_38 = tpu.memref_slice %arg10[%add3A_35, %dma_wait3A_37] : memref<50000x128xf32, #tpu.memory_space<hbm>> -> memref<16x128xf32, #tpu.memory_space<hbm>>
    tpu.wait_dma2 semaphore(%arg32 : memref<!tpu.dma_semaphore, #tpu.memory_space<semaphore_mem>>) src(%arg26 : memref<16x128xf32, #tpu.memory_space<vmem>>) dst(%dma_wait3A_38 : memref<16x128xf32, #tpu.memory_space<hbm>>)
    %dma_wait3A_39 = arith.constant 0 : i32
    %dma_wait3A_40 = tpu.memref_slice %arg11[%add3A_35, %dma_wait3A_39] : memref<50000x128xf32, #tpu.memory_space<hbm>> -> memref<16x128xf32, #tpu.memory_space<hbm>>
    %dma_wait3A_41 = arith.constant 0 : i32
    %dma_wait3A_42 = tpu.memref_slice %arg11[%add3A_35, %dma_wait3A_41] : memref<50000x128xf32, #tpu.memory_space<hbm>> -> memref<16x128xf32, #tpu.memory_space<hbm>>
    tpu.wait_dma2 semaphore(%arg32 : memref<!tpu.dma_semaphore, #tpu.memory_space<semaphore_mem>>) src(%arg28 : memref<16x128xf32, #tpu.memory_space<vmem>>) dst(%dma_wait3A_42 : memref<16x128xf32, #tpu.memory_space<hbm>>)
    %add3A_43 = arith.constant 0 : i32
    %add3A_44 = arith.addi %mul3A_2, %add3A_43 : i32
    %dma_wait3A_45 = arith.constant 0 : i32
    %dma_wait3A_46 = tpu.memref_slice %arg10[%add3A_44, %dma_wait3A_45] : memref<50000x128xf32, #tpu.memory_space<hbm>> -> memref<16x128xf32, #tpu.memory_space<hbm>>
    %dma_wait3A_47 = arith.constant 0 : i32
    %dma_wait3A_48 = tpu.memref_slice %arg10[%add3A_44, %dma_wait3A_47] : memref<50000x128xf32, #tpu.memory_space<hbm>> -> memref<16x128xf32, #tpu.memory_space<hbm>>
    tpu.wait_dma2 semaphore(%arg33 : memref<!tpu.dma_semaphore, #tpu.memory_space<semaphore_mem>>) src(%arg27 : memref<16x128xf32, #tpu.memory_space<vmem>>) dst(%dma_wait3A_48 : memref<16x128xf32, #tpu.memory_space<hbm>>)
    %dma_wait3A_49 = arith.constant 0 : i32
    %dma_wait3A_50 = tpu.memref_slice %arg11[%add3A_44, %dma_wait3A_49] : memref<50000x128xf32, #tpu.memory_space<hbm>> -> memref<16x128xf32, #tpu.memory_space<hbm>>
    %dma_wait3A_51 = arith.constant 0 : i32
    %dma_wait3A_52 = tpu.memref_slice %arg11[%add3A_44, %dma_wait3A_51] : memref<50000x128xf32, #tpu.memory_space<hbm>> -> memref<16x128xf32, #tpu.memory_space<hbm>>
    tpu.wait_dma2 semaphore(%arg33 : memref<!tpu.dma_semaphore, #tpu.memory_space<semaphore_mem>>) src(%arg29 : memref<16x128xf32, #tpu.memory_space<vmem>>) dst(%dma_wait3A_52 : memref<16x128xf32, #tpu.memory_space<hbm>>)
    return
  }
}

module attributes {stable_mosaic.version = 14 : i64} {
  func.func @_proj_body(%arg0: i32, %arg1: memref<2000x128xf32, #tpu.memory_space<vmem>>, %arg2: memref<2000x128xf32, #tpu.memory_space<vmem>>, %arg3: memref<2000x128xf32, #tpu.memory_space<vmem>>, %arg4: memref<1x128xf32, #tpu.memory_space<vmem>>, %arg5: memref<1x128xf32, #tpu.memory_space<vmem>>, %arg6: memref<1x128xf32, #tpu.memory_space<vmem>>, %arg7: memref<1x128xf32, #tpu.memory_space<vmem>>, %arg8: memref<1x1x2000xf32, #tpu.memory_space<vmem>>, %arg9: memref<1x1x2000xf32, #tpu.memory_space<vmem>>, %arg10: memref<1x1x2000xf32, #tpu.memory_space<vmem>>, %arg11: memref<1x1x2000xf32, #tpu.memory_space<vmem>>) attributes {dimension_semantics = [#tpu.dimension_semantics<arbitrary>], iteration_bounds = array<i64: 25>, scalar_prefetch = 0 : i64, scratch_operands = 0 : i64, tpu.core_type = #tpu.core_type<tc>, window_params = [{transform_indices = @transform_0, window_bounds = array<i64: 2000, 128>}, {transform_indices = @transform_1, window_bounds = array<i64: 2000, 128>}, {transform_indices = @transform_2, window_bounds = array<i64: 2000, 128>}, {pipeline_mode = #tpu.pipeline_mode<synchronous>, transform_indices = @transform_3, window_bounds = array<i64: 1, 128>}, {pipeline_mode = #tpu.pipeline_mode<synchronous>, transform_indices = @transform_4, window_bounds = array<i64: 1, 128>}, {pipeline_mode = #tpu.pipeline_mode<synchronous>, transform_indices = @transform_5, window_bounds = array<i64: 1, 128>}, {pipeline_mode = #tpu.pipeline_mode<synchronous>, transform_indices = @transform_6, window_bounds = array<i64: 1, 128>}, {transform_indices = @transform_7, window_bounds = array<i64: 1, 1, 2000>}, {transform_indices = @transform_8, window_bounds = array<i64: 1, 1, 2000>}, {transform_indices = @transform_9, window_bounds = array<i64: 1, 1, 2000>}, {transform_indices = @transform_10, window_bounds = array<i64: 1, 1, 2000>}]} {
    %get3A = arith.constant 0 : index
    %get3A_0 = arith.constant 0 : index
    %get3A_1 = vector.load %arg1[%get3A, %get3A_0] : memref<2000x128xf32, #tpu.memory_space<vmem>>, vector<2000x128xf32>
    %get3A_2 = arith.constant 0 : index
    %get3A_3 = arith.constant 0 : index
    %get3A_4 = vector.load %arg4[%get3A_2, %get3A_3] : memref<1x128xf32, #tpu.memory_space<vmem>>, vector<1x128xf32>
    %get3A_5 = vector.shape_cast %get3A_4 : vector<1x128xf32> to vector<128xf32>
    %dot_general3A = arith.constant dense<0.000000e+00> : vector<2000xf32>
    %dot_general3A_6 = tpu.matmul %get3A_1, %get3A_5, %dot_general3A {dimension_numbers = #tpu.dot_dimension_numbers<[1], [0], [0], [], [0, 0], [], []>, transpose_lhs_hint = false} : vector<2000x128xf32>, vector<128xf32>, vector<2000xf32> -> vector<2000xf32>
    %swap3A = arith.constant 0 : index
    %swap3A_7 = arith.constant 0 : index
    %swap3A_8 = arith.constant 0 : index
    %swap3A_9 = vector.load %arg8[%swap3A, %swap3A_7, %swap3A_8] : memref<1x1x2000xf32, #tpu.memory_space<vmem>>, vector<1x1x2000xf32>
    %swap3A_10 = vector.shape_cast %swap3A_9 : vector<1x1x2000xf32> to vector<2000xf32>
    %swap3A_11 = vector.shape_cast %dot_general3A_6 : vector<2000xf32> to vector<1x1x2000xf32>
    tpu.vector_store %arg8[%swap3A, %swap3A_7, %swap3A_8], %swap3A_11 {strides = array<i32>} : memref<1x1x2000xf32, #tpu.memory_space<vmem>>, vector<1x1x2000xf32>,
    %get3A_12 = arith.constant 0 : index
    %get3A_13 = arith.constant 0 : index
    %get3A_14 = vector.load %arg6[%get3A_12, %get3A_13] : memref<1x128xf32, #tpu.memory_space<vmem>>, vector<1x128xf32>
    %get3A_15 = vector.shape_cast %get3A_14 : vector<1x128xf32> to vector<128xf32>
    %dot_general3A_16 = arith.constant dense<0.000000e+00> : vector<2000xf32>
    %dot_general3A_17 = tpu.matmul %get3A_1, %get3A_15, %dot_general3A_16 {dimension_numbers = #tpu.dot_dimension_numbers<[1], [0], [0], [], [0, 0], [], []>, transpose_lhs_hint = false} : vector<2000x128xf32>, vector<128xf32>, vector<2000xf32> -> vector<2000xf32>
    %swap3A_18 = arith.constant 0 : index
    %swap3A_19 = arith.constant 0 : index
    %swap3A_20 = arith.constant 0 : index
    %swap3A_21 = vector.load %arg9[%swap3A_18, %swap3A_19, %swap3A_20] : memref<1x1x2000xf32, #tpu.memory_space<vmem>>, vector<1x1x2000xf32>
    %swap3A_22 = vector.shape_cast %swap3A_21 : vector<1x1x2000xf32> to vector<2000xf32>
    %swap3A_23 = vector.shape_cast %dot_general3A_17 : vector<2000xf32> to vector<1x1x2000xf32>
    tpu.vector_store %arg9[%swap3A_18, %swap3A_19, %swap3A_20], %swap3A_23 {strides = array<i32>} : memref<1x1x2000xf32, #tpu.memory_space<vmem>>, vector<1x1x2000xf32>,
    %get3A_24 = arith.constant 0 : index
    %get3A_25 = arith.constant 0 : index
    %get3A_26 = vector.load %arg2[%get3A_24, %get3A_25] : memref<2000x128xf32, #tpu.memory_space<vmem>>, vector<2000x128xf32>
    %get3A_27 = arith.constant 0 : index
    %get3A_28 = arith.constant 0 : index
    %get3A_29 = vector.load %arg5[%get3A_27, %get3A_28] : memref<1x128xf32, #tpu.memory_space<vmem>>, vector<1x128xf32>
    %get3A_30 = vector.shape_cast %get3A_29 : vector<1x128xf32> to vector<128xf32>
    %dot_general3A_31 = arith.constant dense<0.000000e+00> : vector<2000xf32>
    %dot_general3A_32 = tpu.matmul %get3A_26, %get3A_30, %dot_general3A_31 {dimension_numbers = #tpu.dot_dimension_numbers<[1], [0], [0], [], [0, 0], [], []>, transpose_lhs_hint = false} : vector<2000x128xf32>, vector<128xf32>, vector<2000xf32> -> vector<2000xf32>
    %swap3A_33 = arith.constant 0 : index
    %swap3A_34 = arith.constant 0 : index
    %swap3A_35 = arith.constant 0 : index
    %swap3A_36 = vector.load %arg10[%swap3A_33, %swap3A_34, %swap3A_35] : memref<1x1x2000xf32, #tpu.memory_space<vmem>>, vector<1x1x2000xf32>
    %swap3A_37 = vector.shape_cast %swap3A_36 : vector<1x1x2000xf32> to vector<2000xf32>
    %swap3A_38 = vector.shape_cast %dot_general3A_32 : vector<2000xf32> to vector<1x1x2000xf32>
    tpu.vector_store %arg10[%swap3A_33, %swap3A_34, %swap3A_35], %swap3A_38 {strides = array<i32>} : memref<1x1x2000xf32, #tpu.memory_space<vmem>>, vector<1x1x2000xf32>,
    %get3A_39 = arith.constant 0 : index
    %get3A_40 = arith.constant 0 : index
    %get3A_41 = vector.load %arg3[%get3A_39, %get3A_40] : memref<2000x128xf32, #tpu.memory_space<vmem>>, vector<2000x128xf32>
    %get3A_42 = arith.constant 0 : index
    %get3A_43 = arith.constant 0 : index
    %get3A_44 = vector.load %arg7[%get3A_42, %get3A_43] : memref<1x128xf32, #tpu.memory_space<vmem>>, vector<1x128xf32>
    %get3A_45 = vector.shape_cast %get3A_44 : vector<1x128xf32> to vector<128xf32>
    %dot_general3A_46 = arith.constant dense<0.000000e+00> : vector<2000xf32>
    %dot_general3A_47 = tpu.matmul %get3A_41, %get3A_45, %dot_general3A_46 {dimension_numbers = #tpu.dot_dimension_numbers<[1], [0], [0], [], [0, 0], [], []>, transpose_lhs_hint = false} : vector<2000x128xf32>, vector<128xf32>, vector<2000xf32> -> vector<2000xf32>
    %swap3A_48 = arith.constant 0 : index
    %swap3A_49 = arith.constant 0 : index
    %swap3A_50 = arith.constant 0 : index
    %swap3A_51 = vector.load %arg11[%swap3A_48, %swap3A_49, %swap3A_50] : memref<1x1x2000xf32, #tpu.memory_space<vmem>>, vector<1x1x2000xf32>
    %swap3A_52 = vector.shape_cast %swap3A_51 : vector<1x1x2000xf32> to vector<2000xf32>
    %swap3A_53 = vector.shape_cast %dot_general3A_47 : vector<2000xf32> to vector<1x1x2000xf32>
    tpu.vector_store %arg11[%swap3A_48, %swap3A_49, %swap3A_50], %swap3A_53 {strides = array<i32>} : memref<1x1x2000xf32, #tpu.memory_space<vmem>>, vector<1x1x2000xf32>,
    return
  }
  func.func @transform_0(%arg0: i32) -> (i32, i32) {
    %c0_i32 = arith.constant 0 : i32
    %c0_i32_0 = arith.constant 0 : i32
    return %arg0, %c0_i32 : i32, i32
  }
  func.func @transform_1(%arg0: i32) -> (i32, i32) {
    %c0_i32 = arith.constant 0 : i32
    %c0_i32_0 = arith.constant 0 : i32
    return %arg0, %c0_i32 : i32, i32
  }
  func.func @transform_2(%arg0: i32) -> (i32, i32) {
    %c0_i32 = arith.constant 0 : i32
    %c0_i32_0 = arith.constant 0 : i32
    return %arg0, %c0_i32 : i32, i32
  }
  func.func @transform_3(%arg0: i32) -> (i32, i32) {
    %c0_i32 = arith.constant 0 : i32
    %c0_i32_0 = arith.constant 0 : i32
    %c0_i32_1 = arith.constant 0 : i32
    return %c0_i32, %c0_i32_0 : i32, i32
  }
  func.func @transform_4(%arg0: i32) -> (i32, i32) {
    %c0_i32 = arith.constant 0 : i32
    %c0_i32_0 = arith.constant 0 : i32
    %c0_i32_1 = arith.constant 0 : i32
    return %c0_i32, %c0_i32_0 : i32, i32
  }
  func.func @transform_5(%arg0: i32) -> (i32, i32) {
    %c0_i32 = arith.constant 0 : i32
    %c0_i32_0 = arith.constant 0 : i32
    %c0_i32_1 = arith.constant 0 : i32
    return %c0_i32, %c0_i32_0 : i32, i32
  }
  func.func @transform_6(%arg0: i32) -> (i32, i32) {
    %c0_i32 = arith.constant 0 : i32
    %c0_i32_0 = arith.constant 0 : i32
    %c0_i32_1 = arith.constant 0 : i32
    return %c0_i32, %c0_i32_0 : i32, i32
  }
  func.func @transform_7(%arg0: i32) -> (i32, i32, i32) {
    %c0_i32 = arith.constant 0 : i32
    %c0_i32_0 = arith.constant 0 : i32
    %c0_i32_1 = arith.constant 0 : i32
    return %arg0, %c0_i32, %c0_i32_0 : i32, i32, i32
  }
  func.func @transform_8(%arg0: i32) -> (i32, i32, i32) {
    %c0_i32 = arith.constant 0 : i32
    %c0_i32_0 = arith.constant 0 : i32
    %c0_i32_1 = arith.constant 0 : i32
    return %arg0, %c0_i32, %c0_i32_0 : i32, i32, i32
  }
  func.func @transform_9(%arg0: i32) -> (i32, i32, i32) {
    %c0_i32 = arith.constant 0 : i32
    %c0_i32_0 = arith.constant 0 : i32
    %c0_i32_1 = arith.constant 0 : i32
    return %arg0, %c0_i32, %c0_i32_0 : i32, i32, i32
  }
  func.func @transform_10(%arg0: i32) -> (i32, i32, i32) {
    %c0_i32 = arith.constant 0 : i32
    %c0_i32_0 = arith.constant 0 : i32
    %c0_i32_1 = arith.constant 0 : i32
    return %arg0, %c0_i32, %c0_i32_0 : i32, i32, i32
  }
}

module attributes {stable_mosaic.version = 14 : i64} {
  func.func @_sem_body(%arg0: i32, %arg1: memref<2000x128xf32, #tpu.memory_space<vmem>>, %arg2: memref<2000x128xf32, #tpu.memory_space<vmem>>, %arg3: memref<128x128xf32, #tpu.memory_space<vmem>>, %arg4: memref<1x128xf32, #tpu.memory_space<vmem>>, %arg5: memref<2x128xf32, #tpu.memory_space<vmem>>) attributes {dimension_semantics = [#tpu.dimension_semantics<arbitrary>], iteration_bounds = array<i64: 25>, scalar_prefetch = 0 : i64, scratch_operands = 0 : i64, tpu.core_type = #tpu.core_type<tc>, window_params = [{transform_indices = @transform_0, window_bounds = array<i64: 2000, 128>}, {transform_indices = @transform_1, window_bounds = array<i64: 2000, 128>}, {pipeline_mode = #tpu.pipeline_mode<synchronous>, transform_indices = @transform_2, window_bounds = array<i64: 128, 128>}, {pipeline_mode = #tpu.pipeline_mode<synchronous>, transform_indices = @transform_3, window_bounds = array<i64: 1, 128>}, {pipeline_mode = #tpu.pipeline_mode<synchronous>, transform_indices = @transform_4, window_bounds = array<i64: 2, 128>}]} {
    %get3A = arith.constant 0 : index
    %get3A_0 = arith.constant 0 : index
    %get3A_1 = vector.load %arg1[%get3A, %get3A_0] : memref<2000x128xf32, #tpu.memory_space<vmem>>, vector<2000x128xf32>
    %get3A_2 = arith.constant 0 : index
    %get3A_3 = arith.constant 0 : index
    %get3A_4 = vector.load %arg3[%get3A_2, %get3A_3] : memref<128x128xf32, #tpu.memory_space<vmem>>, vector<128x128xf32>
    %dot_general3A = arith.constant dense<0.000000e+00> : vector<2000x128xf32>
    %dot_general3A_5 = tpu.matmul %get3A_1, %get3A_4, %dot_general3A {dimension_numbers = #tpu.dot_dimension_numbers<[1], [1], [0], [0], [0, 0, 1, 0], [], []>, transpose_lhs_hint = false} : vector<2000x128xf32>, vector<128x128xf32>, vector<2000x128xf32> -> vector<2000x128xf32>
    %get3A_6 = arith.constant 0 : index
    %get3A_7 = arith.constant 0 : index
    %get3A_8 = vector.load %arg4[%get3A_6, %get3A_7] : memref<1x128xf32, #tpu.memory_space<vmem>>, vector<1x128xf32>
    %get3A_9 = vector.shape_cast %get3A_8 : vector<1x128xf32> to vector<128xf32>
    %broadcast_in_dim3A = vector.shape_cast %get3A_9 : vector<128xf32> to vector<1x128xf32>
    %add3A = vector.broadcast %broadcast_in_dim3A : vector<1x128xf32> to vector<2000x128xf32>
    %add3A_10 = arith.addf %dot_general3A_5, %add3A : vector<2000x128xf32>
    %tanh3A = math.tanh %add3A_10 : vector<2000x128xf32>
    %reduce_sum3A = arith.constant dense<0.000000e+00> : vector<128xf32>
    %reduce_sum3A_11 = vector.multi_reduction <add>, %tanh3A, %reduce_sum3A [0] : vector<2000x128xf32> to vector<128xf32>
    %get3A_12 = arith.constant 0 : index
    %get3A_13 = arith.constant 0 : index
    %get3A_14 = vector.load %arg2[%get3A_12, %get3A_13] : memref<2000x128xf32, #tpu.memory_space<vmem>>, vector<2000x128xf32>
    %get3A_15 = arith.constant 0 : index
    %get3A_16 = arith.constant 0 : index
    %get3A_17 = vector.load %arg3[%get3A_15, %get3A_16] : memref<128x128xf32, #tpu.memory_space<vmem>>, vector<128x128xf32>
    %dot_general3A_18 = arith.constant dense<0.000000e+00> : vector<2000x128xf32>
    %dot_general3A_19 = tpu.matmul %get3A_14, %get3A_17, %dot_general3A_18 {dimension_numbers = #tpu.dot_dimension_numbers<[1], [1], [0], [0], [0, 0, 1, 0], [], []>, transpose_lhs_hint = false} : vector<2000x128xf32>, vector<128x128xf32>, vector<2000x128xf32> -> vector<2000x128xf32>
    %get3A_20 = arith.constant 0 : index
    %get3A_21 = arith.constant 0 : index
    %get3A_22 = vector.load %arg4[%get3A_20, %get3A_21] : memref<1x128xf32, #tpu.memory_space<vmem>>, vector<1x128xf32>
    %get3A_23 = vector.shape_cast %get3A_22 : vector<1x128xf32> to vector<128xf32>
    %broadcast_in_dim3A_24 = vector.shape_cast %get3A_23 : vector<128xf32> to vector<1x128xf32>
    %add3A_25 = vector.broadcast %broadcast_in_dim3A_24 : vector<1x128xf32> to vector<2000x128xf32>
    %add3A_26 = arith.addf %dot_general3A_19, %add3A_25 : vector<2000x128xf32>
    %tanh3A_27 = math.tanh %add3A_26 : vector<2000x128xf32>
    %reduce_sum3A_28 = arith.constant dense<0.000000e+00> : vector<128xf32>
    %reduce_sum3A_29 = vector.multi_reduction <add>, %tanh3A_27, %reduce_sum3A_28 [0] : vector<2000x128xf32> to vector<128xf32>
    %eq3A = arith.constant 0 : i32
    %eq3A_30 = arith.cmpi eq, %arg0, %eq3A : i32
    %convert_element_type3A = arith.extui %eq3A_30 : i1 to i32
    %cond3A = arith.constant 0 : i32
    %cond3A_31 = arith.cmpi ne, %convert_element_type3A, %cond3A : i32
    scf.if %cond3A_31 {
      %swap3A = arith.constant 0 : index
      %swap3A_36 = arith.constant 0 : index
      %swap3A_37 = vector.load %arg5[%swap3A, %swap3A_36] : memref<2x128xf32, #tpu.memory_space<vmem>>, vector<1x128xf32>
      %swap3A_38 = vector.shape_cast %swap3A_37 : vector<1x128xf32> to vector<128xf32>
      %swap3A_39 = vector.shape_cast %reduce_sum3A_11 : vector<128xf32> to vector<1x128xf32>
      tpu.vector_store %arg5[%swap3A, %swap3A_36], %swap3A_39 {strides = array<i32>} : memref<2x128xf32, #tpu.memory_space<vmem>>, vector<1x128xf32>,
      %swap3A_40 = arith.constant 1 : index
      %swap3A_41 = arith.constant 0 : index
      %swap3A_42 = vector.load %arg5[%swap3A_40, %swap3A_41] : memref<2x128xf32, #tpu.memory_space<vmem>>, vector<1x128xf32>
      %swap3A_43 = vector.shape_cast %swap3A_42 : vector<1x128xf32> to vector<128xf32>
      %swap3A_44 = vector.shape_cast %reduce_sum3A_29 : vector<128xf32> to vector<1x128xf32>
      tpu.vector_store %arg5[%swap3A_40, %swap3A_41], %swap3A_44 {strides = array<i32>} : memref<2x128xf32, #tpu.memory_space<vmem>>, vector<1x128xf32>,
    } else {
    }
    %gt3A = arith.constant 0 : i32
    %gt3A_32 = arith.cmpi sgt, %arg0, %gt3A : i32
    %convert_element_type3A_33 = arith.extui %gt3A_32 : i1 to i32
    %cond3A_34 = arith.constant 0 : i32
    %cond3A_35 = arith.cmpi ne, %convert_element_type3A_33, %cond3A_34 : i32
    scf.if %cond3A_35 {
      %get3A_36 = arith.constant 0 : index
      %get3A_37 = arith.constant 0 : index
      %get3A_38 = vector.load %arg5[%get3A_36, %get3A_37] : memref<2x128xf32, #tpu.memory_space<vmem>>, vector<1x128xf32>
      %get3A_39 = vector.shape_cast %get3A_38 : vector<1x128xf32> to vector<128xf32>
      %add3A_40 = arith.addf %get3A_39, %reduce_sum3A_11 : vector<128xf32>
      %swap3A = arith.constant 0 : index
      %swap3A_41 = arith.constant 0 : index
      %swap3A_42 = vector.load %arg5[%swap3A, %swap3A_41] : memref<2x128xf32, #tpu.memory_space<vmem>>, vector<1x128xf32>
      %swap3A_43 = vector.shape_cast %swap3A_42 : vector<1x128xf32> to vector<128xf32>
      %swap3A_44 = vector.shape_cast %add3A_40 : vector<128xf32> to vector<1x128xf32>
      tpu.vector_store %arg5[%swap3A, %swap3A_41], %swap3A_44 {strides = array<i32>} : memref<2x128xf32, #tpu.memory_space<vmem>>, vector<1x128xf32>,
      %get3A_45 = arith.constant 1 : index
      %get3A_46 = arith.constant 0 : index
      %get3A_47 = vector.load %arg5[%get3A_45, %get3A_46] : memref<2x128xf32, #tpu.memory_space<vmem>>, vector<1x128xf32>
      %get3A_48 = vector.shape_cast %get3A_47 : vector<1x128xf32> to vector<128xf32>
      %add3A_49 = arith.addf %get3A_48, %reduce_sum3A_29 : vector<128xf32>
      %swap3A_50 = arith.constant 1 : index
      %swap3A_51 = arith.constant 0 : index
      %swap3A_52 = vector.load %arg5[%swap3A_50, %swap3A_51] : memref<2x128xf32, #tpu.memory_space<vmem>>, vector<1x128xf32>
      %swap3A_53 = vector.shape_cast %swap3A_52 : vector<1x128xf32> to vector<128xf32>
      %swap3A_54 = vector.shape_cast %add3A_49 : vector<128xf32> to vector<1x128xf32>
      tpu.vector_store %arg5[%swap3A_50, %swap3A_51], %swap3A_54 {strides = array<i32>} : memref<2x128xf32, #tpu.memory_space<vmem>>, vector<1x128xf32>,
    } else {
    }
    return
  }
  func.func @transform_0(%arg0: i32) -> (i32, i32) {
    %c0_i32 = arith.constant 0 : i32
    %c0_i32_0 = arith.constant 0 : i32
    return %arg0, %c0_i32 : i32, i32
  }
  func.func @transform_1(%arg0: i32) -> (i32, i32) {
    %c0_i32 = arith.constant 0 : i32
    %c0_i32_0 = arith.constant 0 : i32
    return %arg0, %c0_i32 : i32, i32
  }
  func.func @transform_2(%arg0: i32) -> (i32, i32) {
    %c0_i32 = arith.constant 0 : i32
    %c0_i32_0 = arith.constant 0 : i32
    %c0_i32_1 = arith.constant 0 : i32
    return %c0_i32, %c0_i32_0 : i32, i32
  }
  func.func @transform_3(%arg0: i32) -> (i32, i32) {
    %c0_i32 = arith.constant 0 : i32
    %c0_i32_0 = arith.constant 0 : i32
    %c0_i32_1 = arith.constant 0 : i32
    return %c0_i32, %c0_i32_0 : i32, i32
  }
  func.func @transform_4(%arg0: i32) -> (i32, i32) {
    %c0_i32 = arith.constant 0 : i32
    %c0_i32_0 = arith.constant 0 : i32
    %c0_i32_1 = arith.constant 0 : i32
    return %c0_i32, %c0_i32_0 : i32, i32
  }
}

module attributes {stable_mosaic.version = 14 : i64} {
  func.func @_combine_body(%arg0: i32, %arg1: memref<2000x128xf32, #tpu.memory_space<vmem>>, %arg2: memref<2000x128xf32, #tpu.memory_space<vmem>>, %arg3: memref<2x128xf32, #tpu.memory_space<vmem>>, %arg4: memref<1x128xf32, #tpu.memory_space<vmem>>, %arg5: memref<2000x128xf32, #tpu.memory_space<vmem>>) attributes {dimension_semantics = [#tpu.dimension_semantics<arbitrary>], iteration_bounds = array<i64: 25>, scalar_prefetch = 0 : i64, scratch_operands = 0 : i64, tpu.core_type = #tpu.core_type<tc>, window_params = [{transform_indices = @transform_0, window_bounds = array<i64: 2000, 128>}, {transform_indices = @transform_1, window_bounds = array<i64: 2000, 128>}, {pipeline_mode = #tpu.pipeline_mode<synchronous>, transform_indices = @transform_2, window_bounds = array<i64: 2, 128>}, {pipeline_mode = #tpu.pipeline_mode<synchronous>, transform_indices = @transform_3, window_bounds = array<i64: 1, 128>}, {transform_indices = @transform_4, window_bounds = array<i64: 2000, 128>}]} {
    %get3A = arith.constant 0 : index
    %get3A_0 = arith.constant 0 : index
    %get3A_1 = vector.load %arg3[%get3A, %get3A_0] : memref<2x128xf32, #tpu.memory_space<vmem>>, vector<1x128xf32>
    %get3A_2 = vector.shape_cast %get3A_1 : vector<1x128xf32> to vector<128xf32>
    %get3A_3 = arith.constant 0 : index
    %get3A_4 = arith.constant 0 : index
    %get3A_5 = vector.load %arg4[%get3A_3, %get3A_4] : memref<1x128xf32, #tpu.memory_space<vmem>>, vector<1x128xf32>
    %get3A_6 = vector.shape_cast %get3A_5 : vector<1x128xf32> to vector<128xf32>
    %mul3A = arith.mulf %get3A_2, %get3A_6 : vector<128xf32>
    %reduce_sum3A = vector.shape_cast %mul3A : vector<128xf32> to vector<1x128xf32>
    %reduce_sum3A_7 = arith.constant dense<0.000000e+00> : vector<1xf32>
    %reduce_sum3A_8 = vector.multi_reduction <add>, %reduce_sum3A, %reduce_sum3A_7 [1] : vector<1x128xf32> to vector<1xf32>
    %reduce_sum3A_9 = vector.shape_cast %reduce_sum3A_8 : vector<1xf32> to vector<1x1xf32>
    %reduce_sum3A_10 = vector.extract %reduce_sum3A_9[0, 0] : f32 from vector<1x1xf32>
    %mul3A_11 = arith.constant 2.000000e-05 : f32
    %mul3A_12 = arith.mulf %reduce_sum3A_10, %mul3A_11 : f32
    %get3A_13 = arith.constant 1 : index
    %get3A_14 = arith.constant 0 : index
    %get3A_15 = vector.load %arg3[%get3A_13, %get3A_14] : memref<2x128xf32, #tpu.memory_space<vmem>>, vector<1x128xf32>
    %get3A_16 = vector.shape_cast %get3A_15 : vector<1x128xf32> to vector<128xf32>
    %get3A_17 = arith.constant 0 : index
    %get3A_18 = arith.constant 0 : index
    %get3A_19 = vector.load %arg4[%get3A_17, %get3A_18] : memref<1x128xf32, #tpu.memory_space<vmem>>, vector<1x128xf32>
    %get3A_20 = vector.shape_cast %get3A_19 : vector<1x128xf32> to vector<128xf32>
    %mul3A_21 = arith.mulf %get3A_16, %get3A_20 : vector<128xf32>
    %reduce_sum3A_22 = vector.shape_cast %mul3A_21 : vector<128xf32> to vector<1x128xf32>
    %reduce_sum3A_23 = arith.constant dense<0.000000e+00> : vector<1xf32>
    %reduce_sum3A_24 = vector.multi_reduction <add>, %reduce_sum3A_22, %reduce_sum3A_23 [1] : vector<1x128xf32> to vector<1xf32>
    %reduce_sum3A_25 = vector.shape_cast %reduce_sum3A_24 : vector<1xf32> to vector<1x1xf32>
    %reduce_sum3A_26 = vector.extract %reduce_sum3A_25[0, 0] : f32 from vector<1x1xf32>
    %mul3A_27 = arith.constant 2.000000e-05 : f32
    %mul3A_28 = arith.mulf %reduce_sum3A_26, %mul3A_27 : f32
    %max3A = arith.maximumf %mul3A_12, %mul3A_28 : f32
    %sub3A = arith.subf %mul3A_12, %max3A : f32
    %exp3A = math.exp %sub3A : f32
    %sub3A_29 = arith.subf %mul3A_28, %max3A : f32
    %exp3A_30 = math.exp %sub3A_29 : f32
    %add3A = arith.addf %exp3A, %exp3A_30 : f32
    %div3A = arith.divf %exp3A, %add3A : f32
    %add3A_31 = arith.addf %exp3A, %exp3A_30 : f32
    %div3A_32 = arith.divf %exp3A_30, %add3A_31 : f32
    %get3A_33 = arith.constant 0 : index
    %get3A_34 = arith.constant 0 : index
    %get3A_35 = vector.load %arg1[%get3A_33, %get3A_34] : memref<2000x128xf32, #tpu.memory_space<vmem>>, vector<2000x128xf32>
    %mul3A_36 = vector.broadcast %div3A : f32 to vector<2000x128xf32>
    %mul3A_37 = arith.mulf %mul3A_36, %get3A_35 : vector<2000x128xf32>
    %get3A_38 = arith.constant 0 : index
    %get3A_39 = arith.constant 0 : index
    %get3A_40 = vector.load %arg2[%get3A_38, %get3A_39] : memref<2000x128xf32, #tpu.memory_space<vmem>>, vector<2000x128xf32>
    %mul3A_41 = vector.broadcast %div3A_32 : f32 to vector<2000x128xf32>
    %mul3A_42 = arith.mulf %mul3A_41, %get3A_40 : vector<2000x128xf32>
    %add3A_43 = arith.addf %mul3A_37, %mul3A_42 : vector<2000x128xf32>
    %swap3A = arith.constant 0 : index
    %swap3A_44 = arith.constant 0 : index
    %swap3A_45 = vector.load %arg5[%swap3A, %swap3A_44] : memref<2000x128xf32, #tpu.memory_space<vmem>>, vector<2000x128xf32>
    tpu.vector_store %arg5[%swap3A, %swap3A_44], %add3A_43 {strides = array<i32>} : memref<2000x128xf32, #tpu.memory_space<vmem>>, vector<2000x128xf32>,
    return
  }
  func.func @transform_0(%arg0: i32) -> (i32, i32) {
    %c0_i32 = arith.constant 0 : i32
    %c0_i32_0 = arith.constant 0 : i32
    return %arg0, %c0_i32 : i32, i32
  }
  func.func @transform_1(%arg0: i32) -> (i32, i32) {
    %c0_i32 = arith.constant 0 : i32
    %c0_i32_0 = arith.constant 0 : i32
    return %arg0, %c0_i32 : i32, i32
  }
  func.func @transform_2(%arg0: i32) -> (i32, i32) {
    %c0_i32 = arith.constant 0 : i32
    %c0_i32_0 = arith.constant 0 : i32
    %c0_i32_1 = arith.constant 0 : i32
    return %c0_i32, %c0_i32_0 : i32, i32
  }
  func.func @transform_3(%arg0: i32) -> (i32, i32) {
    %c0_i32 = arith.constant 0 : i32
    %c0_i32_0 = arith.constant 0 : i32
    %c0_i32_1 = arith.constant 0 : i32
    return %c0_i32, %c0_i32_0 : i32, i32
  }
  func.func @transform_4(%arg0: i32) -> (i32, i32) {
    %c0_i32 = arith.constant 0 : i32
    %c0_i32_0 = arith.constant 0 : i32
    return %arg0, %c0_i32 : i32, i32
  }
}

</mosaic_0001>

<sc_bundles>
// kernel: kernel.6.cloned.1.call-start
scs
__scs_entry_jumppad:
0x0: {  	(pc) =	sbr.rel $0x88, $3  }
0x1: {  	(tag) =	ssettag $0x0;
	lr =	simm.s32 $0x1  }
0x2: {  	[smem:$0x3F97] =	sst lr;
	_ =	strace $0xD0000000  }
0x3: {  	_ = 	snop  }
0x4: {  	_ = 	snop  }
0x5: {  	_ = 	snop  }
0x6: {  	_ = 	snop  }
0x7: {  	_ = 	snop  }
__scs_overlays_trampoline_lowered:
0x8: {  	[smem:$0x3FA6] =	sst s0  }
0x9: {  	[smem:$0x3FA7] =	sst s1  }
0xa: {  	[smem:$0x3FA8] =	sst s2  }
0xb: {  	[smem:$0x3FA9] =	sst s3  }
0xc: {  	[smem:$0x3FAA] =	sst s4  }
0xd: {  	[smem:$0x3FAB] =	sst s5  }
0xe: {  	[smem:$0x3FAC] =	sst s6  }
0xf: {  	[smem:$0x3FAD] =	sst s7  }
0x10: {  	[smem:$0x3FAE] =	sst s8  }
0x11: {  	[smem:$0x3FAF] =	sst s9;
	s0 =	simm.s32 @!p0 $0x0  }
0x12: {  	s1 =	sld [smem:$0x3F95];
	s0 =	simm.s32 @p0 $0x1  }
0x13: {  	[smem:$0x3FB0] =	sst s0;
	s0 =	simm.s32 @!p1 $0x0  }
0x14: {  	s2 =	sld [smem:$0x3F94];
	s0 =	simm.s32 @p1 $0x1  }
0x15: {  	[smem:$0x3FB1] =	sst s0;
	s0 =	simm.s32 @!p2 $0x0  }
0x16: {  	s3 =	sld [smem:$0x3FDB];
	s0 =	simm.s32 @p2 $0x1  }
0x17: {  	s4 =	simm.s32 $0x1BF5;
	[smem:$0x3FB3] =	sst s0  }
0x18: {  	s0 =	sld [smem:$0x3F96];
	_ =	swait.ge [sflag:s4], $0x0  }
0x19: {  	s7 =	sld [smem:$0x3F97]  }
0x1a: {  	s8 =	sadd.s32 $0xFFFFE003, lr  }
0x1b: {  	s9 =	sadd.s32 $0xFFFFFEF7, lr;
	s5 =	simm.s32 $0xFFFFFFFF;
	p2 =	slt.u32 s8, $0xFFFFF086  }
0x1c: {  	p1 =	slt.u32 s9, $0xF7A;
	s5 =	simm.s32 @!p2 $0x0  }
0x1d: {  	s5 =	simm.s32 @p1 $0x1;
	p0 =	seq.s32 s7, s2  }
0x1e: {  	s7 =	smul.u32 @!p0 $0xF7A, s2;
	p2 =	seq.s32 @!p0 s5, $0x0  }
0x1f: {  	s9 =	smul.u32 $0xF7A, s1;
	s8 =	simm.s32 @!p0 $0x1BF5;
	p2 =	por !p2, p0  }
0x20: {  	[sflag:s8] =	ssyncset.s32 @!p0 $0xFFFFF086;
	s6 =	sadd.s32 @!p0 s3, s7;
	s7 =	simm.s32 @!p0 $0x108  }
0x21: {  	s3 =	sadd.s32 s3, s9;
	s6 =	sadd.s32 @!p0 $0x88, s6;
	s7 =	simm.s32 @p2 $0x1082  }
0x22: {  	[simem:s7], [sflag:s8] =	dma.local @!p0 [hbm:s6], $0xF7A  }
0x23: {  	s9 =	sor.u32 $0xD0000000, s2;
	s6 =	simm.s32 $0x108;
	_ =	swait.ge @!p0 [sflag:s8], $0x0  }
0x24: {  	s3 =	sadd.s32 $0x88, s3;
	s6 =	simm.s32 @!p1 $0x1082;
	[sflag:s4] =	ssyncset.s32 $0xFFFFF086  }
0x25: {  	[simem:s6], [sflag:s4] =	dma.local [hbm:s3], $0xF7A  }
0x26: {  	[smem:$0x3F97] =	sst s1;
	(tag) =	ssettag s2;
	_ =	strace s9  }
0x27: {  	s1 =	sld [smem:$0x3FA7]  }
0x28: {  	s2 =	sld [smem:$0x3FA8]  }
0x29: {  	s4 =	sld [smem:$0x3FAA]  }
0x2a: {  	p0 =	seq.s32 s5, $0x0;
	s5 =	sld [smem:$0x3FAB]  }
0x2b: {  	s6 =	sld [smem:$0x3FAC]  }
0x2c: {  	s7 =	sld [smem:$0x3FAD]  }
0x2d: {  	s3 =	simm.s32 $0x108;
	s8 =	sld [smem:$0x3FAE]  }
0x2e: {  	s3 =	simm.s32 @!p0 $0x1082;
	s9 =	sld [smem:$0x3FAF]  }
0x2f: {  	lr =	sadd.s32 s0, s3;
	s0 =	sld [smem:$0x3FA6]  }
0x30: {  	s3 =	sld [smem:$0x3FA9]  }
0x31: {  	[smem:$0x3FB2] =	sst s10  }
0x32: {  	s10 =	sld [smem:$0x3FB0];
	_ =	sdelay $0x3  }
0x33: {  	p0 =	seq.s32 s10, $0x1;
	s10 =	sld [smem:$0x3FB2];
	_ =	sdelay $0x3  }
0x34: {  	[smem:$0x3FB2] =	sst s10  }
0x35: {  	s10 =	sld [smem:$0x3FB1];
	_ =	sdelay $0x3  }
0x36: {  	p1 =	seq.s32 s10, $0x1;
	s10 =	sld [smem:$0x3FB2];
	_ =	sdelay $0x3  }
0x37: {  	[smem:$0x3FB2] =	sst s10  }
0x38: {  	s10 =	sld [smem:$0x3FB3]  }
0x39: {  	_ = 	snop;
	(pc) =	sbr.ind lr, $3  }
0x3a: {  	_ = 	snop  }
0x3b: {  	_ = 	snop  }
0x3c: {  	p2 =	seq.s32 s10, $0x1;
	s10 =	sld [smem:$0x3FB2]  }
0x3d: {  	_ =	shalt  }
0x3e: {  	_ =	shalt  }
0x3f: {  	_ =	shalt  }
0x40: {  	_ =	shalt  }
0x41: {  	_ =	shalt  }
0x42: {  	_ =	shalt  }
0x43: {  	_ =	shalt  }
0x44: {  	_ =	shalt  }
0x45: {  	_ =	shalt  }
0x46: {  	_ =	shalt  }
0x47: {  	_ =	shalt  }
0x48: {  	_ =	shalt  }
0x49: {  	_ =	shalt  }
0x4a: {  	_ =	shalt  }
0x4b: {  	_ =	shalt  }
0x4c: {  	_ =	shalt  }
0x4d: {  	_ =	shalt  }
0x4e: {  	_ =	shalt  }
0x4f: {  	_ =	shalt  }
0x50: {  	_ =	shalt  }
0x51: {  	_ =	shalt  }
0x52: {  	_ =	shalt  }
0x53: {  	_ =	shalt  }
0x54: {  	_ =	shalt  }
0x55: {  	_ =	shalt  }
0x56: {  	_ =	shalt  }
0x57: {  	_ =	shalt  }
0x58: {  	_ =	shalt  }
0x59: {  	_ =	shalt  }
0x5a: {  	_ =	shalt  }
0x5b: {  	_ =	shalt  }
0x5c: {  	_ =	shalt  }
0x5d: {  	_ =	shalt  }
0x5e: {  	_ =	shalt  }
0x5f: {  	_ =	shalt  }
0x60: {  	_ =	shalt  }
0x61: {  	_ =	shalt  }
0x62: {  	_ =	shalt  }
0x63: {  	_ =	shalt  }
0x64: {  	_ =	shalt  }
0x65: {  	_ =	shalt  }
0x66: {  	_ =	shalt  }
0x67: {  	_ =	shalt  }
0x68: {  	_ =	shalt  }
0x69: {  	_ =	shalt  }
0x6a: {  	_ =	shalt  }
0x6b: {  	_ =	shalt  }
0x6c: {  	_ =	shalt  }
0x6d: {  	_ =	shalt  }
0x6e: {  	_ =	shalt  }
0x6f: {  	_ =	shalt  }
0x70: {  	_ =	shalt  }
0x71: {  	_ =	shalt  }
0x72: {  	_ =	shalt  }
0x73: {  	_ =	shalt  }
0x74: {  	_ =	shalt  }
0x75: {  	_ =	shalt  }
0x76: {  	_ =	shalt  }
0x77: {  	_ =	shalt  }
0x78: {  	_ =	shalt  }
0x79: {  	_ =	shalt  }
0x7a: {  	_ =	shalt  }
0x7b: {  	_ =	shalt  }
0x7c: {  	_ =	shalt  }
0x7d: {  	_ =	shalt  }
0x7e: {  	_ =	shalt  }
0x7f: {  	_ =	shalt  }
0x80: {  	_ =	shalt  }
0x81: {  	_ =	shalt  }
0x82: {  	_ =	shalt  }
0x83: {  	_ =	shalt  }
0x84: {  	_ =	shalt  }
0x85: {  	_ =	shalt  }
0x86: {  	_ =	shalt  }
0x87: {  	_ =	shalt  }
.Lfunc_end0:
.L_simem_size_0:
called_computation_lowered:
.L_overlay_start_0:
0x88: {  	s2 =	sld [smem:$0x3FD9]  }
0x89: {  	s3 =	sld [smem:$0x3FFE];
	_ =	sdelay $0x1  }
0x8a: {  	s1 =	srdreg.scid  }
0x8b: {  	s0 =	sand.u32 $0x1, s1  }
0x8c: {  	s17 =	sshll.u32 s0, $0xA;
	s2 =	sadd.s32 s3, s2  }
0x8d: {  	s2 =	sadd.s32 s2, s17  }
0x8e: {  	[smem:$0x3FBE] =	sst s2  }
0x8f: {  	_ = 	snop  }
0x90: {  	s2 =	sld [smem:$0x3FC8]  }
0x91: {  	s18 =	sld [smem:$0x3FC7]  }
0x92: {  	s4 =	sld [smem:$0x3FD0];
	(tm) =	ssettm $0x1  }
0x93: {  	s5 =	sld [smem:$0x3FFB];
	_ =	sdelay $0x3  }
0x94: {  	_ =	strace s5  }
0x95: {  	s5 =	sld [smem:$0x3FFC];
	_ =	sdelay $0x3  }
0x96: {  	_ =	strace s5  }
0x97: {  	s5 =	sld [smem:$0x3FFD];
	_ =	sdelay $0x3  }
0x98: {  	_ =	strace s5  }
0x99: {  	_ =	strace $0x8FFFFFFF  }
0x9a: {  	s19 =	sld [smem:$0x3FDB];
	_ =	sdelay $0x1  }
0x9b: {  	s6 =	simm.s32 $_scs_section_size  }
0x9c: {  	s7 =	simm.s32 $_size__tile_overlayer_lowered;
	s8 =	simm.s32 $_tile_overlayer_lowered  }
0x9d: {  	s22 =	simm.s32 $0x1BFF;
	s21 =	sshll.u32 s8, $0x1;
	s5 =	sadd.s32 s6, s19  }
0x9e: {  	s9 =	simm.s32 $0x0;
	s20 =	sshll.u32 s7, $0x1;
	s7 =	sadd.s32 s21, s5  }
0x9f: {  	[timem:s9], [sflag:s22] =	dma.local [hbm:s7], s20  }
0xa0: {  	_ =	swait.ge [sflag:s22], s20  }
0xa1: {  	s6 =	ssub.s32 $0x0, s20;
	[sflag:s22] =	ssyncset.done $0x0  }
0xa2: {  	[sflag:s22] =	ssyncadd.s32 s6;
	_ =	sdelay $0x1  }
0xa3: {  	s23 =	simm.s32 $0x1B8B  }
0xa4: {  	_ =	swait.ge [sflag:s23], $0x1  }
0xa5: {  	[sflag:s23] =	ssyncset.done $0x0  }
0xa6: {  	s25 =	simm.s32 $0x1B8E;
	s24 =	sld [smem:$0x3FFE];
	[sflag:s23] =	ssyncadd.s32 $0xFFFFFFFF  }
0xa7: {  	s26 =	simm.s32 $execute0_lowered;
	[smem:$0x3FD2] =	sst s25  }
0xa8: {  	s7 =	sshll.u32 s26, $0x1;
	_ =	strace $0x80000046;
	[dreg:$0x1] =	wrdreg $0xFFFFFFFF  }
0xa9: {  	s28 =	simm.s32 $_size_execute0_lowered;
	s5 =	sadd.s32 s5, s7;
	[dreg:$0x0] =	wrdreg $0x0  }
0xaa: {  	s7 =	sshll.u32 s28, $0x1;
	[dreg:$0x2] =	wrdreg s5  }
0xab: {  	[dreg:$0x3] =	wrdreg s7  }
0xac: {  	[dreg:$0x4] =	wrdreg $0xC0  }
0xad: {  	_ =	task [dreg:s9], $0x5FFFF  }
0xae: {  	[dreg:$0x1] =	wrdreg $0xFFFFFFFF  }
0xaf: {  	[dreg:$0x0] =	wrdreg $0x60  }
0xb0: {  	[dreg:$0x2] =	wrdreg s2  }
0xb1: {  	[dreg:$0x3] =	wrdreg s18  }
0xb2: {  	[dreg:$0x4] =	wrdreg s4  }
0xb3: {  	[dreg:$0x5] =	wrdreg s24  }
0xb4: {  	[dreg:$0x6] =	wrdreg $0x9  }
0xb5: {  	_ =	task.clear_ibuf [dreg:s9], $0x7FFFF;
	_ =	strace $0x90000046  }
0xb6: {  	s29 =	simm.s32 $0x9;
	_ =	strace $0x80000048  }
0xb7: {  	_ =	swait.ge [sflag:s29], $0x1  }
0xb8: {  	[sflag:s29] =	ssyncadd.s32 $0xFFFFFFFF  }
0xb9: {  	_ =	strace $0x90000048  }
0xba: {  	_ =	sfence  }
0xbb: {  	s30 =	sld [smem:$0x0];
	_ =	sdelay $0x2  }
0xbc: {  	s31 =	sshll.u32 s1, $0xD;
	s1 =	sshrl.u32 s1, $0x2  }
0xbd: {  	s3 =	sand.u32 $0x4000, s31;
	s1 =	sadd.s32 s1, s30  }
0xbe: {  	s0 =	sor.u32 s3, s0;
	s1 =	sshll.u32 s1, $0x11  }
0xbf: {  	s0 =	sor.u32 s1, s0  }
0xc0: {  	s0 =	sadd.s32 $0x8F2B, s0  }
0xc1: {  	[sflag:s0] =	ssyncadd.remote.s32 $0x1  }
0xc2: {  	_ =	sfence.sel $0xFFFF  }
0xc3: {  	[dreg:$0x0] =	wrdreg $0xFFFFFFFF;
	(pc) =	sbr.abs _section_cstart, $3  }
0xc4: {  	[dreg:$0x1] =	wrdreg $0xFFFFFFFF  }
0xc5: {  	_ =	task.clear_ibuf [dreg:s9], $0x2FFFF;
	_ =	strace $0x9FFFFFFF  }
0xc6: {  	(tm) =	ssettm $0x7FFFFFFF  }
0xc7: {  	_ =	shalt  }
tec
execute0_lowered:
.L_overlay_start_1:
0x0: {  	(tag) =	ssettag $0x1  }
0x1: {  	s1 =	rddreg [dreg:$0x0]  }
0x2: {  	s2 =	rddreg [dreg:$0x1];
	s0 =	srdreg.scid  }
0x3: {  	s4 =	stileid.u32;
	s3 =	rddreg [dreg:$0x2];
	s28 =	simm.s32 $0x1  }
0x4: {  	s29 =	simm.s32 $0x11E80;
	s30 =	simm.s32 $0x12E80;
	s31 =	simm.s32 $0x2  }
0x5: {  	s0 =	sand.u32 $0x1, s0;
	s5 =	sshll.u32 s4, $0x1;
	s4 =	rddreg [dreg:$0x3]  }
0x6: {  	s9 =	sor.u32 s0, s5;
	s5 =	simm.s32 $0x0;
	s0 =	ssub.s32 $0x2, s0  }
0x7: {  	s10 =	sadd.s32 $0xD0000, s4;
	s24 =	sadd.s32 $0xC6F0, s4;
	s25 =	sadd.s32 $0x4BBC, s4  }
0x8: {  	s26 =	sadd.s32 $0x65BC, s4;
	s7 =	smul.u32 $0x310, s9;
	[smem:$0x7FF] =	sst s5  }
0x9: {  	s6 =	smul.u32 $0x620, s9;
	s13 =	sshrl.u32 s0, $0x1;
	p0 =	seq.s32 s9, $0x1F  }
0xa: {  	s9 =	simm.s32 $0x57;
	_ =	strace $0x80000047;
	[dreg:$0xa] =	wrdreg s24  }
0xb: {  	s0 =	ssub.s32 s0, s13;
	s9 =	simm.s32 @!p0 $0x62;
	[dreg:$0xb] =	wrdreg s25  }
0xc: {  	[dreg:$0xc] =	wrdreg s26;
	s24 =	simm.s32 $0x11780;
	s25 =	simm.s32 $0x12680  }
0xd: {  	s26 =	simm.s32 $0x13680;
	s11 =	sadd.s32 s7, s4;
	s7 =	sadd.s32 $0x1A00, s4  }
0xe: {  	v5 =	vlaneseq.u32;
	s8 =	sshrl.u32 s6, $0x3;
	s21 =	sadd.s32 s3, s6;
	s3 =	sadd.s32 $0xBDE0, s3  }
0xf: {  	v0 =	vmul.u32 $0x8, v5;
	s0 =	smax.u32 s0, $0x1;
	s12 =	sadd.s32 s8, s4;
	[dreg:$0x5] =	wrdreg s21  }
.Ltmp0:
0x10: {  	s8 =	sadd.s32 $0xCA00, s4;
	[dreg:$0x9] =	wrdreg s3;
	(pc) =	sbr.rel .LBB2_1-.Ltmp0, $4  }
0x11: {  	v5 =	vmul.u32 $0x4, v5;
	v1 =	vor.u32 $0x1, v0;
	s11 =	sadd.s32 $0x6800, s11;
	[dreg:$0xd] =	wrdreg s0;
	s21 =	simm.s32 $0x11680  }
0x12: {  	v2 =	vor.u32 $0x2, v0;
	v3 =	vor.u32 $0x3, v0;
	v4 =	vor.u32 $0x4, v0;
	s3 =	simm.s32 $0x11700;
	[dreg:$0x6] =	wrdreg s11;
	s22 =	sadd.s32 $0x3400, s12  }
0x13: {  	v6 =	vor.u32 $0x5, v0;
	v7 =	vor.u32 $0x6, v0;
	v8 =	vor.u32 $0x7, v0;
	s0 =	simm.s32 $0x11800;
	s23 =	sadd.s32 $0x4E00, s12;
	[dreg:$0x7] =	wrdreg s22  }
0x14: {  	v9 =	vor.u32 $0x1, v5;
	v10 =	vor.u32 $0x2, v5;
	v11 =	vor.u32 $0x3, v5;
	[dreg:$0x8] =	wrdreg s23;
	s22 =	simm.s32 $0x4;
	s23 =	simm.s32 $0x0  }
.LBB2_11:
0x15: {  	s11 =	simm.s32 $0x3  }
0x16: {  	_ =	swait.ge [sflag:s11], $0x800  }
0x17: {  	[sflag:s11] =	ssyncset.done $0x0  }
0x18: {  	[sflag:s11] =	ssyncadd.s32 $0xFFFFF800  }
0x19: {  	_ =	swait.ge [sflag:s11], $0x800  }
0x1a: {  	[sflag:s11] =	ssyncset.done $0x0  }
0x1b: {  	[sflag:s11] =	ssyncadd.s32 $0xFFFFF800  }
0x1c: {  	_ =	swait.ge [sflag:s22], $0x800  }
0x1d: {  	[sflag:s22] =	ssyncset.done $0x0  }
0x1e: {  	[sflag:s22] =	ssyncadd.s32 $0xFFFFF800  }
0x1f: {  	_ =	swait.ge [sflag:s22], $0x800  }
0x20: {  	s23 =	sadd.s32 $0x1, s23;
	s20 =	rddreg [dreg:$0xd]  }
0x21: {  	p1 =	sne.s32 s23, s20  }
.Ltmp1:
0x22: {  	_ = 	snop;
	(pc) =	sbr.rel @!p1 .LBB2_12-.Ltmp1, $3  }
0x23: {  	_ =	sdelay $0x1  }
0x24: {  	[sflag:s22] =	ssyncset.done $0x0  }
0x25: {  	[sflag:s22] =	ssyncadd.s32 $0xFFFFF800  }
.LBB2_1:
0x26: {  	s11 =	simm.s32 @p0 $0x0;
	s12 =	rddreg [dreg:$0x9]  }
0x27: {  	[tilespmem:s11], [sflag:$0x5] =	stream.linear.gather @p0 [hbm4b:s12+s11], $0x2B80, $0x38;
	[tilespmem:$0x13E80] =	vst v63  }
0x28: {  	s12 =	simm.s32 @p0 $0x5  }
0x29: {  	_ =	swait.ge @p0 [sflag:s12], $0x2B80  }
0x2a: {  	[sflag:s12] =	ssyncset.done @p0 $0x0  }
0x2b: {  	s13 =	simm.s32 @p0 $0x3100;
	s14 =	rddreg [dreg:$0xa];
	[sflag:s12] =	ssyncadd.s32 @p0 $0xFFFFD480  }
0x2c: {  	[tilespmem:s13], [sflag:$0x5] =	stream.linear.gather @p0 [hbm4b:s14+s11], $0x15C0, $0x38;
	[tilespmem:$0x13E80] =	vst v63  }
0x2d: {  	_ =	swait.ge @p0 [sflag:s12], $0x15C0  }
0x2e: {  	[sflag:s12] =	ssyncset.done @p0 $0x0  }
0x2f: {  	s13 =	simm.s32 @p0 $0x4980;
	s14 =	rddreg [dreg:$0xb];
	[sflag:s12] =	ssyncadd.s32 @p0 $0xFFFFEA40  }
0x30: {  	[tilespmem:s13], [sflag:$0x5] =	stream.linear.gather @p0 [hbm4b:s14+s11], $0x570, $0x38;
	[tilespmem:$0x13E80] =	vst v63  }
0x31: {  	_ =	swait.ge @p0 [sflag:s12], $0x570  }
0x32: {  	[sflag:s12] =	ssyncset.done @p0 $0x0  }
0x33: {  	s13 =	simm.s32 @p0 $0x5000;
	s14 =	rddreg [dreg:$0xc];
	[sflag:s12] =	ssyncadd.s32 @p0 $0xFFFFFA90  }
0x34: {  	[tilespmem:s13], [sflag:$0x5] =	stream.linear.gather @p0 [hbm4b:s14+s11], $0x570, $0x38;
	[tilespmem:$0x13E80] =	vst v63  }
0x35: {  	_ =	swait.ge @p0 [sflag:s12], $0x570  }
0x36: {  	[sflag:s12] =	ssyncset.done @p0 $0x0  }
0x37: {  	s11 =	simm.s32 @!p0 $0x0;
	[sflag:s12] =	ssyncadd.s32 @p0 $0xFFFFFA90;
	s12 =	rddreg [dreg:$0x5]  }
0x38: {  	[tilespmem:s11], [sflag:$0x5] =	stream.linear.gather @!p0 [hbm4b:s12+s11], $0x3100, $0x38;
	[tilespmem:$0x13E80] =	vst v63  }
0x39: {  	s12 =	simm.s32 @!p0 $0x5  }
0x3a: {  	_ =	swait.ge @!p0 [sflag:s12], $0x3100  }
0x3b: {  	[sflag:s12] =	ssyncset.done @!p0 $0x0  }
0x3c: {  	s13 =	simm.s32 @!p0 $0x3100;
	s14 =	rddreg [dreg:$0x6];
	[sflag:s12] =	ssyncadd.s32 @!p0 $0xFFFFCF00  }
0x3d: {  	[tilespmem:s13], [sflag:$0x5] =	stream.linear.gather @!p0 [hbm4b:s14+s11], $0x1880, $0x38;
	[tilespmem:$0x13E80] =	vst v63  }
0x3e: {  	_ =	swait.ge @!p0 [sflag:s12], $0x1880  }
0x3f: {  	[sflag:s12] =	ssyncset.done @!p0 $0x0  }
0x40: {  	s13 =	simm.s32 @!p0 $0x4980;
	s14 =	rddreg [dreg:$0x7];
	[sflag:s12] =	ssyncadd.s32 @!p0 $0xFFFFE780  }
0x41: {  	[tilespmem:s13], [sflag:$0x5] =	stream.linear.gather @!p0 [hbm4b:s14+s11], $0x620, $0x38;
	[tilespmem:$0x13E80] =	vst v63  }
0x42: {  	_ =	swait.ge @!p0 [sflag:s12], $0x620  }
0x43: {  	[sflag:s12] =	ssyncset.done @!p0 $0x0  }
0x44: {  	s13 =	simm.s32 @!p0 $0x5000;
	s14 =	rddreg [dreg:$0x8];
	[sflag:s12] =	ssyncadd.s32 @!p0 $0xFFFFF9E0  }
0x45: {  	[tilespmem:s13], [sflag:$0x5] =	stream.linear.gather @!p0 [hbm4b:s14+s11], $0x620, $0x38;
	[tilespmem:$0x13E80] =	vst v63  }
0x46: {  	_ =	swait.ge @!p0 [sflag:s12], $0x620  }
0x47: {  	[sflag:s12] =	ssyncset.done @!p0 $0x0  }
0x48: {  	s16 =	simm.s32 $0x80;
	[sflag:s12] =	ssyncadd.s32 @!p0 $0xFFFFF9E0  }
0x49: {  	[tilespmem:s21], [sflag:$0x1] =	stream.indirect.gather [hbm4b:s4+s16], $0x1, s5, s16, $0xb8;
	[tilespmem:$0x13E80] =	vst v63  }
0x4a: {  	s17 =	simm.s32 $0x40;
	s18 =	simm.s32 $0x3100  }
0x4b: {  	[tilespmem:s24], [sflag:$0x1] =	stream.indirect.gather [hbm4b:s7+s17], $0x1, s18, s17, $0xb8;
	[tilespmem:$0x13E80] =	vst v63  }
.Ltmp2:
0x4c: {  	_ = 	snop;
	(pc) =	sbr.rel .LBB2_2-.Ltmp2, $4  }
0x4d: {  	s19 =	simm.s32 $0x5680  }
0x4e: {  	[tilespmem:s19], [sflag:$0x1] =	stream.indirect.gather [hbm4b:s1+s16], $0x80, s5, s16, $0xb8;
	[tilespmem:$0x13E80] =	vst v63  }
0x4f: {  	s20 =	simm.s32 $0xD680;
	s11 =	simm.s32 $0x0  }
0x50: {  	[tilespmem:s20], [sflag:$0x1] =	stream.indirect.gather [hbm4b:s2+s17], $0x80, s18, s17, $0xb8;
	[tilespmem:$0x13E80] =	vst v63  }
.LBB2_10:
0x51: {  	s11 =	sadd.s32 $0x1, s11  }
0x52: {  	p1 =	sne.s32 s11, $0x31  }
.Ltmp3:
0x53: {  	_ = 	snop;
	(pc) =	sbr.rel @!p1 .LBB2_11-.Ltmp3, $1  }
0x54: {  	_ =	sdelay $0x3  }
.LBB2_2:
0x55: {  	s12 =	sshllo.u32 s11, $0x1  }
0x56: {  	p1 =	sge.u32 s12, s9  }
0x57: {  	s13 =	sshll.u32 @!p1 s12, $0x7  }
0x58: {  	s14 =	simm.s32 @!p1 $0x80;
	s15 =	simm.s32 @!p1 $0x11700;
	s13 =	sand.u32 @!p1 $0x3FFFFF80, s13  }
0x59: {  	[tilespmem:s15], [sflag:$0x2] =	stream.indirect.gather @!p1 [hbm4b:s4+s14], $0x1, s13, s14, $0xb8;
	[tilespmem:$0x13E80] =	vst v63  }
0x5a: {  	s15 =	sshll.u32 @!p1 s12, $0x6  }
0x5b: {  	s15 =	sand.u32 @!p1 $0x3FFFFFC0, s15  }
0x5c: {  	s16 =	simm.s32 @!p1 $0x40;
	s17 =	simm.s32 @!p1 $0x11800;
	s15 =	sadd.s32 @!p1 $0x3100, s15  }
0x5d: {  	[tilespmem:s17], [sflag:$0x2] =	stream.indirect.gather @!p1 [hbm4b:s7+s16], $0x1, s15, s16, $0xb8;
	[tilespmem:$0x13E80] =	vst v63  }
0x5e: {  	s17 =	simm.s32 @!p1 $0x9680  }
0x5f: {  	[tilespmem:s17], [sflag:$0x2] =	stream.indirect.gather @!p1 [hbm4b:s1+s14], $0x80, s13, s14, $0xb8;
	[tilespmem:$0x13E80] =	vst v63  }
0x60: {  	s13 =	sshll.u32 s11, $0x1  }
0x61: {  	p2 =	sge.u32 s13, s9  }
.Ltmp4:
0x62: {  	_ = 	snop;
	(pc) =	sbr.rel @p2 .LBB2_6-.Ltmp4, $3  }
0x63: {  	_ =	sdelay $0x1  }
0x64: {  	s14 =	simm.s32 @!p1 $0xF680  }
0x65: {  	[tilespmem:s14], [sflag:$0x2] =	stream.indirect.gather @!p1 [hbm4b:s2+s16], $0x80, s15, s16, $0xb8;
	[tilespmem:$0x13E80] =	vst v63  }
0x66: {  	_ =	swait.ge [sflag:s28], $0x80  }
0x67: {  	[sflag:s28] =	ssyncset.done $0x0  }
0x68: {  	[sflag:s28] =	ssyncadd.s32 $0xFFFFFF80  }
0x69: {  	_ =	swait.ge [sflag:s28], $0x40  }
0x6a: {  	[sflag:s28] =	ssyncset.done $0x0  }
0x6b: {  	[sflag:s28] =	ssyncadd.s32 $0xFFFFFFC0  }
0x6c: {  	_ =	swait.ge [sflag:s28], $0x4000  }
0x6d: {  	[sflag:s28] =	ssyncset.done $0x0  }
0x6e: {  	[sflag:s28] =	ssyncadd.s32 $0xFFFFC000  }
0x6f: {  	_ =	swait.ge [sflag:s28], $0x2000  }
0x70: {  	[sflag:s28] =	ssyncset.done $0x0  }
0x71: {  	s14 =	sshll.u32 s11, $0x5;
	[sflag:s28] =	ssyncadd.s32 $0xFFFFE000  }
0x72: {  	v12 =	vld [tilespmem:s14+$0x4980]  }
0x73: {  	v13 =	vld.idx.msk [tilespmem:v0+s21+$0x0], $0xffff  }
0x74: {  	v14 =	vld.idx.msk [tilespmem:v1+s21+$0x0], $0xffff  }
0x75: {  	v15 =	vld.idx.msk [tilespmem:v2+s21+$0x0], $0xffff  }
0x76: {  	v16 =	vld.idx.msk [tilespmem:v3+s21+$0x0], $0xffff  }
0x77: {  	v17 =	vld.idx.msk [tilespmem:v4+s21+$0x0], $0xffff  }
0x78: {  	v18 =	vld.idx.msk [tilespmem:v6+s21+$0x0], $0xffff  }
0x79: {  	v21 =	vld.idx.msk [tilespmem:v7+s21+$0x0], $0xffff  }
0x7a: {  	v61 =	vld.idx.msk [tilespmem:v8+s21+$0x0], $0xffff;
	_ =	sdelay $0x1  }
0x7b: {  	v13 =	vadd.f32 v13, v12;
	v14 =	vadd.f32 v14, v12  }
0x7c: {  	v15 =	vadd.f32 v15, v12;
	v16 =	vadd.f32 v16, v12  }
0x7d: {  	v17 =	vadd.f32 v17, v12;
	v18 =	vadd.f32 v18, v12  }
0x7e: {  	v21 =	vadd.f32 v21, v12;
	v12 =	vadd.f32 v61, v12;
	vm0 =	vgt.f32 v13, $0.0e+00  }
0x7f: {  	v19 =	vmul.f32 $9.999999770e-03, v13;
	v20 =	vmul.f32 $9.999999770e-03, v14;
	vm1 =	vgt.f32 v14, $0.0e+00  }
0x80: {  	v60 =	vmul.f32 $9.999999770e-03, v15;
	vm7 =	vgt.f32 v15, $0.0e+00;
	v22 =	vmul.f32 $9.999999770e-03, v16  }
0x81: {  	v23 =	vmul.f32 $9.999999770e-03, v17;
	vm8 =	vgt.f32 v16, $0.0e+00;
	vm2 =	vgt.f32 v17, $0.0e+00  }
0x82: {  	v62 =	vmul.f32 $9.999999770e-03, v18;
	v13 =	vsel vm0, v13, v19;
	v14 =	vsel vm1, v14, v20  }
0x83: {  	vm9 =	vgt.f32 v18, $0.0e+00;
	v15 =	vsel vm7, v15, v60;
	v63 =	vmax.f32 v13, v14  }
0x84: {  	v25 =	vmul.f32 $9.999999770e-03, v21;
	v16 =	vsel vm8, v16, v22;
	v24 =	vmax.f32 v63, v15  }
0x85: {  	vm10 =	vgt.f32 v21, $0.0e+00;
	v17 =	vsel vm2, v17, v23;
	v20 =	vmax.f32 v24, v16  }
0x86: {  	v26 =	vmul.f32 $9.999999770e-03, v12;
	v18 =	vsel vm9, v18, v62;
	v20 =	vmax.f32 v20, v17  }
0x87: {  	vm11 =	vgt.f32 v12, $0.0e+00;
	v19 =	vsel vm10, v21, v25;
	v20 =	vmax.f32 v20, v18  }
0x88: {  	v12 =	vsel vm11, v12, v26;
	v20 =	vmax.f32 v20, v19  }
0x89: {  	v20 =	vmax.f32 v20, v12  }
0x8a: {  	v13 =	vsub.f32 v13, v20  }
0x8b: {  	v14 =	vsub.f32 v14, v20  }
0x8c: {  	v13 =	vmul.f32 $1.442695020e+00, v13  }
0x8d: {  	v15 =	vsub.f32 v15, v20;
	v14 =	vmul.f32 $1.442695020e+00, v14  }
0x8e: {  	(erf) = vpow2.f32 v13  }
0x8f: {  	v28 =	vsub.f32 v16, v20;
	v27 =	vmul.f32 $1.442695020e+00, v15;
	(erf) = vpow2.f32 v14;
	_ =	sdelay $0x1  }
0x90: {  	v30 =	vsub.f32 v17, v20;
	v29 =	vmul.f32 $1.442695020e+00, v28;
	(erf) = vpow2.f32 v27;
	_ =	sdelay $0x1  }
0x91: {  	v32 =	vsub.f32 v18, v20;
	v31 =	vmul.f32 $1.442695020e+00, v30;
	(erf) = vpow2.f32 v29;
	_ =	sdelay $0x1  }
0x92: {  	v34 =	vsub.f32 v19, v20;
	v33 =	vmul.f32 $1.442695020e+00, v32;
	(erf) = vpow2.f32 v31;
	_ =	sdelay $0x1  }
0x93: {  	v12 =	vsub.f32 v12, v20;
	v36 =	vmul.f32 $1.442695020e+00, v34;
	v35 =	vpop (erf);
	(erf) = vpow2.f32 v33  }
0x94: {  	v37 =	vpop (erf)  }
0x95: {  	v12 =	vmul.f32 $1.442695020e+00, v12;
	(erf) = vpow2.f32 v36;
	v38 =	vadd.f32 v37, v35  }
0x96: {  	v39 =	vpop (erf)  }
0x97: {  	(erf) = vpow2.f32 v12;
	v40 =	vadd.f32 v38, v39  }
0x98: {  	v41 =	vpop (erf)  }
0x99: {  	v12 =	vadd.f32 v40, v41  }
0x9a: {  	v42 =	vpop (erf)  }
0x9b: {  	v12 =	vadd.f32 v12, v42  }
0x9c: {  	v43 =	vpop (erf)  }
0x9d: {  	v12 =	vadd.f32 v12, v43  }
0x9e: {  	v44 =	vpop (erf)  }
0x9f: {  	v12 =	vadd.f32 v12, v44  }
0xa0: {  	v45 =	vpop (erf)  }
0xa1: {  	v12 =	vadd.f32 v12, v45;
	_ =	sdelay $0x1  }
0xa2: {  	(erf) = vrcp.f32 v12;
	_ =	sdelay $0x8  }
0xa3: {  	v12 =	vpop (erf)  }
0xa4: {  	v15 =	vmul.f32 v12, v35  }
0xa5: {  	v14 =	vmul.f32 v12, v37  }
0xa6: {  	v46 =	vmul.f32 v12, v39;
	[tilespmem:$0x11880] =	vst v15  }
0xa7: {  	v13 =	vmul.f32 v12, v41;
	[tilespmem:$0x11900] =	vst v14  }
0xa8: {  	v47 =	vmul.f32 v12, v42;
	[tilespmem:$0x11980] =	vst v46  }
0xa9: {  	v48 =	vmul.f32 v12, v43;
	[tilespmem:$0x11A00] =	vst v13  }
0xaa: {  	v49 =	vmul.f32 v12, v44;
	[tilespmem:$0x11A80] =	vst v47  }
0xab: {  	v12 =	vmul.f32 v12, v45;
	[tilespmem:$0x11B00] =	vst v48  }
0xac: {  	[tilespmem:$0x11B80] =	vst v49  }
0xad: {  	[tilespmem:$0x11C00] =	vst v12  }
0xae: {  	v12 =	vld [tilespmem:s14+$0x5000]  }
0xaf: {  	v13 =	vld.idx.msk [tilespmem:v5+s24+$0x0], $0xffff  }
0xb0: {  	v14 =	vld.idx.msk [tilespmem:v9+s24+$0x0], $0xffff  }
0xb1: {  	v15 =	vld.idx.msk [tilespmem:v10+s24+$0x0], $0xffff  }
0xb2: {  	v50 =	vld.idx.msk [tilespmem:v11+s24+$0x0], $0xffff;
	_ =	sdelay $0x3  }
0xb3: {  	v13 =	vadd.f32 v13, v12;
	v14 =	vadd.f32 v14, v12  }
0xb4: {  	v15 =	vadd.f32 v15, v12;
	v12 =	vadd.f32 v50, v12  }
0xb5: {  	v51 =	vmul.f32 $9.999999770e-03, v13;
	vm12 =	vgt.f32 v13, $0.0e+00;
	v52 =	vmul.f32 $9.999999770e-03, v14  }
0xb6: {  	vm13 =	vgt.f32 v14, $0.0e+00;
	v53 =	vmul.f32 $9.999999770e-03, v15;
	vm14 =	vgt.f32 v15, $0.0e+00  }
0xb7: {  	v54 =	vmul.f32 $9.999999770e-03, v12;
	v13 =	vsel vm12, v13, v51;
	v14 =	vsel vm13, v14, v52  }
0xb8: {  	vm15 =	vgt.f32 v12, $0.0e+00;
	v15 =	vsel vm14, v15, v53;
	v55 =	vmax.f32 v13, v14  }
0xb9: {  	v12 =	vsel vm15, v12, v54;
	v16 =	vmax.f32 v55, v15  }
0xba: {  	v16 =	vmax.f32 v16, v12  }
0xbb: {  	v13 =	vsub.f32 v13, v16  }
0xbc: {  	v14 =	vsub.f32 v14, v16  }
0xbd: {  	v13 =	vmul.f32 $1.442695020e+00, v13  }
0xbe: {  	v15 =	vsub.f32 v15, v16;
	v14 =	vmul.f32 $1.442695020e+00, v14  }
0xbf: {  	(erf) = vpow2.f32 v13  }
0xc0: {  	v12 =	vsub.f32 v12, v16;
	v56 =	vmul.f32 $1.442695020e+00, v15;
	(erf) = vpow2.f32 v14;
	_ =	sdelay $0x1  }
0xc1: {  	v12 =	vmul.f32 $1.442695020e+00, v12;
	(erf) = vpow2.f32 v56;
	_ =	sdelay $0x1  }
0xc2: {  	(erf) = vpow2.f32 v12;
	_ =	sdelay $0x3  }
0xc3: {  	v57 =	vpop (erf)  }
0xc4: {  	v58 =	vpop (erf)  }
0xc5: {  	v59 =	vadd.f32 v58, v57  }
0xc6: {  	v60 =	vpop (erf)  }
0xc7: {  	v14 =	vadd.f32 v59, v60  }
0xc8: {  	v61 =	vpop (erf)  }
0xc9: {  	v14 =	vadd.f32 v14, v61;
	_ =	sdelay $0x1  }
0xca: {  	(erf) = vrcp.f32 v14;
	_ =	sdelay $0x8  }
0xcb: {  	v14 =	vpop (erf)  }
0xcc: {  	v12 =	vmul.f32 v14, v57  }
0xcd: {  	v13 =	vmul.f32 v14, v58  }
0xce: {  	v62 =	vmul.f32 v14, v60;
	[tilespmem:$0x11C80] =	vst v12  }
0xcf: {  	v63 =	vmul.f32 v14, v61;
	[tilespmem:$0x11D00] =	vst v13  }
0xd0: {  	p2 =	seq.s32 s11, $0x0;
	[tilespmem:$0x11D80] =	vst v62  }
0xd1: {  	s15 =	simm.s32 @!p2 $0x3;
	[tilespmem:$0x11E00] =	vst v63  }
0xd2: {  	_ =	swait.ge @!p2 [sflag:s15], $0x800  }
0xd3: {  	[sflag:s15] =	ssyncset.done @!p2 $0x0  }
0xd4: {  	[sflag:s15] =	ssyncadd.s32 @!p2 $0xFFFFF800  }
0xd5: {  	s16 =	simm.s32 $0xD780;
	_ =	swait.ge @!p2 [sflag:s15], $0x800  }
0xd6: {  	s17 =	simm.s32 $0x5880;
	s18 =	simm.s32 $0x12EC0;
	[sflag:s15] =	ssyncset.done @!p2 $0x0  }
0xd7: {  	s19 =	simm.s32 $0x11EC0;
	[sflag:s15] =	ssyncadd.s32 @!p2 $0xFFFFF800;
	s15 =	simm.s32 $0x0  }
.LBB2_4:
0xd8: {  	v12 =	vld [tilespmem:s17+$0xFFFFFE00]  }
0xd9: {  	v14 =	vld [tilespmem:s17+$0xFFFFFE10]  }
0xda: {  	v15 =	vld [tilespmem:s17+$0xFFFFFE20]  }
0xdb: {  	v16 =	vld [tilespmem:s17+$0xFFFFFE30]  }
0xdc: {  	v17 =	vld [tilespmem:s17+$0xFFFFFE40]  }
0xdd: {  	v18 =	vld [tilespmem:s17+$0xFFFFFE50]  }
0xde: {  	v19 =	vld [tilespmem:s17+$0xFFFFFE60]  }
0xdf: {  	v20 =	vld [tilespmem:s17+$0xFFFFFE70]  }
0xe0: {  	v21 =	vld [tilespmem:s17+$0xFFFFFE80]  }
0xe1: {  	v23 =	vld [tilespmem:s17+$0xFFFFFE90]  }
0xe2: {  	v24 =	vld [tilespmem:s17+$0xFFFFFEA0]  }
0xe3: {  	v25 =	vld [tilespmem:s17+$0xFFFFFEB0]  }
0xe4: {  	v26 =	vld [tilespmem:s17+$0xFFFFFEC0]  }
0xe5: {  	v27 =	vld [tilespmem:s17+$0xFFFFFED0]  }
0xe6: {  	v28 =	vld [tilespmem:s17+$0xFFFFFEE0]  }
0xe7: {  	v29 =	vld [tilespmem:s17+$0xFFFFFEF0]  }
0xe8: {  	v30 =	vld [tilespmem:s17+$0xFFFFFF00]  }
0xe9: {  	v32 =	vld [tilespmem:s17+$0xFFFFFF10]  }
0xea: {  	v33 =	vld [tilespmem:s17+$0xFFFFFF20]  }
0xeb: {  	v34 =	vld [tilespmem:s17+$0xFFFFFF30]  }
0xec: {  	v35 =	vld [tilespmem:s17+$0xFFFFFF40]  }
0xed: {  	v36 =	vld [tilespmem:s17+$0xFFFFFF50]  }
0xee: {  	v37 =	vld [tilespmem:s17+$0xFFFFFF60]  }
0xef: {  	v38 =	vld [tilespmem:s17+$0xFFFFFF70]  }
0xf0: {  	v39 =	vld [tilespmem:s17+$0xFFFFFF80]  }
0xf1: {  	v41 =	vld [tilespmem:s17+$0xFFFFFF90]  }
0xf2: {  	v42 =	vld [tilespmem:s17+$0xFFFFFFA0]  }
0xf3: {  	v43 =	vld [tilespmem:s17+$0xFFFFFFB0]  }
0xf4: {  	v44 =	vld [tilespmem:s17+$0xFFFFFFC0]  }
0xf5: {  	v45 =	vld [tilespmem:s17+$0xFFFFFFD0]  }
0xf6: {  	v46 =	vld [tilespmem:s17+$0xFFFFFFE0]  }
0xf7: {  	v47 =	vld [tilespmem:s17+$0xFFFFFFF0]  }
0xf8: {  	v48 =	vld [tilespmem:s17+$0x0]  }
0xf9: {  	v50 =	vld [tilespmem:s17+$0x10]  }
0xfa: {  	v51 =	vld [tilespmem:s17+$0x20]  }
0xfb: {  	v52 =	vld [tilespmem:s17+$0x30]  }
0xfc: {  	v53 =	vld [tilespmem:s17+$0x40]  }
0xfd: {  	v54 =	vld [tilespmem:s17+$0x50]  }
0xfe: {  	s20 =	sshra.s32 s15, $0x2;
	v55 =	vld [tilespmem:s17+$0x60]  }
0xff: {  	v13 =	vld.msk [tilespmem:s20+$0x11880 ss:$0x0], $0xffff  }
0x100: {  	v56 =	vld [tilespmem:s17+$0x70]  }
0x101: {  	v57 =	vld [tilespmem:s17+$0x80]  }
0x102: {  	v59 =	vld [tilespmem:s17+$0x90]  }
0x103: {  	v22 =	vld.msk [tilespmem:s20+$0x11900 ss:$0x0], $0xffff  }
0x104: {  	v60 =	vld [tilespmem:s17+$0xA0];
	v12 =	vmul.f32 v12, v13  }
0x105: {  	v49 =	vld.msk [tilespmem:s20+$0x11A80 ss:$0x0], $0xffff;
	v14 =	vmul.f32 v14, v13;
	v15 =	vmul.f32 v15, v13  }
0x106: {  	v61 =	vld [tilespmem:s17+$0xB0];
	v16 =	vmul.f32 v16, v13;
	v17 =	vmul.f32 v17, v13  }
0x107: {  	v62 =	vld [tilespmem:s17+$0xC0];
	v18 =	vmul.f32 v18, v13;
	v19 =	vmul.f32 v19, v13  }
0x108: {  	v31 =	vld.msk [tilespmem:s20+$0x11980 ss:$0x0], $0xffff;
	v21 =	vmul.f32 v21, v22;
	v13 =	vmul.f32 v20, v13  }
0x109: {  	v40 =	vld.msk [tilespmem:s20+$0x11A00 ss:$0x0], $0xffff;
	v63 =	vmul.f32 v23, v22;
	v20 =	vmul.f32 v27, v22  }
0x10a: {  	v58 =	vld.msk [tilespmem:s20+$0x11B00 ss:$0x0], $0xffff;
	v48 =	vmul.f32 v48, v49;
	v50 =	vmul.f32 v50, v49  }
0x10b: {  	v23 =	vld [tilespmem:s17+$0xD0];
	v51 =	vmul.f32 v51, v49;
	v52 =	vmul.f32 v52, v49;
	v12 =	vadd.f32 $0.0e+00, v12  }
0x10c: {  	v27 =	vld [tilespmem:s17+$0x120];
	v53 =	vmul.f32 v53, v49;
	v54 =	vmul.f32 v54, v49;
	v14 =	vadd.f32 $0.0e+00, v14  }
0x10d: {  	v18 =	vadd.f32 $0.0e+00, v18;
	v12 =	vadd.f32 v21, v12;
	v21 =	vmul.f32 v24, v22;
	v24 =	vld [tilespmem:s17+$0xE0]  }
0x10e: {  	v55 =	vmul.f32 v55, v49;
	v14 =	vadd.f32 v63, v14;
	v63 =	vmul.f32 v25, v22;
	v25 =	vld [tilespmem:s17+$0xF0]  }
0x10f: {  	v15 =	vadd.f32 $0.0e+00, v15;
	v18 =	vadd.f32 v20, v18;
	v20 =	vmul.f32 v34, v31;
	v34 =	vld [tilespmem:s17+$0x170]  }
0x110: {  	v56 =	vmul.f32 v56, v49;
	v16 =	vadd.f32 $0.0e+00, v16;
	v49 =	vmul.f32 v23, v58;
	v23 =	vld [tilespmem:s16+$0xFFFFFF30]  }
0x111: {  	v36 =	vmul.f32 v36, v31;
	v15 =	vadd.f32 v21, v15;
	v21 =	vmul.f32 v26, v22;
	v26 =	vld [tilespmem:s17+$0x100]  }
0x112: {  	v17 =	vadd.f32 $0.0e+00, v17;
	v16 =	vadd.f32 v63, v16;
	v63 =	vmul.f32 v28, v22;
	v28 =	vld.msk [tilespmem:s20+$0x11B80 ss:$0x0], $0xffff  }
0x113: {  	v19 =	vadd.f32 $0.0e+00, v19;
	v18 =	vadd.f32 v36, v18;
	v36 =	vld [tilespmem:s17+$0x180]  }
0x114: {  	v17 =	vadd.f32 v21, v17;
	v21 =	vmul.f32 v29, v22;
	v22 =	vld [tilespmem:s17+$0x110]  }
0x115: {  	v19 =	vadd.f32 v63, v19;
	v63 =	vmul.f32 v30, v31;
	v29 =	vmul.f32 v33, v31;
	v30 =	vld [tilespmem:s17+$0x130]  }
0x116: {  	v13 =	vadd.f32 $0.0e+00, v13;
	v33 =	vld [tilespmem:s17+$0x140]  }
0x117: {  	v37 =	vmul.f32 v37, v31;
	v43 =	vmul.f32 v43, v40;
	v15 =	vadd.f32 v29, v15;
	v29 =	vld [tilespmem:s17+$0x150]  }
0x118: {  	v45 =	vmul.f32 v45, v40;
	v13 =	vadd.f32 v21, v13;
	v21 =	vmul.f32 v32, v31;
	v32 =	vld [tilespmem:s17+$0x160]  }
0x119: {  	v16 =	vadd.f32 v20, v16;
	v12 =	vadd.f32 v63, v12;
	v63 =	vmul.f32 v35, v31;
	v35 =	vld [tilespmem:s17+$0x190]  }
0x11a: {  	v18 =	vadd.f32 v45, v18;
	v19 =	vadd.f32 v37, v19;
	v37 =	vld [tilespmem:s17+$0x1C0]  }
0x11b: {  	v41 =	vmul.f32 v41, v40;
	v42 =	vmul.f32 v42, v40;
	v16 =	vadd.f32 v43, v16;
	v43 =	vld.msk [tilespmem:s20+$0x11C80 ss:$0x0], $0xffff  }
0x11c: {  	v44 =	vmul.f32 v44, v40;
	v18 =	vadd.f32 v54, v18;
	v54 =	vmul.f32 v27, v28;
	v27 =	vld [tilespmem:s16+$0xFFFFFF60]  }
0x11d: {  	v46 =	vmul.f32 v46, v40;
	v14 =	vadd.f32 v21, v14;
	v21 =	vmul.f32 v38, v31;
	v31 =	vld.msk [tilespmem:s20+$0x11C00 ss:$0x0], $0xffff  }
0x11e: {  	v47 =	vmul.f32 v47, v40;
	v57 =	vmul.f32 v57, v58;
	v17 =	vadd.f32 v63, v17;
	v38 =	vld [tilespmem:s17+$0x1A0]  }
0x11f: {  	v63 =	vmul.f32 v39, v40;
	v15 =	vadd.f32 v42, v15;
	v40 =	vld [tilespmem:s17+$0x1B0];
	v19 =	vadd.f32 v46, v19  }
0x120: {  	v59 =	vmul.f32 v59, v58;
	v39 =	vld [tilespmem:s17+$0x1D0];
	v16 =	vadd.f32 v52, v16;
	v18 =	vadd.f32 v49, v18  }
0x121: {  	v60 =	vmul.f32 v60, v58;
	v42 =	vld [tilespmem:s17+$0x1E0];
	v13 =	vadd.f32 v21, v13;
	v12 =	vadd.f32 v63, v12  }
0x122: {  	v61 =	vmul.f32 v61, v58;
	v46 =	vld [tilespmem:s16+$0xFFFFFF10];
	v14 =	vadd.f32 v41, v14;
	v17 =	vadd.f32 v44, v17  }
0x123: {  	v52 =	vmul.f32 v26, v28;
	v26 =	vld [tilespmem:s16+$0xFFFFFF50];
	v15 =	vadd.f32 v51, v15;
	v19 =	vadd.f32 v55, v19  }
0x124: {  	v49 =	vld [tilespmem:s16+$0xFFFFFFC0];
	v63 =	vmul.f32 v62, v58;
	v16 =	vadd.f32 v61, v16;
	v51 =	vmul.f32 v25, v58  }
0x125: {  	v44 =	vld [tilespmem:s17+$0x1F0];
	v55 =	vmul.f32 v30, v28;
	v23 =	vmul.f32 v23, v43;
	v13 =	vadd.f32 v47, v13  }
0x126: {  	v41 =	vld [tilespmem:s16+$0xFFFFFF00];
	v12 =	vadd.f32 v48, v12;
	v14 =	vadd.f32 v50, v14;
	v50 =	vmul.f32 v24, v58  }
0x127: {  	v25 =	vld [tilespmem:s16+$0xFFFFFF70];
	v17 =	vadd.f32 v53, v17;
	v53 =	vmul.f32 v22, v28;
	v58 =	vmul.f32 v32, v28  }
0x128: {  	v30 =	vld.msk [tilespmem:s20+$0x11D00 ss:$0x0], $0xffff;
	v15 =	vadd.f32 v60, v15;
	v27 =	vmul.f32 v27, v43;
	v60 =	vmul.f32 v36, v31  }
0x129: {  	v62 =	vld [tilespmem:s16+$0xFFFFFFA0];
	v16 =	vadd.f32 v55, v16;
	v61 =	vmul.f32 v35, v31;
	v38 =	vmul.f32 v38, v31  }
0x12a: {  	v48 =	vld [tilespmem:s16+$0xFFFFFF20];
	v45 =	vmul.f32 v40, v31;
	v23 =	vadd.f32 $0.0e+00, v23;
	v13 =	vadd.f32 v56, v13  }
0x12b: {  	v24 =	vld [tilespmem:s16+$0xFFFFFF40];
	v47 =	vmul.f32 v37, v31;
	v12 =	vadd.f32 v57, v12;
	v14 =	vadd.f32 v59, v14  }
0x12c: {  	v22 =	vld [tilespmem:s16+$0xFFFFFF80];
	v26 =	vmul.f32 v26, v43;
	v17 =	vadd.f32 v63, v17;
	v19 =	vadd.f32 v50, v19  }
0x12d: {  	v32 =	vld [tilespmem:s16+$0xFFFFFF90];
	v15 =	vadd.f32 v54, v15;
	v56 =	vmul.f32 v33, v28;
	v57 =	vmul.f32 v29, v28  }
0x12e: {  	v35 =	vld.msk [tilespmem:s20+$0x11E00 ss:$0x0], $0xffff;
	v59 =	vmul.f32 v34, v28;
	v50 =	vmul.f32 v39, v31;
	v27 =	vadd.f32 $0.0e+00, v27  }
0x12f: {  	v34 =	vld [tilespmem:s16+$0xFFFFFFB0];
	v16 =	vadd.f32 v45, v16;
	v55 =	vmul.f32 v41, v43;
	v26 =	vadd.f32 $0.0e+00, v26  }
0x130: {  	v54 =	vld [tilespmem:s16+$0xFFFFFFE0];
	v62 =	vmul.f32 v62, v30;
	v13 =	vadd.f32 v51, v13;
	v12 =	vadd.f32 v52, v12  }
0x131: {  	v45 =	vmul.f32 v49, v30;
	v41 =	vld [tilespmem:s16+$0xE0];
	v14 =	vadd.f32 v53, v14;
	v20 =	vadd.f32 v56, v17  }
0x132: {  	v25 =	vmul.f32 v25, v43;
	v21 =	vadd.f32 v57, v18;
	v19 =	vadd.f32 v58, v19;
	v52 =	vld [tilespmem:s16+$0xFFFFFFD0]  }
0x133: {  	v17 =	vadd.f32 v38, v15;
	v51 =	vmul.f32 v42, v31;
	v53 =	vmul.f32 v44, v31;
	v56 =	vld [tilespmem:s16+$0xFFFFFFF0]  }
0x134: {  	v57 =	vmul.f32 v46, v43;
	v38 =	vld.msk [tilespmem:s20+$0x11D80 ss:$0x0], $0xffff;
	v58 =	vmul.f32 v48, v43;
	v25 =	vadd.f32 $0.0e+00, v25  }
0x135: {  	v44 =	vld [tilespmem:s16+$0x80];
	v24 =	vmul.f32 v24, v43;
	v63 =	vadd.f32 v59, v13;
	v28 =	vadd.f32 v60, v12  }
0x136: {  	v46 =	vld [tilespmem:s16+$0x40];
	v22 =	vmul.f32 v22, v30;
	v18 =	vadd.f32 v61, v14;
	v15 =	vadd.f32 v47, v20  }
0x137: {  	v32 =	vmul.f32 v32, v30;
	v14 =	vadd.f32 v50, v21;
	v13 =	vadd.f32 v51, v19;
	v59 =	vld [tilespmem:s16+$0x0]  }
0x138: {  	v48 =	vld [tilespmem:s16+$0x50];
	v19 =	vadd.f32 $0.0e+00, v55;
	v20 =	vadd.f32 $0.0e+00, v57;
	vm4 =	vgt.f32 v17, $0.0e+00  }
0x139: {  	v60 =	vld [tilespmem:s16+$0x10];
	v33 =	vadd.f32 $0.0e+00, v58;
	v24 =	vadd.f32 $0.0e+00, v24;
	v42 =	vmul.f32 v34, v30  }
0x13a: {  	v61 =	vld [tilespmem:s16+$0x20];
	v31 =	vmul.f32 v54, v30;
	v12 =	vadd.f32 v53, v63;
	v19 =	vadd.f32 v22, v19  }
0x13b: {  	v50 =	vld [tilespmem:s16+$0x60];
	v20 =	vadd.f32 v32, v20;
	v57 =	vmul.f32 $1.442695020e+00, v28;
	v43 =	vmul.f32 $1.442695020e+00, v18  }
0x13c: {  	v54 =	vld [tilespmem:s16+$0x90];
	vm0 =	vgt.f32 v28, $0.0e+00;
	v47 =	vmul.f32 v52, v30;
	v49 =	vmul.f32 v59, v38  }
0x13d: {  	v63 =	vld [tilespmem:s16+$0x30];
	v22 =	vadd.f32 v62, v33;
	v21 =	vmul.f32 v56, v30;
	v53 =	vmul.f32 v44, v35  }
0x13e: {  	v58 =	vld [tilespmem:s16+$0xB0];
	v32 =	vmul.f32 v46, v38;
	(erf) = vpow2.f32 v57;
	v19 =	vadd.f32 v49, v19  }
0x13f: {  	v23 =	vadd.f32 v42, v23;
	v33 =	vmul.f32 $1.442695020e+00, v12;
	v51 =	vmul.f32 v60, v38  }
0x140: {  	v52 =	vld [tilespmem:s16+$0x70];
	v55 =	vmul.f32 v61, v38;
	v59 =	vmul.f32 v48, v38;
	v19 =	vadd.f32 v53, v19  }
0x141: {  	v56 =	vld [tilespmem:s16+$0xA0];
	v26 =	vadd.f32 v47, v26;
	v61 =	vmul.f32 v50, v38;
	v47 =	vmul.f32 v41, v35  }
0x142: {  	v27 =	vadd.f32 v31, v27;
	v62 =	vld [tilespmem:s16+$0xD0];
	v29 =	vmul.f32 v63, v38;
	v63 =	vmul.f32 $1.442695020e+00, v19  }
0x143: {  	v42 =	vld [tilespmem:s16+$0xF0];
	v21 =	vadd.f32 v21, v25;
	v30 =	vmul.f32 v54, v35;
	v25 =	vmul.f32 v58, v35  }
0x144: {  	v20 =	vadd.f32 v51, v20;
	v22 =	vadd.f32 v55, v22;
	(erf) = vpow2.f32 v63  }
0x145: {  	v60 =	vld [tilespmem:s16+$0xC0];
	v26 =	vadd.f32 v59, v26;
	v51 =	vmul.f32 $1.442695020e+00, v17;
	v59 =	vmul.f32 $1.442695020e+00, v14  }
0x146: {  	v27 =	vadd.f32 v61, v27;
	v61 =	vmul.f32 $1.442695020e+00, v13;
	v40 =	vmul.f32 v52, v38  }
0x147: {  	v44 =	vmul.f32 v56, v35;
	v20 =	vadd.f32 v30, v20;
	(erf) = vpow2.f32 v43  }
0x148: {  	v24 =	vadd.f32 v45, v24;
	v46 =	vmul.f32 v62, v35;
	v49 =	vmul.f32 v42, v35  }
0x149: {  	v23 =	vadd.f32 v29, v23;
	v22 =	vadd.f32 v44, v22;
	v48 =	vmul.f32 $1.442695020e+00, v20  }
0x14a: {  	v24 =	vadd.f32 v32, v24;
	v56 =	vmul.f32 $1.442695020e+00, v15;
	v45 =	vmul.f32 v60, v35  }
0x14b: {  	v23 =	vadd.f32 v25, v23;
	v52 =	vmul.f32 $1.442695020e+00, v22;
	(erf) = vpow2.f32 v48  }
0x14c: {  	v53 =	vmul.f32 $1.442695020e+00, v16;
	v21 =	vadd.f32 v40, v21;
	v50 =	vpop (erf);
	(erf) = vpow2.f32 v51  }
0x14d: {  	v24 =	vadd.f32 v45, v24;
	v55 =	vmul.f32 $1.442695020e+00, v23;
	v54 =	vpop (erf);
	(erf) = vpow2.f32 v52  }
0x14e: {  	v26 =	vadd.f32 v46, v26;
	v25 =	vadd.f32 v47, v27;
	(erf) = vpow2.f32 v53  }
0x14f: {  	v27 =	vadd.f32 $-1.000000000e+00, v50;
	v57 =	vmul.f32 $1.442695020e+00, v24;
	(erf) = vpow2.f32 v55  }
0x150: {  	vm13 =	vgt.f32 v19, $0.0e+00;
	v60 =	vmul.f32 $1.442695020e+00, v26;
	v58 =	vpop (erf);
	(erf) = vpow2.f32 v56  }
0x151: {  	v27 =	vsel vm0, v28, v27;
	v28 =	vadd.f32 $-1.000000000e+00, v54;
	(erf) = vpow2.f32 v57  }
0x152: {  	v21 =	vadd.f32 v49, v21;
	v63 =	vmul.f32 $1.442695020e+00, v25;
	(erf) = vpow2.f32 v59  }
0x153: {  	v19 =	vsel vm13, v19, v28;
	v28 =	vadd.f32 $-1.000000000e+00, v58;
	(erf) = vpow2.f32 v60  }
0x154: {  	vm14 =	vgt.f32 v18, $0.0e+00;
	v35 =	vmul.f32 $1.442695020e+00, v21;
	v62 =	vpop (erf);
	(erf) = vpow2.f32 v61  }
0x155: {  	[tilespmem:s19+$0xFFFFFFC0] =	vst v27;
	v34 =	vpop (erf);
	v18 =	vsel vm14, v18, v28;
	v28 =	vadd.f32 $-1.000000000e+00, v62;
	(erf) = vpow2.f32 v63  }
0x156: {  	vm15 =	vgt.f32 v20, $0.0e+00;
	[tilespmem:s18+$0xFFFFFFC0] =	vst v19;
	v36 =	vadd.f32 $-1.000000000e+00, v34;
	v37 =	vpop (erf);
	(erf) = vpow2.f32 v33  }
0x157: {  	[tilespmem:s19+$0xFFFFFFD0] =	vst v18;
	v20 =	vsel vm15, v20, v28;
	v38 =	vadd.f32 $-1.000000000e+00, v37;
	v39 =	vpop (erf);
	(erf) = vpow2.f32 v35  }
0x158: {  	vm5 =	vgt.f32 v22, $0.0e+00;
	v17 =	vsel vm4, v17, v36;
	[tilespmem:s18+$0xFFFFFFD0] =	vst v20;
	v40 =	vpop (erf);
	v41 =	vadd.f32 $-1.000000000e+00, v39  }
0x159: {  	vm6 =	vgt.f32 v16, $0.0e+00;
	[tilespmem:s19+$0xFFFFFFE0] =	vst v17;
	v42 =	vpop (erf);
	v43 =	vsel vm5, v22, v38;
	v44 =	vadd.f32 $-1.000000000e+00, v40  }
0x15a: {  	vm7 =	vgt.f32 v23, $0.0e+00;
	v45 =	vpop (erf);
	[tilespmem:s18+$0xFFFFFFE0] =	vst v43;
	v16 =	vsel vm6, v16, v41;
	v46 =	vadd.f32 $-1.000000000e+00, v42  }
0x15b: {  	vm8 =	vgt.f32 v15, $0.0e+00;
	v47 =	vpop (erf);
	[tilespmem:s19+$0xFFFFFFF0] =	vst v16;
	v48 =	vsel vm7, v23, v44;
	v49 =	vadd.f32 $-1.000000000e+00, v45  }
0x15c: {  	vm9 =	vgt.f32 v24, $0.0e+00;
	v50 =	vpop (erf);
	[tilespmem:s18+$0xFFFFFFF0] =	vst v48;
	v15 =	vsel vm8, v15, v46;
	v51 =	vadd.f32 $-1.000000000e+00, v47  }
0x15d: {  	vm10 =	vgt.f32 v14, $0.0e+00;
	v52 =	vpop (erf);
	[tilespmem:s19+$0x0] =	vst v15;
	v53 =	vsel vm9, v24, v49;
	v54 =	vadd.f32 $-1.000000000e+00, v50  }
0x15e: {  	vm11 =	vgt.f32 v26, $0.0e+00;
	v55 =	vpop (erf);
	[tilespmem:s18+$0x0] =	vst v53;
	v14 =	vsel vm10, v14, v51;
	v56 =	vadd.f32 $-1.000000000e+00, v52  }
0x15f: {  	p2 =	sne.s32 s15, $0x3C;
	vm12 =	vgt.f32 v13, $0.0e+00;
	v57 =	vpop (erf);
	[tilespmem:s19+$0x10] =	vst v14;
	v58 =	vsel vm11, v26, v54;
	v59 =	vadd.f32 $-1.000000000e+00, v55  }
.Ltmp5:
0x160: {  	vm13 =	vgt.f32 v25, $0.0e+00;
	[tilespmem:s18+$0x10] =	vst v58;
	v13 =	vsel vm12, v13, v56;
	v60 =	vadd.f32 $-1.000000000e+00, v57;
	v61 =	vpop (erf);
	(pc) =	sbr.rel @p2 .LBB2_4-.Ltmp5, $4  }
0x161: {  	vm14 =	vgt.f32 v12, $0.0e+00;
	[tilespmem:s19+$0x20] =	vst v13;
	v62 =	vsel vm13, v25, v59;
	v15 =	vadd.f32 $-1.000000000e+00, v61  }
0x162: {  	vm15 =	vgt.f32 v21, $0.0e+00;
	[tilespmem:s18+$0x20] =	vst v62;
	v12 =	vsel vm14, v12, v60  }
0x163: {  	s15 =	sadd.s32 $0x4, s15;
	s17 =	sadd.s32 $0x400, s17;
	[tilespmem:s19+$0x30] =	vst v12;
	v63 =	vsel vm15, v21, v15  }
0x164: {  	s16 =	sadd.s32 $0x200, s16;
	s19 =	sadd.s32 $0x80, s19;
	[tilespmem:s18+$0x30] =	vst v63;
	s18 =	sadd.s32 $0x80, s18  }
0x165: {  	s14 =	sadd.s32 s6, s14  }
0x166: {  	s14 =	sshll.u32 s14, $0x4  }
0x167: {  	s15 =	sadd.s32 s8, s14  }
0x168: {  	[hbm4b:s15+s5] =	stream.linear.scatter [tilespmem:s29], [sflag:$0x3], $0x800, $0x38;
	[tilespmem:$0x13E80] =	vst v63  }
0x169: {  	s14 =	sadd.s32 s10, s14  }
0x16a: {  	[hbm4b:s14+s5] =	stream.linear.scatter [tilespmem:s30], [sflag:$0x3], $0x800, $0x38;
	[tilespmem:$0x13E80] =	vst v63  }
.LBB2_6:
0x16b: {  	s13 =	sadd.s32 $0x2, s13  }
0x16c: {  	p2 =	sge.u32 s13, s9  }
0x16d: {  	s14 =	sshll.u32 @!p2 s13, $0x7;
	s16 =	simm.s32 @!p2 $0x11680;
	s13 =	sshll.u32 @!p2 s13, $0x6  }
0x16e: {  	s15 =	simm.s32 @!p2 $0x80;
	s14 =	sand.u32 @!p2 $0x3FFFFF80, s14;
	s13 =	sand.u32 @!p2 $0x3FFFFFC0, s13  }
0x16f: {  	[tilespmem:s16], [sflag:$0x1] =	stream.indirect.gather @!p2 [hbm4b:s4+s15], $0x1, s14, s15, $0xb8;
	[tilespmem:$0x13E80] =	vst v63  }
0x170: {  	s17 =	simm.s32 @!p2 $0x11780;
	s13 =	sadd.s32 @!p2 $0x3100, s13;
	s16 =	simm.s32 @!p2 $0x40  }
0x171: {  	[tilespmem:s17], [sflag:$0x1] =	stream.indirect.gather @!p2 [hbm4b:s7+s16], $0x1, s13, s16, $0xb8;
	[tilespmem:$0x13E80] =	vst v63  }
.Ltmp6:
0x172: {  	_ = 	snop;
	(pc) =	sbr.rel @p1 .LBB2_10-.Ltmp6, $4  }
0x173: {  	s17 =	simm.s32 @!p2 $0x5680  }
0x174: {  	[tilespmem:s17], [sflag:$0x1] =	stream.indirect.gather @!p2 [hbm4b:s1+s15], $0x80, s14, s15, $0xb8;
	[tilespmem:$0x13E80] =	vst v63  }
0x175: {  	s14 =	simm.s32 @!p2 $0xD680  }
0x176: {  	[tilespmem:s14], [sflag:$0x1] =	stream.indirect.gather @!p2 [hbm4b:s2+s16], $0x80, s13, s16, $0xb8;
	[tilespmem:$0x13E80] =	vst v63  }
0x177: {  	_ =	swait.ge [sflag:s31], $0x80  }
0x178: {  	[sflag:s31] =	ssyncset.done $0x0  }
0x179: {  	[sflag:s31] =	ssyncadd.s32 $0xFFFFFF80  }
0x17a: {  	_ =	swait.ge [sflag:s31], $0x40  }
0x17b: {  	[sflag:s31] =	ssyncset.done $0x0  }
0x17c: {  	[sflag:s31] =	ssyncadd.s32 $0xFFFFFFC0  }
0x17d: {  	_ =	swait.ge [sflag:s31], $0x4000  }
0x17e: {  	[sflag:s31] =	ssyncset.done $0x0  }
0x17f: {  	[sflag:s31] =	ssyncadd.s32 $0xFFFFC000  }
0x180: {  	_ =	swait.ge [sflag:s31], $0x2000  }
0x181: {  	[sflag:s31] =	ssyncset.done $0x0  }
0x182: {  	s12 =	sshll.u32 s12, $0x4;
	[sflag:s31] =	ssyncadd.s32 $0xFFFFE000  }
0x183: {  	v12 =	vld [tilespmem:s12+$0x4980]  }
0x184: {  	v13 =	vld.idx.msk [tilespmem:v0+s3+$0x0], $0xffff  }
0x185: {  	v14 =	vld.idx.msk [tilespmem:v1+s3+$0x0], $0xffff  }
0x186: {  	v15 =	vld.idx.msk [tilespmem:v2+s3+$0x0], $0xffff  }
0x187: {  	v16 =	vld.idx.msk [tilespmem:v3+s3+$0x0], $0xffff  }
0x188: {  	v17 =	vld.idx.msk [tilespmem:v4+s3+$0x0], $0xffff  }
0x189: {  	v18 =	vld.idx.msk [tilespmem:v6+s3+$0x0], $0xffff  }
0x18a: {  	v21 =	vld.idx.msk [tilespmem:v7+s3+$0x0], $0xffff  }
0x18b: {  	v61 =	vld.idx.msk [tilespmem:v8+s3+$0x0], $0xffff;
	_ =	sdelay $0x1  }
0x18c: {  	v13 =	vadd.f32 v13, v12;
	v14 =	vadd.f32 v14, v12  }
0x18d: {  	v15 =	vadd.f32 v15, v12;
	v16 =	vadd.f32 v16, v12  }
0x18e: {  	v17 =	vadd.f32 v17, v12;
	v18 =	vadd.f32 v18, v12  }
0x18f: {  	v21 =	vadd.f32 v21, v12;
	v12 =	vadd.f32 v61, v12;
	vm0 =	vgt.f32 v13, $0.0e+00  }
0x190: {  	v19 =	vmul.f32 $9.999999770e-03, v13;
	v20 =	vmul.f32 $9.999999770e-03, v14;
	vm1 =	vgt.f32 v14, $0.0e+00  }
0x191: {  	v60 =	vmul.f32 $9.999999770e-03, v15;
	vm7 =	vgt.f32 v15, $0.0e+00;
	v22 =	vmul.f32 $9.999999770e-03, v16  }
0x192: {  	v23 =	vmul.f32 $9.999999770e-03, v17;
	vm8 =	vgt.f32 v16, $0.0e+00;
	vm2 =	vgt.f32 v17, $0.0e+00  }
0x193: {  	v62 =	vmul.f32 $9.999999770e-03, v18;
	v13 =	vsel vm0, v13, v19;
	v14 =	vsel vm1, v14, v20  }
0x194: {  	vm9 =	vgt.f32 v18, $0.0e+00;
	v15 =	vsel vm7, v15, v60;
	v63 =	vmax.f32 v13, v14  }
0x195: {  	v25 =	vmul.f32 $9.999999770e-03, v21;
	v16 =	vsel vm8, v16, v22;
	v24 =	vmax.f32 v63, v15  }
0x196: {  	vm10 =	vgt.f32 v21, $0.0e+00;
	v17 =	vsel vm2, v17, v23;
	v20 =	vmax.f32 v24, v16  }
0x197: {  	v26 =	vmul.f32 $9.999999770e-03, v12;
	v18 =	vsel vm9, v18, v62;
	v20 =	vmax.f32 v20, v17  }
0x198: {  	vm11 =	vgt.f32 v12, $0.0e+00;
	v19 =	vsel vm10, v21, v25;
	v20 =	vmax.f32 v20, v18  }
0x199: {  	v12 =	vsel vm11, v12, v26;
	v20 =	vmax.f32 v20, v19  }
0x19a: {  	v20 =	vmax.f32 v20, v12  }
0x19b: {  	v13 =	vsub.f32 v13, v20  }
0x19c: {  	v14 =	vsub.f32 v14, v20  }
0x19d: {  	v13 =	vmul.f32 $1.442695020e+00, v13  }
0x19e: {  	v15 =	vsub.f32 v15, v20;
	v14 =	vmul.f32 $1.442695020e+00, v14  }
0x19f: {  	(erf) = vpow2.f32 v13  }
0x1a0: {  	v28 =	vsub.f32 v16, v20;
	v27 =	vmul.f32 $1.442695020e+00, v15;
	(erf) = vpow2.f32 v14;
	_ =	sdelay $0x1  }
0x1a1: {  	v30 =	vsub.f32 v17, v20;
	v29 =	vmul.f32 $1.442695020e+00, v28;
	(erf) = vpow2.f32 v27;
	_ =	sdelay $0x1  }
0x1a2: {  	v32 =	vsub.f32 v18, v20;
	v31 =	vmul.f32 $1.442695020e+00, v30;
	(erf) = vpow2.f32 v29;
	_ =	sdelay $0x1  }
0x1a3: {  	v34 =	vsub.f32 v19, v20;
	v33 =	vmul.f32 $1.442695020e+00, v32;
	(erf) = vpow2.f32 v31;
	_ =	sdelay $0x1  }
0x1a4: {  	v12 =	vsub.f32 v12, v20;
	v36 =	vmul.f32 $1.442695020e+00, v34;
	v35 =	vpop (erf);
	(erf) = vpow2.f32 v33  }
0x1a5: {  	v37 =	vpop (erf)  }
0x1a6: {  	v12 =	vmul.f32 $1.442695020e+00, v12;
	(erf) = vpow2.f32 v36;
	v38 =	vadd.f32 v37, v35  }
0x1a7: {  	v39 =	vpop (erf)  }
0x1a8: {  	(erf) = vpow2.f32 v12;
	v40 =	vadd.f32 v38, v39  }
0x1a9: {  	v41 =	vpop (erf)  }
0x1aa: {  	v12 =	vadd.f32 v40, v41  }
0x1ab: {  	v42 =	vpop (erf)  }
0x1ac: {  	v12 =	vadd.f32 v12, v42  }
0x1ad: {  	v43 =	vpop (erf)  }
0x1ae: {  	v12 =	vadd.f32 v12, v43  }
0x1af: {  	v44 =	vpop (erf)  }
0x1b0: {  	v12 =	vadd.f32 v12, v44  }
0x1b1: {  	v45 =	vpop (erf)  }
0x1b2: {  	v12 =	vadd.f32 v12, v45;
	_ =	sdelay $0x1  }
0x1b3: {  	(erf) = vrcp.f32 v12;
	_ =	sdelay $0x8  }
0x1b4: {  	v12 =	vpop (erf)  }
0x1b5: {  	v15 =	vmul.f32 v12, v35  }
0x1b6: {  	v14 =	vmul.f32 v12, v37  }
0x1b7: {  	v46 =	vmul.f32 v12, v39;
	[tilespmem:$0x11880] =	vst v15  }
0x1b8: {  	v13 =	vmul.f32 v12, v41;
	[tilespmem:$0x11900] =	vst v14  }
0x1b9: {  	v47 =	vmul.f32 v12, v42;
	[tilespmem:$0x11980] =	vst v46  }
0x1ba: {  	v48 =	vmul.f32 v12, v43;
	[tilespmem:$0x11A00] =	vst v13  }
0x1bb: {  	v49 =	vmul.f32 v12, v44;
	[tilespmem:$0x11A80] =	vst v47  }
0x1bc: {  	v12 =	vmul.f32 v12, v45;
	[tilespmem:$0x11B00] =	vst v48  }
0x1bd: {  	[tilespmem:$0x11B80] =	vst v49  }
0x1be: {  	[tilespmem:$0x11C00] =	vst v12  }
0x1bf: {  	v12 =	vld [tilespmem:s12+$0x5000]  }
0x1c0: {  	v13 =	vld.idx.msk [tilespmem:v5+s0+$0x0], $0xffff  }
0x1c1: {  	v14 =	vld.idx.msk [tilespmem:v9+s0+$0x0], $0xffff  }
0x1c2: {  	v15 =	vld.idx.msk [tilespmem:v10+s0+$0x0], $0xffff  }
0x1c3: {  	v50 =	vld.idx.msk [tilespmem:v11+s0+$0x0], $0xffff;
	_ =	sdelay $0x3  }
0x1c4: {  	v13 =	vadd.f32 v13, v12;
	v14 =	vadd.f32 v14, v12  }
0x1c5: {  	v15 =	vadd.f32 v15, v12;
	v12 =	vadd.f32 v50, v12  }
0x1c6: {  	v51 =	vmul.f32 $9.999999770e-03, v13;
	vm12 =	vgt.f32 v13, $0.0e+00;
	v52 =	vmul.f32 $9.999999770e-03, v14  }
0x1c7: {  	vm13 =	vgt.f32 v14, $0.0e+00;
	v53 =	vmul.f32 $9.999999770e-03, v15;
	vm14 =	vgt.f32 v15, $0.0e+00  }
0x1c8: {  	v54 =	vmul.f32 $9.999999770e-03, v12;
	v13 =	vsel vm12, v13, v51;
	v14 =	vsel vm13, v14, v52  }
0x1c9: {  	vm15 =	vgt.f32 v12, $0.0e+00;
	v15 =	vsel vm14, v15, v53;
	v55 =	vmax.f32 v13, v14  }
0x1ca: {  	v12 =	vsel vm15, v12, v54;
	v16 =	vmax.f32 v55, v15  }
0x1cb: {  	v16 =	vmax.f32 v16, v12  }
0x1cc: {  	v13 =	vsub.f32 v13, v16  }
0x1cd: {  	v14 =	vsub.f32 v14, v16  }
0x1ce: {  	v13 =	vmul.f32 $1.442695020e+00, v13  }
0x1cf: {  	v15 =	vsub.f32 v15, v16;
	v14 =	vmul.f32 $1.442695020e+00, v14  }
0x1d0: {  	(erf) = vpow2.f32 v13  }
0x1d1: {  	v12 =	vsub.f32 v12, v16;
	v56 =	vmul.f32 $1.442695020e+00, v15;
	(erf) = vpow2.f32 v14;
	_ =	sdelay $0x1  }
0x1d2: {  	v12 =	vmul.f32 $1.442695020e+00, v12;
	(erf) = vpow2.f32 v56;
	_ =	sdelay $0x1  }
0x1d3: {  	(erf) = vpow2.f32 v12;
	_ =	sdelay $0x3  }
0x1d4: {  	v57 =	vpop (erf)  }
0x1d5: {  	v58 =	vpop (erf)  }
0x1d6: {  	v59 =	vadd.f32 v58, v57  }
0x1d7: {  	v60 =	vpop (erf)  }
0x1d8: {  	v14 =	vadd.f32 v59, v60  }
0x1d9: {  	v61 =	vpop (erf)  }
0x1da: {  	v14 =	vadd.f32 v14, v61;
	_ =	sdelay $0x1  }
0x1db: {  	(erf) = vrcp.f32 v14;
	_ =	sdelay $0x8  }
0x1dc: {  	v14 =	vpop (erf)  }
0x1dd: {  	v12 =	vmul.f32 v14, v57  }
0x1de: {  	v13 =	vmul.f32 v14, v58  }
0x1df: {  	v62 =	vmul.f32 v14, v60;
	[tilespmem:$0x11C80] =	vst v12  }
0x1e0: {  	v63 =	vmul.f32 v14, v61;
	[tilespmem:$0x11D00] =	vst v13  }
0x1e1: {  	p1 =	seq.s32 s11, $0x0;
	[tilespmem:$0x11D80] =	vst v62  }
0x1e2: {  	s13 =	simm.s32 @!p1 $0x4;
	[tilespmem:$0x11E00] =	vst v63  }
0x1e3: {  	_ =	swait.ge @!p1 [sflag:s13], $0x800  }
0x1e4: {  	[sflag:s13] =	ssyncset.done @!p1 $0x0  }
0x1e5: {  	[sflag:s13] =	ssyncadd.s32 @!p1 $0xFFFFF800  }
0x1e6: {  	s14 =	simm.s32 $0xF780;
	_ =	swait.ge @!p1 [sflag:s13], $0x800  }
0x1e7: {  	s15 =	simm.s32 $0x9880;
	s16 =	simm.s32 $0x136C0;
	[sflag:s13] =	ssyncset.done @!p1 $0x0  }
0x1e8: {  	s17 =	simm.s32 $0x126C0;
	[sflag:s13] =	ssyncadd.s32 @!p1 $0xFFFFF800;
	s13 =	simm.s32 $0x0  }
.LBB2_8:
0x1e9: {  	v12 =	vld [tilespmem:s15+$0xFFFFFE00]  }
0x1ea: {  	v14 =	vld [tilespmem:s15+$0xFFFFFE10]  }
0x1eb: {  	v15 =	vld [tilespmem:s15+$0xFFFFFE20]  }
0x1ec: {  	v16 =	vld [tilespmem:s15+$0xFFFFFE30]  }
0x1ed: {  	v17 =	vld [tilespmem:s15+$0xFFFFFE40]  }
0x1ee: {  	v18 =	vld [tilespmem:s15+$0xFFFFFE50]  }
0x1ef: {  	v19 =	vld [tilespmem:s15+$0xFFFFFE60]  }
0x1f0: {  	v20 =	vld [tilespmem:s15+$0xFFFFFE70]  }
0x1f1: {  	v21 =	vld [tilespmem:s15+$0xFFFFFE80]  }
0x1f2: {  	v23 =	vld [tilespmem:s15+$0xFFFFFE90]  }
0x1f3: {  	v24 =	vld [tilespmem:s15+$0xFFFFFEA0]  }
0x1f4: {  	v25 =	vld [tilespmem:s15+$0xFFFFFEB0]  }
0x1f5: {  	v26 =	vld [tilespmem:s15+$0xFFFFFEC0]  }
0x1f6: {  	v27 =	vld [tilespmem:s15+$0xFFFFFED0]  }
0x1f7: {  	v28 =	vld [tilespmem:s15+$0xFFFFFEE0]  }
0x1f8: {  	v29 =	vld [tilespmem:s15+$0xFFFFFEF0]  }
0x1f9: {  	v30 =	vld [tilespmem:s15+$0xFFFFFF00]  }
0x1fa: {  	v32 =	vld [tilespmem:s15+$0xFFFFFF10]  }
0x1fb: {  	v33 =	vld [tilespmem:s15+$0xFFFFFF20]  }
0x1fc: {  	v34 =	vld [tilespmem:s15+$0xFFFFFF30]  }
0x1fd: {  	v35 =	vld [tilespmem:s15+$0xFFFFFF40]  }
0x1fe: {  	v36 =	vld [tilespmem:s15+$0xFFFFFF50]  }
0x1ff: {  	v37 =	vld [tilespmem:s15+$0xFFFFFF60]  }
0x200: {  	v38 =	vld [tilespmem:s15+$0xFFFFFF70]  }
0x201: {  	v39 =	vld [tilespmem:s15+$0xFFFFFF80]  }
0x202: {  	v41 =	vld [tilespmem:s15+$0xFFFFFF90]  }
0x203: {  	v42 =	vld [tilespmem:s15+$0xFFFFFFA0]  }
0x204: {  	v43 =	vld [tilespmem:s15+$0xFFFFFFB0]  }
0x205: {  	v44 =	vld [tilespmem:s15+$0xFFFFFFC0]  }
0x206: {  	v45 =	vld [tilespmem:s15+$0xFFFFFFD0]  }
0x207: {  	v46 =	vld [tilespmem:s15+$0xFFFFFFE0]  }
0x208: {  	v47 =	vld [tilespmem:s15+$0xFFFFFFF0]  }
0x209: {  	v48 =	vld [tilespmem:s15+$0x0]  }
0x20a: {  	v50 =	vld [tilespmem:s15+$0x10]  }
0x20b: {  	v51 =	vld [tilespmem:s15+$0x20]  }
0x20c: {  	v52 =	vld [tilespmem:s15+$0x30]  }
0x20d: {  	v53 =	vld [tilespmem:s15+$0x40]  }
0x20e: {  	v54 =	vld [tilespmem:s15+$0x50]  }
0x20f: {  	s18 =	sshra.s32 s13, $0x2;
	v55 =	vld [tilespmem:s15+$0x60]  }
0x210: {  	v13 =	vld.msk [tilespmem:s18+$0x11880 ss:$0x0], $0xffff  }
0x211: {  	v56 =	vld [tilespmem:s15+$0x70]  }
0x212: {  	v57 =	vld [tilespmem:s15+$0x80]  }
0x213: {  	v59 =	vld [tilespmem:s15+$0x90]  }
0x214: {  	v22 =	vld.msk [tilespmem:s18+$0x11900 ss:$0x0], $0xffff  }
0x215: {  	v60 =	vld [tilespmem:s15+$0xA0];
	v12 =	vmul.f32 v12, v13  }
0x216: {  	v49 =	vld.msk [tilespmem:s18+$0x11A80 ss:$0x0], $0xffff;
	v14 =	vmul.f32 v14, v13;
	v15 =	vmul.f32 v15, v13  }
0x217: {  	v61 =	vld [tilespmem:s15+$0xB0];
	v16 =	vmul.f32 v16, v13;
	v17 =	vmul.f32 v17, v13  }
0x218: {  	v62 =	vld [tilespmem:s15+$0xC0];
	v18 =	vmul.f32 v18, v13;
	v19 =	vmul.f32 v19, v13  }
0x219: {  	v31 =	vld.msk [tilespmem:s18+$0x11980 ss:$0x0], $0xffff;
	v21 =	vmul.f32 v21, v22;
	v13 =	vmul.f32 v20, v13  }
0x21a: {  	v40 =	vld.msk [tilespmem:s18+$0x11A00 ss:$0x0], $0xffff;
	v63 =	vmul.f32 v23, v22;
	v20 =	vmul.f32 v27, v22  }
0x21b: {  	v58 =	vld.msk [tilespmem:s18+$0x11B00 ss:$0x0], $0xffff;
	v48 =	vmul.f32 v48, v49;
	v50 =	vmul.f32 v50, v49  }
0x21c: {  	v23 =	vld [tilespmem:s15+$0xD0];
	v51 =	vmul.f32 v51, v49;
	v52 =	vmul.f32 v52, v49;
	v12 =	vadd.f32 $0.0e+00, v12  }
0x21d: {  	v27 =	vld [tilespmem:s15+$0x120];
	v53 =	vmul.f32 v53, v49;
	v54 =	vmul.f32 v54, v49;
	v14 =	vadd.f32 $0.0e+00, v14  }
0x21e: {  	v18 =	vadd.f32 $0.0e+00, v18;
	v12 =	vadd.f32 v21, v12;
	v21 =	vmul.f32 v24, v22;
	v24 =	vld [tilespmem:s15+$0xE0]  }
0x21f: {  	v55 =	vmul.f32 v55, v49;
	v14 =	vadd.f32 v63, v14;
	v63 =	vmul.f32 v25, v22;
	v25 =	vld [tilespmem:s15+$0xF0]  }
0x220: {  	v15 =	vadd.f32 $0.0e+00, v15;
	v18 =	vadd.f32 v20, v18;
	v20 =	vmul.f32 v34, v31;
	v34 =	vld [tilespmem:s15+$0x170]  }
0x221: {  	v56 =	vmul.f32 v56, v49;
	v16 =	vadd.f32 $0.0e+00, v16;
	v49 =	vmul.f32 v23, v58;
	v23 =	vld [tilespmem:s14+$0xFFFFFF30]  }
0x222: {  	v36 =	vmul.f32 v36, v31;
	v15 =	vadd.f32 v21, v15;
	v21 =	vmul.f32 v26, v22;
	v26 =	vld [tilespmem:s15+$0x100]  }
0x223: {  	v17 =	vadd.f32 $0.0e+00, v17;
	v16 =	vadd.f32 v63, v16;
	v63 =	vmul.f32 v28, v22;
	v28 =	vld.msk [tilespmem:s18+$0x11B80 ss:$0x0], $0xffff  }
0x224: {  	v19 =	vadd.f32 $0.0e+00, v19;
	v18 =	vadd.f32 v36, v18;
	v36 =	vld [tilespmem:s15+$0x180]  }
0x225: {  	v17 =	vadd.f32 v21, v17;
	v21 =	vmul.f32 v29, v22;
	v22 =	vld [tilespmem:s15+$0x110]  }
0x226: {  	v19 =	vadd.f32 v63, v19;
	v63 =	vmul.f32 v30, v31;
	v29 =	vmul.f32 v33, v31;
	v30 =	vld [tilespmem:s15+$0x130]  }
0x227: {  	v13 =	vadd.f32 $0.0e+00, v13;
	v33 =	vld [tilespmem:s15+$0x140]  }
0x228: {  	v37 =	vmul.f32 v37, v31;
	v43 =	vmul.f32 v43, v40;
	v15 =	vadd.f32 v29, v15;
	v29 =	vld [tilespmem:s15+$0x150]  }
0x229: {  	v45 =	vmul.f32 v45, v40;
	v13 =	vadd.f32 v21, v13;
	v21 =	vmul.f32 v32, v31;
	v32 =	vld [tilespmem:s15+$0x160]  }
0x22a: {  	v16 =	vadd.f32 v20, v16;
	v12 =	vadd.f32 v63, v12;
	v63 =	vmul.f32 v35, v31;
	v35 =	vld [tilespmem:s15+$0x190]  }
0x22b: {  	v18 =	vadd.f32 v45, v18;
	v19 =	vadd.f32 v37, v19;
	v37 =	vld [tilespmem:s15+$0x1C0]  }
0x22c: {  	v41 =	vmul.f32 v41, v40;
	v42 =	vmul.f32 v42, v40;
	v16 =	vadd.f32 v43, v16;
	v43 =	vld.msk [tilespmem:s18+$0x11C80 ss:$0x0], $0xffff  }
0x22d: {  	v44 =	vmul.f32 v44, v40;
	v18 =	vadd.f32 v54, v18;
	v54 =	vmul.f32 v27, v28;
	v27 =	vld [tilespmem:s14+$0xFFFFFF60]  }
0x22e: {  	v46 =	vmul.f32 v46, v40;
	v14 =	vadd.f32 v21, v14;
	v21 =	vmul.f32 v38, v31;
	v31 =	vld.msk [tilespmem:s18+$0x11C00 ss:$0x0], $0xffff  }
0x22f: {  	v47 =	vmul.f32 v47, v40;
	v57 =	vmul.f32 v57, v58;
	v17 =	vadd.f32 v63, v17;
	v38 =	vld [tilespmem:s15+$0x1A0]  }
0x230: {  	v63 =	vmul.f32 v39, v40;
	v15 =	vadd.f32 v42, v15;
	v40 =	vld [tilespmem:s15+$0x1B0];
	v19 =	vadd.f32 v46, v19  }
0x231: {  	v59 =	vmul.f32 v59, v58;
	v39 =	vld [tilespmem:s15+$0x1D0];
	v16 =	vadd.f32 v52, v16;
	v18 =	vadd.f32 v49, v18  }
0x232: {  	v60 =	vmul.f32 v60, v58;
	v42 =	vld [tilespmem:s15+$0x1E0];
	v13 =	vadd.f32 v21, v13;
	v12 =	vadd.f32 v63, v12  }
0x233: {  	v61 =	vmul.f32 v61, v58;
	v46 =	vld [tilespmem:s14+$0xFFFFFF10];
	v14 =	vadd.f32 v41, v14;
	v17 =	vadd.f32 v44, v17  }
0x234: {  	v52 =	vmul.f32 v26, v28;
	v26 =	vld [tilespmem:s14+$0xFFFFFF50];
	v15 =	vadd.f32 v51, v15;
	v19 =	vadd.f32 v55, v19  }
0x235: {  	v49 =	vld [tilespmem:s14+$0xFFFFFFC0];
	v63 =	vmul.f32 v62, v58;
	v16 =	vadd.f32 v61, v16;
	v51 =	vmul.f32 v25, v58  }
0x236: {  	v44 =	vld [tilespmem:s15+$0x1F0];
	v55 =	vmul.f32 v30, v28;
	v23 =	vmul.f32 v23, v43;
	v13 =	vadd.f32 v47, v13  }
0x237: {  	v41 =	vld [tilespmem:s14+$0xFFFFFF00];
	v12 =	vadd.f32 v48, v12;
	v14 =	vadd.f32 v50, v14;
	v50 =	vmul.f32 v24, v58  }
0x238: {  	v25 =	vld [tilespmem:s14+$0xFFFFFF70];
	v17 =	vadd.f32 v53, v17;
	v53 =	vmul.f32 v22, v28;
	v58 =	vmul.f32 v32, v28  }
0x239: {  	v30 =	vld.msk [tilespmem:s18+$0x11D00 ss:$0x0], $0xffff;
	v15 =	vadd.f32 v60, v15;
	v27 =	vmul.f32 v27, v43;
	v60 =	vmul.f32 v36, v31  }
0x23a: {  	v62 =	vld [tilespmem:s14+$0xFFFFFFA0];
	v16 =	vadd.f32 v55, v16;
	v61 =	vmul.f32 v35, v31;
	v38 =	vmul.f32 v38, v31  }
0x23b: {  	v48 =	vld [tilespmem:s14+$0xFFFFFF20];
	v45 =	vmul.f32 v40, v31;
	v23 =	vadd.f32 $0.0e+00, v23;
	v13 =	vadd.f32 v56, v13  }
0x23c: {  	v24 =	vld [tilespmem:s14+$0xFFFFFF40];
	v47 =	vmul.f32 v37, v31;
	v12 =	vadd.f32 v57, v12;
	v14 =	vadd.f32 v59, v14  }
0x23d: {  	v22 =	vld [tilespmem:s14+$0xFFFFFF80];
	v26 =	vmul.f32 v26, v43;
	v17 =	vadd.f32 v63, v17;
	v19 =	vadd.f32 v50, v19  }
0x23e: {  	v32 =	vld [tilespmem:s14+$0xFFFFFF90];
	v15 =	vadd.f32 v54, v15;
	v56 =	vmul.f32 v33, v28;
	v57 =	vmul.f32 v29, v28  }
0x23f: {  	v35 =	vld.msk [tilespmem:s18+$0x11E00 ss:$0x0], $0xffff;
	v59 =	vmul.f32 v34, v28;
	v50 =	vmul.f32 v39, v31;
	v27 =	vadd.f32 $0.0e+00, v27  }
0x240: {  	v34 =	vld [tilespmem:s14+$0xFFFFFFB0];
	v16 =	vadd.f32 v45, v16;
	v55 =	vmul.f32 v41, v43;
	v26 =	vadd.f32 $0.0e+00, v26  }
0x241: {  	v54 =	vld [tilespmem:s14+$0xFFFFFFE0];
	v62 =	vmul.f32 v62, v30;
	v13 =	vadd.f32 v51, v13;
	v12 =	vadd.f32 v52, v12  }
0x242: {  	v45 =	vmul.f32 v49, v30;
	v41 =	vld [tilespmem:s14+$0xE0];
	v14 =	vadd.f32 v53, v14;
	v20 =	vadd.f32 v56, v17  }
0x243: {  	v25 =	vmul.f32 v25, v43;
	v21 =	vadd.f32 v57, v18;
	v19 =	vadd.f32 v58, v19;
	v52 =	vld [tilespmem:s14+$0xFFFFFFD0]  }
0x244: {  	v17 =	vadd.f32 v38, v15;
	v51 =	vmul.f32 v42, v31;
	v53 =	vmul.f32 v44, v31;
	v56 =	vld [tilespmem:s14+$0xFFFFFFF0]  }
0x245: {  	v57 =	vmul.f32 v46, v43;
	v38 =	vld.msk [tilespmem:s18+$0x11D80 ss:$0x0], $0xffff;
	v58 =	vmul.f32 v48, v43;
	v25 =	vadd.f32 $0.0e+00, v25  }
0x246: {  	v44 =	vld [tilespmem:s14+$0x80];
	v24 =	vmul.f32 v24, v43;
	v63 =	vadd.f32 v59, v13;
	v28 =	vadd.f32 v60, v12  }
0x247: {  	v46 =	vld [tilespmem:s14+$0x40];
	v22 =	vmul.f32 v22, v30;
	v18 =	vadd.f32 v61, v14;
	v15 =	vadd.f32 v47, v20  }
0x248: {  	v32 =	vmul.f32 v32, v30;
	v14 =	vadd.f32 v50, v21;
	v13 =	vadd.f32 v51, v19;
	v59 =	vld [tilespmem:s14+$0x0]  }
0x249: {  	v48 =	vld [tilespmem:s14+$0x50];
	v19 =	vadd.f32 $0.0e+00, v55;
	v20 =	vadd.f32 $0.0e+00, v57;
	vm4 =	vgt.f32 v17, $0.0e+00  }
0x24a: {  	v60 =	vld [tilespmem:s14+$0x10];
	v33 =	vadd.f32 $0.0e+00, v58;
	v24 =	vadd.f32 $0.0e+00, v24;
	v42 =	vmul.f32 v34, v30  }
0x24b: {  	v61 =	vld [tilespmem:s14+$0x20];
	v31 =	vmul.f32 v54, v30;
	v12 =	vadd.f32 v53, v63;
	v19 =	vadd.f32 v22, v19  }
0x24c: {  	v50 =	vld [tilespmem:s14+$0x60];
	v20 =	vadd.f32 v32, v20;
	v57 =	vmul.f32 $1.442695020e+00, v28;
	v43 =	vmul.f32 $1.442695020e+00, v18  }
0x24d: {  	v54 =	vld [tilespmem:s14+$0x90];
	vm0 =	vgt.f32 v28, $0.0e+00;
	v47 =	vmul.f32 v52, v30;
	v49 =	vmul.f32 v59, v38  }
0x24e: {  	v63 =	vld [tilespmem:s14+$0x30];
	v22 =	vadd.f32 v62, v33;
	v21 =	vmul.f32 v56, v30;
	v53 =	vmul.f32 v44, v35  }
0x24f: {  	v58 =	vld [tilespmem:s14+$0xB0];
	v32 =	vmul.f32 v46, v38;
	(erf) = vpow2.f32 v57;
	v19 =	vadd.f32 v49, v19  }
0x250: {  	v23 =	vadd.f32 v42, v23;
	v33 =	vmul.f32 $1.442695020e+00, v12;
	v51 =	vmul.f32 v60, v38  }
0x251: {  	v52 =	vld [tilespmem:s14+$0x70];
	v55 =	vmul.f32 v61, v38;
	v59 =	vmul.f32 v48, v38;
	v19 =	vadd.f32 v53, v19  }
0x252: {  	v56 =	vld [tilespmem:s14+$0xA0];
	v26 =	vadd.f32 v47, v26;
	v61 =	vmul.f32 v50, v38;
	v47 =	vmul.f32 v41, v35  }
0x253: {  	v27 =	vadd.f32 v31, v27;
	v62 =	vld [tilespmem:s14+$0xD0];
	v29 =	vmul.f32 v63, v38;
	v63 =	vmul.f32 $1.442695020e+00, v19  }
0x254: {  	v42 =	vld [tilespmem:s14+$0xF0];
	v21 =	vadd.f32 v21, v25;
	v30 =	vmul.f32 v54, v35;
	v25 =	vmul.f32 v58, v35  }
0x255: {  	v20 =	vadd.f32 v51, v20;
	v22 =	vadd.f32 v55, v22;
	(erf) = vpow2.f32 v63  }
0x256: {  	v60 =	vld [tilespmem:s14+$0xC0];
	v26 =	vadd.f32 v59, v26;
	v51 =	vmul.f32 $1.442695020e+00, v17;
	v59 =	vmul.f32 $1.442695020e+00, v14  }
0x257: {  	v27 =	vadd.f32 v61, v27;
	v61 =	vmul.f32 $1.442695020e+00, v13;
	v40 =	vmul.f32 v52, v38  }
0x258: {  	v44 =	vmul.f32 v56, v35;
	v20 =	vadd.f32 v30, v20;
	(erf) = vpow2.f32 v43  }
0x259: {  	v24 =	vadd.f32 v45, v24;
	v46 =	vmul.f32 v62, v35;
	v49 =	vmul.f32 v42, v35  }
0x25a: {  	v23 =	vadd.f32 v29, v23;
	v22 =	vadd.f32 v44, v22;
	v48 =	vmul.f32 $1.442695020e+00, v20  }
0x25b: {  	v24 =	vadd.f32 v32, v24;
	v56 =	vmul.f32 $1.442695020e+00, v15;
	v45 =	vmul.f32 v60, v35  }
0x25c: {  	v23 =	vadd.f32 v25, v23;
	v52 =	vmul.f32 $1.442695020e+00, v22;
	(erf) = vpow2.f32 v48  }
0x25d: {  	v53 =	vmul.f32 $1.442695020e+00, v16;
	v21 =	vadd.f32 v40, v21;
	v50 =	vpop (erf);
	(erf) = vpow2.f32 v51  }
0x25e: {  	v24 =	vadd.f32 v45, v24;
	v55 =	vmul.f32 $1.442695020e+00, v23;
	v54 =	vpop (erf);
	(erf) = vpow2.f32 v52  }
0x25f: {  	v26 =	vadd.f32 v46, v26;
	v25 =	vadd.f32 v47, v27;
	(erf) = vpow2.f32 v53  }
0x260: {  	v27 =	vadd.f32 $-1.000000000e+00, v50;
	v57 =	vmul.f32 $1.442695020e+00, v24;
	(erf) = vpow2.f32 v55  }
0x261: {  	vm13 =	vgt.f32 v19, $0.0e+00;
	v60 =	vmul.f32 $1.442695020e+00, v26;
	v58 =	vpop (erf);
	(erf) = vpow2.f32 v56  }
0x262: {  	v27 =	vsel vm0, v28, v27;
	v28 =	vadd.f32 $-1.000000000e+00, v54;
	(erf) = vpow2.f32 v57  }
0x263: {  	v21 =	vadd.f32 v49, v21;
	v63 =	vmul.f32 $1.442695020e+00, v25;
	(erf) = vpow2.f32 v59  }
0x264: {  	v19 =	vsel vm13, v19, v28;
	v28 =	vadd.f32 $-1.000000000e+00, v58;
	(erf) = vpow2.f32 v60  }
0x265: {  	vm14 =	vgt.f32 v18, $0.0e+00;
	v35 =	vmul.f32 $1.442695020e+00, v21;
	v62 =	vpop (erf);
	(erf) = vpow2.f32 v61  }
0x266: {  	[tilespmem:s17+$0xFFFFFFC0] =	vst v27;
	v34 =	vpop (erf);
	v18 =	vsel vm14, v18, v28;
	v28 =	vadd.f32 $-1.000000000e+00, v62;
	(erf) = vpow2.f32 v63  }
0x267: {  	vm15 =	vgt.f32 v20, $0.0e+00;
	[tilespmem:s16+$0xFFFFFFC0] =	vst v19;
	v36 =	vadd.f32 $-1.000000000e+00, v34;
	v37 =	vpop (erf);
	(erf) = vpow2.f32 v33  }
0x268: {  	[tilespmem:s17+$0xFFFFFFD0] =	vst v18;
	v20 =	vsel vm15, v20, v28;
	v38 =	vadd.f32 $-1.000000000e+00, v37;
	v39 =	vpop (erf);
	(erf) = vpow2.f32 v35  }
0x269: {  	vm5 =	vgt.f32 v22, $0.0e+00;
	v17 =	vsel vm4, v17, v36;
	[tilespmem:s16+$0xFFFFFFD0] =	vst v20;
	v40 =	vpop (erf);
	v41 =	vadd.f32 $-1.000000000e+00, v39  }
0x26a: {  	vm6 =	vgt.f32 v16, $0.0e+00;
	[tilespmem:s17+$0xFFFFFFE0] =	vst v17;
	v42 =	vpop (erf);
	v43 =	vsel vm5, v22, v38;
	v44 =	vadd.f32 $-1.000000000e+00, v40  }
0x26b: {  	vm7 =	vgt.f32 v23, $0.0e+00;
	v45 =	vpop (erf);
	[tilespmem:s16+$0xFFFFFFE0] =	vst v43;
	v16 =	vsel vm6, v16, v41;
	v46 =	vadd.f32 $-1.000000000e+00, v42  }
0x26c: {  	vm8 =	vgt.f32 v15, $0.0e+00;
	v47 =	vpop (erf);
	[tilespmem:s17+$0xFFFFFFF0] =	vst v16;
	v48 =	vsel vm7, v23, v44;
	v49 =	vadd.f32 $-1.000000000e+00, v45  }
0x26d: {  	vm9 =	vgt.f32 v24, $0.0e+00;
	v50 =	vpop (erf);
	[tilespmem:s16+$0xFFFFFFF0] =	vst v48;
	v15 =	vsel vm8, v15, v46;
	v51 =	vadd.f32 $-1.000000000e+00, v47  }
0x26e: {  	vm10 =	vgt.f32 v14, $0.0e+00;
	v52 =	vpop (erf);
	[tilespmem:s17+$0x0] =	vst v15;
	v53 =	vsel vm9, v24, v49;
	v54 =	vadd.f32 $-1.000000000e+00, v50  }
0x26f: {  	vm11 =	vgt.f32 v26, $0.0e+00;
	v55 =	vpop (erf);
	[tilespmem:s16+$0x0] =	vst v53;
	v14 =	vsel vm10, v14, v51;
	v56 =	vadd.f32 $-1.000000000e+00, v52  }
0x270: {  	p1 =	sne.s32 s13, $0x3C;
	vm12 =	vgt.f32 v13, $0.0e+00;
	v57 =	vpop (erf);
	[tilespmem:s17+$0x10] =	vst v14;
	v58 =	vsel vm11, v26, v54;
	v59 =	vadd.f32 $-1.000000000e+00, v55  }
.Ltmp7:
0x271: {  	vm13 =	vgt.f32 v25, $0.0e+00;
	[tilespmem:s16+$0x10] =	vst v58;
	v13 =	vsel vm12, v13, v56;
	v60 =	vadd.f32 $-1.000000000e+00, v57;
	v61 =	vpop (erf);
	(pc) =	sbr.rel @p1 .LBB2_8-.Ltmp7, $4  }
0x272: {  	vm14 =	vgt.f32 v12, $0.0e+00;
	[tilespmem:s17+$0x20] =	vst v13;
	v62 =	vsel vm13, v25, v59;
	v15 =	vadd.f32 $-1.000000000e+00, v61  }
0x273: {  	vm15 =	vgt.f32 v21, $0.0e+00;
	[tilespmem:s16+$0x20] =	vst v62;
	v12 =	vsel vm14, v12, v60  }
0x274: {  	s13 =	sadd.s32 $0x4, s13;
	s15 =	sadd.s32 $0x400, s15;
	[tilespmem:s17+$0x30] =	vst v12;
	v63 =	vsel vm15, v21, v15  }
0x275: {  	s14 =	sadd.s32 $0x200, s14;
	s17 =	sadd.s32 $0x80, s17;
	[tilespmem:s16+$0x30] =	vst v63;
	s16 =	sadd.s32 $0x80, s16  }
0x276: {  	s12 =	sadd.s32 s6, s12  }
.Ltmp8:
0x277: {  	s12 =	sshll.u32 s12, $0x4;
	(pc) =	sbr.rel .LBB2_10-.Ltmp8, $4  }
0x278: {  	s13 =	sadd.s32 s8, s12  }
0x279: {  	[hbm4b:s13+s5] =	stream.linear.scatter [tilespmem:s25], [sflag:$0x4], $0x800, $0x38;
	[tilespmem:$0x13E80] =	vst v63  }
0x27a: {  	s12 =	sadd.s32 s10, s12  }
0x27b: {  	[hbm4b:s12+s5] =	stream.linear.scatter [tilespmem:s26], [sflag:$0x4], $0x800, $0x38;
	[tilespmem:$0x13E80] =	vst v63  }
.LBB2_12:
0x27c: {  	_ =	sfence.sel $0x180000  }
0x27d: {  	[bflag:$0x0] =	sbarrier.arrive $0xFFFF  }
0x27e: {  	_ =	strace $0x90000047  }
0x27f: {  	s0 =	stileid.u32;
	[bflag:$0x2] =	sbarrier.arrive $0xFFFF  }
0x280: {  	p0 =	sne.s32 s0, $0x0;
	s0 =	rddreg [dreg:$0x4]  }
0x281: {  	s0 =	sadd.s32 @!p0 $0x100000, s0  }
0x282: {  	[sflag:s0] =	ssyncadd.tile.s32 @!p0 $0x1;
	_ =	shalt  }
.Lfunc_end2:
_tile_overlayer_lowered:
.L_overlay_start_2:
0x283: {  	(tag) =	ssettag $0x2  }
0x284: {  	s0 =	rddreg [dreg:$0x0];
	s2 =	stileid.u32  }
0x285: {  	s1 =	rddreg [dreg:$0x1];
	p0 =	sne.s32 s2, $0x0  }
0x286: {  	s3 =	rddreg [dreg:$0x2];
	[bflag:$0x3] =	sbarrier.arrive $0xFFFF;
	s2 =	simm.s32 @!p0 $0x1C05  }
0x287: {  	[timem:s3], [sflag:s2] =	dma.local @!p0 [hbm:s0], s1  }
0x288: {  	s0 =	simm.s32 @!p0 $0x5  }
0x289: {  	_ =	swait.ge @!p0 [sflag:s0], s1  }
0x28a: {  	s1 =	ssub.s32 @!p0 $0x0, s1;
	[sflag:s0] =	ssyncset.done @!p0 $0x0  }
0x28b: {  	[sflag:s0] =	ssyncadd.s32 @!p0 s1  }
0x28c: {  	[bflag:$0x3] =	sbarrier.arrive $0xFFFF  }
0x28d: {  	_ =	shalt  }

</sc_bundles>
